<compile_context>
chip_gen: v7x
topology: tpu7x:2x2x1
jax: 0.10.2.dev20260603
libtpu: 0.0.44.dev20260713+nightly
codegen_flags: <defaults>
</compile_context>

<pallas_src>
import jax
import jax.numpy as jnp
from jax import lax
from jax.experimental import pallas as pl
from jax.experimental.pallas import tpu as pltpu
from jax.experimental.pallas import tpu_sc as plsc

N_NODES = 10000
N_EDGES = 320000
D = 128
H = 64

NC = 2
NS = 16

EB = 128
NBLK = N_EDGES // EB
NP = 10240
NROW = NP // NS
RCH = 128



def _node_mm_body(h_ref, w_ref, b_ref, ah_ref, t_ref):
    p = jnp.dot(h_ref[...], w_ref[...], preferred_element_type=jnp.float32)
    p = p + b_ref[...]
    ah_ref[...] = p[:, 0:D]
    for c in range(NC):
        for t, col0 in ((0, D), (1, 2 * D), (2, 3 * D)):
            lo = col0 + c * H
            t_ref[c * 3 + t] = p[:, lo:lo + H]


def _node_mm(h, wcat, bcat):
    bn = 1000
    grid = (N_NODES // bn,)
    return pl.pallas_call(
        _node_mm_body,
        grid=grid,
        in_specs=[
            pl.BlockSpec((bn, D), lambda i: (i, 0)),
            pl.BlockSpec((D, 4 * D), lambda i: (0, 0)),
            pl.BlockSpec((1, 4 * D), lambda i: (0, 0)),
        ],
        out_specs=[
            pl.BlockSpec((bn, D), lambda i: (i, 0)),
            pl.BlockSpec((2 * 3, bn, H), lambda i: (0, i, 0)),
        ],
        out_shape=[
            jax.ShapeDtypeStruct((N_NODES, D), jnp.float32),
            jax.ShapeDtypeStruct((2 * 3, N_NODES, H), jnp.float32),
        ],
    )(h, wcat, bcat)


def _edge_mm_dense_body(e_ref, w_ref, b_ref, ce_ref):
    p = jnp.dot(e_ref[...], w_ref[...], preferred_element_type=jnp.float32)
    p = p + b_ref[...]
    ce_ref[0] = p[:, 0:H]
    ce_ref[1] = p[:, H:D]


def _edge_mm_split_body(e_ref, w_ref, b_ref, ce_ref):
    ecat = jnp.concatenate([e_ref[0], e_ref[1]], axis=1)
    p = jnp.dot(ecat, w_ref[...], preferred_element_type=jnp.float32)
    p = p + b_ref[...]
    ce_ref[0] = p[:, 0:H]
    ce_ref[1] = p[:, H:D]


def _edge_mm(e, wc, bc):
    be = 2000
    grid = (N_EDGES // be,)
    if e.ndim == 2:
        body = _edge_mm_dense_body
        espec = pl.BlockSpec((be, D), lambda i: (i, 0))
    else:
        body = _edge_mm_split_body
        espec = pl.BlockSpec((NC, be, H), lambda i: (0, i, 0))
    return pl.pallas_call(
        body,
        grid=grid,
        in_specs=[
            espec,
            pl.BlockSpec((D, D), lambda i: (0, 0)),
            pl.BlockSpec((1, D), lambda i: (0, 0)),
        ],
        out_specs=[pl.BlockSpec((NC, be, H), lambda i: (0, i, 0))],
        out_shape=[jax.ShapeDtypeStruct((NC, N_EDGES, H), jnp.float32)],
    )(e, wc, bc)[0]


def _node_upd_body(ah_ref, num_ref, den_ref, h_ref):
    num = jnp.concatenate([num_ref[0], num_ref[1]], axis=1)
    den = jnp.concatenate([den_ref[0], den_ref[1]], axis=1)
    h_ref[...] = jnp.maximum(ah_ref[...] + num / (den + 1e-6), 0.0)


def _node_upd(ah, num, den):
    bn = 2000
    grid = (N_NODES // bn,)
    spec = pl.BlockSpec((bn, D), lambda i: (i, 0))
    hspec = pl.BlockSpec((NC, bn, H), lambda i: (0, i, 0))
    return pl.pallas_call(
        _node_upd_body,
        grid=grid,
        in_specs=[spec, hspec, hspec],
        out_specs=[spec],
        out_shape=[jax.ShapeDtypeStruct((N_NODES, D), jnp.float32)],
    )(ah, num, den)[0]


def _merge_body(e_ref, out_ref):
    out_ref[...] = jnp.concatenate([e_ref[0], e_ref[1]], axis=1)


def _merge_e(e2):
    be = 4000
    grid = (N_EDGES // be,)
    return pl.pallas_call(
        _merge_body,
        grid=grid,
        in_specs=[pl.BlockSpec((NC, be, H), lambda i: (0, i, 0))],
        out_specs=[pl.BlockSpec((be, D), lambda i: (i, 0))],
        out_shape=[jax.ShapeDtypeStruct((N_EDGES, D), jnp.float32)],
    )(e2)[0]




def _edge_sc_body(t_hbm, ce_hbm, src_hbm, dst_hbm,
                  eout_hbm, num_hbm, den_hbm,
                  src_v, dst_v, ib_v, id_v, ie_v,
                  rb, rd, re, cev, stage,
                  num_sh, den_sh, gsem):
    c = lax.axis_index("c")
    s = lax.axis_index("s")
    base = c * (3 * N_NODES)

    zero16 = jnp.zeros((16,), jnp.float32)

    def _zrow(r, _):
        for k in range(H // 16):
            stage[r, pl.ds(k * 16, 16)] = zero16
        return 0

    lax.fori_loop(0, RCH, _zrow, 0)
    r0 = s * NROW
    for j in range(NROW // RCH):
        pltpu.sync_copy(stage, num_sh.at[pl.ds(r0 + j * RCH, RCH)])
        pltpu.sync_copy(stage, den_sh.at[pl.ds(r0 + j * RCH, RCH)])
    plsc.subcore_barrier()

    nblk = (NBLK - s + NS - 1) // NS

    def _blk(g, _):
        off = (s + g * NS) * EB
        pltpu.sync_copy(src_hbm.at[pl.ds(off, EB)], src_v)
        pltpu.sync_copy(dst_hbm.at[pl.ds(off, EB)], dst_v)
        for j in range(EB // 16):
            sl = pl.ds(j * 16, 16)
            sv = src_v[sl]
            dv = dst_v[sl]
            ib_v[sl] = sv + base
            id_v[sl] = sv + (base + N_NODES)
            ie_v[sl] = dv + (base + 2 * N_NODES)
        cp1 = pltpu.async_copy(t_hbm.at[ib_v], rb, gsem)
        cp2 = pltpu.async_copy(t_hbm.at[id_v], rd, gsem)
        cp3 = pltpu.async_copy(t_hbm.at[ie_v], re, gsem)
        pltpu.sync_copy(ce_hbm.at[pl.ds(c * N_EDGES + off, EB)], cev)
        cp1.wait()
        cp2.wait()
        cp3.wait()

        def _row(r, _):
            for k in range(H // 16):
                sl2 = pl.ds(k * 16, 16)
                en = rd[r, sl2] + re[r, sl2] + cev[r, sl2]
                sg = 1.0 / (1.0 + jnp.exp(-en))
                rd[r, sl2] = jnp.maximum(en, 0.0)
                rb[r, sl2] = sg * rb[r, sl2]
                re[r, sl2] = sg
            return 0

        lax.fori_loop(0, EB, _row, 0)

        pltpu.sync_copy(rd, eout_hbm.at[pl.ds(c * N_EDGES + off, EB)])
        pltpu.sync_copy(rb, num_sh.at[dst_v], add=True)
        pltpu.sync_copy(re, den_sh.at[dst_v], add=True)
        return 0

    lax.fori_loop(0, nblk, _blk, 0)
    plsc.subcore_barrier()

    for j in range(NROW // RCH):
        rr = pl.ds(r0 + j * RCH, RCH)
        pltpu.sync_copy(num_sh.at[rr], stage)
        pltpu.sync_copy(stage, num_hbm.at[pl.ds(c * NP + r0 + j * RCH, RCH)])
        pltpu.sync_copy(den_sh.at[rr], stage)
        pltpu.sync_copy(stage, den_hbm.at[pl.ds(c * NP + r0 + j * RCH, RCH)])


_sc_mesh = plsc.VectorSubcoreMesh(
    core_axis_name="c", subcore_axis_name="s", num_cores=NC, num_subcores=NS)

_edge_sc = pl.kernel(
    _edge_sc_body,
    out_type=[
        jax.ShapeDtypeStruct((NC * N_EDGES, H), jnp.float32),
        jax.ShapeDtypeStruct((NC * NP, H), jnp.float32),
        jax.ShapeDtypeStruct((NC * NP, H), jnp.float32),
    ],
    mesh=_sc_mesh,
    compiler_params=pltpu.CompilerParams(use_tc_tiling_on_sc=False),
    scratch_types=[
        pltpu.VMEM((EB,), jnp.int32),
        pltpu.VMEM((EB,), jnp.int32),
        pltpu.VMEM((EB,), jnp.int32),
        pltpu.VMEM((EB,), jnp.int32),
        pltpu.VMEM((EB,), jnp.int32),
        pltpu.VMEM((EB, H), jnp.float32),
        pltpu.VMEM((EB, H), jnp.float32),
        pltpu.VMEM((EB, H), jnp.float32),
        pltpu.VMEM((EB, H), jnp.float32),
        pltpu.VMEM((RCH, H), jnp.float32),
        pltpu.VMEM_SHARED((NP, H), jnp.float32),
        pltpu.VMEM_SHARED((NP, H), jnp.float32),
        pltpu.SemaphoreType.DMA,
    ],
)




def kernel(h, e, edge_index0, edge_index1, W, b):
    h = h.astype(jnp.float32)
    e = e.astype(jnp.float32)
    W = W.astype(jnp.float32)
    b = b.astype(jnp.float32)
    blocks = (edge_index0, edge_index1)
    for i in range(W.shape[0]):
        src = blocks[i][0].astype(jnp.int32)
        dst = blocks[i][1].astype(jnp.int32)
        wcat = jnp.concatenate([W[i, 0], W[i, 1], W[i, 3], W[i, 4]], axis=1)
        bcat = jnp.concatenate([b[i, 0], b[i, 1], b[i, 3], b[i, 4]])[None, :]
        ah, t = _node_mm(h, wcat, bcat)
        ce = _edge_mm(e, W[i, 2], b[i, 2][None, :])
        eflat, num, den = _edge_sc(
            t.reshape(2 * 3 * N_NODES, H), ce.reshape(NC * N_EDGES, H),
            src, dst)
        e = eflat.reshape(NC, N_EDGES, H)
        h = _node_upd(ah, num.reshape(NC, NP, H), den.reshape(NC, NP, H))
    return h, _merge_e(e)

# --- scband reference (transcript-rebuilt; emitter-appended) ---
"""Pipeline reference for scband-block-gated-gcn-30081950941762 (READ-ONLY COPY).

The authoritative reference and input builder live on the scoring server;
editing this copy changes nothing except your own understanding.
"""

import jax, jax.numpy as jnp
import numpy as np

N_NODES, N_EDGES, D, L = 10000, 320000, 128, 2


def setup_inputs(seed: int = 0):
    key = jax.random.key(seed)
    ks = jax.random.split(key, 6)
    h = jax.random.normal(ks[0], (N_NODES, D), dtype=jnp.float32)
    e = jax.random.normal(ks[1], (N_EDGES, D), dtype=jnp.float32)
    edge_index0 = jax.random.randint(ks[2], (2, N_EDGES), 0, N_NODES)
    edge_index1 = jax.random.randint(ks[3], (2, N_EDGES), 0, N_NODES)
    # 5 projection matrices (A,B,C,D,E) per GatedGCN layer, stacked: W[L,5,D,D], b[L,5,D]
    W = jax.random.normal(ks[4], (L, 5, D, D), dtype=jnp.float32) * (1.0 / np.sqrt(D))
    b = jnp.zeros((L, 5, D), dtype=jnp.float32)
    return {"h": h, "e": e, "edge_index0": edge_index0, "edge_index1": edge_index1, "W": W, "b": b}


def _gated_gcn_layer(h, e, Wl, bl, src, dst, n_nodes):
    # GatedGCN (Bresson & Laurent): edge-gated message passing
    Ah = h @ Wl[0] + bl[0]
    Bh = h @ Wl[1] + bl[1]
    Ce = e @ Wl[2] + bl[2]
    Dh = h @ Wl[3] + bl[3]
    Eh = h @ Wl[4] + bl[4]
    # edge update: e_ij = D h_src + E h_dst + C e_ij
    e_new = jnp.take(Dh, src, axis=0) + jnp.take(Eh, dst, axis=0) + Ce
    sigma = jax.nn.sigmoid(e_new)
    # node update: h_i = A h_i + sum_j sigma_ij * B h_j / (sum_j sigma_ij + eps)
    msg = sigma * jnp.take(Bh, src, axis=0)
    num = jax.ops.segment_sum(msg, dst, num_segments=n_nodes)
    den = jax.ops.segment_sum(sigma, dst, num_segments=n_nodes)
    h_new = Ah + num / (den + 1e-6)
    return h_new, e_new


def reference(h, e, edge_index0, edge_index1, W, b):
    n_nodes = h.shape[0]
    blocks = [edge_index0, edge_index1]
    for i in range(W.shape[0]):
        src = blocks[i][0]
        dst = blocks[i][1]
        e = e[: src.shape[0]]
        h, e = _gated_gcn_layer(h, e, W[i], b[i], src, dst, n_nodes)
        h = jax.nn.relu(h)
        e = jax.nn.relu(e)
    return (h, e)

if __name__ == "__main__":
    import jax
    _d = setup_inputs()
    print(jax.jit(kernel)(*tuple(_d.values())))

</pallas_src>

<mosaic_0001>
#map = affine_map<(d0, d1) -> (0, 0)>
#map1 = affine_map<(d0, d1) -> (0)>
module attributes {stable_mosaic.version = 14 : i64} {
  func.func @_edge_sc_body(%arg0: i32, %arg1: i32, %arg2: memref<60000x64xf32, #tpu.memory_space<hbm>>, %arg3: memref<640000x64xf32, #tpu.memory_space<hbm>>, %arg4: memref<320000xi32, #tpu.memory_space<hbm>>, %arg5: memref<320000xi32, #tpu.memory_space<hbm>>, %arg6: memref<640000x64xf32, #tpu.memory_space<hbm>>, %arg7: memref<20480x64xf32, #tpu.memory_space<hbm>>, %arg8: memref<20480x64xf32, #tpu.memory_space<hbm>>, %arg9: memref<128xi32, #tpu.memory_space<vmem>>, %arg10: memref<128xi32, #tpu.memory_space<vmem>>, %arg11: memref<128xi32, #tpu.memory_space<vmem>>, %arg12: memref<128xi32, #tpu.memory_space<vmem>>, %arg13: memref<128xi32, #tpu.memory_space<vmem>>, %arg14: memref<128x64xf32, #tpu.memory_space<vmem>>, %arg15: memref<128x64xf32, #tpu.memory_space<vmem>>, %arg16: memref<128x64xf32, #tpu.memory_space<vmem>>, %arg17: memref<128x64xf32, #tpu.memory_space<vmem>>, %arg18: memref<128x64xf32, #tpu.memory_space<vmem>>, %arg19: memref<10240x64xf32, #tpu.memory_space<vmem_shared>>, %arg20: memref<10240x64xf32, #tpu.memory_space<vmem_shared>>, %arg21: memref<!tpu.dma_semaphore, #tpu.memory_space<semaphore_mem>>) attributes {dimension_semantics = [#tpu.dimension_semantics<core_parallel>, #tpu.dimension_semantics<subcore_parallel>], iteration_bounds = array<i64: 2, 16>, scalar_prefetch = 0 : i64, scratch_operands = 13 : i64, tpu.core_type = #tpu.core_type<sc_vector_subcore>, window_params = [{transform_indices = #map}, {transform_indices = #map}, {transform_indices = #map1}, {transform_indices = #map1}, {transform_indices = #map}, {transform_indices = #map}, {transform_indices = #map}]} {
    %mul3A = arith.constant 30000 : i32
    %mul3A_0 = arith.muli %arg0, %mul3A : i32
    %broadcast_in_dim3A = arith.constant 0.000000e+00 : f32
    %broadcast_in_dim3A_1 = vector.broadcast %broadcast_in_dim3A : f32 to vector<16xf32>
    %scan3A = arith.constant 0 : i32
    %scan3A_2 = arith.constant 0 : i32
    %scan3A_3 = arith.constant 128 : i32
    %scan3A_4 = arith.addi %scan3A_2, %scan3A_3 : i32
    %scan3A_5 = arith.constant 1 : i32
    %scan3A_6 = scf.for %scan3A_123 = %scan3A_2 to %scan3A_4 step %scan3A_5 iter_args(%scan3A_124 = %scan3A) -> (i32)  : i32 {
      %swap3A = arith.index_cast %scan3A_123 : i32 to index
      %swap3A_125 = arith.constant 0 : index
      %swap3A_126 = tpu.vector_load %arg18[%swap3A, %swap3A_125] {strides = array<i32>} : memref<128x64xf32, #tpu.memory_space<vmem>>, vector<1x16xf32>,
      %swap3A_127 = vector.shape_cast %swap3A_126 : vector<1x16xf32> to vector<16xf32>
      %swap3A_128 = vector.shape_cast %broadcast_in_dim3A_1 : vector<16xf32> to vector<1x16xf32>
      tpu.vector_store %arg18[%swap3A, %swap3A_125], %swap3A_128 {strides = array<i32>} : memref<128x64xf32, #tpu.memory_space<vmem>>, vector<1x16xf32>,
      %swap3A_129 = arith.index_cast %scan3A_123 : i32 to index
      %swap3A_130 = arith.constant 16 : index
      %swap3A_131 = tpu.vector_load %arg18[%swap3A_129, %swap3A_130] {strides = array<i32>} : memref<128x64xf32, #tpu.memory_space<vmem>>, vector<1x16xf32>,
      %swap3A_132 = vector.shape_cast %swap3A_131 : vector<1x16xf32> to vector<16xf32>
      %swap3A_133 = vector.shape_cast %broadcast_in_dim3A_1 : vector<16xf32> to vector<1x16xf32>
      tpu.vector_store %arg18[%swap3A_129, %swap3A_130], %swap3A_133 {strides = array<i32>} : memref<128x64xf32, #tpu.memory_space<vmem>>, vector<1x16xf32>,
      %swap3A_134 = arith.index_cast %scan3A_123 : i32 to index
      %swap3A_135 = arith.constant 32 : index
      %swap3A_136 = tpu.vector_load %arg18[%swap3A_134, %swap3A_135] {strides = array<i32>} : memref<128x64xf32, #tpu.memory_space<vmem>>, vector<1x16xf32>,
      %swap3A_137 = vector.shape_cast %swap3A_136 : vector<1x16xf32> to vector<16xf32>
      %swap3A_138 = vector.shape_cast %broadcast_in_dim3A_1 : vector<16xf32> to vector<1x16xf32>
      tpu.vector_store %arg18[%swap3A_134, %swap3A_135], %swap3A_138 {strides = array<i32>} : memref<128x64xf32, #tpu.memory_space<vmem>>, vector<1x16xf32>,
      %swap3A_139 = arith.index_cast %scan3A_123 : i32 to index
      %swap3A_140 = arith.constant 48 : index
      %swap3A_141 = tpu.vector_load %arg18[%swap3A_139, %swap3A_140] {strides = array<i32>} : memref<128x64xf32, #tpu.memory_space<vmem>>, vector<1x16xf32>,
      %swap3A_142 = vector.shape_cast %swap3A_141 : vector<1x16xf32> to vector<16xf32>
      %swap3A_143 = vector.shape_cast %broadcast_in_dim3A_1 : vector<16xf32> to vector<1x16xf32>
      tpu.vector_store %arg18[%swap3A_139, %swap3A_140], %swap3A_143 {strides = array<i32>} : memref<128x64xf32, #tpu.memory_space<vmem>>, vector<1x16xf32>,
      %scan3A_144 = arith.constant 0 : i32
      scf.yield %scan3A_144 : i32
    }
    %scan3A_7 = arith.constant 128 : i32
    %mul3A_8 = arith.constant 640 : i32
    %mul3A_9 = arith.muli %arg1, %mul3A_8 : i32
    %add3A = arith.constant 0 : i32
    %add3A_10 = arith.addi %mul3A_9, %add3A : i32
    "tpu.region"() ({
      %run_scoped3A = tpu.sem_alloc : memref<!tpu.dma_semaphore, #tpu.memory_space<semaphore_mem>>
      %dma_start3A = arith.constant 0 : i32
      %dma_start3A_123 = tpu.memref_slice %arg19[%add3A_10, %dma_start3A] : memref<10240x64xf32, #tpu.memory_space<vmem_shared>> -> memref<128x64xf32, #tpu.memory_space<vmem_shared>>
      %dma_start3A_124 = arith.constant 0 : i32
      %dma_start3A_125 = tpu.memref_slice %arg19[%add3A_10, %dma_start3A_124] : memref<10240x64xf32, #tpu.memory_space<vmem_shared>> -> memref<128x64xf32, #tpu.memory_space<vmem_shared>>
      tpu.enqueue_dma source(%arg18 : memref<128x64xf32, #tpu.memory_space<vmem>>) target(%dma_start3A_125 : memref<128x64xf32, #tpu.memory_space<vmem_shared>>) target_semaphore(%run_scoped3A : memref<!tpu.dma_semaphore, #tpu.memory_space<semaphore_mem>>)
      %dma_wait3A = arith.constant 0 : i32
      %dma_wait3A_126 = tpu.memref_slice %arg19[%add3A_10, %dma_wait3A] : memref<10240x64xf32, #tpu.memory_space<vmem_shared>> -> memref<128x64xf32, #tpu.memory_space<vmem_shared>>
      %dma_wait3A_127 = arith.constant 0 : i32
      %dma_wait3A_128 = tpu.memref_slice %arg19[%add3A_10, %dma_wait3A_127] : memref<10240x64xf32, #tpu.memory_space<vmem_shared>> -> memref<128x64xf32, #tpu.memory_space<vmem_shared>>
      tpu.wait_dma2 semaphore(%run_scoped3A : memref<!tpu.dma_semaphore, #tpu.memory_space<semaphore_mem>>) src(%arg18 : memref<128x64xf32, #tpu.memory_space<vmem>>) dst(%dma_wait3A_128 : memref<128x64xf32, #tpu.memory_space<vmem_shared>>)
      tpu.yield
    }) : () -> ()
    %add3A_11 = arith.constant 0 : i32
    %add3A_12 = arith.addi %mul3A_9, %add3A_11 : i32
    "tpu.region"() ({
      %run_scoped3A = tpu.sem_alloc : memref<!tpu.dma_semaphore, #tpu.memory_space<semaphore_mem>>
      %dma_start3A = arith.constant 0 : i32
      %dma_start3A_123 = tpu.memref_slice %arg20[%add3A_12, %dma_start3A] : memref<10240x64xf32, #tpu.memory_space<vmem_shared>> -> memref<128x64xf32, #tpu.memory_space<vmem_shared>>
      %dma_start3A_124 = arith.constant 0 : i32
      %dma_start3A_125 = tpu.memref_slice %arg20[%add3A_12, %dma_start3A_124] : memref<10240x64xf32, #tpu.memory_space<vmem_shared>> -> memref<128x64xf32, #tpu.memory_space<vmem_shared>>
      tpu.enqueue_dma source(%arg18 : memref<128x64xf32, #tpu.memory_space<vmem>>) target(%dma_start3A_125 : memref<128x64xf32, #tpu.memory_space<vmem_shared>>) target_semaphore(%run_scoped3A : memref<!tpu.dma_semaphore, #tpu.memory_space<semaphore_mem>>)
      %dma_wait3A = arith.constant 0 : i32
      %dma_wait3A_126 = tpu.memref_slice %arg20[%add3A_12, %dma_wait3A] : memref<10240x64xf32, #tpu.memory_space<vmem_shared>> -> memref<128x64xf32, #tpu.memory_space<vmem_shared>>
      %dma_wait3A_127 = arith.constant 0 : i32
      %dma_wait3A_128 = tpu.memref_slice %arg20[%add3A_12, %dma_wait3A_127] : memref<10240x64xf32, #tpu.memory_space<vmem_shared>> -> memref<128x64xf32, #tpu.memory_space<vmem_shared>>
      tpu.wait_dma2 semaphore(%run_scoped3A : memref<!tpu.dma_semaphore, #tpu.memory_space<semaphore_mem>>) src(%arg18 : memref<128x64xf32, #tpu.memory_space<vmem>>) dst(%dma_wait3A_128 : memref<128x64xf32, #tpu.memory_space<vmem_shared>>)
      tpu.yield
    }) : () -> ()
    %add3A_13 = arith.constant 128 : i32
    %add3A_14 = arith.addi %mul3A_9, %add3A_13 : i32
    "tpu.region"() ({
      %run_scoped3A = tpu.sem_alloc : memref<!tpu.dma_semaphore, #tpu.memory_space<semaphore_mem>>
      %dma_start3A = arith.constant 0 : i32
      %dma_start3A_123 = tpu.memref_slice %arg19[%add3A_14, %dma_start3A] : memref<10240x64xf32, #tpu.memory_space<vmem_shared>> -> memref<128x64xf32, #tpu.memory_space<vmem_shared>>
      %dma_start3A_124 = arith.constant 0 : i32
      %dma_start3A_125 = tpu.memref_slice %arg19[%add3A_14, %dma_start3A_124] : memref<10240x64xf32, #tpu.memory_space<vmem_shared>> -> memref<128x64xf32, #tpu.memory_space<vmem_shared>>
      tpu.enqueue_dma source(%arg18 : memref<128x64xf32, #tpu.memory_space<vmem>>) target(%dma_start3A_125 : memref<128x64xf32, #tpu.memory_space<vmem_shared>>) target_semaphore(%run_scoped3A : memref<!tpu.dma_semaphore, #tpu.memory_space<semaphore_mem>>)
      %dma_wait3A = arith.constant 0 : i32
      %dma_wait3A_126 = tpu.memref_slice %arg19[%add3A_14, %dma_wait3A] : memref<10240x64xf32, #tpu.memory_space<vmem_shared>> -> memref<128x64xf32, #tpu.memory_space<vmem_shared>>
      %dma_wait3A_127 = arith.constant 0 : i32
      %dma_wait3A_128 = tpu.memref_slice %arg19[%add3A_14, %dma_wait3A_127] : memref<10240x64xf32, #tpu.memory_space<vmem_shared>> -> memref<128x64xf32, #tpu.memory_space<vmem_shared>>
      tpu.wait_dma2 semaphore(%run_scoped3A : memref<!tpu.dma_semaphore, #tpu.memory_space<semaphore_mem>>) src(%arg18 : memref<128x64xf32, #tpu.memory_space<vmem>>) dst(%dma_wait3A_128 : memref<128x64xf32, #tpu.memory_space<vmem_shared>>)
      tpu.yield
    }) : () -> ()
    %add3A_15 = arith.constant 128 : i32
    %add3A_16 = arith.addi %mul3A_9, %add3A_15 : i32
    "tpu.region"() ({
      %run_scoped3A = tpu.sem_alloc : memref<!tpu.dma_semaphore, #tpu.memory_space<semaphore_mem>>
      %dma_start3A = arith.constant 0 : i32
      %dma_start3A_123 = tpu.memref_slice %arg20[%add3A_16, %dma_start3A] : memref<10240x64xf32, #tpu.memory_space<vmem_shared>> -> memref<128x64xf32, #tpu.memory_space<vmem_shared>>
      %dma_start3A_124 = arith.constant 0 : i32
      %dma_start3A_125 = tpu.memref_slice %arg20[%add3A_16, %dma_start3A_124] : memref<10240x64xf32, #tpu.memory_space<vmem_shared>> -> memref<128x64xf32, #tpu.memory_space<vmem_shared>>
      tpu.enqueue_dma source(%arg18 : memref<128x64xf32, #tpu.memory_space<vmem>>) target(%dma_start3A_125 : memref<128x64xf32, #tpu.memory_space<vmem_shared>>) target_semaphore(%run_scoped3A : memref<!tpu.dma_semaphore, #tpu.memory_space<semaphore_mem>>)
      %dma_wait3A = arith.constant 0 : i32
      %dma_wait3A_126 = tpu.memref_slice %arg20[%add3A_16, %dma_wait3A] : memref<10240x64xf32, #tpu.memory_space<vmem_shared>> -> memref<128x64xf32, #tpu.memory_space<vmem_shared>>
      %dma_wait3A_127 = arith.constant 0 : i32
      %dma_wait3A_128 = tpu.memref_slice %arg20[%add3A_16, %dma_wait3A_127] : memref<10240x64xf32, #tpu.memory_space<vmem_shared>> -> memref<128x64xf32, #tpu.memory_space<vmem_shared>>
      tpu.wait_dma2 semaphore(%run_scoped3A : memref<!tpu.dma_semaphore, #tpu.memory_space<semaphore_mem>>) src(%arg18 : memref<128x64xf32, #tpu.memory_space<vmem>>) dst(%dma_wait3A_128 : memref<128x64xf32, #tpu.memory_space<vmem_shared>>)
      tpu.yield
    }) : () -> ()
    %add3A_17 = arith.constant 256 : i32
    %add3A_18 = arith.addi %mul3A_9, %add3A_17 : i32
    "tpu.region"() ({
      %run_scoped3A = tpu.sem_alloc : memref<!tpu.dma_semaphore, #tpu.memory_space<semaphore_mem>>
      %dma_start3A = arith.constant 0 : i32
      %dma_start3A_123 = tpu.memref_slice %arg19[%add3A_18, %dma_start3A] : memref<10240x64xf32, #tpu.memory_space<vmem_shared>> -> memref<128x64xf32, #tpu.memory_space<vmem_shared>>
      %dma_start3A_124 = arith.constant 0 : i32
      %dma_start3A_125 = tpu.memref_slice %arg19[%add3A_18, %dma_start3A_124] : memref<10240x64xf32, #tpu.memory_space<vmem_shared>> -> memref<128x64xf32, #tpu.memory_space<vmem_shared>>
      tpu.enqueue_dma source(%arg18 : memref<128x64xf32, #tpu.memory_space<vmem>>) target(%dma_start3A_125 : memref<128x64xf32, #tpu.memory_space<vmem_shared>>) target_semaphore(%run_scoped3A : memref<!tpu.dma_semaphore, #tpu.memory_space<semaphore_mem>>)
      %dma_wait3A = arith.constant 0 : i32
      %dma_wait3A_126 = tpu.memref_slice %arg19[%add3A_18, %dma_wait3A] : memref<10240x64xf32, #tpu.memory_space<vmem_shared>> -> memref<128x64xf32, #tpu.memory_space<vmem_shared>>
      %dma_wait3A_127 = arith.constant 0 : i32
      %dma_wait3A_128 = tpu.memref_slice %arg19[%add3A_18, %dma_wait3A_127] : memref<10240x64xf32, #tpu.memory_space<vmem_shared>> -> memref<128x64xf32, #tpu.memory_space<vmem_shared>>
      tpu.wait_dma2 semaphore(%run_scoped3A : memref<!tpu.dma_semaphore, #tpu.memory_space<semaphore_mem>>) src(%arg18 : memref<128x64xf32, #tpu.memory_space<vmem>>) dst(%dma_wait3A_128 : memref<128x64xf32, #tpu.memory_space<vmem_shared>>)
      tpu.yield
    }) : () -> ()
    %add3A_19 = arith.constant 256 : i32
    %add3A_20 = arith.addi %mul3A_9, %add3A_19 : i32
    "tpu.region"() ({
      %run_scoped3A = tpu.sem_alloc : memref<!tpu.dma_semaphore, #tpu.memory_space<semaphore_mem>>
      %dma_start3A = arith.constant 0 : i32
      %dma_start3A_123 = tpu.memref_slice %arg20[%add3A_20, %dma_start3A] : memref<10240x64xf32, #tpu.memory_space<vmem_shared>> -> memref<128x64xf32, #tpu.memory_space<vmem_shared>>
      %dma_start3A_124 = arith.constant 0 : i32
      %dma_start3A_125 = tpu.memref_slice %arg20[%add3A_20, %dma_start3A_124] : memref<10240x64xf32, #tpu.memory_space<vmem_shared>> -> memref<128x64xf32, #tpu.memory_space<vmem_shared>>
      tpu.enqueue_dma source(%arg18 : memref<128x64xf32, #tpu.memory_space<vmem>>) target(%dma_start3A_125 : memref<128x64xf32, #tpu.memory_space<vmem_shared>>) target_semaphore(%run_scoped3A : memref<!tpu.dma_semaphore, #tpu.memory_space<semaphore_mem>>)
      %dma_wait3A = arith.constant 0 : i32
      %dma_wait3A_126 = tpu.memref_slice %arg20[%add3A_20, %dma_wait3A] : memref<10240x64xf32, #tpu.memory_space<vmem_shared>> -> memref<128x64xf32, #tpu.memory_space<vmem_shared>>
      %dma_wait3A_127 = arith.constant 0 : i32
      %dma_wait3A_128 = tpu.memref_slice %arg20[%add3A_20, %dma_wait3A_127] : memref<10240x64xf32, #tpu.memory_space<vmem_shared>> -> memref<128x64xf32, #tpu.memory_space<vmem_shared>>
      tpu.wait_dma2 semaphore(%run_scoped3A : memref<!tpu.dma_semaphore, #tpu.memory_space<semaphore_mem>>) src(%arg18 : memref<128x64xf32, #tpu.memory_space<vmem>>) dst(%dma_wait3A_128 : memref<128x64xf32, #tpu.memory_space<vmem_shared>>)
      tpu.yield
    }) : () -> ()
    %add3A_21 = arith.constant 384 : i32
    %add3A_22 = arith.addi %mul3A_9, %add3A_21 : i32
    "tpu.region"() ({
      %run_scoped3A = tpu.sem_alloc : memref<!tpu.dma_semaphore, #tpu.memory_space<semaphore_mem>>
      %dma_start3A = arith.constant 0 : i32
      %dma_start3A_123 = tpu.memref_slice %arg19[%add3A_22, %dma_start3A] : memref<10240x64xf32, #tpu.memory_space<vmem_shared>> -> memref<128x64xf32, #tpu.memory_space<vmem_shared>>
      %dma_start3A_124 = arith.constant 0 : i32
      %dma_start3A_125 = tpu.memref_slice %arg19[%add3A_22, %dma_start3A_124] : memref<10240x64xf32, #tpu.memory_space<vmem_shared>> -> memref<128x64xf32, #tpu.memory_space<vmem_shared>>
      tpu.enqueue_dma source(%arg18 : memref<128x64xf32, #tpu.memory_space<vmem>>) target(%dma_start3A_125 : memref<128x64xf32, #tpu.memory_space<vmem_shared>>) target_semaphore(%run_scoped3A : memref<!tpu.dma_semaphore, #tpu.memory_space<semaphore_mem>>)
      %dma_wait3A = arith.constant 0 : i32
      %dma_wait3A_126 = tpu.memref_slice %arg19[%add3A_22, %dma_wait3A] : memref<10240x64xf32, #tpu.memory_space<vmem_shared>> -> memref<128x64xf32, #tpu.memory_space<vmem_shared>>
      %dma_wait3A_127 = arith.constant 0 : i32
      %dma_wait3A_128 = tpu.memref_slice %arg19[%add3A_22, %dma_wait3A_127] : memref<10240x64xf32, #tpu.memory_space<vmem_shared>> -> memref<128x64xf32, #tpu.memory_space<vmem_shared>>
      tpu.wait_dma2 semaphore(%run_scoped3A : memref<!tpu.dma_semaphore, #tpu.memory_space<semaphore_mem>>) src(%arg18 : memref<128x64xf32, #tpu.memory_space<vmem>>) dst(%dma_wait3A_128 : memref<128x64xf32, #tpu.memory_space<vmem_shared>>)
      tpu.yield
    }) : () -> ()
    %add3A_23 = arith.constant 384 : i32
    %add3A_24 = arith.addi %mul3A_9, %add3A_23 : i32
    "tpu.region"() ({
      %run_scoped3A = tpu.sem_alloc : memref<!tpu.dma_semaphore, #tpu.memory_space<semaphore_mem>>
      %dma_start3A = arith.constant 0 : i32
      %dma_start3A_123 = tpu.memref_slice %arg20[%add3A_24, %dma_start3A] : memref<10240x64xf32, #tpu.memory_space<vmem_shared>> -> memref<128x64xf32, #tpu.memory_space<vmem_shared>>
      %dma_start3A_124 = arith.constant 0 : i32
      %dma_start3A_125 = tpu.memref_slice %arg20[%add3A_24, %dma_start3A_124] : memref<10240x64xf32, #tpu.memory_space<vmem_shared>> -> memref<128x64xf32, #tpu.memory_space<vmem_shared>>
      tpu.enqueue_dma source(%arg18 : memref<128x64xf32, #tpu.memory_space<vmem>>) target(%dma_start3A_125 : memref<128x64xf32, #tpu.memory_space<vmem_shared>>) target_semaphore(%run_scoped3A : memref<!tpu.dma_semaphore, #tpu.memory_space<semaphore_mem>>)
      %dma_wait3A = arith.constant 0 : i32
      %dma_wait3A_126 = tpu.memref_slice %arg20[%add3A_24, %dma_wait3A] : memref<10240x64xf32, #tpu.memory_space<vmem_shared>> -> memref<128x64xf32, #tpu.memory_space<vmem_shared>>
      %dma_wait3A_127 = arith.constant 0 : i32
      %dma_wait3A_128 = tpu.memref_slice %arg20[%add3A_24, %dma_wait3A_127] : memref<10240x64xf32, #tpu.memory_space<vmem_shared>> -> memref<128x64xf32, #tpu.memory_space<vmem_shared>>
      tpu.wait_dma2 semaphore(%run_scoped3A : memref<!tpu.dma_semaphore, #tpu.memory_space<semaphore_mem>>) src(%arg18 : memref<128x64xf32, #tpu.memory_space<vmem>>) dst(%dma_wait3A_128 : memref<128x64xf32, #tpu.memory_space<vmem_shared>>)
      tpu.yield
    }) : () -> ()
    %add3A_25 = arith.constant 512 : i32
    %add3A_26 = arith.addi %mul3A_9, %add3A_25 : i32
    "tpu.region"() ({
      %run_scoped3A = tpu.sem_alloc : memref<!tpu.dma_semaphore, #tpu.memory_space<semaphore_mem>>
      %dma_start3A = arith.constant 0 : i32
      %dma_start3A_123 = tpu.memref_slice %arg19[%add3A_26, %dma_start3A] : memref<10240x64xf32, #tpu.memory_space<vmem_shared>> -> memref<128x64xf32, #tpu.memory_space<vmem_shared>>
      %dma_start3A_124 = arith.constant 0 : i32
      %dma_start3A_125 = tpu.memref_slice %arg19[%add3A_26, %dma_start3A_124] : memref<10240x64xf32, #tpu.memory_space<vmem_shared>> -> memref<128x64xf32, #tpu.memory_space<vmem_shared>>
      tpu.enqueue_dma source(%arg18 : memref<128x64xf32, #tpu.memory_space<vmem>>) target(%dma_start3A_125 : memref<128x64xf32, #tpu.memory_space<vmem_shared>>) target_semaphore(%run_scoped3A : memref<!tpu.dma_semaphore, #tpu.memory_space<semaphore_mem>>)
      %dma_wait3A = arith.constant 0 : i32
      %dma_wait3A_126 = tpu.memref_slice %arg19[%add3A_26, %dma_wait3A] : memref<10240x64xf32, #tpu.memory_space<vmem_shared>> -> memref<128x64xf32, #tpu.memory_space<vmem_shared>>
      %dma_wait3A_127 = arith.constant 0 : i32
      %dma_wait3A_128 = tpu.memref_slice %arg19[%add3A_26, %dma_wait3A_127] : memref<10240x64xf32, #tpu.memory_space<vmem_shared>> -> memref<128x64xf32, #tpu.memory_space<vmem_shared>>
      tpu.wait_dma2 semaphore(%run_scoped3A : memref<!tpu.dma_semaphore, #tpu.memory_space<semaphore_mem>>) src(%arg18 : memref<128x64xf32, #tpu.memory_space<vmem>>) dst(%dma_wait3A_128 : memref<128x64xf32, #tpu.memory_space<vmem_shared>>)
      tpu.yield
    }) : () -> ()
    %add3A_27 = arith.constant 512 : i32
    %add3A_28 = arith.addi %mul3A_9, %add3A_27 : i32
    "tpu.region"() ({
      %run_scoped3A = tpu.sem_alloc : memref<!tpu.dma_semaphore, #tpu.memory_space<semaphore_mem>>
      %dma_start3A = arith.constant 0 : i32
      %dma_start3A_123 = tpu.memref_slice %arg20[%add3A_28, %dma_start3A] : memref<10240x64xf32, #tpu.memory_space<vmem_shared>> -> memref<128x64xf32, #tpu.memory_space<vmem_shared>>
      %dma_start3A_124 = arith.constant 0 : i32
      %dma_start3A_125 = tpu.memref_slice %arg20[%add3A_28, %dma_start3A_124] : memref<10240x64xf32, #tpu.memory_space<vmem_shared>> -> memref<128x64xf32, #tpu.memory_space<vmem_shared>>
      tpu.enqueue_dma source(%arg18 : memref<128x64xf32, #tpu.memory_space<vmem>>) target(%dma_start3A_125 : memref<128x64xf32, #tpu.memory_space<vmem_shared>>) target_semaphore(%run_scoped3A : memref<!tpu.dma_semaphore, #tpu.memory_space<semaphore_mem>>)
      %dma_wait3A = arith.constant 0 : i32
      %dma_wait3A_126 = tpu.memref_slice %arg20[%add3A_28, %dma_wait3A] : memref<10240x64xf32, #tpu.memory_space<vmem_shared>> -> memref<128x64xf32, #tpu.memory_space<vmem_shared>>
      %dma_wait3A_127 = arith.constant 0 : i32
      %dma_wait3A_128 = tpu.memref_slice %arg20[%add3A_28, %dma_wait3A_127] : memref<10240x64xf32, #tpu.memory_space<vmem_shared>> -> memref<128x64xf32, #tpu.memory_space<vmem_shared>>
      tpu.wait_dma2 semaphore(%run_scoped3A : memref<!tpu.dma_semaphore, #tpu.memory_space<semaphore_mem>>) src(%arg18 : memref<128x64xf32, #tpu.memory_space<vmem>>) dst(%dma_wait3A_128 : memref<128x64xf32, #tpu.memory_space<vmem_shared>>)
      tpu.yield
    }) : () -> ()
    %barrier3A = arith.constant 0 : index
    tpu.barrier barrier_id(%barrier3A)
    %sub3A = arith.constant 2500 : i32
    %sub3A_29 = arith.subi %sub3A, %arg1 : i32
    %add3A_30 = arith.constant 16 : i32
    %add3A_31 = arith.addi %sub3A_29, %add3A_30 : i32
    %sub3A_32 = arith.constant 1 : i32
    %sub3A_33 = arith.subi %add3A_31, %sub3A_32 : i32
    %jit3A = arith.constant 16 : i32
    %div3A = arith.divsi %sub3A_33, %jit3A : i32
    %sign3A = arith.constant 0 : i32
    %sign3A_34 = arith.cmpi sgt, %sub3A_33, %sign3A : i32
    %sign3A_35 = arith.extui %sign3A_34 : i1 to i32
    %sign3A_36 = arith.constant 0 : i32
    %sign3A_37 = arith.cmpi slt, %sub3A_33, %sign3A_36 : i32
    %sign3A_38 = arith.extui %sign3A_37 : i1 to i32
    %sign3A_39 = arith.subi %sign3A_35, %sign3A_38 : i32
    %sign3A_40 = arith.constant 0 : i32
    %sign3A_41 = arith.cmpi sgt, %jit3A, %sign3A_40 : i32
    %sign3A_42 = arith.extui %sign3A_41 : i1 to i32
    %sign3A_43 = arith.constant 0 : i32
    %sign3A_44 = arith.cmpi slt, %jit3A, %sign3A_43 : i32
    %sign3A_45 = arith.extui %sign3A_44 : i1 to i32
    %sign3A_46 = arith.subi %sign3A_42, %sign3A_45 : i32
    %ne3A = arith.cmpi ne, %sign3A_39, %sign3A_46 : i32
    %rem3A = arith.remsi %sub3A_33, %jit3A : i32
    %ne3A_47 = arith.constant 0 : i32
    %ne3A_48 = arith.cmpi ne, %rem3A, %ne3A_47 : i32
    %and3A = arith.andi %ne3A, %ne3A_48 : i1
    %sub3A_49 = arith.constant 1 : i32
    %sub3A_50 = arith.subi %div3A, %sub3A_49 : i32
    %select_n3A = arith.select %and3A, %sub3A_50, %div3A : i32
    %while3A = arith.constant 0 : i32
    %while3A_51 = arith.constant 0 : i32
    %while3A_52 = arith.subi %select_n3A, %while3A : i32
    %while3A_53 = arith.addi %while3A, %while3A_52 : i32
    %while3A_54 = arith.constant 1 : i32
    %while3A_55 = arith.divsi %while3A_52, %while3A_54 : i32
    %while3A_56 = arith.muli %while3A_55, %while3A_54 : i32
    %while3A_57 = arith.addi %while3A, %while3A_56 : i32
    %while3A_58 = arith.constant 1 : i32
    %while3A_59 = scf.for %while3A_123 = %while3A to %while3A_57 step %while3A_58 iter_args(%while3A_124 = %while3A_51) -> (i32)  : i32 {
      %mul3A_125 = arith.constant 16 : i32
      %mul3A_126 = arith.muli %while3A_123, %mul3A_125 : i32
      %add3A_127 = arith.addi %arg1, %mul3A_126 : i32
      %mul3A_128 = arith.constant 128 : i32
      %mul3A_129 = arith.muli %add3A_127, %mul3A_128 : i32
      "tpu.region"() ({
        %run_scoped3A = tpu.sem_alloc : memref<!tpu.dma_semaphore, #tpu.memory_space<semaphore_mem>>
        %dma_start3A_382 = tpu.memref_slice %arg4[%mul3A_129] : memref<320000xi32, #tpu.memory_space<hbm>> -> memref<128xi32, #tpu.memory_space<hbm>>
        %dma_start3A_383 = tpu.memref_slice %arg4[%mul3A_129] : memref<320000xi32, #tpu.memory_space<hbm>> -> memref<128xi32, #tpu.memory_space<hbm>>
        tpu.enqueue_dma source(%dma_start3A_383 : memref<128xi32, #tpu.memory_space<hbm>>) target(%arg9 : memref<128xi32, #tpu.memory_space<vmem>>) target_semaphore(%run_scoped3A : memref<!tpu.dma_semaphore, #tpu.memory_space<semaphore_mem>>)
        %dma_wait3A_384 = tpu.memref_slice %arg4[%mul3A_129] : memref<320000xi32, #tpu.memory_space<hbm>> -> memref<128xi32, #tpu.memory_space<hbm>>
        %dma_wait3A_385 = tpu.memref_slice %arg4[%mul3A_129] : memref<320000xi32, #tpu.memory_space<hbm>> -> memref<128xi32, #tpu.memory_space<hbm>>
        tpu.wait_dma2 semaphore(%run_scoped3A : memref<!tpu.dma_semaphore, #tpu.memory_space<semaphore_mem>>) src(%dma_wait3A_385 : memref<128xi32, #tpu.memory_space<hbm>>) dst(%arg9 : memref<128xi32, #tpu.memory_space<vmem>>)
        tpu.yield
      }) : () -> ()
      "tpu.region"() ({
        %run_scoped3A = tpu.sem_alloc : memref<!tpu.dma_semaphore, #tpu.memory_space<semaphore_mem>>
        %dma_start3A_382 = tpu.memref_slice %arg5[%mul3A_129] : memref<320000xi32, #tpu.memory_space<hbm>> -> memref<128xi32, #tpu.memory_space<hbm>>
        %dma_start3A_383 = tpu.memref_slice %arg5[%mul3A_129] : memref<320000xi32, #tpu.memory_space<hbm>> -> memref<128xi32, #tpu.memory_space<hbm>>
        tpu.enqueue_dma source(%dma_start3A_383 : memref<128xi32, #tpu.memory_space<hbm>>) target(%arg10 : memref<128xi32, #tpu.memory_space<vmem>>) target_semaphore(%run_scoped3A : memref<!tpu.dma_semaphore, #tpu.memory_space<semaphore_mem>>)
        %dma_wait3A_384 = tpu.memref_slice %arg5[%mul3A_129] : memref<320000xi32, #tpu.memory_space<hbm>> -> memref<128xi32, #tpu.memory_space<hbm>>
        %dma_wait3A_385 = tpu.memref_slice %arg5[%mul3A_129] : memref<320000xi32, #tpu.memory_space<hbm>> -> memref<128xi32, #tpu.memory_space<hbm>>
        tpu.wait_dma2 semaphore(%run_scoped3A : memref<!tpu.dma_semaphore, #tpu.memory_space<semaphore_mem>>) src(%dma_wait3A_385 : memref<128xi32, #tpu.memory_space<hbm>>) dst(%arg10 : memref<128xi32, #tpu.memory_space<vmem>>)
        tpu.yield
      }) : () -> ()
      %get3A = arith.constant 0 : index
      %get3A_130 = tpu.vector_load %arg9[%get3A] {strides = array<i32>} : memref<128xi32, #tpu.memory_space<vmem>>, vector<16xi32>,
      %get3A_131 = vector.shape_cast %get3A_130 : vector<16xi32> to vector<16xi32>
      %get3A_132 = arith.constant 0 : index
      %get3A_133 = tpu.vector_load %arg10[%get3A_132] {strides = array<i32>} : memref<128xi32, #tpu.memory_space<vmem>>, vector<16xi32>,
      %get3A_134 = vector.shape_cast %get3A_133 : vector<16xi32> to vector<16xi32>
      %add3A_135 = vector.broadcast %mul3A_0 : i32 to vector<16xi32>
      %add3A_136 = arith.addi %get3A_131, %add3A_135 : vector<16xi32>
      %swap3A = arith.constant 0 : index
      %swap3A_137 = tpu.vector_load %arg11[%swap3A] {strides = array<i32>} : memref<128xi32, #tpu.memory_space<vmem>>, vector<16xi32>,
      %swap3A_138 = vector.shape_cast %swap3A_137 : vector<16xi32> to vector<16xi32>
      %swap3A_139 = vector.shape_cast %add3A_136 : vector<16xi32> to vector<16xi32>
      tpu.vector_store %arg11[%swap3A], %swap3A_139 {strides = array<i32>} : memref<128xi32, #tpu.memory_space<vmem>>, vector<16xi32>,
      %add3A_140 = arith.constant 10000 : i32
      %add3A_141 = arith.addi %mul3A_0, %add3A_140 : i32
      %add3A_142 = vector.broadcast %add3A_141 : i32 to vector<16xi32>
      %add3A_143 = arith.addi %get3A_131, %add3A_142 : vector<16xi32>
      %swap3A_144 = arith.constant 0 : index
      %swap3A_145 = tpu.vector_load %arg12[%swap3A_144] {strides = array<i32>} : memref<128xi32, #tpu.memory_space<vmem>>, vector<16xi32>,
      %swap3A_146 = vector.shape_cast %swap3A_145 : vector<16xi32> to vector<16xi32>
      %swap3A_147 = vector.shape_cast %add3A_143 : vector<16xi32> to vector<16xi32>
      tpu.vector_store %arg12[%swap3A_144], %swap3A_147 {strides = array<i32>} : memref<128xi32, #tpu.memory_space<vmem>>, vector<16xi32>,
      %add3A_148 = arith.constant 20000 : i32
      %add3A_149 = arith.addi %mul3A_0, %add3A_148 : i32
      %add3A_150 = vector.broadcast %add3A_149 : i32 to vector<16xi32>
      %add3A_151 = arith.addi %get3A_134, %add3A_150 : vector<16xi32>
      %swap3A_152 = arith.constant 0 : index
      %swap3A_153 = tpu.vector_load %arg13[%swap3A_152] {strides = array<i32>} : memref<128xi32, #tpu.memory_space<vmem>>, vector<16xi32>,
      %swap3A_154 = vector.shape_cast %swap3A_153 : vector<16xi32> to vector<16xi32>
      %swap3A_155 = vector.shape_cast %add3A_151 : vector<16xi32> to vector<16xi32>
      tpu.vector_store %arg13[%swap3A_152], %swap3A_155 {strides = array<i32>} : memref<128xi32, #tpu.memory_space<vmem>>, vector<16xi32>,
      %get3A_156 = arith.constant 16 : index
      %get3A_157 = tpu.vector_load %arg9[%get3A_156] {strides = array<i32>} : memref<128xi32, #tpu.memory_space<vmem>>, vector<16xi32>,
      %get3A_158 = vector.shape_cast %get3A_157 : vector<16xi32> to vector<16xi32>
      %get3A_159 = arith.constant 16 : index
      %get3A_160 = tpu.vector_load %arg10[%get3A_159] {strides = array<i32>} : memref<128xi32, #tpu.memory_space<vmem>>, vector<16xi32>,
      %get3A_161 = vector.shape_cast %get3A_160 : vector<16xi32> to vector<16xi32>
      %add3A_162 = vector.broadcast %mul3A_0 : i32 to vector<16xi32>
      %add3A_163 = arith.addi %get3A_158, %add3A_162 : vector<16xi32>
      %swap3A_164 = arith.constant 16 : index
      %swap3A_165 = tpu.vector_load %arg11[%swap3A_164] {strides = array<i32>} : memref<128xi32, #tpu.memory_space<vmem>>, vector<16xi32>,
      %swap3A_166 = vector.shape_cast %swap3A_165 : vector<16xi32> to vector<16xi32>
      %swap3A_167 = vector.shape_cast %add3A_163 : vector<16xi32> to vector<16xi32>
      tpu.vector_store %arg11[%swap3A_164], %swap3A_167 {strides = array<i32>} : memref<128xi32, #tpu.memory_space<vmem>>, vector<16xi32>,
      %add3A_168 = arith.constant 10000 : i32
      %add3A_169 = arith.addi %mul3A_0, %add3A_168 : i32
      %add3A_170 = vector.broadcast %add3A_169 : i32 to vector<16xi32>
      %add3A_171 = arith.addi %get3A_158, %add3A_170 : vector<16xi32>
      %swap3A_172 = arith.constant 16 : index
      %swap3A_173 = tpu.vector_load %arg12[%swap3A_172] {strides = array<i32>} : memref<128xi32, #tpu.memory_space<vmem>>, vector<16xi32>,
      %swap3A_174 = vector.shape_cast %swap3A_173 : vector<16xi32> to vector<16xi32>
      %swap3A_175 = vector.shape_cast %add3A_171 : vector<16xi32> to vector<16xi32>
      tpu.vector_store %arg12[%swap3A_172], %swap3A_175 {strides = array<i32>} : memref<128xi32, #tpu.memory_space<vmem>>, vector<16xi32>,
      %add3A_176 = arith.constant 20000 : i32
      %add3A_177 = arith.addi %mul3A_0, %add3A_176 : i32
      %add3A_178 = vector.broadcast %add3A_177 : i32 to vector<16xi32>
      %add3A_179 = arith.addi %get3A_161, %add3A_178 : vector<16xi32>
      %swap3A_180 = arith.constant 16 : index
      %swap3A_181 = tpu.vector_load %arg13[%swap3A_180] {strides = array<i32>} : memref<128xi32, #tpu.memory_space<vmem>>, vector<16xi32>,
      %swap3A_182 = vector.shape_cast %swap3A_181 : vector<16xi32> to vector<16xi32>
      %swap3A_183 = vector.shape_cast %add3A_179 : vector<16xi32> to vector<16xi32>
      tpu.vector_store %arg13[%swap3A_180], %swap3A_183 {strides = array<i32>} : memref<128xi32, #tpu.memory_space<vmem>>, vector<16xi32>,
      %get3A_184 = arith.constant 32 : index
      %get3A_185 = tpu.vector_load %arg9[%get3A_184] {strides = array<i32>} : memref<128xi32, #tpu.memory_space<vmem>>, vector<16xi32>,
      %get3A_186 = vector.shape_cast %get3A_185 : vector<16xi32> to vector<16xi32>
      %get3A_187 = arith.constant 32 : index
      %get3A_188 = tpu.vector_load %arg10[%get3A_187] {strides = array<i32>} : memref<128xi32, #tpu.memory_space<vmem>>, vector<16xi32>,
      %get3A_189 = vector.shape_cast %get3A_188 : vector<16xi32> to vector<16xi32>
      %add3A_190 = vector.broadcast %mul3A_0 : i32 to vector<16xi32>
      %add3A_191 = arith.addi %get3A_186, %add3A_190 : vector<16xi32>
      %swap3A_192 = arith.constant 32 : index
      %swap3A_193 = tpu.vector_load %arg11[%swap3A_192] {strides = array<i32>} : memref<128xi32, #tpu.memory_space<vmem>>, vector<16xi32>,
      %swap3A_194 = vector.shape_cast %swap3A_193 : vector<16xi32> to vector<16xi32>
      %swap3A_195 = vector.shape_cast %add3A_191 : vector<16xi32> to vector<16xi32>
      tpu.vector_store %arg11[%swap3A_192], %swap3A_195 {strides = array<i32>} : memref<128xi32, #tpu.memory_space<vmem>>, vector<16xi32>,
      %add3A_196 = arith.constant 10000 : i32
      %add3A_197 = arith.addi %mul3A_0, %add3A_196 : i32
      %add3A_198 = vector.broadcast %add3A_197 : i32 to vector<16xi32>
      %add3A_199 = arith.addi %get3A_186, %add3A_198 : vector<16xi32>
      %swap3A_200 = arith.constant 32 : index
      %swap3A_201 = tpu.vector_load %arg12[%swap3A_200] {strides = array<i32>} : memref<128xi32, #tpu.memory_space<vmem>>, vector<16xi32>,
      %swap3A_202 = vector.shape_cast %swap3A_201 : vector<16xi32> to vector<16xi32>
      %swap3A_203 = vector.shape_cast %add3A_199 : vector<16xi32> to vector<16xi32>
      tpu.vector_store %arg12[%swap3A_200], %swap3A_203 {strides = array<i32>} : memref<128xi32, #tpu.memory_space<vmem>>, vector<16xi32>,
      %add3A_204 = arith.constant 20000 : i32
      %add3A_205 = arith.addi %mul3A_0, %add3A_204 : i32
      %add3A_206 = vector.broadcast %add3A_205 : i32 to vector<16xi32>
      %add3A_207 = arith.addi %get3A_189, %add3A_206 : vector<16xi32>
      %swap3A_208 = arith.constant 32 : index
      %swap3A_209 = tpu.vector_load %arg13[%swap3A_208] {strides = array<i32>} : memref<128xi32, #tpu.memory_space<vmem>>, vector<16xi32>,
      %swap3A_210 = vector.shape_cast %swap3A_209 : vector<16xi32> to vector<16xi32>
      %swap3A_211 = vector.shape_cast %add3A_207 : vector<16xi32> to vector<16xi32>
      tpu.vector_store %arg13[%swap3A_208], %swap3A_211 {strides = array<i32>} : memref<128xi32, #tpu.memory_space<vmem>>, vector<16xi32>,
      %get3A_212 = arith.constant 48 : index
      %get3A_213 = tpu.vector_load %arg9[%get3A_212] {strides = array<i32>} : memref<128xi32, #tpu.memory_space<vmem>>, vector<16xi32>,
      %get3A_214 = vector.shape_cast %get3A_213 : vector<16xi32> to vector<16xi32>
      %get3A_215 = arith.constant 48 : index
      %get3A_216 = tpu.vector_load %arg10[%get3A_215] {strides = array<i32>} : memref<128xi32, #tpu.memory_space<vmem>>, vector<16xi32>,
      %get3A_217 = vector.shape_cast %get3A_216 : vector<16xi32> to vector<16xi32>
      %add3A_218 = vector.broadcast %mul3A_0 : i32 to vector<16xi32>
      %add3A_219 = arith.addi %get3A_214, %add3A_218 : vector<16xi32>
      %swap3A_220 = arith.constant 48 : index
      %swap3A_221 = tpu.vector_load %arg11[%swap3A_220] {strides = array<i32>} : memref<128xi32, #tpu.memory_space<vmem>>, vector<16xi32>,
      %swap3A_222 = vector.shape_cast %swap3A_221 : vector<16xi32> to vector<16xi32>
      %swap3A_223 = vector.shape_cast %add3A_219 : vector<16xi32> to vector<16xi32>
      tpu.vector_store %arg11[%swap3A_220], %swap3A_223 {strides = array<i32>} : memref<128xi32, #tpu.memory_space<vmem>>, vector<16xi32>,
      %add3A_224 = arith.constant 10000 : i32
      %add3A_225 = arith.addi %mul3A_0, %add3A_224 : i32
      %add3A_226 = vector.broadcast %add3A_225 : i32 to vector<16xi32>
      %add3A_227 = arith.addi %get3A_214, %add3A_226 : vector<16xi32>
      %swap3A_228 = arith.constant 48 : index
      %swap3A_229 = tpu.vector_load %arg12[%swap3A_228] {strides = array<i32>} : memref<128xi32, #tpu.memory_space<vmem>>, vector<16xi32>,
      %swap3A_230 = vector.shape_cast %swap3A_229 : vector<16xi32> to vector<16xi32>
      %swap3A_231 = vector.shape_cast %add3A_227 : vector<16xi32> to vector<16xi32>
      tpu.vector_store %arg12[%swap3A_228], %swap3A_231 {strides = array<i32>} : memref<128xi32, #tpu.memory_space<vmem>>, vector<16xi32>,
      %add3A_232 = arith.constant 20000 : i32
      %add3A_233 = arith.addi %mul3A_0, %add3A_232 : i32
      %add3A_234 = vector.broadcast %add3A_233 : i32 to vector<16xi32>
      %add3A_235 = arith.addi %get3A_217, %add3A_234 : vector<16xi32>
      %swap3A_236 = arith.constant 48 : index
      %swap3A_237 = tpu.vector_load %arg13[%swap3A_236] {strides = array<i32>} : memref<128xi32, #tpu.memory_space<vmem>>, vector<16xi32>,
      %swap3A_238 = vector.shape_cast %swap3A_237 : vector<16xi32> to vector<16xi32>
      %swap3A_239 = vector.shape_cast %add3A_235 : vector<16xi32> to vector<16xi32>
      tpu.vector_store %arg13[%swap3A_236], %swap3A_239 {strides = array<i32>} : memref<128xi32, #tpu.memory_space<vmem>>, vector<16xi32>,
      %get3A_240 = arith.constant 64 : index
      %get3A_241 = tpu.vector_load %arg9[%get3A_240] {strides = array<i32>} : memref<128xi32, #tpu.memory_space<vmem>>, vector<16xi32>,
      %get3A_242 = vector.shape_cast %get3A_241 : vector<16xi32> to vector<16xi32>
      %get3A_243 = arith.constant 64 : index
      %get3A_244 = tpu.vector_load %arg10[%get3A_243] {strides = array<i32>} : memref<128xi32, #tpu.memory_space<vmem>>, vector<16xi32>,
      %get3A_245 = vector.shape_cast %get3A_244 : vector<16xi32> to vector<16xi32>
      %add3A_246 = vector.broadcast %mul3A_0 : i32 to vector<16xi32>
      %add3A_247 = arith.addi %get3A_242, %add3A_246 : vector<16xi32>
      %swap3A_248 = arith.constant 64 : index
      %swap3A_249 = tpu.vector_load %arg11[%swap3A_248] {strides = array<i32>} : memref<128xi32, #tpu.memory_space<vmem>>, vector<16xi32>,
      %swap3A_250 = vector.shape_cast %swap3A_249 : vector<16xi32> to vector<16xi32>
      %swap3A_251 = vector.shape_cast %add3A_247 : vector<16xi32> to vector<16xi32>
      tpu.vector_store %arg11[%swap3A_248], %swap3A_251 {strides = array<i32>} : memref<128xi32, #tpu.memory_space<vmem>>, vector<16xi32>,
      %add3A_252 = arith.constant 10000 : i32
      %add3A_253 = arith.addi %mul3A_0, %add3A_252 : i32
      %add3A_254 = vector.broadcast %add3A_253 : i32 to vector<16xi32>
      %add3A_255 = arith.addi %get3A_242, %add3A_254 : vector<16xi32>
      %swap3A_256 = arith.constant 64 : index
      %swap3A_257 = tpu.vector_load %arg12[%swap3A_256] {strides = array<i32>} : memref<128xi32, #tpu.memory_space<vmem>>, vector<16xi32>,
      %swap3A_258 = vector.shape_cast %swap3A_257 : vector<16xi32> to vector<16xi32>
      %swap3A_259 = vector.shape_cast %add3A_255 : vector<16xi32> to vector<16xi32>
      tpu.vector_store %arg12[%swap3A_256], %swap3A_259 {strides = array<i32>} : memref<128xi32, #tpu.memory_space<vmem>>, vector<16xi32>,
      %add3A_260 = arith.constant 20000 : i32
      %add3A_261 = arith.addi %mul3A_0, %add3A_260 : i32
      %add3A_262 = vector.broadcast %add3A_261 : i32 to vector<16xi32>
      %add3A_263 = arith.addi %get3A_245, %add3A_262 : vector<16xi32>
      %swap3A_264 = arith.constant 64 : index
      %swap3A_265 = tpu.vector_load %arg13[%swap3A_264] {strides = array<i32>} : memref<128xi32, #tpu.memory_space<vmem>>, vector<16xi32>,
      %swap3A_266 = vector.shape_cast %swap3A_265 : vector<16xi32> to vector<16xi32>
      %swap3A_267 = vector.shape_cast %add3A_263 : vector<16xi32> to vector<16xi32>
      tpu.vector_store %arg13[%swap3A_264], %swap3A_267 {strides = array<i32>} : memref<128xi32, #tpu.memory_space<vmem>>, vector<16xi32>,
      %get3A_268 = arith.constant 80 : index
      %get3A_269 = tpu.vector_load %arg9[%get3A_268] {strides = array<i32>} : memref<128xi32, #tpu.memory_space<vmem>>, vector<16xi32>,
      %get3A_270 = vector.shape_cast %get3A_269 : vector<16xi32> to vector<16xi32>
      %get3A_271 = arith.constant 80 : index
      %get3A_272 = tpu.vector_load %arg10[%get3A_271] {strides = array<i32>} : memref<128xi32, #tpu.memory_space<vmem>>, vector<16xi32>,
      %get3A_273 = vector.shape_cast %get3A_272 : vector<16xi32> to vector<16xi32>
      %add3A_274 = vector.broadcast %mul3A_0 : i32 to vector<16xi32>
      %add3A_275 = arith.addi %get3A_270, %add3A_274 : vector<16xi32>
      %swap3A_276 = arith.constant 80 : index
      %swap3A_277 = tpu.vector_load %arg11[%swap3A_276] {strides = array<i32>} : memref<128xi32, #tpu.memory_space<vmem>>, vector<16xi32>,
      %swap3A_278 = vector.shape_cast %swap3A_277 : vector<16xi32> to vector<16xi32>
      %swap3A_279 = vector.shape_cast %add3A_275 : vector<16xi32> to vector<16xi32>
      tpu.vector_store %arg11[%swap3A_276], %swap3A_279 {strides = array<i32>} : memref<128xi32, #tpu.memory_space<vmem>>, vector<16xi32>,
      %add3A_280 = arith.constant 10000 : i32
      %add3A_281 = arith.addi %mul3A_0, %add3A_280 : i32
      %add3A_282 = vector.broadcast %add3A_281 : i32 to vector<16xi32>
      %add3A_283 = arith.addi %get3A_270, %add3A_282 : vector<16xi32>
      %swap3A_284 = arith.constant 80 : index
      %swap3A_285 = tpu.vector_load %arg12[%swap3A_284] {strides = array<i32>} : memref<128xi32, #tpu.memory_space<vmem>>, vector<16xi32>,
      %swap3A_286 = vector.shape_cast %swap3A_285 : vector<16xi32> to vector<16xi32>
      %swap3A_287 = vector.shape_cast %add3A_283 : vector<16xi32> to vector<16xi32>
      tpu.vector_store %arg12[%swap3A_284], %swap3A_287 {strides = array<i32>} : memref<128xi32, #tpu.memory_space<vmem>>, vector<16xi32>,
      %add3A_288 = arith.constant 20000 : i32
      %add3A_289 = arith.addi %mul3A_0, %add3A_288 : i32
      %add3A_290 = vector.broadcast %add3A_289 : i32 to vector<16xi32>
      %add3A_291 = arith.addi %get3A_273, %add3A_290 : vector<16xi32>
      %swap3A_292 = arith.constant 80 : index
      %swap3A_293 = tpu.vector_load %arg13[%swap3A_292] {strides = array<i32>} : memref<128xi32, #tpu.memory_space<vmem>>, vector<16xi32>,
      %swap3A_294 = vector.shape_cast %swap3A_293 : vector<16xi32> to vector<16xi32>
      %swap3A_295 = vector.shape_cast %add3A_291 : vector<16xi32> to vector<16xi32>
      tpu.vector_store %arg13[%swap3A_292], %swap3A_295 {strides = array<i32>} : memref<128xi32, #tpu.memory_space<vmem>>, vector<16xi32>,
      %get3A_296 = arith.constant 96 : index
      %get3A_297 = tpu.vector_load %arg9[%get3A_296] {strides = array<i32>} : memref<128xi32, #tpu.memory_space<vmem>>, vector<16xi32>,
      %get3A_298 = vector.shape_cast %get3A_297 : vector<16xi32> to vector<16xi32>
      %get3A_299 = arith.constant 96 : index
      %get3A_300 = tpu.vector_load %arg10[%get3A_299] {strides = array<i32>} : memref<128xi32, #tpu.memory_space<vmem>>, vector<16xi32>,
      %get3A_301 = vector.shape_cast %get3A_300 : vector<16xi32> to vector<16xi32>
      %add3A_302 = vector.broadcast %mul3A_0 : i32 to vector<16xi32>
      %add3A_303 = arith.addi %get3A_298, %add3A_302 : vector<16xi32>
      %swap3A_304 = arith.constant 96 : index
      %swap3A_305 = tpu.vector_load %arg11[%swap3A_304] {strides = array<i32>} : memref<128xi32, #tpu.memory_space<vmem>>, vector<16xi32>,
      %swap3A_306 = vector.shape_cast %swap3A_305 : vector<16xi32> to vector<16xi32>
      %swap3A_307 = vector.shape_cast %add3A_303 : vector<16xi32> to vector<16xi32>
      tpu.vector_store %arg11[%swap3A_304], %swap3A_307 {strides = array<i32>} : memref<128xi32, #tpu.memory_space<vmem>>, vector<16xi32>,
      %add3A_308 = arith.constant 10000 : i32
      %add3A_309 = arith.addi %mul3A_0, %add3A_308 : i32
      %add3A_310 = vector.broadcast %add3A_309 : i32 to vector<16xi32>
      %add3A_311 = arith.addi %get3A_298, %add3A_310 : vector<16xi32>
      %swap3A_312 = arith.constant 96 : index
      %swap3A_313 = tpu.vector_load %arg12[%swap3A_312] {strides = array<i32>} : memref<128xi32, #tpu.memory_space<vmem>>, vector<16xi32>,
      %swap3A_314 = vector.shape_cast %swap3A_313 : vector<16xi32> to vector<16xi32>
      %swap3A_315 = vector.shape_cast %add3A_311 : vector<16xi32> to vector<16xi32>
      tpu.vector_store %arg12[%swap3A_312], %swap3A_315 {strides = array<i32>} : memref<128xi32, #tpu.memory_space<vmem>>, vector<16xi32>,
      %add3A_316 = arith.constant 20000 : i32
      %add3A_317 = arith.addi %mul3A_0, %add3A_316 : i32
      %add3A_318 = vector.broadcast %add3A_317 : i32 to vector<16xi32>
      %add3A_319 = arith.addi %get3A_301, %add3A_318 : vector<16xi32>
      %swap3A_320 = arith.constant 96 : index
      %swap3A_321 = tpu.vector_load %arg13[%swap3A_320] {strides = array<i32>} : memref<128xi32, #tpu.memory_space<vmem>>, vector<16xi32>,
      %swap3A_322 = vector.shape_cast %swap3A_321 : vector<16xi32> to vector<16xi32>
      %swap3A_323 = vector.shape_cast %add3A_319 : vector<16xi32> to vector<16xi32>
      tpu.vector_store %arg13[%swap3A_320], %swap3A_323 {strides = array<i32>} : memref<128xi32, #tpu.memory_space<vmem>>, vector<16xi32>,
      %get3A_324 = arith.constant 112 : index
      %get3A_325 = tpu.vector_load %arg9[%get3A_324] {strides = array<i32>} : memref<128xi32, #tpu.memory_space<vmem>>, vector<16xi32>,
      %get3A_326 = vector.shape_cast %get3A_325 : vector<16xi32> to vector<16xi32>
      %get3A_327 = arith.constant 112 : index
      %get3A_328 = tpu.vector_load %arg10[%get3A_327] {strides = array<i32>} : memref<128xi32, #tpu.memory_space<vmem>>, vector<16xi32>,
      %get3A_329 = vector.shape_cast %get3A_328 : vector<16xi32> to vector<16xi32>
      %add3A_330 = vector.broadcast %mul3A_0 : i32 to vector<16xi32>
      %add3A_331 = arith.addi %get3A_326, %add3A_330 : vector<16xi32>
      %swap3A_332 = arith.constant 112 : index
      %swap3A_333 = tpu.vector_load %arg11[%swap3A_332] {strides = array<i32>} : memref<128xi32, #tpu.memory_space<vmem>>, vector<16xi32>,
      %swap3A_334 = vector.shape_cast %swap3A_333 : vector<16xi32> to vector<16xi32>
      %swap3A_335 = vector.shape_cast %add3A_331 : vector<16xi32> to vector<16xi32>
      tpu.vector_store %arg11[%swap3A_332], %swap3A_335 {strides = array<i32>} : memref<128xi32, #tpu.memory_space<vmem>>, vector<16xi32>,
      %add3A_336 = arith.constant 10000 : i32
      %add3A_337 = arith.addi %mul3A_0, %add3A_336 : i32
      %add3A_338 = vector.broadcast %add3A_337 : i32 to vector<16xi32>
      %add3A_339 = arith.addi %get3A_326, %add3A_338 : vector<16xi32>
      %swap3A_340 = arith.constant 112 : index
      %swap3A_341 = tpu.vector_load %arg12[%swap3A_340] {strides = array<i32>} : memref<128xi32, #tpu.memory_space<vmem>>, vector<16xi32>,
      %swap3A_342 = vector.shape_cast %swap3A_341 : vector<16xi32> to vector<16xi32>
      %swap3A_343 = vector.shape_cast %add3A_339 : vector<16xi32> to vector<16xi32>
      tpu.vector_store %arg12[%swap3A_340], %swap3A_343 {strides = array<i32>} : memref<128xi32, #tpu.memory_space<vmem>>, vector<16xi32>,
      %add3A_344 = arith.constant 20000 : i32
      %add3A_345 = arith.addi %mul3A_0, %add3A_344 : i32
      %add3A_346 = vector.broadcast %add3A_345 : i32 to vector<16xi32>
      %add3A_347 = arith.addi %get3A_329, %add3A_346 : vector<16xi32>
      %swap3A_348 = arith.constant 112 : index
      %swap3A_349 = tpu.vector_load %arg13[%swap3A_348] {strides = array<i32>} : memref<128xi32, #tpu.memory_space<vmem>>, vector<16xi32>,
      %swap3A_350 = vector.shape_cast %swap3A_349 : vector<16xi32> to vector<16xi32>
      %swap3A_351 = vector.shape_cast %add3A_347 : vector<16xi32> to vector<16xi32>
      tpu.vector_store %arg13[%swap3A_348], %swap3A_351 {strides = array<i32>} : memref<128xi32, #tpu.memory_space<vmem>>, vector<16xi32>,
      %dma_start3A = arith.constant 0 : i32
      %dma_start3A_352 = arith.constant 0 : i32
      %dma_start3A_353 = tpu.memref_slice %arg2[%dma_start3A, %dma_start3A_352] : memref<60000x64xf32, #tpu.memory_space<hbm>> -> memref<60000x64xf32, #tpu.memory_space<hbm>>
      tpu.enqueue_indirect_dma source(%dma_start3A_353 : memref<60000x64xf32, #tpu.memory_space<hbm>>) target(%arg14 : memref<128x64xf32, #tpu.memory_space<vmem>>) offsets(%arg11 : memref<128xi32, #tpu.memory_space<vmem>>) semaphore(%arg21 : memref<!tpu.dma_semaphore, #tpu.memory_space<semaphore_mem>>)
      %dma_start3A_354 = arith.constant 0 : i32
      %dma_start3A_355 = arith.constant 0 : i32
      %dma_start3A_356 = tpu.memref_slice %arg2[%dma_start3A_354, %dma_start3A_355] : memref<60000x64xf32, #tpu.memory_space<hbm>> -> memref<60000x64xf32, #tpu.memory_space<hbm>>
      tpu.enqueue_indirect_dma source(%dma_start3A_356 : memref<60000x64xf32, #tpu.memory_space<hbm>>) target(%arg15 : memref<128x64xf32, #tpu.memory_space<vmem>>) offsets(%arg12 : memref<128xi32, #tpu.memory_space<vmem>>) semaphore(%arg21 : memref<!tpu.dma_semaphore, #tpu.memory_space<semaphore_mem>>)
      %dma_start3A_357 = arith.constant 0 : i32
      %dma_start3A_358 = arith.constant 0 : i32
      %dma_start3A_359 = tpu.memref_slice %arg2[%dma_start3A_357, %dma_start3A_358] : memref<60000x64xf32, #tpu.memory_space<hbm>> -> memref<60000x64xf32, #tpu.memory_space<hbm>>
      tpu.enqueue_indirect_dma source(%dma_start3A_359 : memref<60000x64xf32, #tpu.memory_space<hbm>>) target(%arg16 : memref<128x64xf32, #tpu.memory_space<vmem>>) offsets(%arg13 : memref<128xi32, #tpu.memory_space<vmem>>) semaphore(%arg21 : memref<!tpu.dma_semaphore, #tpu.memory_space<semaphore_mem>>)
      %mul3A_360 = arith.constant 320000 : i32
      %mul3A_361 = arith.muli %arg0, %mul3A_360 : i32
      %add3A_362 = arith.addi %mul3A_361, %mul3A_129 : i32
      "tpu.region"() ({
        %run_scoped3A = tpu.sem_alloc : memref<!tpu.dma_semaphore, #tpu.memory_space<semaphore_mem>>
        %dma_start3A_382 = arith.constant 0 : i32
        %dma_start3A_383 = tpu.memref_slice %arg3[%add3A_362, %dma_start3A_382] : memref<640000x64xf32, #tpu.memory_space<hbm>> -> memref<128x64xf32, #tpu.memory_space<hbm>>
        %dma_start3A_384 = arith.constant 0 : i32
        %dma_start3A_385 = tpu.memref_slice %arg3[%add3A_362, %dma_start3A_384] : memref<640000x64xf32, #tpu.memory_space<hbm>> -> memref<128x64xf32, #tpu.memory_space<hbm>>
        tpu.enqueue_dma source(%dma_start3A_385 : memref<128x64xf32, #tpu.memory_space<hbm>>) target(%arg17 : memref<128x64xf32, #tpu.memory_space<vmem>>) target_semaphore(%run_scoped3A : memref<!tpu.dma_semaphore, #tpu.memory_space<semaphore_mem>>)
        %dma_wait3A_386 = arith.constant 0 : i32
        %dma_wait3A_387 = tpu.memref_slice %arg3[%add3A_362, %dma_wait3A_386] : memref<640000x64xf32, #tpu.memory_space<hbm>> -> memref<128x64xf32, #tpu.memory_space<hbm>>
        %dma_wait3A_388 = arith.constant 0 : i32
        %dma_wait3A_389 = tpu.memref_slice %arg3[%add3A_362, %dma_wait3A_388] : memref<640000x64xf32, #tpu.memory_space<hbm>> -> memref<128x64xf32, #tpu.memory_space<hbm>>
        tpu.wait_dma2 semaphore(%run_scoped3A : memref<!tpu.dma_semaphore, #tpu.memory_space<semaphore_mem>>) src(%dma_wait3A_389 : memref<128x64xf32, #tpu.memory_space<hbm>>) dst(%arg17 : memref<128x64xf32, #tpu.memory_space<vmem>>)
        tpu.yield
      }) : () -> ()
      %dma_wait3A = arith.constant 0 : i32
      %dma_wait3A_363 = arith.constant 0 : i32
      %dma_wait3A_364 = tpu.memref_slice %arg2[%dma_wait3A, %dma_wait3A_363] : memref<60000x64xf32, #tpu.memory_space<hbm>> -> memref<60000x64xf32, #tpu.memory_space<hbm>>
      tpu.wait_indirect_dma semaphore(%arg21 : memref<!tpu.dma_semaphore, #tpu.memory_space<semaphore_mem>>) src(%dma_wait3A_364 : memref<60000x64xf32, #tpu.memory_space<hbm>>) dst(%arg14 : memref<128x64xf32, #tpu.memory_space<vmem>>)
      %dma_wait3A_365 = arith.constant 0 : i32
      %dma_wait3A_366 = arith.constant 0 : i32
      %dma_wait3A_367 = tpu.memref_slice %arg2[%dma_wait3A_365, %dma_wait3A_366] : memref<60000x64xf32, #tpu.memory_space<hbm>> -> memref<60000x64xf32, #tpu.memory_space<hbm>>
      tpu.wait_indirect_dma semaphore(%arg21 : memref<!tpu.dma_semaphore, #tpu.memory_space<semaphore_mem>>) src(%dma_wait3A_367 : memref<60000x64xf32, #tpu.memory_space<hbm>>) dst(%arg15 : memref<128x64xf32, #tpu.memory_space<vmem>>)
      %dma_wait3A_368 = arith.constant 0 : i32
      %dma_wait3A_369 = arith.constant 0 : i32
      %dma_wait3A_370 = tpu.memref_slice %arg2[%dma_wait3A_368, %dma_wait3A_369] : memref<60000x64xf32, #tpu.memory_space<hbm>> -> memref<60000x64xf32, #tpu.memory_space<hbm>>
      tpu.wait_indirect_dma semaphore(%arg21 : memref<!tpu.dma_semaphore, #tpu.memory_space<semaphore_mem>>) src(%dma_wait3A_370 : memref<60000x64xf32, #tpu.memory_space<hbm>>) dst(%arg16 : memref<128x64xf32, #tpu.memory_space<vmem>>)
      %scan3A_371 = arith.constant 0 : i32
      %scan3A_372 = arith.constant 0 : i32
      %scan3A_373 = arith.constant 128 : i32
      %scan3A_374 = arith.addi %scan3A_372, %scan3A_373 : i32
      %scan3A_375 = arith.constant 1 : i32
      %scan3A_376 = scf.for %scan3A_382 = %scan3A_372 to %scan3A_374 step %scan3A_375 iter_args(%scan3A_383 = %scan3A_371) -> (i32)  : i32 {
        %get3A_384 = arith.index_cast %scan3A_382 : i32 to index
        %get3A_385 = arith.constant 0 : index
        %get3A_386 = tpu.vector_load %arg15[%get3A_384, %get3A_385] {strides = array<i32>} : memref<128x64xf32, #tpu.memory_space<vmem>>, vector<1x16xf32>,
        %get3A_387 = vector.shape_cast %get3A_386 : vector<1x16xf32> to vector<16xf32>
        %get3A_388 = arith.index_cast %scan3A_382 : i32 to index
        %get3A_389 = arith.constant 0 : index
        %get3A_390 = tpu.vector_load %arg16[%get3A_388, %get3A_389] {strides = array<i32>} : memref<128x64xf32, #tpu.memory_space<vmem>>, vector<1x16xf32>,
        %get3A_391 = vector.shape_cast %get3A_390 : vector<1x16xf32> to vector<16xf32>
        %add3A_392 = arith.addf %get3A_387, %get3A_391 : vector<16xf32>
        %get3A_393 = arith.index_cast %scan3A_382 : i32 to index
        %get3A_394 = arith.constant 0 : index
        %get3A_395 = tpu.vector_load %arg17[%get3A_393, %get3A_394] {strides = array<i32>} : memref<128x64xf32, #tpu.memory_space<vmem>>, vector<1x16xf32>,
        %get3A_396 = vector.shape_cast %get3A_395 : vector<1x16xf32> to vector<16xf32>
        %add3A_397 = arith.addf %add3A_392, %get3A_396 : vector<16xf32>
        %neg3A = arith.constant 0.000000e+00 : f32
        %neg3A_398 = vector.broadcast %neg3A : f32 to vector<16xf32>
        %neg3A_399 = arith.subf %neg3A_398, %add3A_397 : vector<16xf32>
        %exp3A = math.exp %neg3A_399 : vector<16xf32>
        %add3A_400 = arith.constant 1.000000e+00 : f32
        %add3A_401 = vector.broadcast %add3A_400 : f32 to vector<16xf32>
        %add3A_402 = arith.addf %add3A_401, %exp3A : vector<16xf32>
        %div3A_403 = arith.constant 1.000000e+00 : f32
        %div3A_404 = vector.broadcast %div3A_403 : f32 to vector<16xf32>
        %div3A_405 = arith.divf %div3A_404, %add3A_402 : vector<16xf32>
        %max3A = arith.constant 0.000000e+00 : f32
        %max3A_406 = vector.broadcast %max3A : f32 to vector<16xf32>
        %max3A_407 = arith.maximumf %add3A_397, %max3A_406 : vector<16xf32>
        %swap3A_408 = arith.index_cast %scan3A_382 : i32 to index
        %swap3A_409 = arith.constant 0 : index
        %swap3A_410 = tpu.vector_load %arg15[%swap3A_408, %swap3A_409] {strides = array<i32>} : memref<128x64xf32, #tpu.memory_space<vmem>>, vector<1x16xf32>,
        %swap3A_411 = vector.shape_cast %swap3A_410 : vector<1x16xf32> to vector<16xf32>
        %swap3A_412 = vector.shape_cast %max3A_407 : vector<16xf32> to vector<1x16xf32>
        tpu.vector_store %arg15[%swap3A_408, %swap3A_409], %swap3A_412 {strides = array<i32>} : memref<128x64xf32, #tpu.memory_space<vmem>>, vector<1x16xf32>,
        %get3A_413 = arith.index_cast %scan3A_382 : i32 to index
        %get3A_414 = arith.constant 0 : index
        %get3A_415 = tpu.vector_load %arg14[%get3A_413, %get3A_414] {strides = array<i32>} : memref<128x64xf32, #tpu.memory_space<vmem>>, vector<1x16xf32>,
        %get3A_416 = vector.shape_cast %get3A_415 : vector<1x16xf32> to vector<16xf32>
        %mul3A_417 = arith.mulf %div3A_405, %get3A_416 : vector<16xf32>
        %swap3A_418 = arith.index_cast %scan3A_382 : i32 to index
        %swap3A_419 = arith.constant 0 : index
        %swap3A_420 = tpu.vector_load %arg14[%swap3A_418, %swap3A_419] {strides = array<i32>} : memref<128x64xf32, #tpu.memory_space<vmem>>, vector<1x16xf32>,
        %swap3A_421 = vector.shape_cast %swap3A_420 : vector<1x16xf32> to vector<16xf32>
        %swap3A_422 = vector.shape_cast %mul3A_417 : vector<16xf32> to vector<1x16xf32>
        tpu.vector_store %arg14[%swap3A_418, %swap3A_419], %swap3A_422 {strides = array<i32>} : memref<128x64xf32, #tpu.memory_space<vmem>>, vector<1x16xf32>,
        %swap3A_423 = arith.index_cast %scan3A_382 : i32 to index
        %swap3A_424 = arith.constant 0 : index
        %swap3A_425 = tpu.vector_load %arg16[%swap3A_423, %swap3A_424] {strides = array<i32>} : memref<128x64xf32, #tpu.memory_space<vmem>>, vector<1x16xf32>,
        %swap3A_426 = vector.shape_cast %swap3A_425 : vector<1x16xf32> to vector<16xf32>
        %swap3A_427 = vector.shape_cast %div3A_405 : vector<16xf32> to vector<1x16xf32>
        tpu.vector_store %arg16[%swap3A_423, %swap3A_424], %swap3A_427 {strides = array<i32>} : memref<128x64xf32, #tpu.memory_space<vmem>>, vector<1x16xf32>,
        %get3A_428 = arith.index_cast %scan3A_382 : i32 to index
        %get3A_429 = arith.constant 16 : index
        %get3A_430 = tpu.vector_load %arg15[%get3A_428, %get3A_429] {strides = array<i32>} : memref<128x64xf32, #tpu.memory_space<vmem>>, vector<1x16xf32>,
        %get3A_431 = vector.shape_cast %get3A_430 : vector<1x16xf32> to vector<16xf32>
        %get3A_432 = arith.index_cast %scan3A_382 : i32 to index
        %get3A_433 = arith.constant 16 : index
        %get3A_434 = tpu.vector_load %arg16[%get3A_432, %get3A_433] {strides = array<i32>} : memref<128x64xf32, #tpu.memory_space<vmem>>, vector<1x16xf32>,
        %get3A_435 = vector.shape_cast %get3A_434 : vector<1x16xf32> to vector<16xf32>
        %add3A_436 = arith.addf %get3A_431, %get3A_435 : vector<16xf32>
        %get3A_437 = arith.index_cast %scan3A_382 : i32 to index
        %get3A_438 = arith.constant 16 : index
        %get3A_439 = tpu.vector_load %arg17[%get3A_437, %get3A_438] {strides = array<i32>} : memref<128x64xf32, #tpu.memory_space<vmem>>, vector<1x16xf32>,
        %get3A_440 = vector.shape_cast %get3A_439 : vector<1x16xf32> to vector<16xf32>
        %add3A_441 = arith.addf %add3A_436, %get3A_440 : vector<16xf32>
        %neg3A_442 = arith.constant 0.000000e+00 : f32
        %neg3A_443 = vector.broadcast %neg3A_442 : f32 to vector<16xf32>
        %neg3A_444 = arith.subf %neg3A_443, %add3A_441 : vector<16xf32>
        %exp3A_445 = math.exp %neg3A_444 : vector<16xf32>
        %add3A_446 = arith.constant 1.000000e+00 : f32
        %add3A_447 = vector.broadcast %add3A_446 : f32 to vector<16xf32>
        %add3A_448 = arith.addf %add3A_447, %exp3A_445 : vector<16xf32>
        %div3A_449 = arith.constant 1.000000e+00 : f32
        %div3A_450 = vector.broadcast %div3A_449 : f32 to vector<16xf32>
        %div3A_451 = arith.divf %div3A_450, %add3A_448 : vector<16xf32>
        %max3A_452 = arith.constant 0.000000e+00 : f32
        %max3A_453 = vector.broadcast %max3A_452 : f32 to vector<16xf32>
        %max3A_454 = arith.maximumf %add3A_441, %max3A_453 : vector<16xf32>
        %swap3A_455 = arith.index_cast %scan3A_382 : i32 to index
        %swap3A_456 = arith.constant 16 : index
        %swap3A_457 = tpu.vector_load %arg15[%swap3A_455, %swap3A_456] {strides = array<i32>} : memref<128x64xf32, #tpu.memory_space<vmem>>, vector<1x16xf32>,
        %swap3A_458 = vector.shape_cast %swap3A_457 : vector<1x16xf32> to vector<16xf32>
        %swap3A_459 = vector.shape_cast %max3A_454 : vector<16xf32> to vector<1x16xf32>
        tpu.vector_store %arg15[%swap3A_455, %swap3A_456], %swap3A_459 {strides = array<i32>} : memref<128x64xf32, #tpu.memory_space<vmem>>, vector<1x16xf32>,
        %get3A_460 = arith.index_cast %scan3A_382 : i32 to index
        %get3A_461 = arith.constant 16 : index
        %get3A_462 = tpu.vector_load %arg14[%get3A_460, %get3A_461] {strides = array<i32>} : memref<128x64xf32, #tpu.memory_space<vmem>>, vector<1x16xf32>,
        %get3A_463 = vector.shape_cast %get3A_462 : vector<1x16xf32> to vector<16xf32>
        %mul3A_464 = arith.mulf %div3A_451, %get3A_463 : vector<16xf32>
        %swap3A_465 = arith.index_cast %scan3A_382 : i32 to index
        %swap3A_466 = arith.constant 16 : index
        %swap3A_467 = tpu.vector_load %arg14[%swap3A_465, %swap3A_466] {strides = array<i32>} : memref<128x64xf32, #tpu.memory_space<vmem>>, vector<1x16xf32>,
        %swap3A_468 = vector.shape_cast %swap3A_467 : vector<1x16xf32> to vector<16xf32>
        %swap3A_469 = vector.shape_cast %mul3A_464 : vector<16xf32> to vector<1x16xf32>
        tpu.vector_store %arg14[%swap3A_465, %swap3A_466], %swap3A_469 {strides = array<i32>} : memref<128x64xf32, #tpu.memory_space<vmem>>, vector<1x16xf32>,
        %swap3A_470 = arith.index_cast %scan3A_382 : i32 to index
        %swap3A_471 = arith.constant 16 : index
        %swap3A_472 = tpu.vector_load %arg16[%swap3A_470, %swap3A_471] {strides = array<i32>} : memref<128x64xf32, #tpu.memory_space<vmem>>, vector<1x16xf32>,
        %swap3A_473 = vector.shape_cast %swap3A_472 : vector<1x16xf32> to vector<16xf32>
        %swap3A_474 = vector.shape_cast %div3A_451 : vector<16xf32> to vector<1x16xf32>
        tpu.vector_store %arg16[%swap3A_470, %swap3A_471], %swap3A_474 {strides = array<i32>} : memref<128x64xf32, #tpu.memory_space<vmem>>, vector<1x16xf32>,
        %get3A_475 = arith.index_cast %scan3A_382 : i32 to index
        %get3A_476 = arith.constant 32 : index
        %get3A_477 = tpu.vector_load %arg15[%get3A_475, %get3A_476] {strides = array<i32>} : memref<128x64xf32, #tpu.memory_space<vmem>>, vector<1x16xf32>,
        %get3A_478 = vector.shape_cast %get3A_477 : vector<1x16xf32> to vector<16xf32>
        %get3A_479 = arith.index_cast %scan3A_382 : i32 to index
        %get3A_480 = arith.constant 32 : index
        %get3A_481 = tpu.vector_load %arg16[%get3A_479, %get3A_480] {strides = array<i32>} : memref<128x64xf32, #tpu.memory_space<vmem>>, vector<1x16xf32>,
        %get3A_482 = vector.shape_cast %get3A_481 : vector<1x16xf32> to vector<16xf32>
        %add3A_483 = arith.addf %get3A_478, %get3A_482 : vector<16xf32>
        %get3A_484 = arith.index_cast %scan3A_382 : i32 to index
        %get3A_485 = arith.constant 32 : index
        %get3A_486 = tpu.vector_load %arg17[%get3A_484, %get3A_485] {strides = array<i32>} : memref<128x64xf32, #tpu.memory_space<vmem>>, vector<1x16xf32>,
        %get3A_487 = vector.shape_cast %get3A_486 : vector<1x16xf32> to vector<16xf32>
        %add3A_488 = arith.addf %add3A_483, %get3A_487 : vector<16xf32>
        %neg3A_489 = arith.constant 0.000000e+00 : f32
        %neg3A_490 = vector.broadcast %neg3A_489 : f32 to vector<16xf32>
        %neg3A_491 = arith.subf %neg3A_490, %add3A_488 : vector<16xf32>
        %exp3A_492 = math.exp %neg3A_491 : vector<16xf32>
        %add3A_493 = arith.constant 1.000000e+00 : f32
        %add3A_494 = vector.broadcast %add3A_493 : f32 to vector<16xf32>
        %add3A_495 = arith.addf %add3A_494, %exp3A_492 : vector<16xf32>
        %div3A_496 = arith.constant 1.000000e+00 : f32
        %div3A_497 = vector.broadcast %div3A_496 : f32 to vector<16xf32>
        %div3A_498 = arith.divf %div3A_497, %add3A_495 : vector<16xf32>
        %max3A_499 = arith.constant 0.000000e+00 : f32
        %max3A_500 = vector.broadcast %max3A_499 : f32 to vector<16xf32>
        %max3A_501 = arith.maximumf %add3A_488, %max3A_500 : vector<16xf32>
        %swap3A_502 = arith.index_cast %scan3A_382 : i32 to index
        %swap3A_503 = arith.constant 32 : index
        %swap3A_504 = tpu.vector_load %arg15[%swap3A_502, %swap3A_503] {strides = array<i32>} : memref<128x64xf32, #tpu.memory_space<vmem>>, vector<1x16xf32>,
        %swap3A_505 = vector.shape_cast %swap3A_504 : vector<1x16xf32> to vector<16xf32>
        %swap3A_506 = vector.shape_cast %max3A_501 : vector<16xf32> to vector<1x16xf32>
        tpu.vector_store %arg15[%swap3A_502, %swap3A_503], %swap3A_506 {strides = array<i32>} : memref<128x64xf32, #tpu.memory_space<vmem>>, vector<1x16xf32>,
        %get3A_507 = arith.index_cast %scan3A_382 : i32 to index
        %get3A_508 = arith.constant 32 : index
        %get3A_509 = tpu.vector_load %arg14[%get3A_507, %get3A_508] {strides = array<i32>} : memref<128x64xf32, #tpu.memory_space<vmem>>, vector<1x16xf32>,
        %get3A_510 = vector.shape_cast %get3A_509 : vector<1x16xf32> to vector<16xf32>
        %mul3A_511 = arith.mulf %div3A_498, %get3A_510 : vector<16xf32>
        %swap3A_512 = arith.index_cast %scan3A_382 : i32 to index
        %swap3A_513 = arith.constant 32 : index
        %swap3A_514 = tpu.vector_load %arg14[%swap3A_512, %swap3A_513] {strides = array<i32>} : memref<128x64xf32, #tpu.memory_space<vmem>>, vector<1x16xf32>,
        %swap3A_515 = vector.shape_cast %swap3A_514 : vector<1x16xf32> to vector<16xf32>
        %swap3A_516 = vector.shape_cast %mul3A_511 : vector<16xf32> to vector<1x16xf32>
        tpu.vector_store %arg14[%swap3A_512, %swap3A_513], %swap3A_516 {strides = array<i32>} : memref<128x64xf32, #tpu.memory_space<vmem>>, vector<1x16xf32>,
        %swap3A_517 = arith.index_cast %scan3A_382 : i32 to index
        %swap3A_518 = arith.constant 32 : index
        %swap3A_519 = tpu.vector_load %arg16[%swap3A_517, %swap3A_518] {strides = array<i32>} : memref<128x64xf32, #tpu.memory_space<vmem>>, vector<1x16xf32>,
        %swap3A_520 = vector.shape_cast %swap3A_519 : vector<1x16xf32> to vector<16xf32>
        %swap3A_521 = vector.shape_cast %div3A_498 : vector<16xf32> to vector<1x16xf32>
        tpu.vector_store %arg16[%swap3A_517, %swap3A_518], %swap3A_521 {strides = array<i32>} : memref<128x64xf32, #tpu.memory_space<vmem>>, vector<1x16xf32>,
        %get3A_522 = arith.index_cast %scan3A_382 : i32 to index
        %get3A_523 = arith.constant 48 : index
        %get3A_524 = tpu.vector_load %arg15[%get3A_522, %get3A_523] {strides = array<i32>} : memref<128x64xf32, #tpu.memory_space<vmem>>, vector<1x16xf32>,
        %get3A_525 = vector.shape_cast %get3A_524 : vector<1x16xf32> to vector<16xf32>
        %get3A_526 = arith.index_cast %scan3A_382 : i32 to index
        %get3A_527 = arith.constant 48 : index
        %get3A_528 = tpu.vector_load %arg16[%get3A_526, %get3A_527] {strides = array<i32>} : memref<128x64xf32, #tpu.memory_space<vmem>>, vector<1x16xf32>,
        %get3A_529 = vector.shape_cast %get3A_528 : vector<1x16xf32> to vector<16xf32>
        %add3A_530 = arith.addf %get3A_525, %get3A_529 : vector<16xf32>
        %get3A_531 = arith.index_cast %scan3A_382 : i32 to index
        %get3A_532 = arith.constant 48 : index
        %get3A_533 = tpu.vector_load %arg17[%get3A_531, %get3A_532] {strides = array<i32>} : memref<128x64xf32, #tpu.memory_space<vmem>>, vector<1x16xf32>,
        %get3A_534 = vector.shape_cast %get3A_533 : vector<1x16xf32> to vector<16xf32>
        %add3A_535 = arith.addf %add3A_530, %get3A_534 : vector<16xf32>
        %neg3A_536 = arith.constant 0.000000e+00 : f32
        %neg3A_537 = vector.broadcast %neg3A_536 : f32 to vector<16xf32>
        %neg3A_538 = arith.subf %neg3A_537, %add3A_535 : vector<16xf32>
        %exp3A_539 = math.exp %neg3A_538 : vector<16xf32>
        %add3A_540 = arith.constant 1.000000e+00 : f32
        %add3A_541 = vector.broadcast %add3A_540 : f32 to vector<16xf32>
        %add3A_542 = arith.addf %add3A_541, %exp3A_539 : vector<16xf32>
        %div3A_543 = arith.constant 1.000000e+00 : f32
        %div3A_544 = vector.broadcast %div3A_543 : f32 to vector<16xf32>
        %div3A_545 = arith.divf %div3A_544, %add3A_542 : vector<16xf32>
        %max3A_546 = arith.constant 0.000000e+00 : f32
        %max3A_547 = vector.broadcast %max3A_546 : f32 to vector<16xf32>
        %max3A_548 = arith.maximumf %add3A_535, %max3A_547 : vector<16xf32>
        %swap3A_549 = arith.index_cast %scan3A_382 : i32 to index
        %swap3A_550 = arith.constant 48 : index
        %swap3A_551 = tpu.vector_load %arg15[%swap3A_549, %swap3A_550] {strides = array<i32>} : memref<128x64xf32, #tpu.memory_space<vmem>>, vector<1x16xf32>,
        %swap3A_552 = vector.shape_cast %swap3A_551 : vector<1x16xf32> to vector<16xf32>
        %swap3A_553 = vector.shape_cast %max3A_548 : vector<16xf32> to vector<1x16xf32>
        tpu.vector_store %arg15[%swap3A_549, %swap3A_550], %swap3A_553 {strides = array<i32>} : memref<128x64xf32, #tpu.memory_space<vmem>>, vector<1x16xf32>,
        %get3A_554 = arith.index_cast %scan3A_382 : i32 to index
        %get3A_555 = arith.constant 48 : index
        %get3A_556 = tpu.vector_load %arg14[%get3A_554, %get3A_555] {strides = array<i32>} : memref<128x64xf32, #tpu.memory_space<vmem>>, vector<1x16xf32>,
        %get3A_557 = vector.shape_cast %get3A_556 : vector<1x16xf32> to vector<16xf32>
        %mul3A_558 = arith.mulf %div3A_545, %get3A_557 : vector<16xf32>
        %swap3A_559 = arith.index_cast %scan3A_382 : i32 to index
        %swap3A_560 = arith.constant 48 : index
        %swap3A_561 = tpu.vector_load %arg14[%swap3A_559, %swap3A_560] {strides = array<i32>} : memref<128x64xf32, #tpu.memory_space<vmem>>, vector<1x16xf32>,
        %swap3A_562 = vector.shape_cast %swap3A_561 : vector<1x16xf32> to vector<16xf32>
        %swap3A_563 = vector.shape_cast %mul3A_558 : vector<16xf32> to vector<1x16xf32>
        tpu.vector_store %arg14[%swap3A_559, %swap3A_560], %swap3A_563 {strides = array<i32>} : memref<128x64xf32, #tpu.memory_space<vmem>>, vector<1x16xf32>,
        %swap3A_564 = arith.index_cast %scan3A_382 : i32 to index
        %swap3A_565 = arith.constant 48 : index
        %swap3A_566 = tpu.vector_load %arg16[%swap3A_564, %swap3A_565] {strides = array<i32>} : memref<128x64xf32, #tpu.memory_space<vmem>>, vector<1x16xf32>,
        %swap3A_567 = vector.shape_cast %swap3A_566 : vector<1x16xf32> to vector<16xf32>
        %swap3A_568 = vector.shape_cast %div3A_545 : vector<16xf32> to vector<1x16xf32>
        tpu.vector_store %arg16[%swap3A_564, %swap3A_565], %swap3A_568 {strides = array<i32>} : memref<128x64xf32, #tpu.memory_space<vmem>>, vector<1x16xf32>,
        %scan3A_569 = arith.constant 0 : i32
        scf.yield %scan3A_569 : i32
      }
      %scan3A_377 = arith.constant 128 : i32
      %mul3A_378 = arith.constant 320000 : i32
      %mul3A_379 = arith.muli %arg0, %mul3A_378 : i32
      %add3A_380 = arith.addi %mul3A_379, %mul3A_129 : i32
      "tpu.region"() ({
        %run_scoped3A = tpu.sem_alloc : memref<!tpu.dma_semaphore, #tpu.memory_space<semaphore_mem>>
        %dma_start3A_382 = arith.constant 0 : i32
        %dma_start3A_383 = tpu.memref_slice %arg6[%add3A_380, %dma_start3A_382] : memref<640000x64xf32, #tpu.memory_space<hbm>> -> memref<128x64xf32, #tpu.memory_space<hbm>>
        %dma_start3A_384 = arith.constant 0 : i32
        %dma_start3A_385 = tpu.memref_slice %arg6[%add3A_380, %dma_start3A_384] : memref<640000x64xf32, #tpu.memory_space<hbm>> -> memref<128x64xf32, #tpu.memory_space<hbm>>
        tpu.enqueue_dma source(%arg15 : memref<128x64xf32, #tpu.memory_space<vmem>>) target(%dma_start3A_385 : memref<128x64xf32, #tpu.memory_space<hbm>>) target_semaphore(%run_scoped3A : memref<!tpu.dma_semaphore, #tpu.memory_space<semaphore_mem>>)
        %dma_wait3A_386 = arith.constant 0 : i32
        %dma_wait3A_387 = tpu.memref_slice %arg6[%add3A_380, %dma_wait3A_386] : memref<640000x64xf32, #tpu.memory_space<hbm>> -> memref<128x64xf32, #tpu.memory_space<hbm>>
        %dma_wait3A_388 = arith.constant 0 : i32
        %dma_wait3A_389 = tpu.memref_slice %arg6[%add3A_380, %dma_wait3A_388] : memref<640000x64xf32, #tpu.memory_space<hbm>> -> memref<128x64xf32, #tpu.memory_space<hbm>>
        tpu.wait_dma2 semaphore(%run_scoped3A : memref<!tpu.dma_semaphore, #tpu.memory_space<semaphore_mem>>) src(%arg15 : memref<128x64xf32, #tpu.memory_space<vmem>>) dst(%dma_wait3A_389 : memref<128x64xf32, #tpu.memory_space<hbm>>)
        tpu.yield
      }) : () -> ()
      "tpu.region"() ({
        %run_scoped3A = tpu.sem_alloc : memref<!tpu.dma_semaphore, #tpu.memory_space<semaphore_mem>>
        %dma_start3A_382 = arith.constant 0 : i32
        %dma_start3A_383 = arith.constant 0 : i32
        %dma_start3A_384 = tpu.memref_slice %arg19[%dma_start3A_382, %dma_start3A_383] : memref<10240x64xf32, #tpu.memory_space<vmem_shared>> -> memref<10240x64xf32, #tpu.memory_space<vmem_shared>>
        tpu.enqueue_indirect_dma source(%arg14 : memref<128x64xf32, #tpu.memory_space<vmem>>) target(%dma_start3A_384 : memref<10240x64xf32, #tpu.memory_space<vmem_shared>>) offsets(%arg10 : memref<128xi32, #tpu.memory_space<vmem>>) semaphore(%run_scoped3A : memref<!tpu.dma_semaphore, #tpu.memory_space<semaphore_mem>>) {add = true}
        %dma_wait3A_385 = arith.constant 0 : i32
        %dma_wait3A_386 = arith.constant 0 : i32
        %dma_wait3A_387 = tpu.memref_slice %arg19[%dma_wait3A_385, %dma_wait3A_386] : memref<10240x64xf32, #tpu.memory_space<vmem_shared>> -> memref<10240x64xf32, #tpu.memory_space<vmem_shared>>
        tpu.wait_indirect_dma semaphore(%run_scoped3A : memref<!tpu.dma_semaphore, #tpu.memory_space<semaphore_mem>>) src(%arg14 : memref<128x64xf32, #tpu.memory_space<vmem>>) dst(%dma_wait3A_387 : memref<10240x64xf32, #tpu.memory_space<vmem_shared>>)
        tpu.yield
      }) : () -> ()
      "tpu.region"() ({
        %run_scoped3A = tpu.sem_alloc : memref<!tpu.dma_semaphore, #tpu.memory_space<semaphore_mem>>
        %dma_start3A_382 = arith.constant 0 : i32
        %dma_start3A_383 = arith.constant 0 : i32
        %dma_start3A_384 = tpu.memref_slice %arg20[%dma_start3A_382, %dma_start3A_383] : memref<10240x64xf32, #tpu.memory_space<vmem_shared>> -> memref<10240x64xf32, #tpu.memory_space<vmem_shared>>
        tpu.enqueue_indirect_dma source(%arg16 : memref<128x64xf32, #tpu.memory_space<vmem>>) target(%dma_start3A_384 : memref<10240x64xf32, #tpu.memory_space<vmem_shared>>) offsets(%arg10 : memref<128xi32, #tpu.memory_space<vmem>>) semaphore(%run_scoped3A : memref<!tpu.dma_semaphore, #tpu.memory_space<semaphore_mem>>) {add = true}
        %dma_wait3A_385 = arith.constant 0 : i32
        %dma_wait3A_386 = arith.constant 0 : i32
        %dma_wait3A_387 = tpu.memref_slice %arg20[%dma_wait3A_385, %dma_wait3A_386] : memref<10240x64xf32, #tpu.memory_space<vmem_shared>> -> memref<10240x64xf32, #tpu.memory_space<vmem_shared>>
        tpu.wait_indirect_dma semaphore(%run_scoped3A : memref<!tpu.dma_semaphore, #tpu.memory_space<semaphore_mem>>) src(%arg16 : memref<128x64xf32, #tpu.memory_space<vmem>>) dst(%dma_wait3A_387 : memref<10240x64xf32, #tpu.memory_space<vmem_shared>>)
        tpu.yield
      }) : () -> ()
      %while3A_381 = arith.constant 0 : i32
      scf.yield %while3A_381 : i32
    }
    %while3A_60 = arith.constant 1 : i32
    %while3A_61 = scf.for %while3A_123 = %while3A_57 to %while3A_53 step %while3A_60 iter_args(%while3A_124 = %while3A_59) -> (i32)  : i32 {
      %mul3A_125 = arith.constant 16 : i32
      %mul3A_126 = arith.muli %while3A_123, %mul3A_125 : i32
      %add3A_127 = arith.addi %arg1, %mul3A_126 : i32
      %mul3A_128 = arith.constant 128 : i32
      %mul3A_129 = arith.muli %add3A_127, %mul3A_128 : i32
      "tpu.region"() ({
        %run_scoped3A = tpu.sem_alloc : memref<!tpu.dma_semaphore, #tpu.memory_space<semaphore_mem>>
        %dma_start3A_382 = tpu.memref_slice %arg4[%mul3A_129] : memref<320000xi32, #tpu.memory_space<hbm>> -> memref<128xi32, #tpu.memory_space<hbm>>
        %dma_start3A_383 = tpu.memref_slice %arg4[%mul3A_129] : memref<320000xi32, #tpu.memory_space<hbm>> -> memref<128xi32, #tpu.memory_space<hbm>>
        tpu.enqueue_dma source(%dma_start3A_383 : memref<128xi32, #tpu.memory_space<hbm>>) target(%arg9 : memref<128xi32, #tpu.memory_space<vmem>>) target_semaphore(%run_scoped3A : memref<!tpu.dma_semaphore, #tpu.memory_space<semaphore_mem>>)
        %dma_wait3A_384 = tpu.memref_slice %arg4[%mul3A_129] : memref<320000xi32, #tpu.memory_space<hbm>> -> memref<128xi32, #tpu.memory_space<hbm>>
        %dma_wait3A_385 = tpu.memref_slice %arg4[%mul3A_129] : memref<320000xi32, #tpu.memory_space<hbm>> -> memref<128xi32, #tpu.memory_space<hbm>>
        tpu.wait_dma2 semaphore(%run_scoped3A : memref<!tpu.dma_semaphore, #tpu.memory_space<semaphore_mem>>) src(%dma_wait3A_385 : memref<128xi32, #tpu.memory_space<hbm>>) dst(%arg9 : memref<128xi32, #tpu.memory_space<vmem>>)
        tpu.yield
      }) : () -> ()
      "tpu.region"() ({
        %run_scoped3A = tpu.sem_alloc : memref<!tpu.dma_semaphore, #tpu.memory_space<semaphore_mem>>
        %dma_start3A_382 = tpu.memref_slice %arg5[%mul3A_129] : memref<320000xi32, #tpu.memory_space<hbm>> -> memref<128xi32, #tpu.memory_space<hbm>>
        %dma_start3A_383 = tpu.memref_slice %arg5[%mul3A_129] : memref<320000xi32, #tpu.memory_space<hbm>> -> memref<128xi32, #tpu.memory_space<hbm>>
        tpu.enqueue_dma source(%dma_start3A_383 : memref<128xi32, #tpu.memory_space<hbm>>) target(%arg10 : memref<128xi32, #tpu.memory_space<vmem>>) target_semaphore(%run_scoped3A : memref<!tpu.dma_semaphore, #tpu.memory_space<semaphore_mem>>)
        %dma_wait3A_384 = tpu.memref_slice %arg5[%mul3A_129] : memref<320000xi32, #tpu.memory_space<hbm>> -> memref<128xi32, #tpu.memory_space<hbm>>
        %dma_wait3A_385 = tpu.memref_slice %arg5[%mul3A_129] : memref<320000xi32, #tpu.memory_space<hbm>> -> memref<128xi32, #tpu.memory_space<hbm>>
        tpu.wait_dma2 semaphore(%run_scoped3A : memref<!tpu.dma_semaphore, #tpu.memory_space<semaphore_mem>>) src(%dma_wait3A_385 : memref<128xi32, #tpu.memory_space<hbm>>) dst(%arg10 : memref<128xi32, #tpu.memory_space<vmem>>)
        tpu.yield
      }) : () -> ()
      %get3A = arith.constant 0 : index
      %get3A_130 = tpu.vector_load %arg9[%get3A] {strides = array<i32>} : memref<128xi32, #tpu.memory_space<vmem>>, vector<16xi32>,
      %get3A_131 = vector.shape_cast %get3A_130 : vector<16xi32> to vector<16xi32>
      %get3A_132 = arith.constant 0 : index
      %get3A_133 = tpu.vector_load %arg10[%get3A_132] {strides = array<i32>} : memref<128xi32, #tpu.memory_space<vmem>>, vector<16xi32>,
      %get3A_134 = vector.shape_cast %get3A_133 : vector<16xi32> to vector<16xi32>
      %add3A_135 = vector.broadcast %mul3A_0 : i32 to vector<16xi32>
      %add3A_136 = arith.addi %get3A_131, %add3A_135 : vector<16xi32>
      %swap3A = arith.constant 0 : index
      %swap3A_137 = tpu.vector_load %arg11[%swap3A] {strides = array<i32>} : memref<128xi32, #tpu.memory_space<vmem>>, vector<16xi32>,
      %swap3A_138 = vector.shape_cast %swap3A_137 : vector<16xi32> to vector<16xi32>
      %swap3A_139 = vector.shape_cast %add3A_136 : vector<16xi32> to vector<16xi32>
      tpu.vector_store %arg11[%swap3A], %swap3A_139 {strides = array<i32>} : memref<128xi32, #tpu.memory_space<vmem>>, vector<16xi32>,
      %add3A_140 = arith.constant 10000 : i32
      %add3A_141 = arith.addi %mul3A_0, %add3A_140 : i32
      %add3A_142 = vector.broadcast %add3A_141 : i32 to vector<16xi32>
      %add3A_143 = arith.addi %get3A_131, %add3A_142 : vector<16xi32>
      %swap3A_144 = arith.constant 0 : index
      %swap3A_145 = tpu.vector_load %arg12[%swap3A_144] {strides = array<i32>} : memref<128xi32, #tpu.memory_space<vmem>>, vector<16xi32>,
      %swap3A_146 = vector.shape_cast %swap3A_145 : vector<16xi32> to vector<16xi32>
      %swap3A_147 = vector.shape_cast %add3A_143 : vector<16xi32> to vector<16xi32>
      tpu.vector_store %arg12[%swap3A_144], %swap3A_147 {strides = array<i32>} : memref<128xi32, #tpu.memory_space<vmem>>, vector<16xi32>,
      %add3A_148 = arith.constant 20000 : i32
      %add3A_149 = arith.addi %mul3A_0, %add3A_148 : i32
      %add3A_150 = vector.broadcast %add3A_149 : i32 to vector<16xi32>
      %add3A_151 = arith.addi %get3A_134, %add3A_150 : vector<16xi32>
      %swap3A_152 = arith.constant 0 : index
      %swap3A_153 = tpu.vector_load %arg13[%swap3A_152] {strides = array<i32>} : memref<128xi32, #tpu.memory_space<vmem>>, vector<16xi32>,
      %swap3A_154 = vector.shape_cast %swap3A_153 : vector<16xi32> to vector<16xi32>
      %swap3A_155 = vector.shape_cast %add3A_151 : vector<16xi32> to vector<16xi32>
      tpu.vector_store %arg13[%swap3A_152], %swap3A_155 {strides = array<i32>} : memref<128xi32, #tpu.memory_space<vmem>>, vector<16xi32>,
      %get3A_156 = arith.constant 16 : index
      %get3A_157 = tpu.vector_load %arg9[%get3A_156] {strides = array<i32>} : memref<128xi32, #tpu.memory_space<vmem>>, vector<16xi32>,
      %get3A_158 = vector.shape_cast %get3A_157 : vector<16xi32> to vector<16xi32>
      %get3A_159 = arith.constant 16 : index
      %get3A_160 = tpu.vector_load %arg10[%get3A_159] {strides = array<i32>} : memref<128xi32, #tpu.memory_space<vmem>>, vector<16xi32>,
      %get3A_161 = vector.shape_cast %get3A_160 : vector<16xi32> to vector<16xi32>
      %add3A_162 = vector.broadcast %mul3A_0 : i32 to vector<16xi32>
      %add3A_163 = arith.addi %get3A_158, %add3A_162 : vector<16xi32>
      %swap3A_164 = arith.constant 16 : index
      %swap3A_165 = tpu.vector_load %arg11[%swap3A_164] {strides = array<i32>} : memref<128xi32, #tpu.memory_space<vmem>>, vector<16xi32>,
      %swap3A_166 = vector.shape_cast %swap3A_165 : vector<16xi32> to vector<16xi32>
      %swap3A_167 = vector.shape_cast %add3A_163 : vector<16xi32> to vector<16xi32>
      tpu.vector_store %arg11[%swap3A_164], %swap3A_167 {strides = array<i32>} : memref<128xi32, #tpu.memory_space<vmem>>, vector<16xi32>,
      %add3A_168 = arith.constant 10000 : i32
      %add3A_169 = arith.addi %mul3A_0, %add3A_168 : i32
      %add3A_170 = vector.broadcast %add3A_169 : i32 to vector<16xi32>
      %add3A_171 = arith.addi %get3A_158, %add3A_170 : vector<16xi32>
      %swap3A_172 = arith.constant 16 : index
      %swap3A_173 = tpu.vector_load %arg12[%swap3A_172] {strides = array<i32>} : memref<128xi32, #tpu.memory_space<vmem>>, vector<16xi32>,
      %swap3A_174 = vector.shape_cast %swap3A_173 : vector<16xi32> to vector<16xi32>
      %swap3A_175 = vector.shape_cast %add3A_171 : vector<16xi32> to vector<16xi32>
      tpu.vector_store %arg12[%swap3A_172], %swap3A_175 {strides = array<i32>} : memref<128xi32, #tpu.memory_space<vmem>>, vector<16xi32>,
      %add3A_176 = arith.constant 20000 : i32
      %add3A_177 = arith.addi %mul3A_0, %add3A_176 : i32
      %add3A_178 = vector.broadcast %add3A_177 : i32 to vector<16xi32>
      %add3A_179 = arith.addi %get3A_161, %add3A_178 : vector<16xi32>
      %swap3A_180 = arith.constant 16 : index
      %swap3A_181 = tpu.vector_load %arg13[%swap3A_180] {strides = array<i32>} : memref<128xi32, #tpu.memory_space<vmem>>, vector<16xi32>,
      %swap3A_182 = vector.shape_cast %swap3A_181 : vector<16xi32> to vector<16xi32>
      %swap3A_183 = vector.shape_cast %add3A_179 : vector<16xi32> to vector<16xi32>
      tpu.vector_store %arg13[%swap3A_180], %swap3A_183 {strides = array<i32>} : memref<128xi32, #tpu.memory_space<vmem>>, vector<16xi32>,
      %get3A_184 = arith.constant 32 : index
      %get3A_185 = tpu.vector_load %arg9[%get3A_184] {strides = array<i32>} : memref<128xi32, #tpu.memory_space<vmem>>, vector<16xi32>,
      %get3A_186 = vector.shape_cast %get3A_185 : vector<16xi32> to vector<16xi32>
      %get3A_187 = arith.constant 32 : index
      %get3A_188 = tpu.vector_load %arg10[%get3A_187] {strides = array<i32>} : memref<128xi32, #tpu.memory_space<vmem>>, vector<16xi32>,
      %get3A_189 = vector.shape_cast %get3A_188 : vector<16xi32> to vector<16xi32>
      %add3A_190 = vector.broadcast %mul3A_0 : i32 to vector<16xi32>
      %add3A_191 = arith.addi %get3A_186, %add3A_190 : vector<16xi32>
      %swap3A_192 = arith.constant 32 : index
      %swap3A_193 = tpu.vector_load %arg11[%swap3A_192] {strides = array<i32>} : memref<128xi32, #tpu.memory_space<vmem>>, vector<16xi32>,
      %swap3A_194 = vector.shape_cast %swap3A_193 : vector<16xi32> to vector<16xi32>
      %swap3A_195 = vector.shape_cast %add3A_191 : vector<16xi32> to vector<16xi32>
      tpu.vector_store %arg11[%swap3A_192], %swap3A_195 {strides = array<i32>} : memref<128xi32, #tpu.memory_space<vmem>>, vector<16xi32>,
      %add3A_196 = arith.constant 10000 : i32
      %add3A_197 = arith.addi %mul3A_0, %add3A_196 : i32
      %add3A_198 = vector.broadcast %add3A_197 : i32 to vector<16xi32>
      %add3A_199 = arith.addi %get3A_186, %add3A_198 : vector<16xi32>
      %swap3A_200 = arith.constant 32 : index
      %swap3A_201 = tpu.vector_load %arg12[%swap3A_200] {strides = array<i32>} : memref<128xi32, #tpu.memory_space<vmem>>, vector<16xi32>,
      %swap3A_202 = vector.shape_cast %swap3A_201 : vector<16xi32> to vector<16xi32>
      %swap3A_203 = vector.shape_cast %add3A_199 : vector<16xi32> to vector<16xi32>
      tpu.vector_store %arg12[%swap3A_200], %swap3A_203 {strides = array<i32>} : memref<128xi32, #tpu.memory_space<vmem>>, vector<16xi32>,
      %add3A_204 = arith.constant 20000 : i32
      %add3A_205 = arith.addi %mul3A_0, %add3A_204 : i32
      %add3A_206 = vector.broadcast %add3A_205 : i32 to vector<16xi32>
      %add3A_207 = arith.addi %get3A_189, %add3A_206 : vector<16xi32>
      %swap3A_208 = arith.constant 32 : index
      %swap3A_209 = tpu.vector_load %arg13[%swap3A_208] {strides = array<i32>} : memref<128xi32, #tpu.memory_space<vmem>>, vector<16xi32>,
      %swap3A_210 = vector.shape_cast %swap3A_209 : vector<16xi32> to vector<16xi32>
      %swap3A_211 = vector.shape_cast %add3A_207 : vector<16xi32> to vector<16xi32>
      tpu.vector_store %arg13[%swap3A_208], %swap3A_211 {strides = array<i32>} : memref<128xi32, #tpu.memory_space<vmem>>, vector<16xi32>,
      %get3A_212 = arith.constant 48 : index
      %get3A_213 = tpu.vector_load %arg9[%get3A_212] {strides = array<i32>} : memref<128xi32, #tpu.memory_space<vmem>>, vector<16xi32>,
      %get3A_214 = vector.shape_cast %get3A_213 : vector<16xi32> to vector<16xi32>
      %get3A_215 = arith.constant 48 : index
      %get3A_216 = tpu.vector_load %arg10[%get3A_215] {strides = array<i32>} : memref<128xi32, #tpu.memory_space<vmem>>, vector<16xi32>,
      %get3A_217 = vector.shape_cast %get3A_216 : vector<16xi32> to vector<16xi32>
      %add3A_218 = vector.broadcast %mul3A_0 : i32 to vector<16xi32>
      %add3A_219 = arith.addi %get3A_214, %add3A_218 : vector<16xi32>
      %swap3A_220 = arith.constant 48 : index
      %swap3A_221 = tpu.vector_load %arg11[%swap3A_220] {strides = array<i32>} : memref<128xi32, #tpu.memory_space<vmem>>, vector<16xi32>,
      %swap3A_222 = vector.shape_cast %swap3A_221 : vector<16xi32> to vector<16xi32>
      %swap3A_223 = vector.shape_cast %add3A_219 : vector<16xi32> to vector<16xi32>
      tpu.vector_store %arg11[%swap3A_220], %swap3A_223 {strides = array<i32>} : memref<128xi32, #tpu.memory_space<vmem>>, vector<16xi32>,
      %add3A_224 = arith.constant 10000 : i32
      %add3A_225 = arith.addi %mul3A_0, %add3A_224 : i32
      %add3A_226 = vector.broadcast %add3A_225 : i32 to vector<16xi32>
      %add3A_227 = arith.addi %get3A_214, %add3A_226 : vector<16xi32>
      %swap3A_228 = arith.constant 48 : index
      %swap3A_229 = tpu.vector_load %arg12[%swap3A_228] {strides = array<i32>} : memref<128xi32, #tpu.memory_space<vmem>>, vector<16xi32>,
      %swap3A_230 = vector.shape_cast %swap3A_229 : vector<16xi32> to vector<16xi32>
      %swap3A_231 = vector.shape_cast %add3A_227 : vector<16xi32> to vector<16xi32>
      tpu.vector_store %arg12[%swap3A_228], %swap3A_231 {strides = array<i32>} : memref<128xi32, #tpu.memory_space<vmem>>, vector<16xi32>,
      %add3A_232 = arith.constant 20000 : i32
      %add3A_233 = arith.addi %mul3A_0, %add3A_232 : i32
      %add3A_234 = vector.broadcast %add3A_233 : i32 to vector<16xi32>
      %add3A_235 = arith.addi %get3A_217, %add3A_234 : vector<16xi32>
      %swap3A_236 = arith.constant 48 : index
      %swap3A_237 = tpu.vector_load %arg13[%swap3A_236] {strides = array<i32>} : memref<128xi32, #tpu.memory_space<vmem>>, vector<16xi32>,
      %swap3A_238 = vector.shape_cast %swap3A_237 : vector<16xi32> to vector<16xi32>
      %swap3A_239 = vector.shape_cast %add3A_235 : vector<16xi32> to vector<16xi32>
      tpu.vector_store %arg13[%swap3A_236], %swap3A_239 {strides = array<i32>} : memref<128xi32, #tpu.memory_space<vmem>>, vector<16xi32>,
      %get3A_240 = arith.constant 64 : index
      %get3A_241 = tpu.vector_load %arg9[%get3A_240] {strides = array<i32>} : memref<128xi32, #tpu.memory_space<vmem>>, vector<16xi32>,
      %get3A_242 = vector.shape_cast %get3A_241 : vector<16xi32> to vector<16xi32>
      %get3A_243 = arith.constant 64 : index
      %get3A_244 = tpu.vector_load %arg10[%get3A_243] {strides = array<i32>} : memref<128xi32, #tpu.memory_space<vmem>>, vector<16xi32>,
      %get3A_245 = vector.shape_cast %get3A_244 : vector<16xi32> to vector<16xi32>
      %add3A_246 = vector.broadcast %mul3A_0 : i32 to vector<16xi32>
      %add3A_247 = arith.addi %get3A_242, %add3A_246 : vector<16xi32>
      %swap3A_248 = arith.constant 64 : index
      %swap3A_249 = tpu.vector_load %arg11[%swap3A_248] {strides = array<i32>} : memref<128xi32, #tpu.memory_space<vmem>>, vector<16xi32>,
      %swap3A_250 = vector.shape_cast %swap3A_249 : vector<16xi32> to vector<16xi32>
      %swap3A_251 = vector.shape_cast %add3A_247 : vector<16xi32> to vector<16xi32>
      tpu.vector_store %arg11[%swap3A_248], %swap3A_251 {strides = array<i32>} : memref<128xi32, #tpu.memory_space<vmem>>, vector<16xi32>,
      %add3A_252 = arith.constant 10000 : i32
      %add3A_253 = arith.addi %mul3A_0, %add3A_252 : i32
      %add3A_254 = vector.broadcast %add3A_253 : i32 to vector<16xi32>
      %add3A_255 = arith.addi %get3A_242, %add3A_254 : vector<16xi32>
      %swap3A_256 = arith.constant 64 : index
      %swap3A_257 = tpu.vector_load %arg12[%swap3A_256] {strides = array<i32>} : memref<128xi32, #tpu.memory_space<vmem>>, vector<16xi32>,
      %swap3A_258 = vector.shape_cast %swap3A_257 : vector<16xi32> to vector<16xi32>
      %swap3A_259 = vector.shape_cast %add3A_255 : vector<16xi32> to vector<16xi32>
      tpu.vector_store %arg12[%swap3A_256], %swap3A_259 {strides = array<i32>} : memref<128xi32, #tpu.memory_space<vmem>>, vector<16xi32>,
      %add3A_260 = arith.constant 20000 : i32
      %add3A_261 = arith.addi %mul3A_0, %add3A_260 : i32
      %add3A_262 = vector.broadcast %add3A_261 : i32 to vector<16xi32>
      %add3A_263 = arith.addi %get3A_245, %add3A_262 : vector<16xi32>
      %swap3A_264 = arith.constant 64 : index
      %swap3A_265 = tpu.vector_load %arg13[%swap3A_264] {strides = array<i32>} : memref<128xi32, #tpu.memory_space<vmem>>, vector<16xi32>,
      %swap3A_266 = vector.shape_cast %swap3A_265 : vector<16xi32> to vector<16xi32>
      %swap3A_267 = vector.shape_cast %add3A_263 : vector<16xi32> to vector<16xi32>
      tpu.vector_store %arg13[%swap3A_264], %swap3A_267 {strides = array<i32>} : memref<128xi32, #tpu.memory_space<vmem>>, vector<16xi32>,
      %get3A_268 = arith.constant 80 : index
      %get3A_269 = tpu.vector_load %arg9[%get3A_268] {strides = array<i32>} : memref<128xi32, #tpu.memory_space<vmem>>, vector<16xi32>,
      %get3A_270 = vector.shape_cast %get3A_269 : vector<16xi32> to vector<16xi32>
      %get3A_271 = arith.constant 80 : index
      %get3A_272 = tpu.vector_load %arg10[%get3A_271] {strides = array<i32>} : memref<128xi32, #tpu.memory_space<vmem>>, vector<16xi32>,
      %get3A_273 = vector.shape_cast %get3A_272 : vector<16xi32> to vector<16xi32>
      %add3A_274 = vector.broadcast %mul3A_0 : i32 to vector<16xi32>
      %add3A_275 = arith.addi %get3A_270, %add3A_274 : vector<16xi32>
      %swap3A_276 = arith.constant 80 : index
      %swap3A_277 = tpu.vector_load %arg11[%swap3A_276] {strides = array<i32>} : memref<128xi32, #tpu.memory_space<vmem>>, vector<16xi32>,
      %swap3A_278 = vector.shape_cast %swap3A_277 : vector<16xi32> to vector<16xi32>
      %swap3A_279 = vector.shape_cast %add3A_275 : vector<16xi32> to vector<16xi32>
      tpu.vector_store %arg11[%swap3A_276], %swap3A_279 {strides = array<i32>} : memref<128xi32, #tpu.memory_space<vmem>>, vector<16xi32>,
      %add3A_280 = arith.constant 10000 : i32
      %add3A_281 = arith.addi %mul3A_0, %add3A_280 : i32
      %add3A_282 = vector.broadcast %add3A_281 : i32 to vector<16xi32>
      %add3A_283 = arith.addi %get3A_270, %add3A_282 : vector<16xi32>
      %swap3A_284 = arith.constant 80 : index
      %swap3A_285 = tpu.vector_load %arg12[%swap3A_284] {strides = array<i32>} : memref<128xi32, #tpu.memory_space<vmem>>, vector<16xi32>,
      %swap3A_286 = vector.shape_cast %swap3A_285 : vector<16xi32> to vector<16xi32>
      %swap3A_287 = vector.shape_cast %add3A_283 : vector<16xi32> to vector<16xi32>
      tpu.vector_store %arg12[%swap3A_284], %swap3A_287 {strides = array<i32>} : memref<128xi32, #tpu.memory_space<vmem>>, vector<16xi32>,
      %add3A_288 = arith.constant 20000 : i32
      %add3A_289 = arith.addi %mul3A_0, %add3A_288 : i32
      %add3A_290 = vector.broadcast %add3A_289 : i32 to vector<16xi32>
      %add3A_291 = arith.addi %get3A_273, %add3A_290 : vector<16xi32>
      %swap3A_292 = arith.constant 80 : index
      %swap3A_293 = tpu.vector_load %arg13[%swap3A_292] {strides = array<i32>} : memref<128xi32, #tpu.memory_space<vmem>>, vector<16xi32>,
      %swap3A_294 = vector.shape_cast %swap3A_293 : vector<16xi32> to vector<16xi32>
      %swap3A_295 = vector.shape_cast %add3A_291 : vector<16xi32> to vector<16xi32>
      tpu.vector_store %arg13[%swap3A_292], %swap3A_295 {strides = array<i32>} : memref<128xi32, #tpu.memory_space<vmem>>, vector<16xi32>,
      %get3A_296 = arith.constant 96 : index
      %get3A_297 = tpu.vector_load %arg9[%get3A_296] {strides = array<i32>} : memref<128xi32, #tpu.memory_space<vmem>>, vector<16xi32>,
      %get3A_298 = vector.shape_cast %get3A_297 : vector<16xi32> to vector<16xi32>
      %get3A_299 = arith.constant 96 : index
      %get3A_300 = tpu.vector_load %arg10[%get3A_299] {strides = array<i32>} : memref<128xi32, #tpu.memory_space<vmem>>, vector<16xi32>,
      %get3A_301 = vector.shape_cast %get3A_300 : vector<16xi32> to vector<16xi32>
      %add3A_302 = vector.broadcast %mul3A_0 : i32 to vector<16xi32>
      %add3A_303 = arith.addi %get3A_298, %add3A_302 : vector<16xi32>
      %swap3A_304 = arith.constant 96 : index
      %swap3A_305 = tpu.vector_load %arg11[%swap3A_304] {strides = array<i32>} : memref<128xi32, #tpu.memory_space<vmem>>, vector<16xi32>,
      %swap3A_306 = vector.shape_cast %swap3A_305 : vector<16xi32> to vector<16xi32>
      %swap3A_307 = vector.shape_cast %add3A_303 : vector<16xi32> to vector<16xi32>
      tpu.vector_store %arg11[%swap3A_304], %swap3A_307 {strides = array<i32>} : memref<128xi32, #tpu.memory_space<vmem>>, vector<16xi32>,
      %add3A_308 = arith.constant 10000 : i32
      %add3A_309 = arith.addi %mul3A_0, %add3A_308 : i32
      %add3A_310 = vector.broadcast %add3A_309 : i32 to vector<16xi32>
      %add3A_311 = arith.addi %get3A_298, %add3A_310 : vector<16xi32>
      %swap3A_312 = arith.constant 96 : index
      %swap3A_313 = tpu.vector_load %arg12[%swap3A_312] {strides = array<i32>} : memref<128xi32, #tpu.memory_space<vmem>>, vector<16xi32>,
      %swap3A_314 = vector.shape_cast %swap3A_313 : vector<16xi32> to vector<16xi32>
      %swap3A_315 = vector.shape_cast %add3A_311 : vector<16xi32> to vector<16xi32>
      tpu.vector_store %arg12[%swap3A_312], %swap3A_315 {strides = array<i32>} : memref<128xi32, #tpu.memory_space<vmem>>, vector<16xi32>,
      %add3A_316 = arith.constant 20000 : i32
      %add3A_317 = arith.addi %mul3A_0, %add3A_316 : i32
      %add3A_318 = vector.broadcast %add3A_317 : i32 to vector<16xi32>
      %add3A_319 = arith.addi %get3A_301, %add3A_318 : vector<16xi32>
      %swap3A_320 = arith.constant 96 : index
      %swap3A_321 = tpu.vector_load %arg13[%swap3A_320] {strides = array<i32>} : memref<128xi32, #tpu.memory_space<vmem>>, vector<16xi32>,
      %swap3A_322 = vector.shape_cast %swap3A_321 : vector<16xi32> to vector<16xi32>
      %swap3A_323 = vector.shape_cast %add3A_319 : vector<16xi32> to vector<16xi32>
      tpu.vector_store %arg13[%swap3A_320], %swap3A_323 {strides = array<i32>} : memref<128xi32, #tpu.memory_space<vmem>>, vector<16xi32>,
      %get3A_324 = arith.constant 112 : index
      %get3A_325 = tpu.vector_load %arg9[%get3A_324] {strides = array<i32>} : memref<128xi32, #tpu.memory_space<vmem>>, vector<16xi32>,
      %get3A_326 = vector.shape_cast %get3A_325 : vector<16xi32> to vector<16xi32>
      %get3A_327 = arith.constant 112 : index
      %get3A_328 = tpu.vector_load %arg10[%get3A_327] {strides = array<i32>} : memref<128xi32, #tpu.memory_space<vmem>>, vector<16xi32>,
      %get3A_329 = vector.shape_cast %get3A_328 : vector<16xi32> to vector<16xi32>
      %add3A_330 = vector.broadcast %mul3A_0 : i32 to vector<16xi32>
      %add3A_331 = arith.addi %get3A_326, %add3A_330 : vector<16xi32>
      %swap3A_332 = arith.constant 112 : index
      %swap3A_333 = tpu.vector_load %arg11[%swap3A_332] {strides = array<i32>} : memref<128xi32, #tpu.memory_space<vmem>>, vector<16xi32>,
      %swap3A_334 = vector.shape_cast %swap3A_333 : vector<16xi32> to vector<16xi32>
      %swap3A_335 = vector.shape_cast %add3A_331 : vector<16xi32> to vector<16xi32>
      tpu.vector_store %arg11[%swap3A_332], %swap3A_335 {strides = array<i32>} : memref<128xi32, #tpu.memory_space<vmem>>, vector<16xi32>,
      %add3A_336 = arith.constant 10000 : i32
      %add3A_337 = arith.addi %mul3A_0, %add3A_336 : i32
      %add3A_338 = vector.broadcast %add3A_337 : i32 to vector<16xi32>
      %add3A_339 = arith.addi %get3A_326, %add3A_338 : vector<16xi32>
      %swap3A_340 = arith.constant 112 : index
      %swap3A_341 = tpu.vector_load %arg12[%swap3A_340] {strides = array<i32>} : memref<128xi32, #tpu.memory_space<vmem>>, vector<16xi32>,
      %swap3A_342 = vector.shape_cast %swap3A_341 : vector<16xi32> to vector<16xi32>
      %swap3A_343 = vector.shape_cast %add3A_339 : vector<16xi32> to vector<16xi32>
      tpu.vector_store %arg12[%swap3A_340], %swap3A_343 {strides = array<i32>} : memref<128xi32, #tpu.memory_space<vmem>>, vector<16xi32>,
      %add3A_344 = arith.constant 20000 : i32
      %add3A_345 = arith.addi %mul3A_0, %add3A_344 : i32
      %add3A_346 = vector.broadcast %add3A_345 : i32 to vector<16xi32>
      %add3A_347 = arith.addi %get3A_329, %add3A_346 : vector<16xi32>
      %swap3A_348 = arith.constant 112 : index
      %swap3A_349 = tpu.vector_load %arg13[%swap3A_348] {strides = array<i32>} : memref<128xi32, #tpu.memory_space<vmem>>, vector<16xi32>,
      %swap3A_350 = vector.shape_cast %swap3A_349 : vector<16xi32> to vector<16xi32>
      %swap3A_351 = vector.shape_cast %add3A_347 : vector<16xi32> to vector<16xi32>
      tpu.vector_store %arg13[%swap3A_348], %swap3A_351 {strides = array<i32>} : memref<128xi32, #tpu.memory_space<vmem>>, vector<16xi32>,
      %dma_start3A = arith.constant 0 : i32
      %dma_start3A_352 = arith.constant 0 : i32
      %dma_start3A_353 = tpu.memref_slice %arg2[%dma_start3A, %dma_start3A_352] : memref<60000x64xf32, #tpu.memory_space<hbm>> -> memref<60000x64xf32, #tpu.memory_space<hbm>>
      tpu.enqueue_indirect_dma source(%dma_start3A_353 : memref<60000x64xf32, #tpu.memory_space<hbm>>) target(%arg14 : memref<128x64xf32, #tpu.memory_space<vmem>>) offsets(%arg11 : memref<128xi32, #tpu.memory_space<vmem>>) semaphore(%arg21 : memref<!tpu.dma_semaphore, #tpu.memory_space<semaphore_mem>>)
      %dma_start3A_354 = arith.constant 0 : i32
      %dma_start3A_355 = arith.constant 0 : i32
      %dma_start3A_356 = tpu.memref_slice %arg2[%dma_start3A_354, %dma_start3A_355] : memref<60000x64xf32, #tpu.memory_space<hbm>> -> memref<60000x64xf32, #tpu.memory_space<hbm>>
      tpu.enqueue_indirect_dma source(%dma_start3A_356 : memref<60000x64xf32, #tpu.memory_space<hbm>>) target(%arg15 : memref<128x64xf32, #tpu.memory_space<vmem>>) offsets(%arg12 : memref<128xi32, #tpu.memory_space<vmem>>) semaphore(%arg21 : memref<!tpu.dma_semaphore, #tpu.memory_space<semaphore_mem>>)
      %dma_start3A_357 = arith.constant 0 : i32
      %dma_start3A_358 = arith.constant 0 : i32
      %dma_start3A_359 = tpu.memref_slice %arg2[%dma_start3A_357, %dma_start3A_358] : memref<60000x64xf32, #tpu.memory_space<hbm>> -> memref<60000x64xf32, #tpu.memory_space<hbm>>
      tpu.enqueue_indirect_dma source(%dma_start3A_359 : memref<60000x64xf32, #tpu.memory_space<hbm>>) target(%arg16 : memref<128x64xf32, #tpu.memory_space<vmem>>) offsets(%arg13 : memref<128xi32, #tpu.memory_space<vmem>>) semaphore(%arg21 : memref<!tpu.dma_semaphore, #tpu.memory_space<semaphore_mem>>)
      %mul3A_360 = arith.constant 320000 : i32
      %mul3A_361 = arith.muli %arg0, %mul3A_360 : i32
      %add3A_362 = arith.addi %mul3A_361, %mul3A_129 : i32
      "tpu.region"() ({
        %run_scoped3A = tpu.sem_alloc : memref<!tpu.dma_semaphore, #tpu.memory_space<semaphore_mem>>
        %dma_start3A_382 = arith.constant 0 : i32
        %dma_start3A_383 = tpu.memref_slice %arg3[%add3A_362, %dma_start3A_382] : memref<640000x64xf32, #tpu.memory_space<hbm>> -> memref<128x64xf32, #tpu.memory_space<hbm>>
        %dma_start3A_384 = arith.constant 0 : i32
        %dma_start3A_385 = tpu.memref_slice %arg3[%add3A_362, %dma_start3A_384] : memref<640000x64xf32, #tpu.memory_space<hbm>> -> memref<128x64xf32, #tpu.memory_space<hbm>>
        tpu.enqueue_dma source(%dma_start3A_385 : memref<128x64xf32, #tpu.memory_space<hbm>>) target(%arg17 : memref<128x64xf32, #tpu.memory_space<vmem>>) target_semaphore(%run_scoped3A : memref<!tpu.dma_semaphore, #tpu.memory_space<semaphore_mem>>)
        %dma_wait3A_386 = arith.constant 0 : i32
        %dma_wait3A_387 = tpu.memref_slice %arg3[%add3A_362, %dma_wait3A_386] : memref<640000x64xf32, #tpu.memory_space<hbm>> -> memref<128x64xf32, #tpu.memory_space<hbm>>
        %dma_wait3A_388 = arith.constant 0 : i32
        %dma_wait3A_389 = tpu.memref_slice %arg3[%add3A_362, %dma_wait3A_388] : memref<640000x64xf32, #tpu.memory_space<hbm>> -> memref<128x64xf32, #tpu.memory_space<hbm>>
        tpu.wait_dma2 semaphore(%run_scoped3A : memref<!tpu.dma_semaphore, #tpu.memory_space<semaphore_mem>>) src(%dma_wait3A_389 : memref<128x64xf32, #tpu.memory_space<hbm>>) dst(%arg17 : memref<128x64xf32, #tpu.memory_space<vmem>>)
        tpu.yield
      }) : () -> ()
      %dma_wait3A = arith.constant 0 : i32
      %dma_wait3A_363 = arith.constant 0 : i32
      %dma_wait3A_364 = tpu.memref_slice %arg2[%dma_wait3A, %dma_wait3A_363] : memref<60000x64xf32, #tpu.memory_space<hbm>> -> memref<60000x64xf32, #tpu.memory_space<hbm>>
      tpu.wait_indirect_dma semaphore(%arg21 : memref<!tpu.dma_semaphore, #tpu.memory_space<semaphore_mem>>) src(%dma_wait3A_364 : memref<60000x64xf32, #tpu.memory_space<hbm>>) dst(%arg14 : memref<128x64xf32, #tpu.memory_space<vmem>>)
      %dma_wait3A_365 = arith.constant 0 : i32
      %dma_wait3A_366 = arith.constant 0 : i32
      %dma_wait3A_367 = tpu.memref_slice %arg2[%dma_wait3A_365, %dma_wait3A_366] : memref<60000x64xf32, #tpu.memory_space<hbm>> -> memref<60000x64xf32, #tpu.memory_space<hbm>>
      tpu.wait_indirect_dma semaphore(%arg21 : memref<!tpu.dma_semaphore, #tpu.memory_space<semaphore_mem>>) src(%dma_wait3A_367 : memref<60000x64xf32, #tpu.memory_space<hbm>>) dst(%arg15 : memref<128x64xf32, #tpu.memory_space<vmem>>)
      %dma_wait3A_368 = arith.constant 0 : i32
      %dma_wait3A_369 = arith.constant 0 : i32
      %dma_wait3A_370 = tpu.memref_slice %arg2[%dma_wait3A_368, %dma_wait3A_369] : memref<60000x64xf32, #tpu.memory_space<hbm>> -> memref<60000x64xf32, #tpu.memory_space<hbm>>
      tpu.wait_indirect_dma semaphore(%arg21 : memref<!tpu.dma_semaphore, #tpu.memory_space<semaphore_mem>>) src(%dma_wait3A_370 : memref<60000x64xf32, #tpu.memory_space<hbm>>) dst(%arg16 : memref<128x64xf32, #tpu.memory_space<vmem>>)
      %scan3A_371 = arith.constant 0 : i32
      %scan3A_372 = arith.constant 0 : i32
      %scan3A_373 = arith.constant 128 : i32
      %scan3A_374 = arith.addi %scan3A_372, %scan3A_373 : i32
      %scan3A_375 = arith.constant 1 : i32
      %scan3A_376 = scf.for %scan3A_382 = %scan3A_372 to %scan3A_374 step %scan3A_375 iter_args(%scan3A_383 = %scan3A_371) -> (i32)  : i32 {
        %get3A_384 = arith.index_cast %scan3A_382 : i32 to index
        %get3A_385 = arith.constant 0 : index
        %get3A_386 = tpu.vector_load %arg15[%get3A_384, %get3A_385] {strides = array<i32>} : memref<128x64xf32, #tpu.memory_space<vmem>>, vector<1x16xf32>,
        %get3A_387 = vector.shape_cast %get3A_386 : vector<1x16xf32> to vector<16xf32>
        %get3A_388 = arith.index_cast %scan3A_382 : i32 to index
        %get3A_389 = arith.constant 0 : index
        %get3A_390 = tpu.vector_load %arg16[%get3A_388, %get3A_389] {strides = array<i32>} : memref<128x64xf32, #tpu.memory_space<vmem>>, vector<1x16xf32>,
        %get3A_391 = vector.shape_cast %get3A_390 : vector<1x16xf32> to vector<16xf32>
        %add3A_392 = arith.addf %get3A_387, %get3A_391 : vector<16xf32>
        %get3A_393 = arith.index_cast %scan3A_382 : i32 to index
        %get3A_394 = arith.constant 0 : index
        %get3A_395 = tpu.vector_load %arg17[%get3A_393, %get3A_394] {strides = array<i32>} : memref<128x64xf32, #tpu.memory_space<vmem>>, vector<1x16xf32>,
        %get3A_396 = vector.shape_cast %get3A_395 : vector<1x16xf32> to vector<16xf32>
        %add3A_397 = arith.addf %add3A_392, %get3A_396 : vector<16xf32>
        %neg3A = arith.constant 0.000000e+00 : f32
        %neg3A_398 = vector.broadcast %neg3A : f32 to vector<16xf32>
        %neg3A_399 = arith.subf %neg3A_398, %add3A_397 : vector<16xf32>
        %exp3A = math.exp %neg3A_399 : vector<16xf32>
        %add3A_400 = arith.constant 1.000000e+00 : f32
        %add3A_401 = vector.broadcast %add3A_400 : f32 to vector<16xf32>
        %add3A_402 = arith.addf %add3A_401, %exp3A : vector<16xf32>
        %div3A_403 = arith.constant 1.000000e+00 : f32
        %div3A_404 = vector.broadcast %div3A_403 : f32 to vector<16xf32>
        %div3A_405 = arith.divf %div3A_404, %add3A_402 : vector<16xf32>
        %max3A = arith.constant 0.000000e+00 : f32
        %max3A_406 = vector.broadcast %max3A : f32 to vector<16xf32>
        %max3A_407 = arith.maximumf %add3A_397, %max3A_406 : vector<16xf32>
        %swap3A_408 = arith.index_cast %scan3A_382 : i32 to index
        %swap3A_409 = arith.constant 0 : index
        %swap3A_410 = tpu.vector_load %arg15[%swap3A_408, %swap3A_409] {strides = array<i32>} : memref<128x64xf32, #tpu.memory_space<vmem>>, vector<1x16xf32>,
        %swap3A_411 = vector.shape_cast %swap3A_410 : vector<1x16xf32> to vector<16xf32>
        %swap3A_412 = vector.shape_cast %max3A_407 : vector<16xf32> to vector<1x16xf32>
        tpu.vector_store %arg15[%swap3A_408, %swap3A_409], %swap3A_412 {strides = array<i32>} : memref<128x64xf32, #tpu.memory_space<vmem>>, vector<1x16xf32>,
        %get3A_413 = arith.index_cast %scan3A_382 : i32 to index
        %get3A_414 = arith.constant 0 : index
        %get3A_415 = tpu.vector_load %arg14[%get3A_413, %get3A_414] {strides = array<i32>} : memref<128x64xf32, #tpu.memory_space<vmem>>, vector<1x16xf32>,
        %get3A_416 = vector.shape_cast %get3A_415 : vector<1x16xf32> to vector<16xf32>
        %mul3A_417 = arith.mulf %div3A_405, %get3A_416 : vector<16xf32>
        %swap3A_418 = arith.index_cast %scan3A_382 : i32 to index
        %swap3A_419 = arith.constant 0 : index
        %swap3A_420 = tpu.vector_load %arg14[%swap3A_418, %swap3A_419] {strides = array<i32>} : memref<128x64xf32, #tpu.memory_space<vmem>>, vector<1x16xf32>,
        %swap3A_421 = vector.shape_cast %swap3A_420 : vector<1x16xf32> to vector<16xf32>
        %swap3A_422 = vector.shape_cast %mul3A_417 : vector<16xf32> to vector<1x16xf32>
        tpu.vector_store %arg14[%swap3A_418, %swap3A_419], %swap3A_422 {strides = array<i32>} : memref<128x64xf32, #tpu.memory_space<vmem>>, vector<1x16xf32>,
        %swap3A_423 = arith.index_cast %scan3A_382 : i32 to index
        %swap3A_424 = arith.constant 0 : index
        %swap3A_425 = tpu.vector_load %arg16[%swap3A_423, %swap3A_424] {strides = array<i32>} : memref<128x64xf32, #tpu.memory_space<vmem>>, vector<1x16xf32>,
        %swap3A_426 = vector.shape_cast %swap3A_425 : vector<1x16xf32> to vector<16xf32>
        %swap3A_427 = vector.shape_cast %div3A_405 : vector<16xf32> to vector<1x16xf32>
        tpu.vector_store %arg16[%swap3A_423, %swap3A_424], %swap3A_427 {strides = array<i32>} : memref<128x64xf32, #tpu.memory_space<vmem>>, vector<1x16xf32>,
        %get3A_428 = arith.index_cast %scan3A_382 : i32 to index
        %get3A_429 = arith.constant 16 : index
        %get3A_430 = tpu.vector_load %arg15[%get3A_428, %get3A_429] {strides = array<i32>} : memref<128x64xf32, #tpu.memory_space<vmem>>, vector<1x16xf32>,
        %get3A_431 = vector.shape_cast %get3A_430 : vector<1x16xf32> to vector<16xf32>
        %get3A_432 = arith.index_cast %scan3A_382 : i32 to index
        %get3A_433 = arith.constant 16 : index
        %get3A_434 = tpu.vector_load %arg16[%get3A_432, %get3A_433] {strides = array<i32>} : memref<128x64xf32, #tpu.memory_space<vmem>>, vector<1x16xf32>,
        %get3A_435 = vector.shape_cast %get3A_434 : vector<1x16xf32> to vector<16xf32>
        %add3A_436 = arith.addf %get3A_431, %get3A_435 : vector<16xf32>
        %get3A_437 = arith.index_cast %scan3A_382 : i32 to index
        %get3A_438 = arith.constant 16 : index
        %get3A_439 = tpu.vector_load %arg17[%get3A_437, %get3A_438] {strides = array<i32>} : memref<128x64xf32, #tpu.memory_space<vmem>>, vector<1x16xf32>,
        %get3A_440 = vector.shape_cast %get3A_439 : vector<1x16xf32> to vector<16xf32>
        %add3A_441 = arith.addf %add3A_436, %get3A_440 : vector<16xf32>
        %neg3A_442 = arith.constant 0.000000e+00 : f32
        %neg3A_443 = vector.broadcast %neg3A_442 : f32 to vector<16xf32>
        %neg3A_444 = arith.subf %neg3A_443, %add3A_441 : vector<16xf32>
        %exp3A_445 = math.exp %neg3A_444 : vector<16xf32>
        %add3A_446 = arith.constant 1.000000e+00 : f32
        %add3A_447 = vector.broadcast %add3A_446 : f32 to vector<16xf32>
        %add3A_448 = arith.addf %add3A_447, %exp3A_445 : vector<16xf32>
        %div3A_449 = arith.constant 1.000000e+00 : f32
        %div3A_450 = vector.broadcast %div3A_449 : f32 to vector<16xf32>
        %div3A_451 = arith.divf %div3A_450, %add3A_448 : vector<16xf32>
        %max3A_452 = arith.constant 0.000000e+00 : f32
        %max3A_453 = vector.broadcast %max3A_452 : f32 to vector<16xf32>
        %max3A_454 = arith.maximumf %add3A_441, %max3A_453 : vector<16xf32>
        %swap3A_455 = arith.index_cast %scan3A_382 : i32 to index
        %swap3A_456 = arith.constant 16 : index
        %swap3A_457 = tpu.vector_load %arg15[%swap3A_455, %swap3A_456] {strides = array<i32>} : memref<128x64xf32, #tpu.memory_space<vmem>>, vector<1x16xf32>,
        %swap3A_458 = vector.shape_cast %swap3A_457 : vector<1x16xf32> to vector<16xf32>
        %swap3A_459 = vector.shape_cast %max3A_454 : vector<16xf32> to vector<1x16xf32>
        tpu.vector_store %arg15[%swap3A_455, %swap3A_456], %swap3A_459 {strides = array<i32>} : memref<128x64xf32, #tpu.memory_space<vmem>>, vector<1x16xf32>,
        %get3A_460 = arith.index_cast %scan3A_382 : i32 to index
        %get3A_461 = arith.constant 16 : index
        %get3A_462 = tpu.vector_load %arg14[%get3A_460, %get3A_461] {strides = array<i32>} : memref<128x64xf32, #tpu.memory_space<vmem>>, vector<1x16xf32>,
        %get3A_463 = vector.shape_cast %get3A_462 : vector<1x16xf32> to vector<16xf32>
        %mul3A_464 = arith.mulf %div3A_451, %get3A_463 : vector<16xf32>
        %swap3A_465 = arith.index_cast %scan3A_382 : i32 to index
        %swap3A_466 = arith.constant 16 : index
        %swap3A_467 = tpu.vector_load %arg14[%swap3A_465, %swap3A_466] {strides = array<i32>} : memref<128x64xf32, #tpu.memory_space<vmem>>, vector<1x16xf32>,
        %swap3A_468 = vector.shape_cast %swap3A_467 : vector<1x16xf32> to vector<16xf32>
        %swap3A_469 = vector.shape_cast %mul3A_464 : vector<16xf32> to vector<1x16xf32>
        tpu.vector_store %arg14[%swap3A_465, %swap3A_466], %swap3A_469 {strides = array<i32>} : memref<128x64xf32, #tpu.memory_space<vmem>>, vector<1x16xf32>,
        %swap3A_470 = arith.index_cast %scan3A_382 : i32 to index
        %swap3A_471 = arith.constant 16 : index
        %swap3A_472 = tpu.vector_load %arg16[%swap3A_470, %swap3A_471] {strides = array<i32>} : memref<128x64xf32, #tpu.memory_space<vmem>>, vector<1x16xf32>,
        %swap3A_473 = vector.shape_cast %swap3A_472 : vector<1x16xf32> to vector<16xf32>
        %swap3A_474 = vector.shape_cast %div3A_451 : vector<16xf32> to vector<1x16xf32>
        tpu.vector_store %arg16[%swap3A_470, %swap3A_471], %swap3A_474 {strides = array<i32>} : memref<128x64xf32, #tpu.memory_space<vmem>>, vector<1x16xf32>,
        %get3A_475 = arith.index_cast %scan3A_382 : i32 to index
        %get3A_476 = arith.constant 32 : index
        %get3A_477 = tpu.vector_load %arg15[%get3A_475, %get3A_476] {strides = array<i32>} : memref<128x64xf32, #tpu.memory_space<vmem>>, vector<1x16xf32>,
        %get3A_478 = vector.shape_cast %get3A_477 : vector<1x16xf32> to vector<16xf32>
        %get3A_479 = arith.index_cast %scan3A_382 : i32 to index
        %get3A_480 = arith.constant 32 : index
        %get3A_481 = tpu.vector_load %arg16[%get3A_479, %get3A_480] {strides = array<i32>} : memref<128x64xf32, #tpu.memory_space<vmem>>, vector<1x16xf32>,
        %get3A_482 = vector.shape_cast %get3A_481 : vector<1x16xf32> to vector<16xf32>
        %add3A_483 = arith.addf %get3A_478, %get3A_482 : vector<16xf32>
        %get3A_484 = arith.index_cast %scan3A_382 : i32 to index
        %get3A_485 = arith.constant 32 : index
        %get3A_486 = tpu.vector_load %arg17[%get3A_484, %get3A_485] {strides = array<i32>} : memref<128x64xf32, #tpu.memory_space<vmem>>, vector<1x16xf32>,
        %get3A_487 = vector.shape_cast %get3A_486 : vector<1x16xf32> to vector<16xf32>
        %add3A_488 = arith.addf %add3A_483, %get3A_487 : vector<16xf32>
        %neg3A_489 = arith.constant 0.000000e+00 : f32
        %neg3A_490 = vector.broadcast %neg3A_489 : f32 to vector<16xf32>
        %neg3A_491 = arith.subf %neg3A_490, %add3A_488 : vector<16xf32>
        %exp3A_492 = math.exp %neg3A_491 : vector<16xf32>
        %add3A_493 = arith.constant 1.000000e+00 : f32
        %add3A_494 = vector.broadcast %add3A_493 : f32 to vector<16xf32>
        %add3A_495 = arith.addf %add3A_494, %exp3A_492 : vector<16xf32>
        %div3A_496 = arith.constant 1.000000e+00 : f32
        %div3A_497 = vector.broadcast %div3A_496 : f32 to vector<16xf32>
        %div3A_498 = arith.divf %div3A_497, %add3A_495 : vector<16xf32>
        %max3A_499 = arith.constant 0.000000e+00 : f32
        %max3A_500 = vector.broadcast %max3A_499 : f32 to vector<16xf32>
        %max3A_501 = arith.maximumf %add3A_488, %max3A_500 : vector<16xf32>
        %swap3A_502 = arith.index_cast %scan3A_382 : i32 to index
        %swap3A_503 = arith.constant 32 : index
        %swap3A_504 = tpu.vector_load %arg15[%swap3A_502, %swap3A_503] {strides = array<i32>} : memref<128x64xf32, #tpu.memory_space<vmem>>, vector<1x16xf32>,
        %swap3A_505 = vector.shape_cast %swap3A_504 : vector<1x16xf32> to vector<16xf32>
        %swap3A_506 = vector.shape_cast %max3A_501 : vector<16xf32> to vector<1x16xf32>
        tpu.vector_store %arg15[%swap3A_502, %swap3A_503], %swap3A_506 {strides = array<i32>} : memref<128x64xf32, #tpu.memory_space<vmem>>, vector<1x16xf32>,
        %get3A_507 = arith.index_cast %scan3A_382 : i32 to index
        %get3A_508 = arith.constant 32 : index
        %get3A_509 = tpu.vector_load %arg14[%get3A_507, %get3A_508] {strides = array<i32>} : memref<128x64xf32, #tpu.memory_space<vmem>>, vector<1x16xf32>,
        %get3A_510 = vector.shape_cast %get3A_509 : vector<1x16xf32> to vector<16xf32>
        %mul3A_511 = arith.mulf %div3A_498, %get3A_510 : vector<16xf32>
        %swap3A_512 = arith.index_cast %scan3A_382 : i32 to index
        %swap3A_513 = arith.constant 32 : index
        %swap3A_514 = tpu.vector_load %arg14[%swap3A_512, %swap3A_513] {strides = array<i32>} : memref<128x64xf32, #tpu.memory_space<vmem>>, vector<1x16xf32>,
        %swap3A_515 = vector.shape_cast %swap3A_514 : vector<1x16xf32> to vector<16xf32>
        %swap3A_516 = vector.shape_cast %mul3A_511 : vector<16xf32> to vector<1x16xf32>
        tpu.vector_store %arg14[%swap3A_512, %swap3A_513], %swap3A_516 {strides = array<i32>} : memref<128x64xf32, #tpu.memory_space<vmem>>, vector<1x16xf32>,
        %swap3A_517 = arith.index_cast %scan3A_382 : i32 to index
        %swap3A_518 = arith.constant 32 : index
        %swap3A_519 = tpu.vector_load %arg16[%swap3A_517, %swap3A_518] {strides = array<i32>} : memref<128x64xf32, #tpu.memory_space<vmem>>, vector<1x16xf32>,
        %swap3A_520 = vector.shape_cast %swap3A_519 : vector<1x16xf32> to vector<16xf32>
        %swap3A_521 = vector.shape_cast %div3A_498 : vector<16xf32> to vector<1x16xf32>
        tpu.vector_store %arg16[%swap3A_517, %swap3A_518], %swap3A_521 {strides = array<i32>} : memref<128x64xf32, #tpu.memory_space<vmem>>, vector<1x16xf32>,
        %get3A_522 = arith.index_cast %scan3A_382 : i32 to index
        %get3A_523 = arith.constant 48 : index
        %get3A_524 = tpu.vector_load %arg15[%get3A_522, %get3A_523] {strides = array<i32>} : memref<128x64xf32, #tpu.memory_space<vmem>>, vector<1x16xf32>,
        %get3A_525 = vector.shape_cast %get3A_524 : vector<1x16xf32> to vector<16xf32>
        %get3A_526 = arith.index_cast %scan3A_382 : i32 to index
        %get3A_527 = arith.constant 48 : index
        %get3A_528 = tpu.vector_load %arg16[%get3A_526, %get3A_527] {strides = array<i32>} : memref<128x64xf32, #tpu.memory_space<vmem>>, vector<1x16xf32>,
        %get3A_529 = vector.shape_cast %get3A_528 : vector<1x16xf32> to vector<16xf32>
        %add3A_530 = arith.addf %get3A_525, %get3A_529 : vector<16xf32>
        %get3A_531 = arith.index_cast %scan3A_382 : i32 to index
        %get3A_532 = arith.constant 48 : index
        %get3A_533 = tpu.vector_load %arg17[%get3A_531, %get3A_532] {strides = array<i32>} : memref<128x64xf32, #tpu.memory_space<vmem>>, vector<1x16xf32>,
        %get3A_534 = vector.shape_cast %get3A_533 : vector<1x16xf32> to vector<16xf32>
        %add3A_535 = arith.addf %add3A_530, %get3A_534 : vector<16xf32>
        %neg3A_536 = arith.constant 0.000000e+00 : f32
        %neg3A_537 = vector.broadcast %neg3A_536 : f32 to vector<16xf32>
        %neg3A_538 = arith.subf %neg3A_537, %add3A_535 : vector<16xf32>
        %exp3A_539 = math.exp %neg3A_538 : vector<16xf32>
        %add3A_540 = arith.constant 1.000000e+00 : f32
        %add3A_541 = vector.broadcast %add3A_540 : f32 to vector<16xf32>
        %add3A_542 = arith.addf %add3A_541, %exp3A_539 : vector<16xf32>
        %div3A_543 = arith.constant 1.000000e+00 : f32
        %div3A_544 = vector.broadcast %div3A_543 : f32 to vector<16xf32>
        %div3A_545 = arith.divf %div3A_544, %add3A_542 : vector<16xf32>
        %max3A_546 = arith.constant 0.000000e+00 : f32
        %max3A_547 = vector.broadcast %max3A_546 : f32 to vector<16xf32>
        %max3A_548 = arith.maximumf %add3A_535, %max3A_547 : vector<16xf32>
        %swap3A_549 = arith.index_cast %scan3A_382 : i32 to index
        %swap3A_550 = arith.constant 48 : index
        %swap3A_551 = tpu.vector_load %arg15[%swap3A_549, %swap3A_550] {strides = array<i32>} : memref<128x64xf32, #tpu.memory_space<vmem>>, vector<1x16xf32>,
        %swap3A_552 = vector.shape_cast %swap3A_551 : vector<1x16xf32> to vector<16xf32>
        %swap3A_553 = vector.shape_cast %max3A_548 : vector<16xf32> to vector<1x16xf32>
        tpu.vector_store %arg15[%swap3A_549, %swap3A_550], %swap3A_553 {strides = array<i32>} : memref<128x64xf32, #tpu.memory_space<vmem>>, vector<1x16xf32>,
        %get3A_554 = arith.index_cast %scan3A_382 : i32 to index
        %get3A_555 = arith.constant 48 : index
        %get3A_556 = tpu.vector_load %arg14[%get3A_554, %get3A_555] {strides = array<i32>} : memref<128x64xf32, #tpu.memory_space<vmem>>, vector<1x16xf32>,
        %get3A_557 = vector.shape_cast %get3A_556 : vector<1x16xf32> to vector<16xf32>
        %mul3A_558 = arith.mulf %div3A_545, %get3A_557 : vector<16xf32>
        %swap3A_559 = arith.index_cast %scan3A_382 : i32 to index
        %swap3A_560 = arith.constant 48 : index
        %swap3A_561 = tpu.vector_load %arg14[%swap3A_559, %swap3A_560] {strides = array<i32>} : memref<128x64xf32, #tpu.memory_space<vmem>>, vector<1x16xf32>,
        %swap3A_562 = vector.shape_cast %swap3A_561 : vector<1x16xf32> to vector<16xf32>
        %swap3A_563 = vector.shape_cast %mul3A_558 : vector<16xf32> to vector<1x16xf32>
        tpu.vector_store %arg14[%swap3A_559, %swap3A_560], %swap3A_563 {strides = array<i32>} : memref<128x64xf32, #tpu.memory_space<vmem>>, vector<1x16xf32>,
        %swap3A_564 = arith.index_cast %scan3A_382 : i32 to index
        %swap3A_565 = arith.constant 48 : index
        %swap3A_566 = tpu.vector_load %arg16[%swap3A_564, %swap3A_565] {strides = array<i32>} : memref<128x64xf32, #tpu.memory_space<vmem>>, vector<1x16xf32>,
        %swap3A_567 = vector.shape_cast %swap3A_566 : vector<1x16xf32> to vector<16xf32>
        %swap3A_568 = vector.shape_cast %div3A_545 : vector<16xf32> to vector<1x16xf32>
        tpu.vector_store %arg16[%swap3A_564, %swap3A_565], %swap3A_568 {strides = array<i32>} : memref<128x64xf32, #tpu.memory_space<vmem>>, vector<1x16xf32>,
        %scan3A_569 = arith.constant 0 : i32
        scf.yield %scan3A_569 : i32
      }
      %scan3A_377 = arith.constant 128 : i32
      %mul3A_378 = arith.constant 320000 : i32
      %mul3A_379 = arith.muli %arg0, %mul3A_378 : i32
      %add3A_380 = arith.addi %mul3A_379, %mul3A_129 : i32
      "tpu.region"() ({
        %run_scoped3A = tpu.sem_alloc : memref<!tpu.dma_semaphore, #tpu.memory_space<semaphore_mem>>
        %dma_start3A_382 = arith.constant 0 : i32
        %dma_start3A_383 = tpu.memref_slice %arg6[%add3A_380, %dma_start3A_382] : memref<640000x64xf32, #tpu.memory_space<hbm>> -> memref<128x64xf32, #tpu.memory_space<hbm>>
        %dma_start3A_384 = arith.constant 0 : i32
        %dma_start3A_385 = tpu.memref_slice %arg6[%add3A_380, %dma_start3A_384] : memref<640000x64xf32, #tpu.memory_space<hbm>> -> memref<128x64xf32, #tpu.memory_space<hbm>>
        tpu.enqueue_dma source(%arg15 : memref<128x64xf32, #tpu.memory_space<vmem>>) target(%dma_start3A_385 : memref<128x64xf32, #tpu.memory_space<hbm>>) target_semaphore(%run_scoped3A : memref<!tpu.dma_semaphore, #tpu.memory_space<semaphore_mem>>)
        %dma_wait3A_386 = arith.constant 0 : i32
        %dma_wait3A_387 = tpu.memref_slice %arg6[%add3A_380, %dma_wait3A_386] : memref<640000x64xf32, #tpu.memory_space<hbm>> -> memref<128x64xf32, #tpu.memory_space<hbm>>
        %dma_wait3A_388 = arith.constant 0 : i32
        %dma_wait3A_389 = tpu.memref_slice %arg6[%add3A_380, %dma_wait3A_388] : memref<640000x64xf32, #tpu.memory_space<hbm>> -> memref<128x64xf32, #tpu.memory_space<hbm>>
        tpu.wait_dma2 semaphore(%run_scoped3A : memref<!tpu.dma_semaphore, #tpu.memory_space<semaphore_mem>>) src(%arg15 : memref<128x64xf32, #tpu.memory_space<vmem>>) dst(%dma_wait3A_389 : memref<128x64xf32, #tpu.memory_space<hbm>>)
        tpu.yield
      }) : () -> ()
      "tpu.region"() ({
        %run_scoped3A = tpu.sem_alloc : memref<!tpu.dma_semaphore, #tpu.memory_space<semaphore_mem>>
        %dma_start3A_382 = arith.constant 0 : i32
        %dma_start3A_383 = arith.constant 0 : i32
        %dma_start3A_384 = tpu.memref_slice %arg19[%dma_start3A_382, %dma_start3A_383] : memref<10240x64xf32, #tpu.memory_space<vmem_shared>> -> memref<10240x64xf32, #tpu.memory_space<vmem_shared>>
        tpu.enqueue_indirect_dma source(%arg14 : memref<128x64xf32, #tpu.memory_space<vmem>>) target(%dma_start3A_384 : memref<10240x64xf32, #tpu.memory_space<vmem_shared>>) offsets(%arg10 : memref<128xi32, #tpu.memory_space<vmem>>) semaphore(%run_scoped3A : memref<!tpu.dma_semaphore, #tpu.memory_space<semaphore_mem>>) {add = true}
        %dma_wait3A_385 = arith.constant 0 : i32
        %dma_wait3A_386 = arith.constant 0 : i32
        %dma_wait3A_387 = tpu.memref_slice %arg19[%dma_wait3A_385, %dma_wait3A_386] : memref<10240x64xf32, #tpu.memory_space<vmem_shared>> -> memref<10240x64xf32, #tpu.memory_space<vmem_shared>>
        tpu.wait_indirect_dma semaphore(%run_scoped3A : memref<!tpu.dma_semaphore, #tpu.memory_space<semaphore_mem>>) src(%arg14 : memref<128x64xf32, #tpu.memory_space<vmem>>) dst(%dma_wait3A_387 : memref<10240x64xf32, #tpu.memory_space<vmem_shared>>)
        tpu.yield
      }) : () -> ()
      "tpu.region"() ({
        %run_scoped3A = tpu.sem_alloc : memref<!tpu.dma_semaphore, #tpu.memory_space<semaphore_mem>>
        %dma_start3A_382 = arith.constant 0 : i32
        %dma_start3A_383 = arith.constant 0 : i32
        %dma_start3A_384 = tpu.memref_slice %arg20[%dma_start3A_382, %dma_start3A_383] : memref<10240x64xf32, #tpu.memory_space<vmem_shared>> -> memref<10240x64xf32, #tpu.memory_space<vmem_shared>>
        tpu.enqueue_indirect_dma source(%arg16 : memref<128x64xf32, #tpu.memory_space<vmem>>) target(%dma_start3A_384 : memref<10240x64xf32, #tpu.memory_space<vmem_shared>>) offsets(%arg10 : memref<128xi32, #tpu.memory_space<vmem>>) semaphore(%run_scoped3A : memref<!tpu.dma_semaphore, #tpu.memory_space<semaphore_mem>>) {add = true}
        %dma_wait3A_385 = arith.constant 0 : i32
        %dma_wait3A_386 = arith.constant 0 : i32
        %dma_wait3A_387 = tpu.memref_slice %arg20[%dma_wait3A_385, %dma_wait3A_386] : memref<10240x64xf32, #tpu.memory_space<vmem_shared>> -> memref<10240x64xf32, #tpu.memory_space<vmem_shared>>
        tpu.wait_indirect_dma semaphore(%run_scoped3A : memref<!tpu.dma_semaphore, #tpu.memory_space<semaphore_mem>>) src(%arg16 : memref<128x64xf32, #tpu.memory_space<vmem>>) dst(%dma_wait3A_387 : memref<10240x64xf32, #tpu.memory_space<vmem_shared>>)
        tpu.yield
      }) : () -> ()
      %while3A_381 = arith.constant 0 : i32
      scf.yield %while3A_381 : i32
    }
    %barrier3A_62 = arith.constant 0 : index
    tpu.barrier barrier_id(%barrier3A_62)
    %add3A_63 = arith.constant 0 : i32
    %add3A_64 = arith.addi %mul3A_9, %add3A_63 : i32
    "tpu.region"() ({
      %run_scoped3A = tpu.sem_alloc : memref<!tpu.dma_semaphore, #tpu.memory_space<semaphore_mem>>
      %dma_start3A = arith.constant 0 : i32
      %dma_start3A_123 = tpu.memref_slice %arg19[%add3A_64, %dma_start3A] : memref<10240x64xf32, #tpu.memory_space<vmem_shared>> -> memref<128x64xf32, #tpu.memory_space<vmem_shared>>
      %dma_start3A_124 = arith.constant 0 : i32
      %dma_start3A_125 = tpu.memref_slice %arg19[%add3A_64, %dma_start3A_124] : memref<10240x64xf32, #tpu.memory_space<vmem_shared>> -> memref<128x64xf32, #tpu.memory_space<vmem_shared>>
      tpu.enqueue_dma source(%dma_start3A_125 : memref<128x64xf32, #tpu.memory_space<vmem_shared>>) target(%arg18 : memref<128x64xf32, #tpu.memory_space<vmem>>) target_semaphore(%run_scoped3A : memref<!tpu.dma_semaphore, #tpu.memory_space<semaphore_mem>>)
      %dma_wait3A = arith.constant 0 : i32
      %dma_wait3A_126 = tpu.memref_slice %arg19[%add3A_64, %dma_wait3A] : memref<10240x64xf32, #tpu.memory_space<vmem_shared>> -> memref<128x64xf32, #tpu.memory_space<vmem_shared>>
      %dma_wait3A_127 = arith.constant 0 : i32
      %dma_wait3A_128 = tpu.memref_slice %arg19[%add3A_64, %dma_wait3A_127] : memref<10240x64xf32, #tpu.memory_space<vmem_shared>> -> memref<128x64xf32, #tpu.memory_space<vmem_shared>>
      tpu.wait_dma2 semaphore(%run_scoped3A : memref<!tpu.dma_semaphore, #tpu.memory_space<semaphore_mem>>) src(%dma_wait3A_128 : memref<128x64xf32, #tpu.memory_space<vmem_shared>>) dst(%arg18 : memref<128x64xf32, #tpu.memory_space<vmem>>)
      tpu.yield
    }) : () -> ()
    %mul3A_65 = arith.constant 10240 : i32
    %mul3A_66 = arith.muli %arg0, %mul3A_65 : i32
    %add3A_67 = arith.addi %mul3A_66, %mul3A_9 : i32
    %add3A_68 = arith.constant 0 : i32
    %add3A_69 = arith.addi %add3A_67, %add3A_68 : i32
    "tpu.region"() ({
      %run_scoped3A = tpu.sem_alloc : memref<!tpu.dma_semaphore, #tpu.memory_space<semaphore_mem>>
      %dma_start3A = arith.constant 0 : i32
      %dma_start3A_123 = tpu.memref_slice %arg7[%add3A_69, %dma_start3A] : memref<20480x64xf32, #tpu.memory_space<hbm>> -> memref<128x64xf32, #tpu.memory_space<hbm>>
      %dma_start3A_124 = arith.constant 0 : i32
      %dma_start3A_125 = tpu.memref_slice %arg7[%add3A_69, %dma_start3A_124] : memref<20480x64xf32, #tpu.memory_space<hbm>> -> memref<128x64xf32, #tpu.memory_space<hbm>>
      tpu.enqueue_dma source(%arg18 : memref<128x64xf32, #tpu.memory_space<vmem>>) target(%dma_start3A_125 : memref<128x64xf32, #tpu.memory_space<hbm>>) target_semaphore(%run_scoped3A : memref<!tpu.dma_semaphore, #tpu.memory_space<semaphore_mem>>)
      %dma_wait3A = arith.constant 0 : i32
      %dma_wait3A_126 = tpu.memref_slice %arg7[%add3A_69, %dma_wait3A] : memref<20480x64xf32, #tpu.memory_space<hbm>> -> memref<128x64xf32, #tpu.memory_space<hbm>>
      %dma_wait3A_127 = arith.constant 0 : i32
      %dma_wait3A_128 = tpu.memref_slice %arg7[%add3A_69, %dma_wait3A_127] : memref<20480x64xf32, #tpu.memory_space<hbm>> -> memref<128x64xf32, #tpu.memory_space<hbm>>
      tpu.wait_dma2 semaphore(%run_scoped3A : memref<!tpu.dma_semaphore, #tpu.memory_space<semaphore_mem>>) src(%arg18 : memref<128x64xf32, #tpu.memory_space<vmem>>) dst(%dma_wait3A_128 : memref<128x64xf32, #tpu.memory_space<hbm>>)
      tpu.yield
    }) : () -> ()
    "tpu.region"() ({
      %run_scoped3A = tpu.sem_alloc : memref<!tpu.dma_semaphore, #tpu.memory_space<semaphore_mem>>
      %dma_start3A = arith.constant 0 : i32
      %dma_start3A_123 = tpu.memref_slice %arg20[%add3A_64, %dma_start3A] : memref<10240x64xf32, #tpu.memory_space<vmem_shared>> -> memref<128x64xf32, #tpu.memory_space<vmem_shared>>
      %dma_start3A_124 = arith.constant 0 : i32
      %dma_start3A_125 = tpu.memref_slice %arg20[%add3A_64, %dma_start3A_124] : memref<10240x64xf32, #tpu.memory_space<vmem_shared>> -> memref<128x64xf32, #tpu.memory_space<vmem_shared>>
      tpu.enqueue_dma source(%dma_start3A_125 : memref<128x64xf32, #tpu.memory_space<vmem_shared>>) target(%arg18 : memref<128x64xf32, #tpu.memory_space<vmem>>) target_semaphore(%run_scoped3A : memref<!tpu.dma_semaphore, #tpu.memory_space<semaphore_mem>>)
      %dma_wait3A = arith.constant 0 : i32
      %dma_wait3A_126 = tpu.memref_slice %arg20[%add3A_64, %dma_wait3A] : memref<10240x64xf32, #tpu.memory_space<vmem_shared>> -> memref<128x64xf32, #tpu.memory_space<vmem_shared>>
      %dma_wait3A_127 = arith.constant 0 : i32
      %dma_wait3A_128 = tpu.memref_slice %arg20[%add3A_64, %dma_wait3A_127] : memref<10240x64xf32, #tpu.memory_space<vmem_shared>> -> memref<128x64xf32, #tpu.memory_space<vmem_shared>>
      tpu.wait_dma2 semaphore(%run_scoped3A : memref<!tpu.dma_semaphore, #tpu.memory_space<semaphore_mem>>) src(%dma_wait3A_128 : memref<128x64xf32, #tpu.memory_space<vmem_shared>>) dst(%arg18 : memref<128x64xf32, #tpu.memory_space<vmem>>)
      tpu.yield
    }) : () -> ()
    %mul3A_70 = arith.constant 10240 : i32
    %mul3A_71 = arith.muli %arg0, %mul3A_70 : i32
    %add3A_72 = arith.addi %mul3A_71, %mul3A_9 : i32
    %add3A_73 = arith.constant 0 : i32
    %add3A_74 = arith.addi %add3A_72, %add3A_73 : i32
    "tpu.region"() ({
      %run_scoped3A = tpu.sem_alloc : memref<!tpu.dma_semaphore, #tpu.memory_space<semaphore_mem>>
      %dma_start3A = arith.constant 0 : i32
      %dma_start3A_123 = tpu.memref_slice %arg8[%add3A_74, %dma_start3A] : memref<20480x64xf32, #tpu.memory_space<hbm>> -> memref<128x64xf32, #tpu.memory_space<hbm>>
      %dma_start3A_124 = arith.constant 0 : i32
      %dma_start3A_125 = tpu.memref_slice %arg8[%add3A_74, %dma_start3A_124] : memref<20480x64xf32, #tpu.memory_space<hbm>> -> memref<128x64xf32, #tpu.memory_space<hbm>>
      tpu.enqueue_dma source(%arg18 : memref<128x64xf32, #tpu.memory_space<vmem>>) target(%dma_start3A_125 : memref<128x64xf32, #tpu.memory_space<hbm>>) target_semaphore(%run_scoped3A : memref<!tpu.dma_semaphore, #tpu.memory_space<semaphore_mem>>)
      %dma_wait3A = arith.constant 0 : i32
      %dma_wait3A_126 = tpu.memref_slice %arg8[%add3A_74, %dma_wait3A] : memref<20480x64xf32, #tpu.memory_space<hbm>> -> memref<128x64xf32, #tpu.memory_space<hbm>>
      %dma_wait3A_127 = arith.constant 0 : i32
      %dma_wait3A_128 = tpu.memref_slice %arg8[%add3A_74, %dma_wait3A_127] : memref<20480x64xf32, #tpu.memory_space<hbm>> -> memref<128x64xf32, #tpu.memory_space<hbm>>
      tpu.wait_dma2 semaphore(%run_scoped3A : memref<!tpu.dma_semaphore, #tpu.memory_space<semaphore_mem>>) src(%arg18 : memref<128x64xf32, #tpu.memory_space<vmem>>) dst(%dma_wait3A_128 : memref<128x64xf32, #tpu.memory_space<hbm>>)
      tpu.yield
    }) : () -> ()
    %add3A_75 = arith.constant 128 : i32
    %add3A_76 = arith.addi %mul3A_9, %add3A_75 : i32
    "tpu.region"() ({
      %run_scoped3A = tpu.sem_alloc : memref<!tpu.dma_semaphore, #tpu.memory_space<semaphore_mem>>
      %dma_start3A = arith.constant 0 : i32
      %dma_start3A_123 = tpu.memref_slice %arg19[%add3A_76, %dma_start3A] : memref<10240x64xf32, #tpu.memory_space<vmem_shared>> -> memref<128x64xf32, #tpu.memory_space<vmem_shared>>
      %dma_start3A_124 = arith.constant 0 : i32
      %dma_start3A_125 = tpu.memref_slice %arg19[%add3A_76, %dma_start3A_124] : memref<10240x64xf32, #tpu.memory_space<vmem_shared>> -> memref<128x64xf32, #tpu.memory_space<vmem_shared>>
      tpu.enqueue_dma source(%dma_start3A_125 : memref<128x64xf32, #tpu.memory_space<vmem_shared>>) target(%arg18 : memref<128x64xf32, #tpu.memory_space<vmem>>) target_semaphore(%run_scoped3A : memref<!tpu.dma_semaphore, #tpu.memory_space<semaphore_mem>>)
      %dma_wait3A = arith.constant 0 : i32
      %dma_wait3A_126 = tpu.memref_slice %arg19[%add3A_76, %dma_wait3A] : memref<10240x64xf32, #tpu.memory_space<vmem_shared>> -> memref<128x64xf32, #tpu.memory_space<vmem_shared>>
      %dma_wait3A_127 = arith.constant 0 : i32
      %dma_wait3A_128 = tpu.memref_slice %arg19[%add3A_76, %dma_wait3A_127] : memref<10240x64xf32, #tpu.memory_space<vmem_shared>> -> memref<128x64xf32, #tpu.memory_space<vmem_shared>>
      tpu.wait_dma2 semaphore(%run_scoped3A : memref<!tpu.dma_semaphore, #tpu.memory_space<semaphore_mem>>) src(%dma_wait3A_128 : memref<128x64xf32, #tpu.memory_space<vmem_shared>>) dst(%arg18 : memref<128x64xf32, #tpu.memory_space<vmem>>)
      tpu.yield
    }) : () -> ()
    %mul3A_77 = arith.constant 10240 : i32
    %mul3A_78 = arith.muli %arg0, %mul3A_77 : i32
    %add3A_79 = arith.addi %mul3A_78, %mul3A_9 : i32
    %add3A_80 = arith.constant 128 : i32
    %add3A_81 = arith.addi %add3A_79, %add3A_80 : i32
    "tpu.region"() ({
      %run_scoped3A = tpu.sem_alloc : memref<!tpu.dma_semaphore, #tpu.memory_space<semaphore_mem>>
      %dma_start3A = arith.constant 0 : i32
      %dma_start3A_123 = tpu.memref_slice %arg7[%add3A_81, %dma_start3A] : memref<20480x64xf32, #tpu.memory_space<hbm>> -> memref<128x64xf32, #tpu.memory_space<hbm>>
      %dma_start3A_124 = arith.constant 0 : i32
      %dma_start3A_125 = tpu.memref_slice %arg7[%add3A_81, %dma_start3A_124] : memref<20480x64xf32, #tpu.memory_space<hbm>> -> memref<128x64xf32, #tpu.memory_space<hbm>>
      tpu.enqueue_dma source(%arg18 : memref<128x64xf32, #tpu.memory_space<vmem>>) target(%dma_start3A_125 : memref<128x64xf32, #tpu.memory_space<hbm>>) target_semaphore(%run_scoped3A : memref<!tpu.dma_semaphore, #tpu.memory_space<semaphore_mem>>)
      %dma_wait3A = arith.constant 0 : i32
      %dma_wait3A_126 = tpu.memref_slice %arg7[%add3A_81, %dma_wait3A] : memref<20480x64xf32, #tpu.memory_space<hbm>> -> memref<128x64xf32, #tpu.memory_space<hbm>>
      %dma_wait3A_127 = arith.constant 0 : i32
      %dma_wait3A_128 = tpu.memref_slice %arg7[%add3A_81, %dma_wait3A_127] : memref<20480x64xf32, #tpu.memory_space<hbm>> -> memref<128x64xf32, #tpu.memory_space<hbm>>
      tpu.wait_dma2 semaphore(%run_scoped3A : memref<!tpu.dma_semaphore, #tpu.memory_space<semaphore_mem>>) src(%arg18 : memref<128x64xf32, #tpu.memory_space<vmem>>) dst(%dma_wait3A_128 : memref<128x64xf32, #tpu.memory_space<hbm>>)
      tpu.yield
    }) : () -> ()
    "tpu.region"() ({
      %run_scoped3A = tpu.sem_alloc : memref<!tpu.dma_semaphore, #tpu.memory_space<semaphore_mem>>
      %dma_start3A = arith.constant 0 : i32
      %dma_start3A_123 = tpu.memref_slice %arg20[%add3A_76, %dma_start3A] : memref<10240x64xf32, #tpu.memory_space<vmem_shared>> -> memref<128x64xf32, #tpu.memory_space<vmem_shared>>
      %dma_start3A_124 = arith.constant 0 : i32
      %dma_start3A_125 = tpu.memref_slice %arg20[%add3A_76, %dma_start3A_124] : memref<10240x64xf32, #tpu.memory_space<vmem_shared>> -> memref<128x64xf32, #tpu.memory_space<vmem_shared>>
      tpu.enqueue_dma source(%dma_start3A_125 : memref<128x64xf32, #tpu.memory_space<vmem_shared>>) target(%arg18 : memref<128x64xf32, #tpu.memory_space<vmem>>) target_semaphore(%run_scoped3A : memref<!tpu.dma_semaphore, #tpu.memory_space<semaphore_mem>>)
      %dma_wait3A = arith.constant 0 : i32
      %dma_wait3A_126 = tpu.memref_slice %arg20[%add3A_76, %dma_wait3A] : memref<10240x64xf32, #tpu.memory_space<vmem_shared>> -> memref<128x64xf32, #tpu.memory_space<vmem_shared>>
      %dma_wait3A_127 = arith.constant 0 : i32
      %dma_wait3A_128 = tpu.memref_slice %arg20[%add3A_76, %dma_wait3A_127] : memref<10240x64xf32, #tpu.memory_space<vmem_shared>> -> memref<128x64xf32, #tpu.memory_space<vmem_shared>>
      tpu.wait_dma2 semaphore(%run_scoped3A : memref<!tpu.dma_semaphore, #tpu.memory_space<semaphore_mem>>) src(%dma_wait3A_128 : memref<128x64xf32, #tpu.memory_space<vmem_shared>>) dst(%arg18 : memref<128x64xf32, #tpu.memory_space<vmem>>)
      tpu.yield
    }) : () -> ()
    %mul3A_82 = arith.constant 10240 : i32
    %mul3A_83 = arith.muli %arg0, %mul3A_82 : i32
    %add3A_84 = arith.addi %mul3A_83, %mul3A_9 : i32
    %add3A_85 = arith.constant 128 : i32
    %add3A_86 = arith.addi %add3A_84, %add3A_85 : i32
    "tpu.region"() ({
      %run_scoped3A = tpu.sem_alloc : memref<!tpu.dma_semaphore, #tpu.memory_space<semaphore_mem>>
      %dma_start3A = arith.constant 0 : i32
      %dma_start3A_123 = tpu.memref_slice %arg8[%add3A_86, %dma_start3A] : memref<20480x64xf32, #tpu.memory_space<hbm>> -> memref<128x64xf32, #tpu.memory_space<hbm>>
      %dma_start3A_124 = arith.constant 0 : i32
      %dma_start3A_125 = tpu.memref_slice %arg8[%add3A_86, %dma_start3A_124] : memref<20480x64xf32, #tpu.memory_space<hbm>> -> memref<128x64xf32, #tpu.memory_space<hbm>>
      tpu.enqueue_dma source(%arg18 : memref<128x64xf32, #tpu.memory_space<vmem>>) target(%dma_start3A_125 : memref<128x64xf32, #tpu.memory_space<hbm>>) target_semaphore(%run_scoped3A : memref<!tpu.dma_semaphore, #tpu.memory_space<semaphore_mem>>)
      %dma_wait3A = arith.constant 0 : i32
      %dma_wait3A_126 = tpu.memref_slice %arg8[%add3A_86, %dma_wait3A] : memref<20480x64xf32, #tpu.memory_space<hbm>> -> memref<128x64xf32, #tpu.memory_space<hbm>>
      %dma_wait3A_127 = arith.constant 0 : i32
      %dma_wait3A_128 = tpu.memref_slice %arg8[%add3A_86, %dma_wait3A_127] : memref<20480x64xf32, #tpu.memory_space<hbm>> -> memref<128x64xf32, #tpu.memory_space<hbm>>
      tpu.wait_dma2 semaphore(%run_scoped3A : memref<!tpu.dma_semaphore, #tpu.memory_space<semaphore_mem>>) src(%arg18 : memref<128x64xf32, #tpu.memory_space<vmem>>) dst(%dma_wait3A_128 : memref<128x64xf32, #tpu.memory_space<hbm>>)
      tpu.yield
    }) : () -> ()
    %add3A_87 = arith.constant 256 : i32
    %add3A_88 = arith.addi %mul3A_9, %add3A_87 : i32
    "tpu.region"() ({
      %run_scoped3A = tpu.sem_alloc : memref<!tpu.dma_semaphore, #tpu.memory_space<semaphore_mem>>
      %dma_start3A = arith.constant 0 : i32
      %dma_start3A_123 = tpu.memref_slice %arg19[%add3A_88, %dma_start3A] : memref<10240x64xf32, #tpu.memory_space<vmem_shared>> -> memref<128x64xf32, #tpu.memory_space<vmem_shared>>
      %dma_start3A_124 = arith.constant 0 : i32
      %dma_start3A_125 = tpu.memref_slice %arg19[%add3A_88, %dma_start3A_124] : memref<10240x64xf32, #tpu.memory_space<vmem_shared>> -> memref<128x64xf32, #tpu.memory_space<vmem_shared>>
      tpu.enqueue_dma source(%dma_start3A_125 : memref<128x64xf32, #tpu.memory_space<vmem_shared>>) target(%arg18 : memref<128x64xf32, #tpu.memory_space<vmem>>) target_semaphore(%run_scoped3A : memref<!tpu.dma_semaphore, #tpu.memory_space<semaphore_mem>>)
      %dma_wait3A = arith.constant 0 : i32
      %dma_wait3A_126 = tpu.memref_slice %arg19[%add3A_88, %dma_wait3A] : memref<10240x64xf32, #tpu.memory_space<vmem_shared>> -> memref<128x64xf32, #tpu.memory_space<vmem_shared>>
      %dma_wait3A_127 = arith.constant 0 : i32
      %dma_wait3A_128 = tpu.memref_slice %arg19[%add3A_88, %dma_wait3A_127] : memref<10240x64xf32, #tpu.memory_space<vmem_shared>> -> memref<128x64xf32, #tpu.memory_space<vmem_shared>>
      tpu.wait_dma2 semaphore(%run_scoped3A : memref<!tpu.dma_semaphore, #tpu.memory_space<semaphore_mem>>) src(%dma_wait3A_128 : memref<128x64xf32, #tpu.memory_space<vmem_shared>>) dst(%arg18 : memref<128x64xf32, #tpu.memory_space<vmem>>)
      tpu.yield
    }) : () -> ()
    %mul3A_89 = arith.constant 10240 : i32
    %mul3A_90 = arith.muli %arg0, %mul3A_89 : i32
    %add3A_91 = arith.addi %mul3A_90, %mul3A_9 : i32
    %add3A_92 = arith.constant 256 : i32
    %add3A_93 = arith.addi %add3A_91, %add3A_92 : i32
    "tpu.region"() ({
      %run_scoped3A = tpu.sem_alloc : memref<!tpu.dma_semaphore, #tpu.memory_space<semaphore_mem>>
      %dma_start3A = arith.constant 0 : i32
      %dma_start3A_123 = tpu.memref_slice %arg7[%add3A_93, %dma_start3A] : memref<20480x64xf32, #tpu.memory_space<hbm>> -> memref<128x64xf32, #tpu.memory_space<hbm>>
      %dma_start3A_124 = arith.constant 0 : i32
      %dma_start3A_125 = tpu.memref_slice %arg7[%add3A_93, %dma_start3A_124] : memref<20480x64xf32, #tpu.memory_space<hbm>> -> memref<128x64xf32, #tpu.memory_space<hbm>>
      tpu.enqueue_dma source(%arg18 : memref<128x64xf32, #tpu.memory_space<vmem>>) target(%dma_start3A_125 : memref<128x64xf32, #tpu.memory_space<hbm>>) target_semaphore(%run_scoped3A : memref<!tpu.dma_semaphore, #tpu.memory_space<semaphore_mem>>)
      %dma_wait3A = arith.constant 0 : i32
      %dma_wait3A_126 = tpu.memref_slice %arg7[%add3A_93, %dma_wait3A] : memref<20480x64xf32, #tpu.memory_space<hbm>> -> memref<128x64xf32, #tpu.memory_space<hbm>>
      %dma_wait3A_127 = arith.constant 0 : i32
      %dma_wait3A_128 = tpu.memref_slice %arg7[%add3A_93, %dma_wait3A_127] : memref<20480x64xf32, #tpu.memory_space<hbm>> -> memref<128x64xf32, #tpu.memory_space<hbm>>
      tpu.wait_dma2 semaphore(%run_scoped3A : memref<!tpu.dma_semaphore, #tpu.memory_space<semaphore_mem>>) src(%arg18 : memref<128x64xf32, #tpu.memory_space<vmem>>) dst(%dma_wait3A_128 : memref<128x64xf32, #tpu.memory_space<hbm>>)
      tpu.yield
    }) : () -> ()
    "tpu.region"() ({
      %run_scoped3A = tpu.sem_alloc : memref<!tpu.dma_semaphore, #tpu.memory_space<semaphore_mem>>
      %dma_start3A = arith.constant 0 : i32
      %dma_start3A_123 = tpu.memref_slice %arg20[%add3A_88, %dma_start3A] : memref<10240x64xf32, #tpu.memory_space<vmem_shared>> -> memref<128x64xf32, #tpu.memory_space<vmem_shared>>
      %dma_start3A_124 = arith.constant 0 : i32
      %dma_start3A_125 = tpu.memref_slice %arg20[%add3A_88, %dma_start3A_124] : memref<10240x64xf32, #tpu.memory_space<vmem_shared>> -> memref<128x64xf32, #tpu.memory_space<vmem_shared>>
      tpu.enqueue_dma source(%dma_start3A_125 : memref<128x64xf32, #tpu.memory_space<vmem_shared>>) target(%arg18 : memref<128x64xf32, #tpu.memory_space<vmem>>) target_semaphore(%run_scoped3A : memref<!tpu.dma_semaphore, #tpu.memory_space<semaphore_mem>>)
      %dma_wait3A = arith.constant 0 : i32
      %dma_wait3A_126 = tpu.memref_slice %arg20[%add3A_88, %dma_wait3A] : memref<10240x64xf32, #tpu.memory_space<vmem_shared>> -> memref<128x64xf32, #tpu.memory_space<vmem_shared>>
      %dma_wait3A_127 = arith.constant 0 : i32
      %dma_wait3A_128 = tpu.memref_slice %arg20[%add3A_88, %dma_wait3A_127] : memref<10240x64xf32, #tpu.memory_space<vmem_shared>> -> memref<128x64xf32, #tpu.memory_space<vmem_shared>>
      tpu.wait_dma2 semaphore(%run_scoped3A : memref<!tpu.dma_semaphore, #tpu.memory_space<semaphore_mem>>) src(%dma_wait3A_128 : memref<128x64xf32, #tpu.memory_space<vmem_shared>>) dst(%arg18 : memref<128x64xf32, #tpu.memory_space<vmem>>)
      tpu.yield
    }) : () -> ()
    %mul3A_94 = arith.constant 10240 : i32
    %mul3A_95 = arith.muli %arg0, %mul3A_94 : i32
    %add3A_96 = arith.addi %mul3A_95, %mul3A_9 : i32
    %add3A_97 = arith.constant 256 : i32
    %add3A_98 = arith.addi %add3A_96, %add3A_97 : i32
    "tpu.region"() ({
      %run_scoped3A = tpu.sem_alloc : memref<!tpu.dma_semaphore, #tpu.memory_space<semaphore_mem>>
      %dma_start3A = arith.constant 0 : i32
      %dma_start3A_123 = tpu.memref_slice %arg8[%add3A_98, %dma_start3A] : memref<20480x64xf32, #tpu.memory_space<hbm>> -> memref<128x64xf32, #tpu.memory_space<hbm>>
      %dma_start3A_124 = arith.constant 0 : i32
      %dma_start3A_125 = tpu.memref_slice %arg8[%add3A_98, %dma_start3A_124] : memref<20480x64xf32, #tpu.memory_space<hbm>> -> memref<128x64xf32, #tpu.memory_space<hbm>>
      tpu.enqueue_dma source(%arg18 : memref<128x64xf32, #tpu.memory_space<vmem>>) target(%dma_start3A_125 : memref<128x64xf32, #tpu.memory_space<hbm>>) target_semaphore(%run_scoped3A : memref<!tpu.dma_semaphore, #tpu.memory_space<semaphore_mem>>)
      %dma_wait3A = arith.constant 0 : i32
      %dma_wait3A_126 = tpu.memref_slice %arg8[%add3A_98, %dma_wait3A] : memref<20480x64xf32, #tpu.memory_space<hbm>> -> memref<128x64xf32, #tpu.memory_space<hbm>>
      %dma_wait3A_127 = arith.constant 0 : i32
      %dma_wait3A_128 = tpu.memref_slice %arg8[%add3A_98, %dma_wait3A_127] : memref<20480x64xf32, #tpu.memory_space<hbm>> -> memref<128x64xf32, #tpu.memory_space<hbm>>
      tpu.wait_dma2 semaphore(%run_scoped3A : memref<!tpu.dma_semaphore, #tpu.memory_space<semaphore_mem>>) src(%arg18 : memref<128x64xf32, #tpu.memory_space<vmem>>) dst(%dma_wait3A_128 : memref<128x64xf32, #tpu.memory_space<hbm>>)
      tpu.yield
    }) : () -> ()
    %add3A_99 = arith.constant 384 : i32
    %add3A_100 = arith.addi %mul3A_9, %add3A_99 : i32
    "tpu.region"() ({
      %run_scoped3A = tpu.sem_alloc : memref<!tpu.dma_semaphore, #tpu.memory_space<semaphore_mem>>
      %dma_start3A = arith.constant 0 : i32
      %dma_start3A_123 = tpu.memref_slice %arg19[%add3A_100, %dma_start3A] : memref<10240x64xf32, #tpu.memory_space<vmem_shared>> -> memref<128x64xf32, #tpu.memory_space<vmem_shared>>
      %dma_start3A_124 = arith.constant 0 : i32
      %dma_start3A_125 = tpu.memref_slice %arg19[%add3A_100, %dma_start3A_124] : memref<10240x64xf32, #tpu.memory_space<vmem_shared>> -> memref<128x64xf32, #tpu.memory_space<vmem_shared>>
      tpu.enqueue_dma source(%dma_start3A_125 : memref<128x64xf32, #tpu.memory_space<vmem_shared>>) target(%arg18 : memref<128x64xf32, #tpu.memory_space<vmem>>) target_semaphore(%run_scoped3A : memref<!tpu.dma_semaphore, #tpu.memory_space<semaphore_mem>>)
      %dma_wait3A = arith.constant 0 : i32
      %dma_wait3A_126 = tpu.memref_slice %arg19[%add3A_100, %dma_wait3A] : memref<10240x64xf32, #tpu.memory_space<vmem_shared>> -> memref<128x64xf32, #tpu.memory_space<vmem_shared>>
      %dma_wait3A_127 = arith.constant 0 : i32
      %dma_wait3A_128 = tpu.memref_slice %arg19[%add3A_100, %dma_wait3A_127] : memref<10240x64xf32, #tpu.memory_space<vmem_shared>> -> memref<128x64xf32, #tpu.memory_space<vmem_shared>>
      tpu.wait_dma2 semaphore(%run_scoped3A : memref<!tpu.dma_semaphore, #tpu.memory_space<semaphore_mem>>) src(%dma_wait3A_128 : memref<128x64xf32, #tpu.memory_space<vmem_shared>>) dst(%arg18 : memref<128x64xf32, #tpu.memory_space<vmem>>)
      tpu.yield
    }) : () -> ()
    %mul3A_101 = arith.constant 10240 : i32
    %mul3A_102 = arith.muli %arg0, %mul3A_101 : i32
    %add3A_103 = arith.addi %mul3A_102, %mul3A_9 : i32
    %add3A_104 = arith.constant 384 : i32
    %add3A_105 = arith.addi %add3A_103, %add3A_104 : i32
    "tpu.region"() ({
      %run_scoped3A = tpu.sem_alloc : memref<!tpu.dma_semaphore, #tpu.memory_space<semaphore_mem>>
      %dma_start3A = arith.constant 0 : i32
      %dma_start3A_123 = tpu.memref_slice %arg7[%add3A_105, %dma_start3A] : memref<20480x64xf32, #tpu.memory_space<hbm>> -> memref<128x64xf32, #tpu.memory_space<hbm>>
      %dma_start3A_124 = arith.constant 0 : i32
      %dma_start3A_125 = tpu.memref_slice %arg7[%add3A_105, %dma_start3A_124] : memref<20480x64xf32, #tpu.memory_space<hbm>> -> memref<128x64xf32, #tpu.memory_space<hbm>>
      tpu.enqueue_dma source(%arg18 : memref<128x64xf32, #tpu.memory_space<vmem>>) target(%dma_start3A_125 : memref<128x64xf32, #tpu.memory_space<hbm>>) target_semaphore(%run_scoped3A : memref<!tpu.dma_semaphore, #tpu.memory_space<semaphore_mem>>)
      %dma_wait3A = arith.constant 0 : i32
      %dma_wait3A_126 = tpu.memref_slice %arg7[%add3A_105, %dma_wait3A] : memref<20480x64xf32, #tpu.memory_space<hbm>> -> memref<128x64xf32, #tpu.memory_space<hbm>>
      %dma_wait3A_127 = arith.constant 0 : i32
      %dma_wait3A_128 = tpu.memref_slice %arg7[%add3A_105, %dma_wait3A_127] : memref<20480x64xf32, #tpu.memory_space<hbm>> -> memref<128x64xf32, #tpu.memory_space<hbm>>
      tpu.wait_dma2 semaphore(%run_scoped3A : memref<!tpu.dma_semaphore, #tpu.memory_space<semaphore_mem>>) src(%arg18 : memref<128x64xf32, #tpu.memory_space<vmem>>) dst(%dma_wait3A_128 : memref<128x64xf32, #tpu.memory_space<hbm>>)
      tpu.yield
    }) : () -> ()
    "tpu.region"() ({
      %run_scoped3A = tpu.sem_alloc : memref<!tpu.dma_semaphore, #tpu.memory_space<semaphore_mem>>
      %dma_start3A = arith.constant 0 : i32
      %dma_start3A_123 = tpu.memref_slice %arg20[%add3A_100, %dma_start3A] : memref<10240x64xf32, #tpu.memory_space<vmem_shared>> -> memref<128x64xf32, #tpu.memory_space<vmem_shared>>
      %dma_start3A_124 = arith.constant 0 : i32
      %dma_start3A_125 = tpu.memref_slice %arg20[%add3A_100, %dma_start3A_124] : memref<10240x64xf32, #tpu.memory_space<vmem_shared>> -> memref<128x64xf32, #tpu.memory_space<vmem_shared>>
      tpu.enqueue_dma source(%dma_start3A_125 : memref<128x64xf32, #tpu.memory_space<vmem_shared>>) target(%arg18 : memref<128x64xf32, #tpu.memory_space<vmem>>) target_semaphore(%run_scoped3A : memref<!tpu.dma_semaphore, #tpu.memory_space<semaphore_mem>>)
      %dma_wait3A = arith.constant 0 : i32
      %dma_wait3A_126 = tpu.memref_slice %arg20[%add3A_100, %dma_wait3A] : memref<10240x64xf32, #tpu.memory_space<vmem_shared>> -> memref<128x64xf32, #tpu.memory_space<vmem_shared>>
      %dma_wait3A_127 = arith.constant 0 : i32
      %dma_wait3A_128 = tpu.memref_slice %arg20[%add3A_100, %dma_wait3A_127] : memref<10240x64xf32, #tpu.memory_space<vmem_shared>> -> memref<128x64xf32, #tpu.memory_space<vmem_shared>>
      tpu.wait_dma2 semaphore(%run_scoped3A : memref<!tpu.dma_semaphore, #tpu.memory_space<semaphore_mem>>) src(%dma_wait3A_128 : memref<128x64xf32, #tpu.memory_space<vmem_shared>>) dst(%arg18 : memref<128x64xf32, #tpu.memory_space<vmem>>)
      tpu.yield
    }) : () -> ()
    %mul3A_106 = arith.constant 10240 : i32
    %mul3A_107 = arith.muli %arg0, %mul3A_106 : i32
    %add3A_108 = arith.addi %mul3A_107, %mul3A_9 : i32
    %add3A_109 = arith.constant 384 : i32
    %add3A_110 = arith.addi %add3A_108, %add3A_109 : i32
    "tpu.region"() ({
      %run_scoped3A = tpu.sem_alloc : memref<!tpu.dma_semaphore, #tpu.memory_space<semaphore_mem>>
      %dma_start3A = arith.constant 0 : i32
      %dma_start3A_123 = tpu.memref_slice %arg8[%add3A_110, %dma_start3A] : memref<20480x64xf32, #tpu.memory_space<hbm>> -> memref<128x64xf32, #tpu.memory_space<hbm>>
      %dma_start3A_124 = arith.constant 0 : i32
      %dma_start3A_125 = tpu.memref_slice %arg8[%add3A_110, %dma_start3A_124] : memref<20480x64xf32, #tpu.memory_space<hbm>> -> memref<128x64xf32, #tpu.memory_space<hbm>>
      tpu.enqueue_dma source(%arg18 : memref<128x64xf32, #tpu.memory_space<vmem>>) target(%dma_start3A_125 : memref<128x64xf32, #tpu.memory_space<hbm>>) target_semaphore(%run_scoped3A : memref<!tpu.dma_semaphore, #tpu.memory_space<semaphore_mem>>)
      %dma_wait3A = arith.constant 0 : i32
      %dma_wait3A_126 = tpu.memref_slice %arg8[%add3A_110, %dma_wait3A] : memref<20480x64xf32, #tpu.memory_space<hbm>> -> memref<128x64xf32, #tpu.memory_space<hbm>>
      %dma_wait3A_127 = arith.constant 0 : i32
      %dma_wait3A_128 = tpu.memref_slice %arg8[%add3A_110, %dma_wait3A_127] : memref<20480x64xf32, #tpu.memory_space<hbm>> -> memref<128x64xf32, #tpu.memory_space<hbm>>
      tpu.wait_dma2 semaphore(%run_scoped3A : memref<!tpu.dma_semaphore, #tpu.memory_space<semaphore_mem>>) src(%arg18 : memref<128x64xf32, #tpu.memory_space<vmem>>) dst(%dma_wait3A_128 : memref<128x64xf32, #tpu.memory_space<hbm>>)
      tpu.yield
    }) : () -> ()
    %add3A_111 = arith.constant 512 : i32
    %add3A_112 = arith.addi %mul3A_9, %add3A_111 : i32
    "tpu.region"() ({
      %run_scoped3A = tpu.sem_alloc : memref<!tpu.dma_semaphore, #tpu.memory_space<semaphore_mem>>
      %dma_start3A = arith.constant 0 : i32
      %dma_start3A_123 = tpu.memref_slice %arg19[%add3A_112, %dma_start3A] : memref<10240x64xf32, #tpu.memory_space<vmem_shared>> -> memref<128x64xf32, #tpu.memory_space<vmem_shared>>
      %dma_start3A_124 = arith.constant 0 : i32
      %dma_start3A_125 = tpu.memref_slice %arg19[%add3A_112, %dma_start3A_124] : memref<10240x64xf32, #tpu.memory_space<vmem_shared>> -> memref<128x64xf32, #tpu.memory_space<vmem_shared>>
      tpu.enqueue_dma source(%dma_start3A_125 : memref<128x64xf32, #tpu.memory_space<vmem_shared>>) target(%arg18 : memref<128x64xf32, #tpu.memory_space<vmem>>) target_semaphore(%run_scoped3A : memref<!tpu.dma_semaphore, #tpu.memory_space<semaphore_mem>>)
      %dma_wait3A = arith.constant 0 : i32
      %dma_wait3A_126 = tpu.memref_slice %arg19[%add3A_112, %dma_wait3A] : memref<10240x64xf32, #tpu.memory_space<vmem_shared>> -> memref<128x64xf32, #tpu.memory_space<vmem_shared>>
      %dma_wait3A_127 = arith.constant 0 : i32
      %dma_wait3A_128 = tpu.memref_slice %arg19[%add3A_112, %dma_wait3A_127] : memref<10240x64xf32, #tpu.memory_space<vmem_shared>> -> memref<128x64xf32, #tpu.memory_space<vmem_shared>>
      tpu.wait_dma2 semaphore(%run_scoped3A : memref<!tpu.dma_semaphore, #tpu.memory_space<semaphore_mem>>) src(%dma_wait3A_128 : memref<128x64xf32, #tpu.memory_space<vmem_shared>>) dst(%arg18 : memref<128x64xf32, #tpu.memory_space<vmem>>)
      tpu.yield
    }) : () -> ()
    %mul3A_113 = arith.constant 10240 : i32
    %mul3A_114 = arith.muli %arg0, %mul3A_113 : i32
    %add3A_115 = arith.addi %mul3A_114, %mul3A_9 : i32
    %add3A_116 = arith.constant 512 : i32
    %add3A_117 = arith.addi %add3A_115, %add3A_116 : i32
    "tpu.region"() ({
      %run_scoped3A = tpu.sem_alloc : memref<!tpu.dma_semaphore, #tpu.memory_space<semaphore_mem>>
      %dma_start3A = arith.constant 0 : i32
      %dma_start3A_123 = tpu.memref_slice %arg7[%add3A_117, %dma_start3A] : memref<20480x64xf32, #tpu.memory_space<hbm>> -> memref<128x64xf32, #tpu.memory_space<hbm>>
      %dma_start3A_124 = arith.constant 0 : i32
      %dma_start3A_125 = tpu.memref_slice %arg7[%add3A_117, %dma_start3A_124] : memref<20480x64xf32, #tpu.memory_space<hbm>> -> memref<128x64xf32, #tpu.memory_space<hbm>>
      tpu.enqueue_dma source(%arg18 : memref<128x64xf32, #tpu.memory_space<vmem>>) target(%dma_start3A_125 : memref<128x64xf32, #tpu.memory_space<hbm>>) target_semaphore(%run_scoped3A : memref<!tpu.dma_semaphore, #tpu.memory_space<semaphore_mem>>)
      %dma_wait3A = arith.constant 0 : i32
      %dma_wait3A_126 = tpu.memref_slice %arg7[%add3A_117, %dma_wait3A] : memref<20480x64xf32, #tpu.memory_space<hbm>> -> memref<128x64xf32, #tpu.memory_space<hbm>>
      %dma_wait3A_127 = arith.constant 0 : i32
      %dma_wait3A_128 = tpu.memref_slice %arg7[%add3A_117, %dma_wait3A_127] : memref<20480x64xf32, #tpu.memory_space<hbm>> -> memref<128x64xf32, #tpu.memory_space<hbm>>
      tpu.wait_dma2 semaphore(%run_scoped3A : memref<!tpu.dma_semaphore, #tpu.memory_space<semaphore_mem>>) src(%arg18 : memref<128x64xf32, #tpu.memory_space<vmem>>) dst(%dma_wait3A_128 : memref<128x64xf32, #tpu.memory_space<hbm>>)
      tpu.yield
    }) : () -> ()
    "tpu.region"() ({
      %run_scoped3A = tpu.sem_alloc : memref<!tpu.dma_semaphore, #tpu.memory_space<semaphore_mem>>
      %dma_start3A = arith.constant 0 : i32
      %dma_start3A_123 = tpu.memref_slice %arg20[%add3A_112, %dma_start3A] : memref<10240x64xf32, #tpu.memory_space<vmem_shared>> -> memref<128x64xf32, #tpu.memory_space<vmem_shared>>
      %dma_start3A_124 = arith.constant 0 : i32
      %dma_start3A_125 = tpu.memref_slice %arg20[%add3A_112, %dma_start3A_124] : memref<10240x64xf32, #tpu.memory_space<vmem_shared>> -> memref<128x64xf32, #tpu.memory_space<vmem_shared>>
      tpu.enqueue_dma source(%dma_start3A_125 : memref<128x64xf32, #tpu.memory_space<vmem_shared>>) target(%arg18 : memref<128x64xf32, #tpu.memory_space<vmem>>) target_semaphore(%run_scoped3A : memref<!tpu.dma_semaphore, #tpu.memory_space<semaphore_mem>>)
      %dma_wait3A = arith.constant 0 : i32
      %dma_wait3A_126 = tpu.memref_slice %arg20[%add3A_112, %dma_wait3A] : memref<10240x64xf32, #tpu.memory_space<vmem_shared>> -> memref<128x64xf32, #tpu.memory_space<vmem_shared>>
      %dma_wait3A_127 = arith.constant 0 : i32
      %dma_wait3A_128 = tpu.memref_slice %arg20[%add3A_112, %dma_wait3A_127] : memref<10240x64xf32, #tpu.memory_space<vmem_shared>> -> memref<128x64xf32, #tpu.memory_space<vmem_shared>>
      tpu.wait_dma2 semaphore(%run_scoped3A : memref<!tpu.dma_semaphore, #tpu.memory_space<semaphore_mem>>) src(%dma_wait3A_128 : memref<128x64xf32, #tpu.memory_space<vmem_shared>>) dst(%arg18 : memref<128x64xf32, #tpu.memory_space<vmem>>)
      tpu.yield
    }) : () -> ()
    %mul3A_118 = arith.constant 10240 : i32
    %mul3A_119 = arith.muli %arg0, %mul3A_118 : i32
    %add3A_120 = arith.addi %mul3A_119, %mul3A_9 : i32
    %add3A_121 = arith.constant 512 : i32
    %add3A_122 = arith.addi %add3A_120, %add3A_121 : i32
    "tpu.region"() ({
      %run_scoped3A = tpu.sem_alloc : memref<!tpu.dma_semaphore, #tpu.memory_space<semaphore_mem>>
      %dma_start3A = arith.constant 0 : i32
      %dma_start3A_123 = tpu.memref_slice %arg8[%add3A_122, %dma_start3A] : memref<20480x64xf32, #tpu.memory_space<hbm>> -> memref<128x64xf32, #tpu.memory_space<hbm>>
      %dma_start3A_124 = arith.constant 0 : i32
      %dma_start3A_125 = tpu.memref_slice %arg8[%add3A_122, %dma_start3A_124] : memref<20480x64xf32, #tpu.memory_space<hbm>> -> memref<128x64xf32, #tpu.memory_space<hbm>>
      tpu.enqueue_dma source(%arg18 : memref<128x64xf32, #tpu.memory_space<vmem>>) target(%dma_start3A_125 : memref<128x64xf32, #tpu.memory_space<hbm>>) target_semaphore(%run_scoped3A : memref<!tpu.dma_semaphore, #tpu.memory_space<semaphore_mem>>)
      %dma_wait3A = arith.constant 0 : i32
      %dma_wait3A_126 = tpu.memref_slice %arg8[%add3A_122, %dma_wait3A] : memref<20480x64xf32, #tpu.memory_space<hbm>> -> memref<128x64xf32, #tpu.memory_space<hbm>>
      %dma_wait3A_127 = arith.constant 0 : i32
      %dma_wait3A_128 = tpu.memref_slice %arg8[%add3A_122, %dma_wait3A_127] : memref<20480x64xf32, #tpu.memory_space<hbm>> -> memref<128x64xf32, #tpu.memory_space<hbm>>
      tpu.wait_dma2 semaphore(%run_scoped3A : memref<!tpu.dma_semaphore, #tpu.memory_space<semaphore_mem>>) src(%arg18 : memref<128x64xf32, #tpu.memory_space<vmem>>) dst(%dma_wait3A_128 : memref<128x64xf32, #tpu.memory_space<hbm>>)
      tpu.yield
    }) : () -> ()
    return
  }
}

#map = affine_map<(d0, d1) -> (0, 0)>
#map1 = affine_map<(d0, d1) -> (0)>
module attributes {stable_mosaic.version = 14 : i64} {
  func.func @_edge_sc_body(%arg0: i32, %arg1: i32, %arg2: memref<60000x64xf32, #tpu.memory_space<hbm>>, %arg3: memref<640000x64xf32, #tpu.memory_space<hbm>>, %arg4: memref<320000xi32, #tpu.memory_space<hbm>>, %arg5: memref<320000xi32, #tpu.memory_space<hbm>>, %arg6: memref<640000x64xf32, #tpu.memory_space<hbm>>, %arg7: memref<20480x64xf32, #tpu.memory_space<hbm>>, %arg8: memref<20480x64xf32, #tpu.memory_space<hbm>>, %arg9: memref<128xi32, #tpu.memory_space<vmem>>, %arg10: memref<128xi32, #tpu.memory_space<vmem>>, %arg11: memref<128xi32, #tpu.memory_space<vmem>>, %arg12: memref<128xi32, #tpu.memory_space<vmem>>, %arg13: memref<128xi32, #tpu.memory_space<vmem>>, %arg14: memref<128x64xf32, #tpu.memory_space<vmem>>, %arg15: memref<128x64xf32, #tpu.memory_space<vmem>>, %arg16: memref<128x64xf32, #tpu.memory_space<vmem>>, %arg17: memref<128x64xf32, #tpu.memory_space<vmem>>, %arg18: memref<128x64xf32, #tpu.memory_space<vmem>>, %arg19: memref<10240x64xf32, #tpu.memory_space<vmem_shared>>, %arg20: memref<10240x64xf32, #tpu.memory_space<vmem_shared>>, %arg21: memref<!tpu.dma_semaphore, #tpu.memory_space<semaphore_mem>>) attributes {dimension_semantics = [#tpu.dimension_semantics<core_parallel>, #tpu.dimension_semantics<subcore_parallel>], iteration_bounds = array<i64: 2, 16>, scalar_prefetch = 0 : i64, scratch_operands = 13 : i64, tpu.core_type = #tpu.core_type<sc_vector_subcore>, window_params = [{transform_indices = #map}, {transform_indices = #map}, {transform_indices = #map1}, {transform_indices = #map1}, {transform_indices = #map}, {transform_indices = #map}, {transform_indices = #map}]} {
    %mul3A = arith.constant 30000 : i32
    %mul3A_0 = arith.muli %arg0, %mul3A : i32
    %broadcast_in_dim3A = arith.constant 0.000000e+00 : f32
    %broadcast_in_dim3A_1 = vector.broadcast %broadcast_in_dim3A : f32 to vector<16xf32>
    %scan3A = arith.constant 0 : i32
    %scan3A_2 = arith.constant 0 : i32
    %scan3A_3 = arith.constant 128 : i32
    %scan3A_4 = arith.addi %scan3A_2, %scan3A_3 : i32
    %scan3A_5 = arith.constant 1 : i32
    %scan3A_6 = scf.for %scan3A_123 = %scan3A_2 to %scan3A_4 step %scan3A_5 iter_args(%scan3A_124 = %scan3A) -> (i32)  : i32 {
      %swap3A = arith.index_cast %scan3A_123 : i32 to index
      %swap3A_125 = arith.constant 0 : index
      %swap3A_126 = tpu.vector_load %arg18[%swap3A, %swap3A_125] {strides = array<i32>} : memref<128x64xf32, #tpu.memory_space<vmem>>, vector<1x16xf32>,
      %swap3A_127 = vector.shape_cast %swap3A_126 : vector<1x16xf32> to vector<16xf32>
      %swap3A_128 = vector.shape_cast %broadcast_in_dim3A_1 : vector<16xf32> to vector<1x16xf32>
      tpu.vector_store %arg18[%swap3A, %swap3A_125], %swap3A_128 {strides = array<i32>} : memref<128x64xf32, #tpu.memory_space<vmem>>, vector<1x16xf32>,
      %swap3A_129 = arith.index_cast %scan3A_123 : i32 to index
      %swap3A_130 = arith.constant 16 : index
      %swap3A_131 = tpu.vector_load %arg18[%swap3A_129, %swap3A_130] {strides = array<i32>} : memref<128x64xf32, #tpu.memory_space<vmem>>, vector<1x16xf32>,
      %swap3A_132 = vector.shape_cast %swap3A_131 : vector<1x16xf32> to vector<16xf32>
      %swap3A_133 = vector.shape_cast %broadcast_in_dim3A_1 : vector<16xf32> to vector<1x16xf32>
      tpu.vector_store %arg18[%swap3A_129, %swap3A_130], %swap3A_133 {strides = array<i32>} : memref<128x64xf32, #tpu.memory_space<vmem>>, vector<1x16xf32>,
      %swap3A_134 = arith.index_cast %scan3A_123 : i32 to index
      %swap3A_135 = arith.constant 32 : index
      %swap3A_136 = tpu.vector_load %arg18[%swap3A_134, %swap3A_135] {strides = array<i32>} : memref<128x64xf32, #tpu.memory_space<vmem>>, vector<1x16xf32>,
      %swap3A_137 = vector.shape_cast %swap3A_136 : vector<1x16xf32> to vector<16xf32>
      %swap3A_138 = vector.shape_cast %broadcast_in_dim3A_1 : vector<16xf32> to vector<1x16xf32>
      tpu.vector_store %arg18[%swap3A_134, %swap3A_135], %swap3A_138 {strides = array<i32>} : memref<128x64xf32, #tpu.memory_space<vmem>>, vector<1x16xf32>,
      %swap3A_139 = arith.index_cast %scan3A_123 : i32 to index
      %swap3A_140 = arith.constant 48 : index
      %swap3A_141 = tpu.vector_load %arg18[%swap3A_139, %swap3A_140] {strides = array<i32>} : memref<128x64xf32, #tpu.memory_space<vmem>>, vector<1x16xf32>,
      %swap3A_142 = vector.shape_cast %swap3A_141 : vector<1x16xf32> to vector<16xf32>
      %swap3A_143 = vector.shape_cast %broadcast_in_dim3A_1 : vector<16xf32> to vector<1x16xf32>
      tpu.vector_store %arg18[%swap3A_139, %swap3A_140], %swap3A_143 {strides = array<i32>} : memref<128x64xf32, #tpu.memory_space<vmem>>, vector<1x16xf32>,
      %scan3A_144 = arith.constant 0 : i32
      scf.yield %scan3A_144 : i32
    }
    %scan3A_7 = arith.constant 128 : i32
    %mul3A_8 = arith.constant 640 : i32
    %mul3A_9 = arith.muli %arg1, %mul3A_8 : i32
    %add3A = arith.constant 0 : i32
    %add3A_10 = arith.addi %mul3A_9, %add3A : i32
    "tpu.region"() ({
      %run_scoped3A = tpu.sem_alloc : memref<!tpu.dma_semaphore, #tpu.memory_space<semaphore_mem>>
      %dma_start3A = arith.constant 0 : i32
      %dma_start3A_123 = tpu.memref_slice %arg19[%add3A_10, %dma_start3A] : memref<10240x64xf32, #tpu.memory_space<vmem_shared>> -> memref<128x64xf32, #tpu.memory_space<vmem_shared>>
      %dma_start3A_124 = arith.constant 0 : i32
      %dma_start3A_125 = tpu.memref_slice %arg19[%add3A_10, %dma_start3A_124] : memref<10240x64xf32, #tpu.memory_space<vmem_shared>> -> memref<128x64xf32, #tpu.memory_space<vmem_shared>>
      tpu.enqueue_dma source(%arg18 : memref<128x64xf32, #tpu.memory_space<vmem>>) target(%dma_start3A_125 : memref<128x64xf32, #tpu.memory_space<vmem_shared>>) target_semaphore(%run_scoped3A : memref<!tpu.dma_semaphore, #tpu.memory_space<semaphore_mem>>)
      %dma_wait3A = arith.constant 0 : i32
      %dma_wait3A_126 = tpu.memref_slice %arg19[%add3A_10, %dma_wait3A] : memref<10240x64xf32, #tpu.memory_space<vmem_shared>> -> memref<128x64xf32, #tpu.memory_space<vmem_shared>>
      %dma_wait3A_127 = arith.constant 0 : i32
      %dma_wait3A_128 = tpu.memref_slice %arg19[%add3A_10, %dma_wait3A_127] : memref<10240x64xf32, #tpu.memory_space<vmem_shared>> -> memref<128x64xf32, #tpu.memory_space<vmem_shared>>
      tpu.wait_dma2 semaphore(%run_scoped3A : memref<!tpu.dma_semaphore, #tpu.memory_space<semaphore_mem>>) src(%arg18 : memref<128x64xf32, #tpu.memory_space<vmem>>) dst(%dma_wait3A_128 : memref<128x64xf32, #tpu.memory_space<vmem_shared>>)
      tpu.yield
    }) : () -> ()
    %add3A_11 = arith.constant 0 : i32
    %add3A_12 = arith.addi %mul3A_9, %add3A_11 : i32
    "tpu.region"() ({
      %run_scoped3A = tpu.sem_alloc : memref<!tpu.dma_semaphore, #tpu.memory_space<semaphore_mem>>
      %dma_start3A = arith.constant 0 : i32
      %dma_start3A_123 = tpu.memref_slice %arg20[%add3A_12, %dma_start3A] : memref<10240x64xf32, #tpu.memory_space<vmem_shared>> -> memref<128x64xf32, #tpu.memory_space<vmem_shared>>
      %dma_start3A_124 = arith.constant 0 : i32
      %dma_start3A_125 = tpu.memref_slice %arg20[%add3A_12, %dma_start3A_124] : memref<10240x64xf32, #tpu.memory_space<vmem_shared>> -> memref<128x64xf32, #tpu.memory_space<vmem_shared>>
      tpu.enqueue_dma source(%arg18 : memref<128x64xf32, #tpu.memory_space<vmem>>) target(%dma_start3A_125 : memref<128x64xf32, #tpu.memory_space<vmem_shared>>) target_semaphore(%run_scoped3A : memref<!tpu.dma_semaphore, #tpu.memory_space<semaphore_mem>>)
      %dma_wait3A = arith.constant 0 : i32
      %dma_wait3A_126 = tpu.memref_slice %arg20[%add3A_12, %dma_wait3A] : memref<10240x64xf32, #tpu.memory_space<vmem_shared>> -> memref<128x64xf32, #tpu.memory_space<vmem_shared>>
      %dma_wait3A_127 = arith.constant 0 : i32
      %dma_wait3A_128 = tpu.memref_slice %arg20[%add3A_12, %dma_wait3A_127] : memref<10240x64xf32, #tpu.memory_space<vmem_shared>> -> memref<128x64xf32, #tpu.memory_space<vmem_shared>>
      tpu.wait_dma2 semaphore(%run_scoped3A : memref<!tpu.dma_semaphore, #tpu.memory_space<semaphore_mem>>) src(%arg18 : memref<128x64xf32, #tpu.memory_space<vmem>>) dst(%dma_wait3A_128 : memref<128x64xf32, #tpu.memory_space<vmem_shared>>)
      tpu.yield
    }) : () -> ()
    %add3A_13 = arith.constant 128 : i32
    %add3A_14 = arith.addi %mul3A_9, %add3A_13 : i32
    "tpu.region"() ({
      %run_scoped3A = tpu.sem_alloc : memref<!tpu.dma_semaphore, #tpu.memory_space<semaphore_mem>>
      %dma_start3A = arith.constant 0 : i32
      %dma_start3A_123 = tpu.memref_slice %arg19[%add3A_14, %dma_start3A] : memref<10240x64xf32, #tpu.memory_space<vmem_shared>> -> memref<128x64xf32, #tpu.memory_space<vmem_shared>>
      %dma_start3A_124 = arith.constant 0 : i32
      %dma_start3A_125 = tpu.memref_slice %arg19[%add3A_14, %dma_start3A_124] : memref<10240x64xf32, #tpu.memory_space<vmem_shared>> -> memref<128x64xf32, #tpu.memory_space<vmem_shared>>
      tpu.enqueue_dma source(%arg18 : memref<128x64xf32, #tpu.memory_space<vmem>>) target(%dma_start3A_125 : memref<128x64xf32, #tpu.memory_space<vmem_shared>>) target_semaphore(%run_scoped3A : memref<!tpu.dma_semaphore, #tpu.memory_space<semaphore_mem>>)
      %dma_wait3A = arith.constant 0 : i32
      %dma_wait3A_126 = tpu.memref_slice %arg19[%add3A_14, %dma_wait3A] : memref<10240x64xf32, #tpu.memory_space<vmem_shared>> -> memref<128x64xf32, #tpu.memory_space<vmem_shared>>
      %dma_wait3A_127 = arith.constant 0 : i32
      %dma_wait3A_128 = tpu.memref_slice %arg19[%add3A_14, %dma_wait3A_127] : memref<10240x64xf32, #tpu.memory_space<vmem_shared>> -> memref<128x64xf32, #tpu.memory_space<vmem_shared>>
      tpu.wait_dma2 semaphore(%run_scoped3A : memref<!tpu.dma_semaphore, #tpu.memory_space<semaphore_mem>>) src(%arg18 : memref<128x64xf32, #tpu.memory_space<vmem>>) dst(%dma_wait3A_128 : memref<128x64xf32, #tpu.memory_space<vmem_shared>>)
      tpu.yield
    }) : () -> ()
    %add3A_15 = arith.constant 128 : i32
    %add3A_16 = arith.addi %mul3A_9, %add3A_15 : i32
    "tpu.region"() ({
      %run_scoped3A = tpu.sem_alloc : memref<!tpu.dma_semaphore, #tpu.memory_space<semaphore_mem>>
      %dma_start3A = arith.constant 0 : i32
      %dma_start3A_123 = tpu.memref_slice %arg20[%add3A_16, %dma_start3A] : memref<10240x64xf32, #tpu.memory_space<vmem_shared>> -> memref<128x64xf32, #tpu.memory_space<vmem_shared>>
      %dma_start3A_124 = arith.constant 0 : i32
      %dma_start3A_125 = tpu.memref_slice %arg20[%add3A_16, %dma_start3A_124] : memref<10240x64xf32, #tpu.memory_space<vmem_shared>> -> memref<128x64xf32, #tpu.memory_space<vmem_shared>>
      tpu.enqueue_dma source(%arg18 : memref<128x64xf32, #tpu.memory_space<vmem>>) target(%dma_start3A_125 : memref<128x64xf32, #tpu.memory_space<vmem_shared>>) target_semaphore(%run_scoped3A : memref<!tpu.dma_semaphore, #tpu.memory_space<semaphore_mem>>)
      %dma_wait3A = arith.constant 0 : i32
      %dma_wait3A_126 = tpu.memref_slice %arg20[%add3A_16, %dma_wait3A] : memref<10240x64xf32, #tpu.memory_space<vmem_shared>> -> memref<128x64xf32, #tpu.memory_space<vmem_shared>>
      %dma_wait3A_127 = arith.constant 0 : i32
      %dma_wait3A_128 = tpu.memref_slice %arg20[%add3A_16, %dma_wait3A_127] : memref<10240x64xf32, #tpu.memory_space<vmem_shared>> -> memref<128x64xf32, #tpu.memory_space<vmem_shared>>
      tpu.wait_dma2 semaphore(%run_scoped3A : memref<!tpu.dma_semaphore, #tpu.memory_space<semaphore_mem>>) src(%arg18 : memref<128x64xf32, #tpu.memory_space<vmem>>) dst(%dma_wait3A_128 : memref<128x64xf32, #tpu.memory_space<vmem_shared>>)
      tpu.yield
    }) : () -> ()
    %add3A_17 = arith.constant 256 : i32
    %add3A_18 = arith.addi %mul3A_9, %add3A_17 : i32
    "tpu.region"() ({
      %run_scoped3A = tpu.sem_alloc : memref<!tpu.dma_semaphore, #tpu.memory_space<semaphore_mem>>
      %dma_start3A = arith.constant 0 : i32
      %dma_start3A_123 = tpu.memref_slice %arg19[%add3A_18, %dma_start3A] : memref<10240x64xf32, #tpu.memory_space<vmem_shared>> -> memref<128x64xf32, #tpu.memory_space<vmem_shared>>
      %dma_start3A_124 = arith.constant 0 : i32
      %dma_start3A_125 = tpu.memref_slice %arg19[%add3A_18, %dma_start3A_124] : memref<10240x64xf32, #tpu.memory_space<vmem_shared>> -> memref<128x64xf32, #tpu.memory_space<vmem_shared>>
      tpu.enqueue_dma source(%arg18 : memref<128x64xf32, #tpu.memory_space<vmem>>) target(%dma_start3A_125 : memref<128x64xf32, #tpu.memory_space<vmem_shared>>) target_semaphore(%run_scoped3A : memref<!tpu.dma_semaphore, #tpu.memory_space<semaphore_mem>>)
      %dma_wait3A = arith.constant 0 : i32
      %dma_wait3A_126 = tpu.memref_slice %arg19[%add3A_18, %dma_wait3A] : memref<10240x64xf32, #tpu.memory_space<vmem_shared>> -> memref<128x64xf32, #tpu.memory_space<vmem_shared>>
      %dma_wait3A_127 = arith.constant 0 : i32
      %dma_wait3A_128 = tpu.memref_slice %arg19[%add3A_18, %dma_wait3A_127] : memref<10240x64xf32, #tpu.memory_space<vmem_shared>> -> memref<128x64xf32, #tpu.memory_space<vmem_shared>>
      tpu.wait_dma2 semaphore(%run_scoped3A : memref<!tpu.dma_semaphore, #tpu.memory_space<semaphore_mem>>) src(%arg18 : memref<128x64xf32, #tpu.memory_space<vmem>>) dst(%dma_wait3A_128 : memref<128x64xf32, #tpu.memory_space<vmem_shared>>)
      tpu.yield
    }) : () -> ()
    %add3A_19 = arith.constant 256 : i32
    %add3A_20 = arith.addi %mul3A_9, %add3A_19 : i32
    "tpu.region"() ({
      %run_scoped3A = tpu.sem_alloc : memref<!tpu.dma_semaphore, #tpu.memory_space<semaphore_mem>>
      %dma_start3A = arith.constant 0 : i32
      %dma_start3A_123 = tpu.memref_slice %arg20[%add3A_20, %dma_start3A] : memref<10240x64xf32, #tpu.memory_space<vmem_shared>> -> memref<128x64xf32, #tpu.memory_space<vmem_shared>>
      %dma_start3A_124 = arith.constant 0 : i32
      %dma_start3A_125 = tpu.memref_slice %arg20[%add3A_20, %dma_start3A_124] : memref<10240x64xf32, #tpu.memory_space<vmem_shared>> -> memref<128x64xf32, #tpu.memory_space<vmem_shared>>
      tpu.enqueue_dma source(%arg18 : memref<128x64xf32, #tpu.memory_space<vmem>>) target(%dma_start3A_125 : memref<128x64xf32, #tpu.memory_space<vmem_shared>>) target_semaphore(%run_scoped3A : memref<!tpu.dma_semaphore, #tpu.memory_space<semaphore_mem>>)
      %dma_wait3A = arith.constant 0 : i32
      %dma_wait3A_126 = tpu.memref_slice %arg20[%add3A_20, %dma_wait3A] : memref<10240x64xf32, #tpu.memory_space<vmem_shared>> -> memref<128x64xf32, #tpu.memory_space<vmem_shared>>
      %dma_wait3A_127 = arith.constant 0 : i32
      %dma_wait3A_128 = tpu.memref_slice %arg20[%add3A_20, %dma_wait3A_127] : memref<10240x64xf32, #tpu.memory_space<vmem_shared>> -> memref<128x64xf32, #tpu.memory_space<vmem_shared>>
      tpu.wait_dma2 semaphore(%run_scoped3A : memref<!tpu.dma_semaphore, #tpu.memory_space<semaphore_mem>>) src(%arg18 : memref<128x64xf32, #tpu.memory_space<vmem>>) dst(%dma_wait3A_128 : memref<128x64xf32, #tpu.memory_space<vmem_shared>>)
      tpu.yield
    }) : () -> ()
    %add3A_21 = arith.constant 384 : i32
    %add3A_22 = arith.addi %mul3A_9, %add3A_21 : i32
    "tpu.region"() ({
      %run_scoped3A = tpu.sem_alloc : memref<!tpu.dma_semaphore, #tpu.memory_space<semaphore_mem>>
      %dma_start3A = arith.constant 0 : i32
      %dma_start3A_123 = tpu.memref_slice %arg19[%add3A_22, %dma_start3A] : memref<10240x64xf32, #tpu.memory_space<vmem_shared>> -> memref<128x64xf32, #tpu.memory_space<vmem_shared>>
      %dma_start3A_124 = arith.constant 0 : i32
      %dma_start3A_125 = tpu.memref_slice %arg19[%add3A_22, %dma_start3A_124] : memref<10240x64xf32, #tpu.memory_space<vmem_shared>> -> memref<128x64xf32, #tpu.memory_space<vmem_shared>>
      tpu.enqueue_dma source(%arg18 : memref<128x64xf32, #tpu.memory_space<vmem>>) target(%dma_start3A_125 : memref<128x64xf32, #tpu.memory_space<vmem_shared>>) target_semaphore(%run_scoped3A : memref<!tpu.dma_semaphore, #tpu.memory_space<semaphore_mem>>)
      %dma_wait3A = arith.constant 0 : i32
      %dma_wait3A_126 = tpu.memref_slice %arg19[%add3A_22, %dma_wait3A] : memref<10240x64xf32, #tpu.memory_space<vmem_shared>> -> memref<128x64xf32, #tpu.memory_space<vmem_shared>>
      %dma_wait3A_127 = arith.constant 0 : i32
      %dma_wait3A_128 = tpu.memref_slice %arg19[%add3A_22, %dma_wait3A_127] : memref<10240x64xf32, #tpu.memory_space<vmem_shared>> -> memref<128x64xf32, #tpu.memory_space<vmem_shared>>
      tpu.wait_dma2 semaphore(%run_scoped3A : memref<!tpu.dma_semaphore, #tpu.memory_space<semaphore_mem>>) src(%arg18 : memref<128x64xf32, #tpu.memory_space<vmem>>) dst(%dma_wait3A_128 : memref<128x64xf32, #tpu.memory_space<vmem_shared>>)
      tpu.yield
    }) : () -> ()
    %add3A_23 = arith.constant 384 : i32
    %add3A_24 = arith.addi %mul3A_9, %add3A_23 : i32
    "tpu.region"() ({
      %run_scoped3A = tpu.sem_alloc : memref<!tpu.dma_semaphore, #tpu.memory_space<semaphore_mem>>
      %dma_start3A = arith.constant 0 : i32
      %dma_start3A_123 = tpu.memref_slice %arg20[%add3A_24, %dma_start3A] : memref<10240x64xf32, #tpu.memory_space<vmem_shared>> -> memref<128x64xf32, #tpu.memory_space<vmem_shared>>
      %dma_start3A_124 = arith.constant 0 : i32
      %dma_start3A_125 = tpu.memref_slice %arg20[%add3A_24, %dma_start3A_124] : memref<10240x64xf32, #tpu.memory_space<vmem_shared>> -> memref<128x64xf32, #tpu.memory_space<vmem_shared>>
      tpu.enqueue_dma source(%arg18 : memref<128x64xf32, #tpu.memory_space<vmem>>) target(%dma_start3A_125 : memref<128x64xf32, #tpu.memory_space<vmem_shared>>) target_semaphore(%run_scoped3A : memref<!tpu.dma_semaphore, #tpu.memory_space<semaphore_mem>>)
      %dma_wait3A = arith.constant 0 : i32
      %dma_wait3A_126 = tpu.memref_slice %arg20[%add3A_24, %dma_wait3A] : memref<10240x64xf32, #tpu.memory_space<vmem_shared>> -> memref<128x64xf32, #tpu.memory_space<vmem_shared>>
      %dma_wait3A_127 = arith.constant 0 : i32
      %dma_wait3A_128 = tpu.memref_slice %arg20[%add3A_24, %dma_wait3A_127] : memref<10240x64xf32, #tpu.memory_space<vmem_shared>> -> memref<128x64xf32, #tpu.memory_space<vmem_shared>>
      tpu.wait_dma2 semaphore(%run_scoped3A : memref<!tpu.dma_semaphore, #tpu.memory_space<semaphore_mem>>) src(%arg18 : memref<128x64xf32, #tpu.memory_space<vmem>>) dst(%dma_wait3A_128 : memref<128x64xf32, #tpu.memory_space<vmem_shared>>)
      tpu.yield
    }) : () -> ()
    %add3A_25 = arith.constant 512 : i32
    %add3A_26 = arith.addi %mul3A_9, %add3A_25 : i32
    "tpu.region"() ({
      %run_scoped3A = tpu.sem_alloc : memref<!tpu.dma_semaphore, #tpu.memory_space<semaphore_mem>>
      %dma_start3A = arith.constant 0 : i32
      %dma_start3A_123 = tpu.memref_slice %arg19[%add3A_26, %dma_start3A] : memref<10240x64xf32, #tpu.memory_space<vmem_shared>> -> memref<128x64xf32, #tpu.memory_space<vmem_shared>>
      %dma_start3A_124 = arith.constant 0 : i32
      %dma_start3A_125 = tpu.memref_slice %arg19[%add3A_26, %dma_start3A_124] : memref<10240x64xf32, #tpu.memory_space<vmem_shared>> -> memref<128x64xf32, #tpu.memory_space<vmem_shared>>
      tpu.enqueue_dma source(%arg18 : memref<128x64xf32, #tpu.memory_space<vmem>>) target(%dma_start3A_125 : memref<128x64xf32, #tpu.memory_space<vmem_shared>>) target_semaphore(%run_scoped3A : memref<!tpu.dma_semaphore, #tpu.memory_space<semaphore_mem>>)
      %dma_wait3A = arith.constant 0 : i32
      %dma_wait3A_126 = tpu.memref_slice %arg19[%add3A_26, %dma_wait3A] : memref<10240x64xf32, #tpu.memory_space<vmem_shared>> -> memref<128x64xf32, #tpu.memory_space<vmem_shared>>
      %dma_wait3A_127 = arith.constant 0 : i32
      %dma_wait3A_128 = tpu.memref_slice %arg19[%add3A_26, %dma_wait3A_127] : memref<10240x64xf32, #tpu.memory_space<vmem_shared>> -> memref<128x64xf32, #tpu.memory_space<vmem_shared>>
      tpu.wait_dma2 semaphore(%run_scoped3A : memref<!tpu.dma_semaphore, #tpu.memory_space<semaphore_mem>>) src(%arg18 : memref<128x64xf32, #tpu.memory_space<vmem>>) dst(%dma_wait3A_128 : memref<128x64xf32, #tpu.memory_space<vmem_shared>>)
      tpu.yield
    }) : () -> ()
    %add3A_27 = arith.constant 512 : i32
    %add3A_28 = arith.addi %mul3A_9, %add3A_27 : i32
    "tpu.region"() ({
      %run_scoped3A = tpu.sem_alloc : memref<!tpu.dma_semaphore, #tpu.memory_space<semaphore_mem>>
      %dma_start3A = arith.constant 0 : i32
      %dma_start3A_123 = tpu.memref_slice %arg20[%add3A_28, %dma_start3A] : memref<10240x64xf32, #tpu.memory_space<vmem_shared>> -> memref<128x64xf32, #tpu.memory_space<vmem_shared>>
      %dma_start3A_124 = arith.constant 0 : i32
      %dma_start3A_125 = tpu.memref_slice %arg20[%add3A_28, %dma_start3A_124] : memref<10240x64xf32, #tpu.memory_space<vmem_shared>> -> memref<128x64xf32, #tpu.memory_space<vmem_shared>>
      tpu.enqueue_dma source(%arg18 : memref<128x64xf32, #tpu.memory_space<vmem>>) target(%dma_start3A_125 : memref<128x64xf32, #tpu.memory_space<vmem_shared>>) target_semaphore(%run_scoped3A : memref<!tpu.dma_semaphore, #tpu.memory_space<semaphore_mem>>)
      %dma_wait3A = arith.constant 0 : i32
      %dma_wait3A_126 = tpu.memref_slice %arg20[%add3A_28, %dma_wait3A] : memref<10240x64xf32, #tpu.memory_space<vmem_shared>> -> memref<128x64xf32, #tpu.memory_space<vmem_shared>>
      %dma_wait3A_127 = arith.constant 0 : i32
      %dma_wait3A_128 = tpu.memref_slice %arg20[%add3A_28, %dma_wait3A_127] : memref<10240x64xf32, #tpu.memory_space<vmem_shared>> -> memref<128x64xf32, #tpu.memory_space<vmem_shared>>
      tpu.wait_dma2 semaphore(%run_scoped3A : memref<!tpu.dma_semaphore, #tpu.memory_space<semaphore_mem>>) src(%arg18 : memref<128x64xf32, #tpu.memory_space<vmem>>) dst(%dma_wait3A_128 : memref<128x64xf32, #tpu.memory_space<vmem_shared>>)
      tpu.yield
    }) : () -> ()
    %barrier3A = arith.constant 0 : index
    tpu.barrier barrier_id(%barrier3A)
    %sub3A = arith.constant 2500 : i32
    %sub3A_29 = arith.subi %sub3A, %arg1 : i32
    %add3A_30 = arith.constant 16 : i32
    %add3A_31 = arith.addi %sub3A_29, %add3A_30 : i32
    %sub3A_32 = arith.constant 1 : i32
    %sub3A_33 = arith.subi %add3A_31, %sub3A_32 : i32
    %jit3A = arith.constant 16 : i32
    %div3A = arith.divsi %sub3A_33, %jit3A : i32
    %sign3A = arith.constant 0 : i32
    %sign3A_34 = arith.cmpi sgt, %sub3A_33, %sign3A : i32
    %sign3A_35 = arith.extui %sign3A_34 : i1 to i32
    %sign3A_36 = arith.constant 0 : i32
    %sign3A_37 = arith.cmpi slt, %sub3A_33, %sign3A_36 : i32
    %sign3A_38 = arith.extui %sign3A_37 : i1 to i32
    %sign3A_39 = arith.subi %sign3A_35, %sign3A_38 : i32
    %sign3A_40 = arith.constant 0 : i32
    %sign3A_41 = arith.cmpi sgt, %jit3A, %sign3A_40 : i32
    %sign3A_42 = arith.extui %sign3A_41 : i1 to i32
    %sign3A_43 = arith.constant 0 : i32
    %sign3A_44 = arith.cmpi slt, %jit3A, %sign3A_43 : i32
    %sign3A_45 = arith.extui %sign3A_44 : i1 to i32
    %sign3A_46 = arith.subi %sign3A_42, %sign3A_45 : i32
    %ne3A = arith.cmpi ne, %sign3A_39, %sign3A_46 : i32
    %rem3A = arith.remsi %sub3A_33, %jit3A : i32
    %ne3A_47 = arith.constant 0 : i32
    %ne3A_48 = arith.cmpi ne, %rem3A, %ne3A_47 : i32
    %and3A = arith.andi %ne3A, %ne3A_48 : i1
    %sub3A_49 = arith.constant 1 : i32
    %sub3A_50 = arith.subi %div3A, %sub3A_49 : i32
    %select_n3A = arith.select %and3A, %sub3A_50, %div3A : i32
    %while3A = arith.constant 0 : i32
    %while3A_51 = arith.constant 0 : i32
    %while3A_52 = arith.subi %select_n3A, %while3A : i32
    %while3A_53 = arith.addi %while3A, %while3A_52 : i32
    %while3A_54 = arith.constant 1 : i32
    %while3A_55 = arith.divsi %while3A_52, %while3A_54 : i32
    %while3A_56 = arith.muli %while3A_55, %while3A_54 : i32
    %while3A_57 = arith.addi %while3A, %while3A_56 : i32
    %while3A_58 = arith.constant 1 : i32
    %while3A_59 = scf.for %while3A_123 = %while3A to %while3A_57 step %while3A_58 iter_args(%while3A_124 = %while3A_51) -> (i32)  : i32 {
      %mul3A_125 = arith.constant 16 : i32
      %mul3A_126 = arith.muli %while3A_123, %mul3A_125 : i32
      %add3A_127 = arith.addi %arg1, %mul3A_126 : i32
      %mul3A_128 = arith.constant 128 : i32
      %mul3A_129 = arith.muli %add3A_127, %mul3A_128 : i32
      "tpu.region"() ({
        %run_scoped3A = tpu.sem_alloc : memref<!tpu.dma_semaphore, #tpu.memory_space<semaphore_mem>>
        %dma_start3A_382 = tpu.memref_slice %arg4[%mul3A_129] : memref<320000xi32, #tpu.memory_space<hbm>> -> memref<128xi32, #tpu.memory_space<hbm>>
        %dma_start3A_383 = tpu.memref_slice %arg4[%mul3A_129] : memref<320000xi32, #tpu.memory_space<hbm>> -> memref<128xi32, #tpu.memory_space<hbm>>
        tpu.enqueue_dma source(%dma_start3A_383 : memref<128xi32, #tpu.memory_space<hbm>>) target(%arg9 : memref<128xi32, #tpu.memory_space<vmem>>) target_semaphore(%run_scoped3A : memref<!tpu.dma_semaphore, #tpu.memory_space<semaphore_mem>>)
        %dma_wait3A_384 = tpu.memref_slice %arg4[%mul3A_129] : memref<320000xi32, #tpu.memory_space<hbm>> -> memref<128xi32, #tpu.memory_space<hbm>>
        %dma_wait3A_385 = tpu.memref_slice %arg4[%mul3A_129] : memref<320000xi32, #tpu.memory_space<hbm>> -> memref<128xi32, #tpu.memory_space<hbm>>
        tpu.wait_dma2 semaphore(%run_scoped3A : memref<!tpu.dma_semaphore, #tpu.memory_space<semaphore_mem>>) src(%dma_wait3A_385 : memref<128xi32, #tpu.memory_space<hbm>>) dst(%arg9 : memref<128xi32, #tpu.memory_space<vmem>>)
        tpu.yield
      }) : () -> ()
      "tpu.region"() ({
        %run_scoped3A = tpu.sem_alloc : memref<!tpu.dma_semaphore, #tpu.memory_space<semaphore_mem>>
        %dma_start3A_382 = tpu.memref_slice %arg5[%mul3A_129] : memref<320000xi32, #tpu.memory_space<hbm>> -> memref<128xi32, #tpu.memory_space<hbm>>
        %dma_start3A_383 = tpu.memref_slice %arg5[%mul3A_129] : memref<320000xi32, #tpu.memory_space<hbm>> -> memref<128xi32, #tpu.memory_space<hbm>>
        tpu.enqueue_dma source(%dma_start3A_383 : memref<128xi32, #tpu.memory_space<hbm>>) target(%arg10 : memref<128xi32, #tpu.memory_space<vmem>>) target_semaphore(%run_scoped3A : memref<!tpu.dma_semaphore, #tpu.memory_space<semaphore_mem>>)
        %dma_wait3A_384 = tpu.memref_slice %arg5[%mul3A_129] : memref<320000xi32, #tpu.memory_space<hbm>> -> memref<128xi32, #tpu.memory_space<hbm>>
        %dma_wait3A_385 = tpu.memref_slice %arg5[%mul3A_129] : memref<320000xi32, #tpu.memory_space<hbm>> -> memref<128xi32, #tpu.memory_space<hbm>>
        tpu.wait_dma2 semaphore(%run_scoped3A : memref<!tpu.dma_semaphore, #tpu.memory_space<semaphore_mem>>) src(%dma_wait3A_385 : memref<128xi32, #tpu.memory_space<hbm>>) dst(%arg10 : memref<128xi32, #tpu.memory_space<vmem>>)
        tpu.yield
      }) : () -> ()
      %get3A = arith.constant 0 : index
      %get3A_130 = tpu.vector_load %arg9[%get3A] {strides = array<i32>} : memref<128xi32, #tpu.memory_space<vmem>>, vector<16xi32>,
      %get3A_131 = vector.shape_cast %get3A_130 : vector<16xi32> to vector<16xi32>
      %get3A_132 = arith.constant 0 : index
      %get3A_133 = tpu.vector_load %arg10[%get3A_132] {strides = array<i32>} : memref<128xi32, #tpu.memory_space<vmem>>, vector<16xi32>,
      %get3A_134 = vector.shape_cast %get3A_133 : vector<16xi32> to vector<16xi32>
      %add3A_135 = vector.broadcast %mul3A_0 : i32 to vector<16xi32>
      %add3A_136 = arith.addi %get3A_131, %add3A_135 : vector<16xi32>
      %swap3A = arith.constant 0 : index
      %swap3A_137 = tpu.vector_load %arg11[%swap3A] {strides = array<i32>} : memref<128xi32, #tpu.memory_space<vmem>>, vector<16xi32>,
      %swap3A_138 = vector.shape_cast %swap3A_137 : vector<16xi32> to vector<16xi32>
      %swap3A_139 = vector.shape_cast %add3A_136 : vector<16xi32> to vector<16xi32>
      tpu.vector_store %arg11[%swap3A], %swap3A_139 {strides = array<i32>} : memref<128xi32, #tpu.memory_space<vmem>>, vector<16xi32>,
      %add3A_140 = arith.constant 10000 : i32
      %add3A_141 = arith.addi %mul3A_0, %add3A_140 : i32
      %add3A_142 = vector.broadcast %add3A_141 : i32 to vector<16xi32>
      %add3A_143 = arith.addi %get3A_131, %add3A_142 : vector<16xi32>
      %swap3A_144 = arith.constant 0 : index
      %swap3A_145 = tpu.vector_load %arg12[%swap3A_144] {strides = array<i32>} : memref<128xi32, #tpu.memory_space<vmem>>, vector<16xi32>,
      %swap3A_146 = vector.shape_cast %swap3A_145 : vector<16xi32> to vector<16xi32>
      %swap3A_147 = vector.shape_cast %add3A_143 : vector<16xi32> to vector<16xi32>
      tpu.vector_store %arg12[%swap3A_144], %swap3A_147 {strides = array<i32>} : memref<128xi32, #tpu.memory_space<vmem>>, vector<16xi32>,
      %add3A_148 = arith.constant 20000 : i32
      %add3A_149 = arith.addi %mul3A_0, %add3A_148 : i32
      %add3A_150 = vector.broadcast %add3A_149 : i32 to vector<16xi32>
      %add3A_151 = arith.addi %get3A_134, %add3A_150 : vector<16xi32>
      %swap3A_152 = arith.constant 0 : index
      %swap3A_153 = tpu.vector_load %arg13[%swap3A_152] {strides = array<i32>} : memref<128xi32, #tpu.memory_space<vmem>>, vector<16xi32>,
      %swap3A_154 = vector.shape_cast %swap3A_153 : vector<16xi32> to vector<16xi32>
      %swap3A_155 = vector.shape_cast %add3A_151 : vector<16xi32> to vector<16xi32>
      tpu.vector_store %arg13[%swap3A_152], %swap3A_155 {strides = array<i32>} : memref<128xi32, #tpu.memory_space<vmem>>, vector<16xi32>,
      %get3A_156 = arith.constant 16 : index
      %get3A_157 = tpu.vector_load %arg9[%get3A_156] {strides = array<i32>} : memref<128xi32, #tpu.memory_space<vmem>>, vector<16xi32>,
      %get3A_158 = vector.shape_cast %get3A_157 : vector<16xi32> to vector<16xi32>
      %get3A_159 = arith.constant 16 : index
      %get3A_160 = tpu.vector_load %arg10[%get3A_159] {strides = array<i32>} : memref<128xi32, #tpu.memory_space<vmem>>, vector<16xi32>,
      %get3A_161 = vector.shape_cast %get3A_160 : vector<16xi32> to vector<16xi32>
      %add3A_162 = vector.broadcast %mul3A_0 : i32 to vector<16xi32>
      %add3A_163 = arith.addi %get3A_158, %add3A_162 : vector<16xi32>
      %swap3A_164 = arith.constant 16 : index
      %swap3A_165 = tpu.vector_load %arg11[%swap3A_164] {strides = array<i32>} : memref<128xi32, #tpu.memory_space<vmem>>, vector<16xi32>,
      %swap3A_166 = vector.shape_cast %swap3A_165 : vector<16xi32> to vector<16xi32>
      %swap3A_167 = vector.shape_cast %add3A_163 : vector<16xi32> to vector<16xi32>
      tpu.vector_store %arg11[%swap3A_164], %swap3A_167 {strides = array<i32>} : memref<128xi32, #tpu.memory_space<vmem>>, vector<16xi32>,
      %add3A_168 = arith.constant 10000 : i32
      %add3A_169 = arith.addi %mul3A_0, %add3A_168 : i32
      %add3A_170 = vector.broadcast %add3A_169 : i32 to vector<16xi32>
      %add3A_171 = arith.addi %get3A_158, %add3A_170 : vector<16xi32>
      %swap3A_172 = arith.constant 16 : index
      %swap3A_173 = tpu.vector_load %arg12[%swap3A_172] {strides = array<i32>} : memref<128xi32, #tpu.memory_space<vmem>>, vector<16xi32>,
      %swap3A_174 = vector.shape_cast %swap3A_173 : vector<16xi32> to vector<16xi32>
      %swap3A_175 = vector.shape_cast %add3A_171 : vector<16xi32> to vector<16xi32>
      tpu.vector_store %arg12[%swap3A_172], %swap3A_175 {strides = array<i32>} : memref<128xi32, #tpu.memory_space<vmem>>, vector<16xi32>,
      %add3A_176 = arith.constant 20000 : i32
      %add3A_177 = arith.addi %mul3A_0, %add3A_176 : i32
      %add3A_178 = vector.broadcast %add3A_177 : i32 to vector<16xi32>
      %add3A_179 = arith.addi %get3A_161, %add3A_178 : vector<16xi32>
      %swap3A_180 = arith.constant 16 : index
      %swap3A_181 = tpu.vector_load %arg13[%swap3A_180] {strides = array<i32>} : memref<128xi32, #tpu.memory_space<vmem>>, vector<16xi32>,
      %swap3A_182 = vector.shape_cast %swap3A_181 : vector<16xi32> to vector<16xi32>
      %swap3A_183 = vector.shape_cast %add3A_179 : vector<16xi32> to vector<16xi32>
      tpu.vector_store %arg13[%swap3A_180], %swap3A_183 {strides = array<i32>} : memref<128xi32, #tpu.memory_space<vmem>>, vector<16xi32>,
      %get3A_184 = arith.constant 32 : index
      %get3A_185 = tpu.vector_load %arg9[%get3A_184] {strides = array<i32>} : memref<128xi32, #tpu.memory_space<vmem>>, vector<16xi32>,
      %get3A_186 = vector.shape_cast %get3A_185 : vector<16xi32> to vector<16xi32>
      %get3A_187 = arith.constant 32 : index
      %get3A_188 = tpu.vector_load %arg10[%get3A_187] {strides = array<i32>} : memref<128xi32, #tpu.memory_space<vmem>>, vector<16xi32>,
      %get3A_189 = vector.shape_cast %get3A_188 : vector<16xi32> to vector<16xi32>
      %add3A_190 = vector.broadcast %mul3A_0 : i32 to vector<16xi32>
      %add3A_191 = arith.addi %get3A_186, %add3A_190 : vector<16xi32>
      %swap3A_192 = arith.constant 32 : index
      %swap3A_193 = tpu.vector_load %arg11[%swap3A_192] {strides = array<i32>} : memref<128xi32, #tpu.memory_space<vmem>>, vector<16xi32>,
      %swap3A_194 = vector.shape_cast %swap3A_193 : vector<16xi32> to vector<16xi32>
      %swap3A_195 = vector.shape_cast %add3A_191 : vector<16xi32> to vector<16xi32>
      tpu.vector_store %arg11[%swap3A_192], %swap3A_195 {strides = array<i32>} : memref<128xi32, #tpu.memory_space<vmem>>, vector<16xi32>,
      %add3A_196 = arith.constant 10000 : i32
      %add3A_197 = arith.addi %mul3A_0, %add3A_196 : i32
      %add3A_198 = vector.broadcast %add3A_197 : i32 to vector<16xi32>
      %add3A_199 = arith.addi %get3A_186, %add3A_198 : vector<16xi32>
      %swap3A_200 = arith.constant 32 : index
      %swap3A_201 = tpu.vector_load %arg12[%swap3A_200] {strides = array<i32>} : memref<128xi32, #tpu.memory_space<vmem>>, vector<16xi32>,
      %swap3A_202 = vector.shape_cast %swap3A_201 : vector<16xi32> to vector<16xi32>
      %swap3A_203 = vector.shape_cast %add3A_199 : vector<16xi32> to vector<16xi32>
      tpu.vector_store %arg12[%swap3A_200], %swap3A_203 {strides = array<i32>} : memref<128xi32, #tpu.memory_space<vmem>>, vector<16xi32>,
      %add3A_204 = arith.constant 20000 : i32
      %add3A_205 = arith.addi %mul3A_0, %add3A_204 : i32
      %add3A_206 = vector.broadcast %add3A_205 : i32 to vector<16xi32>
      %add3A_207 = arith.addi %get3A_189, %add3A_206 : vector<16xi32>
      %swap3A_208 = arith.constant 32 : index
      %swap3A_209 = tpu.vector_load %arg13[%swap3A_208] {strides = array<i32>} : memref<128xi32, #tpu.memory_space<vmem>>, vector<16xi32>,
      %swap3A_210 = vector.shape_cast %swap3A_209 : vector<16xi32> to vector<16xi32>
      %swap3A_211 = vector.shape_cast %add3A_207 : vector<16xi32> to vector<16xi32>
      tpu.vector_store %arg13[%swap3A_208], %swap3A_211 {strides = array<i32>} : memref<128xi32, #tpu.memory_space<vmem>>, vector<16xi32>,
      %get3A_212 = arith.constant 48 : index
      %get3A_213 = tpu.vector_load %arg9[%get3A_212] {strides = array<i32>} : memref<128xi32, #tpu.memory_space<vmem>>, vector<16xi32>,
      %get3A_214 = vector.shape_cast %get3A_213 : vector<16xi32> to vector<16xi32>
      %get3A_215 = arith.constant 48 : index
      %get3A_216 = tpu.vector_load %arg10[%get3A_215] {strides = array<i32>} : memref<128xi32, #tpu.memory_space<vmem>>, vector<16xi32>,
      %get3A_217 = vector.shape_cast %get3A_216 : vector<16xi32> to vector<16xi32>
      %add3A_218 = vector.broadcast %mul3A_0 : i32 to vector<16xi32>
      %add3A_219 = arith.addi %get3A_214, %add3A_218 : vector<16xi32>
      %swap3A_220 = arith.constant 48 : index
      %swap3A_221 = tpu.vector_load %arg11[%swap3A_220] {strides = array<i32>} : memref<128xi32, #tpu.memory_space<vmem>>, vector<16xi32>,
      %swap3A_222 = vector.shape_cast %swap3A_221 : vector<16xi32> to vector<16xi32>
      %swap3A_223 = vector.shape_cast %add3A_219 : vector<16xi32> to vector<16xi32>
      tpu.vector_store %arg11[%swap3A_220], %swap3A_223 {strides = array<i32>} : memref<128xi32, #tpu.memory_space<vmem>>, vector<16xi32>,
      %add3A_224 = arith.constant 10000 : i32
      %add3A_225 = arith.addi %mul3A_0, %add3A_224 : i32
      %add3A_226 = vector.broadcast %add3A_225 : i32 to vector<16xi32>
      %add3A_227 = arith.addi %get3A_214, %add3A_226 : vector<16xi32>
      %swap3A_228 = arith.constant 48 : index
      %swap3A_229 = tpu.vector_load %arg12[%swap3A_228] {strides = array<i32>} : memref<128xi32, #tpu.memory_space<vmem>>, vector<16xi32>,
      %swap3A_230 = vector.shape_cast %swap3A_229 : vector<16xi32> to vector<16xi32>
      %swap3A_231 = vector.shape_cast %add3A_227 : vector<16xi32> to vector<16xi32>
      tpu.vector_store %arg12[%swap3A_228], %swap3A_231 {strides = array<i32>} : memref<128xi32, #tpu.memory_space<vmem>>, vector<16xi32>,
      %add3A_232 = arith.constant 20000 : i32
      %add3A_233 = arith.addi %mul3A_0, %add3A_232 : i32
      %add3A_234 = vector.broadcast %add3A_233 : i32 to vector<16xi32>
      %add3A_235 = arith.addi %get3A_217, %add3A_234 : vector<16xi32>
      %swap3A_236 = arith.constant 48 : index
      %swap3A_237 = tpu.vector_load %arg13[%swap3A_236] {strides = array<i32>} : memref<128xi32, #tpu.memory_space<vmem>>, vector<16xi32>,
      %swap3A_238 = vector.shape_cast %swap3A_237 : vector<16xi32> to vector<16xi32>
      %swap3A_239 = vector.shape_cast %add3A_235 : vector<16xi32> to vector<16xi32>
      tpu.vector_store %arg13[%swap3A_236], %swap3A_239 {strides = array<i32>} : memref<128xi32, #tpu.memory_space<vmem>>, vector<16xi32>,
      %get3A_240 = arith.constant 64 : index
      %get3A_241 = tpu.vector_load %arg9[%get3A_240] {strides = array<i32>} : memref<128xi32, #tpu.memory_space<vmem>>, vector<16xi32>,
      %get3A_242 = vector.shape_cast %get3A_241 : vector<16xi32> to vector<16xi32>
      %get3A_243 = arith.constant 64 : index
      %get3A_244 = tpu.vector_load %arg10[%get3A_243] {strides = array<i32>} : memref<128xi32, #tpu.memory_space<vmem>>, vector<16xi32>,
      %get3A_245 = vector.shape_cast %get3A_244 : vector<16xi32> to vector<16xi32>
      %add3A_246 = vector.broadcast %mul3A_0 : i32 to vector<16xi32>
      %add3A_247 = arith.addi %get3A_242, %add3A_246 : vector<16xi32>
      %swap3A_248 = arith.constant 64 : index
      %swap3A_249 = tpu.vector_load %arg11[%swap3A_248] {strides = array<i32>} : memref<128xi32, #tpu.memory_space<vmem>>, vector<16xi32>,
      %swap3A_250 = vector.shape_cast %swap3A_249 : vector<16xi32> to vector<16xi32>
      %swap3A_251 = vector.shape_cast %add3A_247 : vector<16xi32> to vector<16xi32>
      tpu.vector_store %arg11[%swap3A_248], %swap3A_251 {strides = array<i32>} : memref<128xi32, #tpu.memory_space<vmem>>, vector<16xi32>,
      %add3A_252 = arith.constant 10000 : i32
      %add3A_253 = arith.addi %mul3A_0, %add3A_252 : i32
      %add3A_254 = vector.broadcast %add3A_253 : i32 to vector<16xi32>
      %add3A_255 = arith.addi %get3A_242, %add3A_254 : vector<16xi32>
      %swap3A_256 = arith.constant 64 : index
      %swap3A_257 = tpu.vector_load %arg12[%swap3A_256] {strides = array<i32>} : memref<128xi32, #tpu.memory_space<vmem>>, vector<16xi32>,
      %swap3A_258 = vector.shape_cast %swap3A_257 : vector<16xi32> to vector<16xi32>
      %swap3A_259 = vector.shape_cast %add3A_255 : vector<16xi32> to vector<16xi32>
      tpu.vector_store %arg12[%swap3A_256], %swap3A_259 {strides = array<i32>} : memref<128xi32, #tpu.memory_space<vmem>>, vector<16xi32>,
      %add3A_260 = arith.constant 20000 : i32
      %add3A_261 = arith.addi %mul3A_0, %add3A_260 : i32
      %add3A_262 = vector.broadcast %add3A_261 : i32 to vector<16xi32>
      %add3A_263 = arith.addi %get3A_245, %add3A_262 : vector<16xi32>
      %swap3A_264 = arith.constant 64 : index
      %swap3A_265 = tpu.vector_load %arg13[%swap3A_264] {strides = array<i32>} : memref<128xi32, #tpu.memory_space<vmem>>, vector<16xi32>,
      %swap3A_266 = vector.shape_cast %swap3A_265 : vector<16xi32> to vector<16xi32>
      %swap3A_267 = vector.shape_cast %add3A_263 : vector<16xi32> to vector<16xi32>
      tpu.vector_store %arg13[%swap3A_264], %swap3A_267 {strides = array<i32>} : memref<128xi32, #tpu.memory_space<vmem>>, vector<16xi32>,
      %get3A_268 = arith.constant 80 : index
      %get3A_269 = tpu.vector_load %arg9[%get3A_268] {strides = array<i32>} : memref<128xi32, #tpu.memory_space<vmem>>, vector<16xi32>,
      %get3A_270 = vector.shape_cast %get3A_269 : vector<16xi32> to vector<16xi32>
      %get3A_271 = arith.constant 80 : index
      %get3A_272 = tpu.vector_load %arg10[%get3A_271] {strides = array<i32>} : memref<128xi32, #tpu.memory_space<vmem>>, vector<16xi32>,
      %get3A_273 = vector.shape_cast %get3A_272 : vector<16xi32> to vector<16xi32>
      %add3A_274 = vector.broadcast %mul3A_0 : i32 to vector<16xi32>
      %add3A_275 = arith.addi %get3A_270, %add3A_274 : vector<16xi32>
      %swap3A_276 = arith.constant 80 : index
      %swap3A_277 = tpu.vector_load %arg11[%swap3A_276] {strides = array<i32>} : memref<128xi32, #tpu.memory_space<vmem>>, vector<16xi32>,
      %swap3A_278 = vector.shape_cast %swap3A_277 : vector<16xi32> to vector<16xi32>
      %swap3A_279 = vector.shape_cast %add3A_275 : vector<16xi32> to vector<16xi32>
      tpu.vector_store %arg11[%swap3A_276], %swap3A_279 {strides = array<i32>} : memref<128xi32, #tpu.memory_space<vmem>>, vector<16xi32>,
      %add3A_280 = arith.constant 10000 : i32
      %add3A_281 = arith.addi %mul3A_0, %add3A_280 : i32
      %add3A_282 = vector.broadcast %add3A_281 : i32 to vector<16xi32>
      %add3A_283 = arith.addi %get3A_270, %add3A_282 : vector<16xi32>
      %swap3A_284 = arith.constant 80 : index
      %swap3A_285 = tpu.vector_load %arg12[%swap3A_284] {strides = array<i32>} : memref<128xi32, #tpu.memory_space<vmem>>, vector<16xi32>,
      %swap3A_286 = vector.shape_cast %swap3A_285 : vector<16xi32> to vector<16xi32>
      %swap3A_287 = vector.shape_cast %add3A_283 : vector<16xi32> to vector<16xi32>
      tpu.vector_store %arg12[%swap3A_284], %swap3A_287 {strides = array<i32>} : memref<128xi32, #tpu.memory_space<vmem>>, vector<16xi32>,
      %add3A_288 = arith.constant 20000 : i32
      %add3A_289 = arith.addi %mul3A_0, %add3A_288 : i32
      %add3A_290 = vector.broadcast %add3A_289 : i32 to vector<16xi32>
      %add3A_291 = arith.addi %get3A_273, %add3A_290 : vector<16xi32>
      %swap3A_292 = arith.constant 80 : index
      %swap3A_293 = tpu.vector_load %arg13[%swap3A_292] {strides = array<i32>} : memref<128xi32, #tpu.memory_space<vmem>>, vector<16xi32>,
      %swap3A_294 = vector.shape_cast %swap3A_293 : vector<16xi32> to vector<16xi32>
      %swap3A_295 = vector.shape_cast %add3A_291 : vector<16xi32> to vector<16xi32>
      tpu.vector_store %arg13[%swap3A_292], %swap3A_295 {strides = array<i32>} : memref<128xi32, #tpu.memory_space<vmem>>, vector<16xi32>,
      %get3A_296 = arith.constant 96 : index
      %get3A_297 = tpu.vector_load %arg9[%get3A_296] {strides = array<i32>} : memref<128xi32, #tpu.memory_space<vmem>>, vector<16xi32>,
      %get3A_298 = vector.shape_cast %get3A_297 : vector<16xi32> to vector<16xi32>
      %get3A_299 = arith.constant 96 : index
      %get3A_300 = tpu.vector_load %arg10[%get3A_299] {strides = array<i32>} : memref<128xi32, #tpu.memory_space<vmem>>, vector<16xi32>,
      %get3A_301 = vector.shape_cast %get3A_300 : vector<16xi32> to vector<16xi32>
      %add3A_302 = vector.broadcast %mul3A_0 : i32 to vector<16xi32>
      %add3A_303 = arith.addi %get3A_298, %add3A_302 : vector<16xi32>
      %swap3A_304 = arith.constant 96 : index
      %swap3A_305 = tpu.vector_load %arg11[%swap3A_304] {strides = array<i32>} : memref<128xi32, #tpu.memory_space<vmem>>, vector<16xi32>,
      %swap3A_306 = vector.shape_cast %swap3A_305 : vector<16xi32> to vector<16xi32>
      %swap3A_307 = vector.shape_cast %add3A_303 : vector<16xi32> to vector<16xi32>
      tpu.vector_store %arg11[%swap3A_304], %swap3A_307 {strides = array<i32>} : memref<128xi32, #tpu.memory_space<vmem>>, vector<16xi32>,
      %add3A_308 = arith.constant 10000 : i32
      %add3A_309 = arith.addi %mul3A_0, %add3A_308 : i32
      %add3A_310 = vector.broadcast %add3A_309 : i32 to vector<16xi32>
      %add3A_311 = arith.addi %get3A_298, %add3A_310 : vector<16xi32>
      %swap3A_312 = arith.constant 96 : index
      %swap3A_313 = tpu.vector_load %arg12[%swap3A_312] {strides = array<i32>} : memref<128xi32, #tpu.memory_space<vmem>>, vector<16xi32>,
      %swap3A_314 = vector.shape_cast %swap3A_313 : vector<16xi32> to vector<16xi32>
      %swap3A_315 = vector.shape_cast %add3A_311 : vector<16xi32> to vector<16xi32>
      tpu.vector_store %arg12[%swap3A_312], %swap3A_315 {strides = array<i32>} : memref<128xi32, #tpu.memory_space<vmem>>, vector<16xi32>,
      %add3A_316 = arith.constant 20000 : i32
      %add3A_317 = arith.addi %mul3A_0, %add3A_316 : i32
      %add3A_318 = vector.broadcast %add3A_317 : i32 to vector<16xi32>
      %add3A_319 = arith.addi %get3A_301, %add3A_318 : vector<16xi32>
      %swap3A_320 = arith.constant 96 : index
      %swap3A_321 = tpu.vector_load %arg13[%swap3A_320] {strides = array<i32>} : memref<128xi32, #tpu.memory_space<vmem>>, vector<16xi32>,
      %swap3A_322 = vector.shape_cast %swap3A_321 : vector<16xi32> to vector<16xi32>
      %swap3A_323 = vector.shape_cast %add3A_319 : vector<16xi32> to vector<16xi32>
      tpu.vector_store %arg13[%swap3A_320], %swap3A_323 {strides = array<i32>} : memref<128xi32, #tpu.memory_space<vmem>>, vector<16xi32>,
      %get3A_324 = arith.constant 112 : index
      %get3A_325 = tpu.vector_load %arg9[%get3A_324] {strides = array<i32>} : memref<128xi32, #tpu.memory_space<vmem>>, vector<16xi32>,
      %get3A_326 = vector.shape_cast %get3A_325 : vector<16xi32> to vector<16xi32>
      %get3A_327 = arith.constant 112 : index
      %get3A_328 = tpu.vector_load %arg10[%get3A_327] {strides = array<i32>} : memref<128xi32, #tpu.memory_space<vmem>>, vector<16xi32>,
      %get3A_329 = vector.shape_cast %get3A_328 : vector<16xi32> to vector<16xi32>
      %add3A_330 = vector.broadcast %mul3A_0 : i32 to vector<16xi32>
      %add3A_331 = arith.addi %get3A_326, %add3A_330 : vector<16xi32>
      %swap3A_332 = arith.constant 112 : index
      %swap3A_333 = tpu.vector_load %arg11[%swap3A_332] {strides = array<i32>} : memref<128xi32, #tpu.memory_space<vmem>>, vector<16xi32>,
      %swap3A_334 = vector.shape_cast %swap3A_333 : vector<16xi32> to vector<16xi32>
      %swap3A_335 = vector.shape_cast %add3A_331 : vector<16xi32> to vector<16xi32>
      tpu.vector_store %arg11[%swap3A_332], %swap3A_335 {strides = array<i32>} : memref<128xi32, #tpu.memory_space<vmem>>, vector<16xi32>,
      %add3A_336 = arith.constant 10000 : i32
      %add3A_337 = arith.addi %mul3A_0, %add3A_336 : i32
      %add3A_338 = vector.broadcast %add3A_337 : i32 to vector<16xi32>
      %add3A_339 = arith.addi %get3A_326, %add3A_338 : vector<16xi32>
      %swap3A_340 = arith.constant 112 : index
      %swap3A_341 = tpu.vector_load %arg12[%swap3A_340] {strides = array<i32>} : memref<128xi32, #tpu.memory_space<vmem>>, vector<16xi32>,
      %swap3A_342 = vector.shape_cast %swap3A_341 : vector<16xi32> to vector<16xi32>
      %swap3A_343 = vector.shape_cast %add3A_339 : vector<16xi32> to vector<16xi32>
      tpu.vector_store %arg12[%swap3A_340], %swap3A_343 {strides = array<i32>} : memref<128xi32, #tpu.memory_space<vmem>>, vector<16xi32>,
      %add3A_344 = arith.constant 20000 : i32
      %add3A_345 = arith.addi %mul3A_0, %add3A_344 : i32
      %add3A_346 = vector.broadcast %add3A_345 : i32 to vector<16xi32>
      %add3A_347 = arith.addi %get3A_329, %add3A_346 : vector<16xi32>
      %swap3A_348 = arith.constant 112 : index
      %swap3A_349 = tpu.vector_load %arg13[%swap3A_348] {strides = array<i32>} : memref<128xi32, #tpu.memory_space<vmem>>, vector<16xi32>,
      %swap3A_350 = vector.shape_cast %swap3A_349 : vector<16xi32> to vector<16xi32>
      %swap3A_351 = vector.shape_cast %add3A_347 : vector<16xi32> to vector<16xi32>
      tpu.vector_store %arg13[%swap3A_348], %swap3A_351 {strides = array<i32>} : memref<128xi32, #tpu.memory_space<vmem>>, vector<16xi32>,
      %dma_start3A = arith.constant 0 : i32
      %dma_start3A_352 = arith.constant 0 : i32
      %dma_start3A_353 = tpu.memref_slice %arg2[%dma_start3A, %dma_start3A_352] : memref<60000x64xf32, #tpu.memory_space<hbm>> -> memref<60000x64xf32, #tpu.memory_space<hbm>>
      tpu.enqueue_indirect_dma source(%dma_start3A_353 : memref<60000x64xf32, #tpu.memory_space<hbm>>) target(%arg14 : memref<128x64xf32, #tpu.memory_space<vmem>>) offsets(%arg11 : memref<128xi32, #tpu.memory_space<vmem>>) semaphore(%arg21 : memref<!tpu.dma_semaphore, #tpu.memory_space<semaphore_mem>>)
      %dma_start3A_354 = arith.constant 0 : i32
      %dma_start3A_355 = arith.constant 0 : i32
      %dma_start3A_356 = tpu.memref_slice %arg2[%dma_start3A_354, %dma_start3A_355] : memref<60000x64xf32, #tpu.memory_space<hbm>> -> memref<60000x64xf32, #tpu.memory_space<hbm>>
      tpu.enqueue_indirect_dma source(%dma_start3A_356 : memref<60000x64xf32, #tpu.memory_space<hbm>>) target(%arg15 : memref<128x64xf32, #tpu.memory_space<vmem>>) offsets(%arg12 : memref<128xi32, #tpu.memory_space<vmem>>) semaphore(%arg21 : memref<!tpu.dma_semaphore, #tpu.memory_space<semaphore_mem>>)
      %dma_start3A_357 = arith.constant 0 : i32
      %dma_start3A_358 = arith.constant 0 : i32
      %dma_start3A_359 = tpu.memref_slice %arg2[%dma_start3A_357, %dma_start3A_358] : memref<60000x64xf32, #tpu.memory_space<hbm>> -> memref<60000x64xf32, #tpu.memory_space<hbm>>
      tpu.enqueue_indirect_dma source(%dma_start3A_359 : memref<60000x64xf32, #tpu.memory_space<hbm>>) target(%arg16 : memref<128x64xf32, #tpu.memory_space<vmem>>) offsets(%arg13 : memref<128xi32, #tpu.memory_space<vmem>>) semaphore(%arg21 : memref<!tpu.dma_semaphore, #tpu.memory_space<semaphore_mem>>)
      %mul3A_360 = arith.constant 320000 : i32
      %mul3A_361 = arith.muli %arg0, %mul3A_360 : i32
      %add3A_362 = arith.addi %mul3A_361, %mul3A_129 : i32
      "tpu.region"() ({
        %run_scoped3A = tpu.sem_alloc : memref<!tpu.dma_semaphore, #tpu.memory_space<semaphore_mem>>
        %dma_start3A_382 = arith.constant 0 : i32
        %dma_start3A_383 = tpu.memref_slice %arg3[%add3A_362, %dma_start3A_382] : memref<640000x64xf32, #tpu.memory_space<hbm>> -> memref<128x64xf32, #tpu.memory_space<hbm>>
        %dma_start3A_384 = arith.constant 0 : i32
        %dma_start3A_385 = tpu.memref_slice %arg3[%add3A_362, %dma_start3A_384] : memref<640000x64xf32, #tpu.memory_space<hbm>> -> memref<128x64xf32, #tpu.memory_space<hbm>>
        tpu.enqueue_dma source(%dma_start3A_385 : memref<128x64xf32, #tpu.memory_space<hbm>>) target(%arg17 : memref<128x64xf32, #tpu.memory_space<vmem>>) target_semaphore(%run_scoped3A : memref<!tpu.dma_semaphore, #tpu.memory_space<semaphore_mem>>)
        %dma_wait3A_386 = arith.constant 0 : i32
        %dma_wait3A_387 = tpu.memref_slice %arg3[%add3A_362, %dma_wait3A_386] : memref<640000x64xf32, #tpu.memory_space<hbm>> -> memref<128x64xf32, #tpu.memory_space<hbm>>
        %dma_wait3A_388 = arith.constant 0 : i32
        %dma_wait3A_389 = tpu.memref_slice %arg3[%add3A_362, %dma_wait3A_388] : memref<640000x64xf32, #tpu.memory_space<hbm>> -> memref<128x64xf32, #tpu.memory_space<hbm>>
        tpu.wait_dma2 semaphore(%run_scoped3A : memref<!tpu.dma_semaphore, #tpu.memory_space<semaphore_mem>>) src(%dma_wait3A_389 : memref<128x64xf32, #tpu.memory_space<hbm>>) dst(%arg17 : memref<128x64xf32, #tpu.memory_space<vmem>>)
        tpu.yield
      }) : () -> ()
      %dma_wait3A = arith.constant 0 : i32
      %dma_wait3A_363 = arith.constant 0 : i32
      %dma_wait3A_364 = tpu.memref_slice %arg2[%dma_wait3A, %dma_wait3A_363] : memref<60000x64xf32, #tpu.memory_space<hbm>> -> memref<60000x64xf32, #tpu.memory_space<hbm>>
      tpu.wait_indirect_dma semaphore(%arg21 : memref<!tpu.dma_semaphore, #tpu.memory_space<semaphore_mem>>) src(%dma_wait3A_364 : memref<60000x64xf32, #tpu.memory_space<hbm>>) dst(%arg14 : memref<128x64xf32, #tpu.memory_space<vmem>>)
      %dma_wait3A_365 = arith.constant 0 : i32
      %dma_wait3A_366 = arith.constant 0 : i32
      %dma_wait3A_367 = tpu.memref_slice %arg2[%dma_wait3A_365, %dma_wait3A_366] : memref<60000x64xf32, #tpu.memory_space<hbm>> -> memref<60000x64xf32, #tpu.memory_space<hbm>>
      tpu.wait_indirect_dma semaphore(%arg21 : memref<!tpu.dma_semaphore, #tpu.memory_space<semaphore_mem>>) src(%dma_wait3A_367 : memref<60000x64xf32, #tpu.memory_space<hbm>>) dst(%arg15 : memref<128x64xf32, #tpu.memory_space<vmem>>)
      %dma_wait3A_368 = arith.constant 0 : i32
      %dma_wait3A_369 = arith.constant 0 : i32
      %dma_wait3A_370 = tpu.memref_slice %arg2[%dma_wait3A_368, %dma_wait3A_369] : memref<60000x64xf32, #tpu.memory_space<hbm>> -> memref<60000x64xf32, #tpu.memory_space<hbm>>
      tpu.wait_indirect_dma semaphore(%arg21 : memref<!tpu.dma_semaphore, #tpu.memory_space<semaphore_mem>>) src(%dma_wait3A_370 : memref<60000x64xf32, #tpu.memory_space<hbm>>) dst(%arg16 : memref<128x64xf32, #tpu.memory_space<vmem>>)
      %scan3A_371 = arith.constant 0 : i32
      %scan3A_372 = arith.constant 0 : i32
      %scan3A_373 = arith.constant 128 : i32
      %scan3A_374 = arith.addi %scan3A_372, %scan3A_373 : i32
      %scan3A_375 = arith.constant 1 : i32
      %scan3A_376 = scf.for %scan3A_382 = %scan3A_372 to %scan3A_374 step %scan3A_375 iter_args(%scan3A_383 = %scan3A_371) -> (i32)  : i32 {
        %get3A_384 = arith.index_cast %scan3A_382 : i32 to index
        %get3A_385 = arith.constant 0 : index
        %get3A_386 = tpu.vector_load %arg15[%get3A_384, %get3A_385] {strides = array<i32>} : memref<128x64xf32, #tpu.memory_space<vmem>>, vector<1x16xf32>,
        %get3A_387 = vector.shape_cast %get3A_386 : vector<1x16xf32> to vector<16xf32>
        %get3A_388 = arith.index_cast %scan3A_382 : i32 to index
        %get3A_389 = arith.constant 0 : index
        %get3A_390 = tpu.vector_load %arg16[%get3A_388, %get3A_389] {strides = array<i32>} : memref<128x64xf32, #tpu.memory_space<vmem>>, vector<1x16xf32>,
        %get3A_391 = vector.shape_cast %get3A_390 : vector<1x16xf32> to vector<16xf32>
        %add3A_392 = arith.addf %get3A_387, %get3A_391 : vector<16xf32>
        %get3A_393 = arith.index_cast %scan3A_382 : i32 to index
        %get3A_394 = arith.constant 0 : index
        %get3A_395 = tpu.vector_load %arg17[%get3A_393, %get3A_394] {strides = array<i32>} : memref<128x64xf32, #tpu.memory_space<vmem>>, vector<1x16xf32>,
        %get3A_396 = vector.shape_cast %get3A_395 : vector<1x16xf32> to vector<16xf32>
        %add3A_397 = arith.addf %add3A_392, %get3A_396 : vector<16xf32>
        %neg3A = arith.constant 0.000000e+00 : f32
        %neg3A_398 = vector.broadcast %neg3A : f32 to vector<16xf32>
        %neg3A_399 = arith.subf %neg3A_398, %add3A_397 : vector<16xf32>
        %exp3A = math.exp %neg3A_399 : vector<16xf32>
        %add3A_400 = arith.constant 1.000000e+00 : f32
        %add3A_401 = vector.broadcast %add3A_400 : f32 to vector<16xf32>
        %add3A_402 = arith.addf %add3A_401, %exp3A : vector<16xf32>
        %div3A_403 = arith.constant 1.000000e+00 : f32
        %div3A_404 = vector.broadcast %div3A_403 : f32 to vector<16xf32>
        %div3A_405 = arith.divf %div3A_404, %add3A_402 : vector<16xf32>
        %max3A = arith.constant 0.000000e+00 : f32
        %max3A_406 = vector.broadcast %max3A : f32 to vector<16xf32>
        %max3A_407 = arith.maximumf %add3A_397, %max3A_406 : vector<16xf32>
        %swap3A_408 = arith.index_cast %scan3A_382 : i32 to index
        %swap3A_409 = arith.constant 0 : index
        %swap3A_410 = tpu.vector_load %arg15[%swap3A_408, %swap3A_409] {strides = array<i32>} : memref<128x64xf32, #tpu.memory_space<vmem>>, vector<1x16xf32>,
        %swap3A_411 = vector.shape_cast %swap3A_410 : vector<1x16xf32> to vector<16xf32>
        %swap3A_412 = vector.shape_cast %max3A_407 : vector<16xf32> to vector<1x16xf32>
        tpu.vector_store %arg15[%swap3A_408, %swap3A_409], %swap3A_412 {strides = array<i32>} : memref<128x64xf32, #tpu.memory_space<vmem>>, vector<1x16xf32>,
        %get3A_413 = arith.index_cast %scan3A_382 : i32 to index
        %get3A_414 = arith.constant 0 : index
        %get3A_415 = tpu.vector_load %arg14[%get3A_413, %get3A_414] {strides = array<i32>} : memref<128x64xf32, #tpu.memory_space<vmem>>, vector<1x16xf32>,
        %get3A_416 = vector.shape_cast %get3A_415 : vector<1x16xf32> to vector<16xf32>
        %mul3A_417 = arith.mulf %div3A_405, %get3A_416 : vector<16xf32>
        %swap3A_418 = arith.index_cast %scan3A_382 : i32 to index
        %swap3A_419 = arith.constant 0 : index
        %swap3A_420 = tpu.vector_load %arg14[%swap3A_418, %swap3A_419] {strides = array<i32>} : memref<128x64xf32, #tpu.memory_space<vmem>>, vector<1x16xf32>,
        %swap3A_421 = vector.shape_cast %swap3A_420 : vector<1x16xf32> to vector<16xf32>
        %swap3A_422 = vector.shape_cast %mul3A_417 : vector<16xf32> to vector<1x16xf32>
        tpu.vector_store %arg14[%swap3A_418, %swap3A_419], %swap3A_422 {strides = array<i32>} : memref<128x64xf32, #tpu.memory_space<vmem>>, vector<1x16xf32>,
        %swap3A_423 = arith.index_cast %scan3A_382 : i32 to index
        %swap3A_424 = arith.constant 0 : index
        %swap3A_425 = tpu.vector_load %arg16[%swap3A_423, %swap3A_424] {strides = array<i32>} : memref<128x64xf32, #tpu.memory_space<vmem>>, vector<1x16xf32>,
        %swap3A_426 = vector.shape_cast %swap3A_425 : vector<1x16xf32> to vector<16xf32>
        %swap3A_427 = vector.shape_cast %div3A_405 : vector<16xf32> to vector<1x16xf32>
        tpu.vector_store %arg16[%swap3A_423, %swap3A_424], %swap3A_427 {strides = array<i32>} : memref<128x64xf32, #tpu.memory_space<vmem>>, vector<1x16xf32>,
        %get3A_428 = arith.index_cast %scan3A_382 : i32 to index
        %get3A_429 = arith.constant 16 : index
        %get3A_430 = tpu.vector_load %arg15[%get3A_428, %get3A_429] {strides = array<i32>} : memref<128x64xf32, #tpu.memory_space<vmem>>, vector<1x16xf32>,
        %get3A_431 = vector.shape_cast %get3A_430 : vector<1x16xf32> to vector<16xf32>
        %get3A_432 = arith.index_cast %scan3A_382 : i32 to index
        %get3A_433 = arith.constant 16 : index
        %get3A_434 = tpu.vector_load %arg16[%get3A_432, %get3A_433] {strides = array<i32>} : memref<128x64xf32, #tpu.memory_space<vmem>>, vector<1x16xf32>,
        %get3A_435 = vector.shape_cast %get3A_434 : vector<1x16xf32> to vector<16xf32>
        %add3A_436 = arith.addf %get3A_431, %get3A_435 : vector<16xf32>
        %get3A_437 = arith.index_cast %scan3A_382 : i32 to index
        %get3A_438 = arith.constant 16 : index
        %get3A_439 = tpu.vector_load %arg17[%get3A_437, %get3A_438] {strides = array<i32>} : memref<128x64xf32, #tpu.memory_space<vmem>>, vector<1x16xf32>,
        %get3A_440 = vector.shape_cast %get3A_439 : vector<1x16xf32> to vector<16xf32>
        %add3A_441 = arith.addf %add3A_436, %get3A_440 : vector<16xf32>
        %neg3A_442 = arith.constant 0.000000e+00 : f32
        %neg3A_443 = vector.broadcast %neg3A_442 : f32 to vector<16xf32>
        %neg3A_444 = arith.subf %neg3A_443, %add3A_441 : vector<16xf32>
        %exp3A_445 = math.exp %neg3A_444 : vector<16xf32>
        %add3A_446 = arith.constant 1.000000e+00 : f32
        %add3A_447 = vector.broadcast %add3A_446 : f32 to vector<16xf32>
        %add3A_448 = arith.addf %add3A_447, %exp3A_445 : vector<16xf32>
        %div3A_449 = arith.constant 1.000000e+00 : f32
        %div3A_450 = vector.broadcast %div3A_449 : f32 to vector<16xf32>
        %div3A_451 = arith.divf %div3A_450, %add3A_448 : vector<16xf32>
        %max3A_452 = arith.constant 0.000000e+00 : f32
        %max3A_453 = vector.broadcast %max3A_452 : f32 to vector<16xf32>
        %max3A_454 = arith.maximumf %add3A_441, %max3A_453 : vector<16xf32>
        %swap3A_455 = arith.index_cast %scan3A_382 : i32 to index
        %swap3A_456 = arith.constant 16 : index
        %swap3A_457 = tpu.vector_load %arg15[%swap3A_455, %swap3A_456] {strides = array<i32>} : memref<128x64xf32, #tpu.memory_space<vmem>>, vector<1x16xf32>,
        %swap3A_458 = vector.shape_cast %swap3A_457 : vector<1x16xf32> to vector<16xf32>
        %swap3A_459 = vector.shape_cast %max3A_454 : vector<16xf32> to vector<1x16xf32>
        tpu.vector_store %arg15[%swap3A_455, %swap3A_456], %swap3A_459 {strides = array<i32>} : memref<128x64xf32, #tpu.memory_space<vmem>>, vector<1x16xf32>,
        %get3A_460 = arith.index_cast %scan3A_382 : i32 to index
        %get3A_461 = arith.constant 16 : index
        %get3A_462 = tpu.vector_load %arg14[%get3A_460, %get3A_461] {strides = array<i32>} : memref<128x64xf32, #tpu.memory_space<vmem>>, vector<1x16xf32>,
        %get3A_463 = vector.shape_cast %get3A_462 : vector<1x16xf32> to vector<16xf32>
        %mul3A_464 = arith.mulf %div3A_451, %get3A_463 : vector<16xf32>
        %swap3A_465 = arith.index_cast %scan3A_382 : i32 to index
        %swap3A_466 = arith.constant 16 : index
        %swap3A_467 = tpu.vector_load %arg14[%swap3A_465, %swap3A_466] {strides = array<i32>} : memref<128x64xf32, #tpu.memory_space<vmem>>, vector<1x16xf32>,
        %swap3A_468 = vector.shape_cast %swap3A_467 : vector<1x16xf32> to vector<16xf32>
        %swap3A_469 = vector.shape_cast %mul3A_464 : vector<16xf32> to vector<1x16xf32>
        tpu.vector_store %arg14[%swap3A_465, %swap3A_466], %swap3A_469 {strides = array<i32>} : memref<128x64xf32, #tpu.memory_space<vmem>>, vector<1x16xf32>,
        %swap3A_470 = arith.index_cast %scan3A_382 : i32 to index
        %swap3A_471 = arith.constant 16 : index
        %swap3A_472 = tpu.vector_load %arg16[%swap3A_470, %swap3A_471] {strides = array<i32>} : memref<128x64xf32, #tpu.memory_space<vmem>>, vector<1x16xf32>,
        %swap3A_473 = vector.shape_cast %swap3A_472 : vector<1x16xf32> to vector<16xf32>
        %swap3A_474 = vector.shape_cast %div3A_451 : vector<16xf32> to vector<1x16xf32>
        tpu.vector_store %arg16[%swap3A_470, %swap3A_471], %swap3A_474 {strides = array<i32>} : memref<128x64xf32, #tpu.memory_space<vmem>>, vector<1x16xf32>,
        %get3A_475 = arith.index_cast %scan3A_382 : i32 to index
        %get3A_476 = arith.constant 32 : index
        %get3A_477 = tpu.vector_load %arg15[%get3A_475, %get3A_476] {strides = array<i32>} : memref<128x64xf32, #tpu.memory_space<vmem>>, vector<1x16xf32>,
        %get3A_478 = vector.shape_cast %get3A_477 : vector<1x16xf32> to vector<16xf32>
        %get3A_479 = arith.index_cast %scan3A_382 : i32 to index
        %get3A_480 = arith.constant 32 : index
        %get3A_481 = tpu.vector_load %arg16[%get3A_479, %get3A_480] {strides = array<i32>} : memref<128x64xf32, #tpu.memory_space<vmem>>, vector<1x16xf32>,
        %get3A_482 = vector.shape_cast %get3A_481 : vector<1x16xf32> to vector<16xf32>
        %add3A_483 = arith.addf %get3A_478, %get3A_482 : vector<16xf32>
        %get3A_484 = arith.index_cast %scan3A_382 : i32 to index
        %get3A_485 = arith.constant 32 : index
        %get3A_486 = tpu.vector_load %arg17[%get3A_484, %get3A_485] {strides = array<i32>} : memref<128x64xf32, #tpu.memory_space<vmem>>, vector<1x16xf32>,
        %get3A_487 = vector.shape_cast %get3A_486 : vector<1x16xf32> to vector<16xf32>
        %add3A_488 = arith.addf %add3A_483, %get3A_487 : vector<16xf32>
        %neg3A_489 = arith.constant 0.000000e+00 : f32
        %neg3A_490 = vector.broadcast %neg3A_489 : f32 to vector<16xf32>
        %neg3A_491 = arith.subf %neg3A_490, %add3A_488 : vector<16xf32>
        %exp3A_492 = math.exp %neg3A_491 : vector<16xf32>
        %add3A_493 = arith.constant 1.000000e+00 : f32
        %add3A_494 = vector.broadcast %add3A_493 : f32 to vector<16xf32>
        %add3A_495 = arith.addf %add3A_494, %exp3A_492 : vector<16xf32>
        %div3A_496 = arith.constant 1.000000e+00 : f32
        %div3A_497 = vector.broadcast %div3A_496 : f32 to vector<16xf32>
        %div3A_498 = arith.divf %div3A_497, %add3A_495 : vector<16xf32>
        %max3A_499 = arith.constant 0.000000e+00 : f32
        %max3A_500 = vector.broadcast %max3A_499 : f32 to vector<16xf32>
        %max3A_501 = arith.maximumf %add3A_488, %max3A_500 : vector<16xf32>
        %swap3A_502 = arith.index_cast %scan3A_382 : i32 to index
        %swap3A_503 = arith.constant 32 : index
        %swap3A_504 = tpu.vector_load %arg15[%swap3A_502, %swap3A_503] {strides = array<i32>} : memref<128x64xf32, #tpu.memory_space<vmem>>, vector<1x16xf32>,
        %swap3A_505 = vector.shape_cast %swap3A_504 : vector<1x16xf32> to vector<16xf32>
        %swap3A_506 = vector.shape_cast %max3A_501 : vector<16xf32> to vector<1x16xf32>
        tpu.vector_store %arg15[%swap3A_502, %swap3A_503], %swap3A_506 {strides = array<i32>} : memref<128x64xf32, #tpu.memory_space<vmem>>, vector<1x16xf32>,
        %get3A_507 = arith.index_cast %scan3A_382 : i32 to index
        %get3A_508 = arith.constant 32 : index
        %get3A_509 = tpu.vector_load %arg14[%get3A_507, %get3A_508] {strides = array<i32>} : memref<128x64xf32, #tpu.memory_space<vmem>>, vector<1x16xf32>,
        %get3A_510 = vector.shape_cast %get3A_509 : vector<1x16xf32> to vector<16xf32>
        %mul3A_511 = arith.mulf %div3A_498, %get3A_510 : vector<16xf32>
        %swap3A_512 = arith.index_cast %scan3A_382 : i32 to index
        %swap3A_513 = arith.constant 32 : index
        %swap3A_514 = tpu.vector_load %arg14[%swap3A_512, %swap3A_513] {strides = array<i32>} : memref<128x64xf32, #tpu.memory_space<vmem>>, vector<1x16xf32>,
        %swap3A_515 = vector.shape_cast %swap3A_514 : vector<1x16xf32> to vector<16xf32>
        %swap3A_516 = vector.shape_cast %mul3A_511 : vector<16xf32> to vector<1x16xf32>
        tpu.vector_store %arg14[%swap3A_512, %swap3A_513], %swap3A_516 {strides = array<i32>} : memref<128x64xf32, #tpu.memory_space<vmem>>, vector<1x16xf32>,
        %swap3A_517 = arith.index_cast %scan3A_382 : i32 to index
        %swap3A_518 = arith.constant 32 : index
        %swap3A_519 = tpu.vector_load %arg16[%swap3A_517, %swap3A_518] {strides = array<i32>} : memref<128x64xf32, #tpu.memory_space<vmem>>, vector<1x16xf32>,
        %swap3A_520 = vector.shape_cast %swap3A_519 : vector<1x16xf32> to vector<16xf32>
        %swap3A_521 = vector.shape_cast %div3A_498 : vector<16xf32> to vector<1x16xf32>
        tpu.vector_store %arg16[%swap3A_517, %swap3A_518], %swap3A_521 {strides = array<i32>} : memref<128x64xf32, #tpu.memory_space<vmem>>, vector<1x16xf32>,
        %get3A_522 = arith.index_cast %scan3A_382 : i32 to index
        %get3A_523 = arith.constant 48 : index
        %get3A_524 = tpu.vector_load %arg15[%get3A_522, %get3A_523] {strides = array<i32>} : memref<128x64xf32, #tpu.memory_space<vmem>>, vector<1x16xf32>,
        %get3A_525 = vector.shape_cast %get3A_524 : vector<1x16xf32> to vector<16xf32>
        %get3A_526 = arith.index_cast %scan3A_382 : i32 to index
        %get3A_527 = arith.constant 48 : index
        %get3A_528 = tpu.vector_load %arg16[%get3A_526, %get3A_527] {strides = array<i32>} : memref<128x64xf32, #tpu.memory_space<vmem>>, vector<1x16xf32>,
        %get3A_529 = vector.shape_cast %get3A_528 : vector<1x16xf32> to vector<16xf32>
        %add3A_530 = arith.addf %get3A_525, %get3A_529 : vector<16xf32>
        %get3A_531 = arith.index_cast %scan3A_382 : i32 to index
        %get3A_532 = arith.constant 48 : index
        %get3A_533 = tpu.vector_load %arg17[%get3A_531, %get3A_532] {strides = array<i32>} : memref<128x64xf32, #tpu.memory_space<vmem>>, vector<1x16xf32>,
        %get3A_534 = vector.shape_cast %get3A_533 : vector<1x16xf32> to vector<16xf32>
        %add3A_535 = arith.addf %add3A_530, %get3A_534 : vector<16xf32>
        %neg3A_536 = arith.constant 0.000000e+00 : f32
        %neg3A_537 = vector.broadcast %neg3A_536 : f32 to vector<16xf32>
        %neg3A_538 = arith.subf %neg3A_537, %add3A_535 : vector<16xf32>
        %exp3A_539 = math.exp %neg3A_538 : vector<16xf32>
        %add3A_540 = arith.constant 1.000000e+00 : f32
        %add3A_541 = vector.broadcast %add3A_540 : f32 to vector<16xf32>
        %add3A_542 = arith.addf %add3A_541, %exp3A_539 : vector<16xf32>
        %div3A_543 = arith.constant 1.000000e+00 : f32
        %div3A_544 = vector.broadcast %div3A_543 : f32 to vector<16xf32>
        %div3A_545 = arith.divf %div3A_544, %add3A_542 : vector<16xf32>
        %max3A_546 = arith.constant 0.000000e+00 : f32
        %max3A_547 = vector.broadcast %max3A_546 : f32 to vector<16xf32>
        %max3A_548 = arith.maximumf %add3A_535, %max3A_547 : vector<16xf32>
        %swap3A_549 = arith.index_cast %scan3A_382 : i32 to index
        %swap3A_550 = arith.constant 48 : index
        %swap3A_551 = tpu.vector_load %arg15[%swap3A_549, %swap3A_550] {strides = array<i32>} : memref<128x64xf32, #tpu.memory_space<vmem>>, vector<1x16xf32>,
        %swap3A_552 = vector.shape_cast %swap3A_551 : vector<1x16xf32> to vector<16xf32>
        %swap3A_553 = vector.shape_cast %max3A_548 : vector<16xf32> to vector<1x16xf32>
        tpu.vector_store %arg15[%swap3A_549, %swap3A_550], %swap3A_553 {strides = array<i32>} : memref<128x64xf32, #tpu.memory_space<vmem>>, vector<1x16xf32>,
        %get3A_554 = arith.index_cast %scan3A_382 : i32 to index
        %get3A_555 = arith.constant 48 : index
        %get3A_556 = tpu.vector_load %arg14[%get3A_554, %get3A_555] {strides = array<i32>} : memref<128x64xf32, #tpu.memory_space<vmem>>, vector<1x16xf32>,
        %get3A_557 = vector.shape_cast %get3A_556 : vector<1x16xf32> to vector<16xf32>
        %mul3A_558 = arith.mulf %div3A_545, %get3A_557 : vector<16xf32>
        %swap3A_559 = arith.index_cast %scan3A_382 : i32 to index
        %swap3A_560 = arith.constant 48 : index
        %swap3A_561 = tpu.vector_load %arg14[%swap3A_559, %swap3A_560] {strides = array<i32>} : memref<128x64xf32, #tpu.memory_space<vmem>>, vector<1x16xf32>,
        %swap3A_562 = vector.shape_cast %swap3A_561 : vector<1x16xf32> to vector<16xf32>
        %swap3A_563 = vector.shape_cast %mul3A_558 : vector<16xf32> to vector<1x16xf32>
        tpu.vector_store %arg14[%swap3A_559, %swap3A_560], %swap3A_563 {strides = array<i32>} : memref<128x64xf32, #tpu.memory_space<vmem>>, vector<1x16xf32>,
        %swap3A_564 = arith.index_cast %scan3A_382 : i32 to index
        %swap3A_565 = arith.constant 48 : index
        %swap3A_566 = tpu.vector_load %arg16[%swap3A_564, %swap3A_565] {strides = array<i32>} : memref<128x64xf32, #tpu.memory_space<vmem>>, vector<1x16xf32>,
        %swap3A_567 = vector.shape_cast %swap3A_566 : vector<1x16xf32> to vector<16xf32>
        %swap3A_568 = vector.shape_cast %div3A_545 : vector<16xf32> to vector<1x16xf32>
        tpu.vector_store %arg16[%swap3A_564, %swap3A_565], %swap3A_568 {strides = array<i32>} : memref<128x64xf32, #tpu.memory_space<vmem>>, vector<1x16xf32>,
        %scan3A_569 = arith.constant 0 : i32
        scf.yield %scan3A_569 : i32
      }
      %scan3A_377 = arith.constant 128 : i32
      %mul3A_378 = arith.constant 320000 : i32
      %mul3A_379 = arith.muli %arg0, %mul3A_378 : i32
      %add3A_380 = arith.addi %mul3A_379, %mul3A_129 : i32
      "tpu.region"() ({
        %run_scoped3A = tpu.sem_alloc : memref<!tpu.dma_semaphore, #tpu.memory_space<semaphore_mem>>
        %dma_start3A_382 = arith.constant 0 : i32
        %dma_start3A_383 = tpu.memref_slice %arg6[%add3A_380, %dma_start3A_382] : memref<640000x64xf32, #tpu.memory_space<hbm>> -> memref<128x64xf32, #tpu.memory_space<hbm>>
        %dma_start3A_384 = arith.constant 0 : i32
        %dma_start3A_385 = tpu.memref_slice %arg6[%add3A_380, %dma_start3A_384] : memref<640000x64xf32, #tpu.memory_space<hbm>> -> memref<128x64xf32, #tpu.memory_space<hbm>>
        tpu.enqueue_dma source(%arg15 : memref<128x64xf32, #tpu.memory_space<vmem>>) target(%dma_start3A_385 : memref<128x64xf32, #tpu.memory_space<hbm>>) target_semaphore(%run_scoped3A : memref<!tpu.dma_semaphore, #tpu.memory_space<semaphore_mem>>)
        %dma_wait3A_386 = arith.constant 0 : i32
        %dma_wait3A_387 = tpu.memref_slice %arg6[%add3A_380, %dma_wait3A_386] : memref<640000x64xf32, #tpu.memory_space<hbm>> -> memref<128x64xf32, #tpu.memory_space<hbm>>
        %dma_wait3A_388 = arith.constant 0 : i32
        %dma_wait3A_389 = tpu.memref_slice %arg6[%add3A_380, %dma_wait3A_388] : memref<640000x64xf32, #tpu.memory_space<hbm>> -> memref<128x64xf32, #tpu.memory_space<hbm>>
        tpu.wait_dma2 semaphore(%run_scoped3A : memref<!tpu.dma_semaphore, #tpu.memory_space<semaphore_mem>>) src(%arg15 : memref<128x64xf32, #tpu.memory_space<vmem>>) dst(%dma_wait3A_389 : memref<128x64xf32, #tpu.memory_space<hbm>>)
        tpu.yield
      }) : () -> ()
      "tpu.region"() ({
        %run_scoped3A = tpu.sem_alloc : memref<!tpu.dma_semaphore, #tpu.memory_space<semaphore_mem>>
        %dma_start3A_382 = arith.constant 0 : i32
        %dma_start3A_383 = arith.constant 0 : i32
        %dma_start3A_384 = tpu.memref_slice %arg19[%dma_start3A_382, %dma_start3A_383] : memref<10240x64xf32, #tpu.memory_space<vmem_shared>> -> memref<10240x64xf32, #tpu.memory_space<vmem_shared>>
        tpu.enqueue_indirect_dma source(%arg14 : memref<128x64xf32, #tpu.memory_space<vmem>>) target(%dma_start3A_384 : memref<10240x64xf32, #tpu.memory_space<vmem_shared>>) offsets(%arg10 : memref<128xi32, #tpu.memory_space<vmem>>) semaphore(%run_scoped3A : memref<!tpu.dma_semaphore, #tpu.memory_space<semaphore_mem>>) {add = true}
        %dma_wait3A_385 = arith.constant 0 : i32
        %dma_wait3A_386 = arith.constant 0 : i32
        %dma_wait3A_387 = tpu.memref_slice %arg19[%dma_wait3A_385, %dma_wait3A_386] : memref<10240x64xf32, #tpu.memory_space<vmem_shared>> -> memref<10240x64xf32, #tpu.memory_space<vmem_shared>>
        tpu.wait_indirect_dma semaphore(%run_scoped3A : memref<!tpu.dma_semaphore, #tpu.memory_space<semaphore_mem>>) src(%arg14 : memref<128x64xf32, #tpu.memory_space<vmem>>) dst(%dma_wait3A_387 : memref<10240x64xf32, #tpu.memory_space<vmem_shared>>)
        tpu.yield
      }) : () -> ()
      "tpu.region"() ({
        %run_scoped3A = tpu.sem_alloc : memref<!tpu.dma_semaphore, #tpu.memory_space<semaphore_mem>>
        %dma_start3A_382 = arith.constant 0 : i32
        %dma_start3A_383 = arith.constant 0 : i32
        %dma_start3A_384 = tpu.memref_slice %arg20[%dma_start3A_382, %dma_start3A_383] : memref<10240x64xf32, #tpu.memory_space<vmem_shared>> -> memref<10240x64xf32, #tpu.memory_space<vmem_shared>>
        tpu.enqueue_indirect_dma source(%arg16 : memref<128x64xf32, #tpu.memory_space<vmem>>) target(%dma_start3A_384 : memref<10240x64xf32, #tpu.memory_space<vmem_shared>>) offsets(%arg10 : memref<128xi32, #tpu.memory_space<vmem>>) semaphore(%run_scoped3A : memref<!tpu.dma_semaphore, #tpu.memory_space<semaphore_mem>>) {add = true}
        %dma_wait3A_385 = arith.constant 0 : i32
        %dma_wait3A_386 = arith.constant 0 : i32
        %dma_wait3A_387 = tpu.memref_slice %arg20[%dma_wait3A_385, %dma_wait3A_386] : memref<10240x64xf32, #tpu.memory_space<vmem_shared>> -> memref<10240x64xf32, #tpu.memory_space<vmem_shared>>
        tpu.wait_indirect_dma semaphore(%run_scoped3A : memref<!tpu.dma_semaphore, #tpu.memory_space<semaphore_mem>>) src(%arg16 : memref<128x64xf32, #tpu.memory_space<vmem>>) dst(%dma_wait3A_387 : memref<10240x64xf32, #tpu.memory_space<vmem_shared>>)
        tpu.yield
      }) : () -> ()
      %while3A_381 = arith.constant 0 : i32
      scf.yield %while3A_381 : i32
    }
    %while3A_60 = arith.constant 1 : i32
    %while3A_61 = scf.for %while3A_123 = %while3A_57 to %while3A_53 step %while3A_60 iter_args(%while3A_124 = %while3A_59) -> (i32)  : i32 {
      %mul3A_125 = arith.constant 16 : i32
      %mul3A_126 = arith.muli %while3A_123, %mul3A_125 : i32
      %add3A_127 = arith.addi %arg1, %mul3A_126 : i32
      %mul3A_128 = arith.constant 128 : i32
      %mul3A_129 = arith.muli %add3A_127, %mul3A_128 : i32
      "tpu.region"() ({
        %run_scoped3A = tpu.sem_alloc : memref<!tpu.dma_semaphore, #tpu.memory_space<semaphore_mem>>
        %dma_start3A_382 = tpu.memref_slice %arg4[%mul3A_129] : memref<320000xi32, #tpu.memory_space<hbm>> -> memref<128xi32, #tpu.memory_space<hbm>>
        %dma_start3A_383 = tpu.memref_slice %arg4[%mul3A_129] : memref<320000xi32, #tpu.memory_space<hbm>> -> memref<128xi32, #tpu.memory_space<hbm>>
        tpu.enqueue_dma source(%dma_start3A_383 : memref<128xi32, #tpu.memory_space<hbm>>) target(%arg9 : memref<128xi32, #tpu.memory_space<vmem>>) target_semaphore(%run_scoped3A : memref<!tpu.dma_semaphore, #tpu.memory_space<semaphore_mem>>)
        %dma_wait3A_384 = tpu.memref_slice %arg4[%mul3A_129] : memref<320000xi32, #tpu.memory_space<hbm>> -> memref<128xi32, #tpu.memory_space<hbm>>
        %dma_wait3A_385 = tpu.memref_slice %arg4[%mul3A_129] : memref<320000xi32, #tpu.memory_space<hbm>> -> memref<128xi32, #tpu.memory_space<hbm>>
        tpu.wait_dma2 semaphore(%run_scoped3A : memref<!tpu.dma_semaphore, #tpu.memory_space<semaphore_mem>>) src(%dma_wait3A_385 : memref<128xi32, #tpu.memory_space<hbm>>) dst(%arg9 : memref<128xi32, #tpu.memory_space<vmem>>)
        tpu.yield
      }) : () -> ()
      "tpu.region"() ({
        %run_scoped3A = tpu.sem_alloc : memref<!tpu.dma_semaphore, #tpu.memory_space<semaphore_mem>>
        %dma_start3A_382 = tpu.memref_slice %arg5[%mul3A_129] : memref<320000xi32, #tpu.memory_space<hbm>> -> memref<128xi32, #tpu.memory_space<hbm>>
        %dma_start3A_383 = tpu.memref_slice %arg5[%mul3A_129] : memref<320000xi32, #tpu.memory_space<hbm>> -> memref<128xi32, #tpu.memory_space<hbm>>
        tpu.enqueue_dma source(%dma_start3A_383 : memref<128xi32, #tpu.memory_space<hbm>>) target(%arg10 : memref<128xi32, #tpu.memory_space<vmem>>) target_semaphore(%run_scoped3A : memref<!tpu.dma_semaphore, #tpu.memory_space<semaphore_mem>>)
        %dma_wait3A_384 = tpu.memref_slice %arg5[%mul3A_129] : memref<320000xi32, #tpu.memory_space<hbm>> -> memref<128xi32, #tpu.memory_space<hbm>>
        %dma_wait3A_385 = tpu.memref_slice %arg5[%mul3A_129] : memref<320000xi32, #tpu.memory_space<hbm>> -> memref<128xi32, #tpu.memory_space<hbm>>
        tpu.wait_dma2 semaphore(%run_scoped3A : memref<!tpu.dma_semaphore, #tpu.memory_space<semaphore_mem>>) src(%dma_wait3A_385 : memref<128xi32, #tpu.memory_space<hbm>>) dst(%arg10 : memref<128xi32, #tpu.memory_space<vmem>>)
        tpu.yield
      }) : () -> ()
      %get3A = arith.constant 0 : index
      %get3A_130 = tpu.vector_load %arg9[%get3A] {strides = array<i32>} : memref<128xi32, #tpu.memory_space<vmem>>, vector<16xi32>,
      %get3A_131 = vector.shape_cast %get3A_130 : vector<16xi32> to vector<16xi32>
      %get3A_132 = arith.constant 0 : index
      %get3A_133 = tpu.vector_load %arg10[%get3A_132] {strides = array<i32>} : memref<128xi32, #tpu.memory_space<vmem>>, vector<16xi32>,
      %get3A_134 = vector.shape_cast %get3A_133 : vector<16xi32> to vector<16xi32>
      %add3A_135 = vector.broadcast %mul3A_0 : i32 to vector<16xi32>
      %add3A_136 = arith.addi %get3A_131, %add3A_135 : vector<16xi32>
      %swap3A = arith.constant 0 : index
      %swap3A_137 = tpu.vector_load %arg11[%swap3A] {strides = array<i32>} : memref<128xi32, #tpu.memory_space<vmem>>, vector<16xi32>,
      %swap3A_138 = vector.shape_cast %swap3A_137 : vector<16xi32> to vector<16xi32>
      %swap3A_139 = vector.shape_cast %add3A_136 : vector<16xi32> to vector<16xi32>
      tpu.vector_store %arg11[%swap3A], %swap3A_139 {strides = array<i32>} : memref<128xi32, #tpu.memory_space<vmem>>, vector<16xi32>,
      %add3A_140 = arith.constant 10000 : i32
      %add3A_141 = arith.addi %mul3A_0, %add3A_140 : i32
      %add3A_142 = vector.broadcast %add3A_141 : i32 to vector<16xi32>
      %add3A_143 = arith.addi %get3A_131, %add3A_142 : vector<16xi32>
      %swap3A_144 = arith.constant 0 : index
      %swap3A_145 = tpu.vector_load %arg12[%swap3A_144] {strides = array<i32>} : memref<128xi32, #tpu.memory_space<vmem>>, vector<16xi32>,
      %swap3A_146 = vector.shape_cast %swap3A_145 : vector<16xi32> to vector<16xi32>
      %swap3A_147 = vector.shape_cast %add3A_143 : vector<16xi32> to vector<16xi32>
      tpu.vector_store %arg12[%swap3A_144], %swap3A_147 {strides = array<i32>} : memref<128xi32, #tpu.memory_space<vmem>>, vector<16xi32>,
      %add3A_148 = arith.constant 20000 : i32
      %add3A_149 = arith.addi %mul3A_0, %add3A_148 : i32
      %add3A_150 = vector.broadcast %add3A_149 : i32 to vector<16xi32>
      %add3A_151 = arith.addi %get3A_134, %add3A_150 : vector<16xi32>
      %swap3A_152 = arith.constant 0 : index
      %swap3A_153 = tpu.vector_load %arg13[%swap3A_152] {strides = array<i32>} : memref<128xi32, #tpu.memory_space<vmem>>, vector<16xi32>,
      %swap3A_154 = vector.shape_cast %swap3A_153 : vector<16xi32> to vector<16xi32>
      %swap3A_155 = vector.shape_cast %add3A_151 : vector<16xi32> to vector<16xi32>
      tpu.vector_store %arg13[%swap3A_152], %swap3A_155 {strides = array<i32>} : memref<128xi32, #tpu.memory_space<vmem>>, vector<16xi32>,
      %get3A_156 = arith.constant 16 : index
      %get3A_157 = tpu.vector_load %arg9[%get3A_156] {strides = array<i32>} : memref<128xi32, #tpu.memory_space<vmem>>, vector<16xi32>,
      %get3A_158 = vector.shape_cast %get3A_157 : vector<16xi32> to vector<16xi32>
      %get3A_159 = arith.constant 16 : index
      %get3A_160 = tpu.vector_load %arg10[%get3A_159] {strides = array<i32>} : memref<128xi32, #tpu.memory_space<vmem>>, vector<16xi32>,
      %get3A_161 = vector.shape_cast %get3A_160 : vector<16xi32> to vector<16xi32>
      %add3A_162 = vector.broadcast %mul3A_0 : i32 to vector<16xi32>
      %add3A_163 = arith.addi %get3A_158, %add3A_162 : vector<16xi32>
      %swap3A_164 = arith.constant 16 : index
      %swap3A_165 = tpu.vector_load %arg11[%swap3A_164] {strides = array<i32>} : memref<128xi32, #tpu.memory_space<vmem>>, vector<16xi32>,
      %swap3A_166 = vector.shape_cast %swap3A_165 : vector<16xi32> to vector<16xi32>
      %swap3A_167 = vector.shape_cast %add3A_163 : vector<16xi32> to vector<16xi32>
      tpu.vector_store %arg11[%swap3A_164], %swap3A_167 {strides = array<i32>} : memref<128xi32, #tpu.memory_space<vmem>>, vector<16xi32>,
      %add3A_168 = arith.constant 10000 : i32
      %add3A_169 = arith.addi %mul3A_0, %add3A_168 : i32
      %add3A_170 = vector.broadcast %add3A_169 : i32 to vector<16xi32>
      %add3A_171 = arith.addi %get3A_158, %add3A_170 : vector<16xi32>
      %swap3A_172 = arith.constant 16 : index
      %swap3A_173 = tpu.vector_load %arg12[%swap3A_172] {strides = array<i32>} : memref<128xi32, #tpu.memory_space<vmem>>, vector<16xi32>,
      %swap3A_174 = vector.shape_cast %swap3A_173 : vector<16xi32> to vector<16xi32>
      %swap3A_175 = vector.shape_cast %add3A_171 : vector<16xi32> to vector<16xi32>
      tpu.vector_store %arg12[%swap3A_172], %swap3A_175 {strides = array<i32>} : memref<128xi32, #tpu.memory_space<vmem>>, vector<16xi32>,
      %add3A_176 = arith.constant 20000 : i32
      %add3A_177 = arith.addi %mul3A_0, %add3A_176 : i32
      %add3A_178 = vector.broadcast %add3A_177 : i32 to vector<16xi32>
      %add3A_179 = arith.addi %get3A_161, %add3A_178 : vector<16xi32>
      %swap3A_180 = arith.constant 16 : index
      %swap3A_181 = tpu.vector_load %arg13[%swap3A_180] {strides = array<i32>} : memref<128xi32, #tpu.memory_space<vmem>>, vector<16xi32>,
      %swap3A_182 = vector.shape_cast %swap3A_181 : vector<16xi32> to vector<16xi32>
      %swap3A_183 = vector.shape_cast %add3A_179 : vector<16xi32> to vector<16xi32>
      tpu.vector_store %arg13[%swap3A_180], %swap3A_183 {strides = array<i32>} : memref<128xi32, #tpu.memory_space<vmem>>, vector<16xi32>,
      %get3A_184 = arith.constant 32 : index
      %get3A_185 = tpu.vector_load %arg9[%get3A_184] {strides = array<i32>} : memref<128xi32, #tpu.memory_space<vmem>>, vector<16xi32>,
      %get3A_186 = vector.shape_cast %get3A_185 : vector<16xi32> to vector<16xi32>
      %get3A_187 = arith.constant 32 : index
      %get3A_188 = tpu.vector_load %arg10[%get3A_187] {strides = array<i32>} : memref<128xi32, #tpu.memory_space<vmem>>, vector<16xi32>,
      %get3A_189 = vector.shape_cast %get3A_188 : vector<16xi32> to vector<16xi32>
      %add3A_190 = vector.broadcast %mul3A_0 : i32 to vector<16xi32>
      %add3A_191 = arith.addi %get3A_186, %add3A_190 : vector<16xi32>
      %swap3A_192 = arith.constant 32 : index
      %swap3A_193 = tpu.vector_load %arg11[%swap3A_192] {strides = array<i32>} : memref<128xi32, #tpu.memory_space<vmem>>, vector<16xi32>,
      %swap3A_194 = vector.shape_cast %swap3A_193 : vector<16xi32> to vector<16xi32>
      %swap3A_195 = vector.shape_cast %add3A_191 : vector<16xi32> to vector<16xi32>
      tpu.vector_store %arg11[%swap3A_192], %swap3A_195 {strides = array<i32>} : memref<128xi32, #tpu.memory_space<vmem>>, vector<16xi32>,
      %add3A_196 = arith.constant 10000 : i32
      %add3A_197 = arith.addi %mul3A_0, %add3A_196 : i32
      %add3A_198 = vector.broadcast %add3A_197 : i32 to vector<16xi32>
      %add3A_199 = arith.addi %get3A_186, %add3A_198 : vector<16xi32>
      %swap3A_200 = arith.constant 32 : index
      %swap3A_201 = tpu.vector_load %arg12[%swap3A_200] {strides = array<i32>} : memref<128xi32, #tpu.memory_space<vmem>>, vector<16xi32>,
      %swap3A_202 = vector.shape_cast %swap3A_201 : vector<16xi32> to vector<16xi32>
      %swap3A_203 = vector.shape_cast %add3A_199 : vector<16xi32> to vector<16xi32>
      tpu.vector_store %arg12[%swap3A_200], %swap3A_203 {strides = array<i32>} : memref<128xi32, #tpu.memory_space<vmem>>, vector<16xi32>,
      %add3A_204 = arith.constant 20000 : i32
      %add3A_205 = arith.addi %mul3A_0, %add3A_204 : i32
      %add3A_206 = vector.broadcast %add3A_205 : i32 to vector<16xi32>
      %add3A_207 = arith.addi %get3A_189, %add3A_206 : vector<16xi32>
      %swap3A_208 = arith.constant 32 : index
      %swap3A_209 = tpu.vector_load %arg13[%swap3A_208] {strides = array<i32>} : memref<128xi32, #tpu.memory_space<vmem>>, vector<16xi32>,
      %swap3A_210 = vector.shape_cast %swap3A_209 : vector<16xi32> to vector<16xi32>
      %swap3A_211 = vector.shape_cast %add3A_207 : vector<16xi32> to vector<16xi32>
      tpu.vector_store %arg13[%swap3A_208], %swap3A_211 {strides = array<i32>} : memref<128xi32, #tpu.memory_space<vmem>>, vector<16xi32>,
      %get3A_212 = arith.constant 48 : index
      %get3A_213 = tpu.vector_load %arg9[%get3A_212] {strides = array<i32>} : memref<128xi32, #tpu.memory_space<vmem>>, vector<16xi32>,
      %get3A_214 = vector.shape_cast %get3A_213 : vector<16xi32> to vector<16xi32>
      %get3A_215 = arith.constant 48 : index
      %get3A_216 = tpu.vector_load %arg10[%get3A_215] {strides = array<i32>} : memref<128xi32, #tpu.memory_space<vmem>>, vector<16xi32>,
      %get3A_217 = vector.shape_cast %get3A_216 : vector<16xi32> to vector<16xi32>
      %add3A_218 = vector.broadcast %mul3A_0 : i32 to vector<16xi32>
      %add3A_219 = arith.addi %get3A_214, %add3A_218 : vector<16xi32>
      %swap3A_220 = arith.constant 48 : index
      %swap3A_221 = tpu.vector_load %arg11[%swap3A_220] {strides = array<i32>} : memref<128xi32, #tpu.memory_space<vmem>>, vector<16xi32>,
      %swap3A_222 = vector.shape_cast %swap3A_221 : vector<16xi32> to vector<16xi32>
      %swap3A_223 = vector.shape_cast %add3A_219 : vector<16xi32> to vector<16xi32>
      tpu.vector_store %arg11[%swap3A_220], %swap3A_223 {strides = array<i32>} : memref<128xi32, #tpu.memory_space<vmem>>, vector<16xi32>,
      %add3A_224 = arith.constant 10000 : i32
      %add3A_225 = arith.addi %mul3A_0, %add3A_224 : i32
      %add3A_226 = vector.broadcast %add3A_225 : i32 to vector<16xi32>
      %add3A_227 = arith.addi %get3A_214, %add3A_226 : vector<16xi32>
      %swap3A_228 = arith.constant 48 : index
      %swap3A_229 = tpu.vector_load %arg12[%swap3A_228] {strides = array<i32>} : memref<128xi32, #tpu.memory_space<vmem>>, vector<16xi32>,
      %swap3A_230 = vector.shape_cast %swap3A_229 : vector<16xi32> to vector<16xi32>
      %swap3A_231 = vector.shape_cast %add3A_227 : vector<16xi32> to vector<16xi32>
      tpu.vector_store %arg12[%swap3A_228], %swap3A_231 {strides = array<i32>} : memref<128xi32, #tpu.memory_space<vmem>>, vector<16xi32>,
      %add3A_232 = arith.constant 20000 : i32
      %add3A_233 = arith.addi %mul3A_0, %add3A_232 : i32
      %add3A_234 = vector.broadcast %add3A_233 : i32 to vector<16xi32>
      %add3A_235 = arith.addi %get3A_217, %add3A_234 : vector<16xi32>
      %swap3A_236 = arith.constant 48 : index
      %swap3A_237 = tpu.vector_load %arg13[%swap3A_236] {strides = array<i32>} : memref<128xi32, #tpu.memory_space<vmem>>, vector<16xi32>,
      %swap3A_238 = vector.shape_cast %swap3A_237 : vector<16xi32> to vector<16xi32>
      %swap3A_239 = vector.shape_cast %add3A_235 : vector<16xi32> to vector<16xi32>
      tpu.vector_store %arg13[%swap3A_236], %swap3A_239 {strides = array<i32>} : memref<128xi32, #tpu.memory_space<vmem>>, vector<16xi32>,
      %get3A_240 = arith.constant 64 : index
      %get3A_241 = tpu.vector_load %arg9[%get3A_240] {strides = array<i32>} : memref<128xi32, #tpu.memory_space<vmem>>, vector<16xi32>,
      %get3A_242 = vector.shape_cast %get3A_241 : vector<16xi32> to vector<16xi32>
      %get3A_243 = arith.constant 64 : index
      %get3A_244 = tpu.vector_load %arg10[%get3A_243] {strides = array<i32>} : memref<128xi32, #tpu.memory_space<vmem>>, vector<16xi32>,
      %get3A_245 = vector.shape_cast %get3A_244 : vector<16xi32> to vector<16xi32>
      %add3A_246 = vector.broadcast %mul3A_0 : i32 to vector<16xi32>
      %add3A_247 = arith.addi %get3A_242, %add3A_246 : vector<16xi32>
      %swap3A_248 = arith.constant 64 : index
      %swap3A_249 = tpu.vector_load %arg11[%swap3A_248] {strides = array<i32>} : memref<128xi32, #tpu.memory_space<vmem>>, vector<16xi32>,
      %swap3A_250 = vector.shape_cast %swap3A_249 : vector<16xi32> to vector<16xi32>
      %swap3A_251 = vector.shape_cast %add3A_247 : vector<16xi32> to vector<16xi32>
      tpu.vector_store %arg11[%swap3A_248], %swap3A_251 {strides = array<i32>} : memref<128xi32, #tpu.memory_space<vmem>>, vector<16xi32>,
      %add3A_252 = arith.constant 10000 : i32
      %add3A_253 = arith.addi %mul3A_0, %add3A_252 : i32
      %add3A_254 = vector.broadcast %add3A_253 : i32 to vector<16xi32>
      %add3A_255 = arith.addi %get3A_242, %add3A_254 : vector<16xi32>
      %swap3A_256 = arith.constant 64 : index
      %swap3A_257 = tpu.vector_load %arg12[%swap3A_256] {strides = array<i32>} : memref<128xi32, #tpu.memory_space<vmem>>, vector<16xi32>,
      %swap3A_258 = vector.shape_cast %swap3A_257 : vector<16xi32> to vector<16xi32>
      %swap3A_259 = vector.shape_cast %add3A_255 : vector<16xi32> to vector<16xi32>
      tpu.vector_store %arg12[%swap3A_256], %swap3A_259 {strides = array<i32>} : memref<128xi32, #tpu.memory_space<vmem>>, vector<16xi32>,
      %add3A_260 = arith.constant 20000 : i32
      %add3A_261 = arith.addi %mul3A_0, %add3A_260 : i32
      %add3A_262 = vector.broadcast %add3A_261 : i32 to vector<16xi32>
      %add3A_263 = arith.addi %get3A_245, %add3A_262 : vector<16xi32>
      %swap3A_264 = arith.constant 64 : index
      %swap3A_265 = tpu.vector_load %arg13[%swap3A_264] {strides = array<i32>} : memref<128xi32, #tpu.memory_space<vmem>>, vector<16xi32>,
      %swap3A_266 = vector.shape_cast %swap3A_265 : vector<16xi32> to vector<16xi32>
      %swap3A_267 = vector.shape_cast %add3A_263 : vector<16xi32> to vector<16xi32>
      tpu.vector_store %arg13[%swap3A_264], %swap3A_267 {strides = array<i32>} : memref<128xi32, #tpu.memory_space<vmem>>, vector<16xi32>,
      %get3A_268 = arith.constant 80 : index
      %get3A_269 = tpu.vector_load %arg9[%get3A_268] {strides = array<i32>} : memref<128xi32, #tpu.memory_space<vmem>>, vector<16xi32>,
      %get3A_270 = vector.shape_cast %get3A_269 : vector<16xi32> to vector<16xi32>
      %get3A_271 = arith.constant 80 : index
      %get3A_272 = tpu.vector_load %arg10[%get3A_271] {strides = array<i32>} : memref<128xi32, #tpu.memory_space<vmem>>, vector<16xi32>,
      %get3A_273 = vector.shape_cast %get3A_272 : vector<16xi32> to vector<16xi32>
      %add3A_274 = vector.broadcast %mul3A_0 : i32 to vector<16xi32>
      %add3A_275 = arith.addi %get3A_270, %add3A_274 : vector<16xi32>
      %swap3A_276 = arith.constant 80 : index
      %swap3A_277 = tpu.vector_load %arg11[%swap3A_276] {strides = array<i32>} : memref<128xi32, #tpu.memory_space<vmem>>, vector<16xi32>,
      %swap3A_278 = vector.shape_cast %swap3A_277 : vector<16xi32> to vector<16xi32>
      %swap3A_279 = vector.shape_cast %add3A_275 : vector<16xi32> to vector<16xi32>
      tpu.vector_store %arg11[%swap3A_276], %swap3A_279 {strides = array<i32>} : memref<128xi32, #tpu.memory_space<vmem>>, vector<16xi32>,
      %add3A_280 = arith.constant 10000 : i32
      %add3A_281 = arith.addi %mul3A_0, %add3A_280 : i32
      %add3A_282 = vector.broadcast %add3A_281 : i32 to vector<16xi32>
      %add3A_283 = arith.addi %get3A_270, %add3A_282 : vector<16xi32>
      %swap3A_284 = arith.constant 80 : index
      %swap3A_285 = tpu.vector_load %arg12[%swap3A_284] {strides = array<i32>} : memref<128xi32, #tpu.memory_space<vmem>>, vector<16xi32>,
      %swap3A_286 = vector.shape_cast %swap3A_285 : vector<16xi32> to vector<16xi32>
      %swap3A_287 = vector.shape_cast %add3A_283 : vector<16xi32> to vector<16xi32>
      tpu.vector_store %arg12[%swap3A_284], %swap3A_287 {strides = array<i32>} : memref<128xi32, #tpu.memory_space<vmem>>, vector<16xi32>,
      %add3A_288 = arith.constant 20000 : i32
      %add3A_289 = arith.addi %mul3A_0, %add3A_288 : i32
      %add3A_290 = vector.broadcast %add3A_289 : i32 to vector<16xi32>
      %add3A_291 = arith.addi %get3A_273, %add3A_290 : vector<16xi32>
      %swap3A_292 = arith.constant 80 : index
      %swap3A_293 = tpu.vector_load %arg13[%swap3A_292] {strides = array<i32>} : memref<128xi32, #tpu.memory_space<vmem>>, vector<16xi32>,
      %swap3A_294 = vector.shape_cast %swap3A_293 : vector<16xi32> to vector<16xi32>
      %swap3A_295 = vector.shape_cast %add3A_291 : vector<16xi32> to vector<16xi32>
      tpu.vector_store %arg13[%swap3A_292], %swap3A_295 {strides = array<i32>} : memref<128xi32, #tpu.memory_space<vmem>>, vector<16xi32>,
      %get3A_296 = arith.constant 96 : index
      %get3A_297 = tpu.vector_load %arg9[%get3A_296] {strides = array<i32>} : memref<128xi32, #tpu.memory_space<vmem>>, vector<16xi32>,
      %get3A_298 = vector.shape_cast %get3A_297 : vector<16xi32> to vector<16xi32>
      %get3A_299 = arith.constant 96 : index
      %get3A_300 = tpu.vector_load %arg10[%get3A_299] {strides = array<i32>} : memref<128xi32, #tpu.memory_space<vmem>>, vector<16xi32>,
      %get3A_301 = vector.shape_cast %get3A_300 : vector<16xi32> to vector<16xi32>
      %add3A_302 = vector.broadcast %mul3A_0 : i32 to vector<16xi32>
      %add3A_303 = arith.addi %get3A_298, %add3A_302 : vector<16xi32>
      %swap3A_304 = arith.constant 96 : index
      %swap3A_305 = tpu.vector_load %arg11[%swap3A_304] {strides = array<i32>} : memref<128xi32, #tpu.memory_space<vmem>>, vector<16xi32>,
      %swap3A_306 = vector.shape_cast %swap3A_305 : vector<16xi32> to vector<16xi32>
      %swap3A_307 = vector.shape_cast %add3A_303 : vector<16xi32> to vector<16xi32>
      tpu.vector_store %arg11[%swap3A_304], %swap3A_307 {strides = array<i32>} : memref<128xi32, #tpu.memory_space<vmem>>, vector<16xi32>,
      %add3A_308 = arith.constant 10000 : i32
      %add3A_309 = arith.addi %mul3A_0, %add3A_308 : i32
      %add3A_310 = vector.broadcast %add3A_309 : i32 to vector<16xi32>
      %add3A_311 = arith.addi %get3A_298, %add3A_310 : vector<16xi32>
      %swap3A_312 = arith.constant 96 : index
      %swap3A_313 = tpu.vector_load %arg12[%swap3A_312] {strides = array<i32>} : memref<128xi32, #tpu.memory_space<vmem>>, vector<16xi32>,
      %swap3A_314 = vector.shape_cast %swap3A_313 : vector<16xi32> to vector<16xi32>
      %swap3A_315 = vector.shape_cast %add3A_311 : vector<16xi32> to vector<16xi32>
      tpu.vector_store %arg12[%swap3A_312], %swap3A_315 {strides = array<i32>} : memref<128xi32, #tpu.memory_space<vmem>>, vector<16xi32>,
      %add3A_316 = arith.constant 20000 : i32
      %add3A_317 = arith.addi %mul3A_0, %add3A_316 : i32
      %add3A_318 = vector.broadcast %add3A_317 : i32 to vector<16xi32>
      %add3A_319 = arith.addi %get3A_301, %add3A_318 : vector<16xi32>
      %swap3A_320 = arith.constant 96 : index
      %swap3A_321 = tpu.vector_load %arg13[%swap3A_320] {strides = array<i32>} : memref<128xi32, #tpu.memory_space<vmem>>, vector<16xi32>,
      %swap3A_322 = vector.shape_cast %swap3A_321 : vector<16xi32> to vector<16xi32>
      %swap3A_323 = vector.shape_cast %add3A_319 : vector<16xi32> to vector<16xi32>
      tpu.vector_store %arg13[%swap3A_320], %swap3A_323 {strides = array<i32>} : memref<128xi32, #tpu.memory_space<vmem>>, vector<16xi32>,
      %get3A_324 = arith.constant 112 : index
      %get3A_325 = tpu.vector_load %arg9[%get3A_324] {strides = array<i32>} : memref<128xi32, #tpu.memory_space<vmem>>, vector<16xi32>,
      %get3A_326 = vector.shape_cast %get3A_325 : vector<16xi32> to vector<16xi32>
      %get3A_327 = arith.constant 112 : index
      %get3A_328 = tpu.vector_load %arg10[%get3A_327] {strides = array<i32>} : memref<128xi32, #tpu.memory_space<vmem>>, vector<16xi32>,
      %get3A_329 = vector.shape_cast %get3A_328 : vector<16xi32> to vector<16xi32>
      %add3A_330 = vector.broadcast %mul3A_0 : i32 to vector<16xi32>
      %add3A_331 = arith.addi %get3A_326, %add3A_330 : vector<16xi32>
      %swap3A_332 = arith.constant 112 : index
      %swap3A_333 = tpu.vector_load %arg11[%swap3A_332] {strides = array<i32>} : memref<128xi32, #tpu.memory_space<vmem>>, vector<16xi32>,
      %swap3A_334 = vector.shape_cast %swap3A_333 : vector<16xi32> to vector<16xi32>
      %swap3A_335 = vector.shape_cast %add3A_331 : vector<16xi32> to vector<16xi32>
      tpu.vector_store %arg11[%swap3A_332], %swap3A_335 {strides = array<i32>} : memref<128xi32, #tpu.memory_space<vmem>>, vector<16xi32>,
      %add3A_336 = arith.constant 10000 : i32
      %add3A_337 = arith.addi %mul3A_0, %add3A_336 : i32
      %add3A_338 = vector.broadcast %add3A_337 : i32 to vector<16xi32>
      %add3A_339 = arith.addi %get3A_326, %add3A_338 : vector<16xi32>
      %swap3A_340 = arith.constant 112 : index
      %swap3A_341 = tpu.vector_load %arg12[%swap3A_340] {strides = array<i32>} : memref<128xi32, #tpu.memory_space<vmem>>, vector<16xi32>,
      %swap3A_342 = vector.shape_cast %swap3A_341 : vector<16xi32> to vector<16xi32>
      %swap3A_343 = vector.shape_cast %add3A_339 : vector<16xi32> to vector<16xi32>
      tpu.vector_store %arg12[%swap3A_340], %swap3A_343 {strides = array<i32>} : memref<128xi32, #tpu.memory_space<vmem>>, vector<16xi32>,
      %add3A_344 = arith.constant 20000 : i32
      %add3A_345 = arith.addi %mul3A_0, %add3A_344 : i32
      %add3A_346 = vector.broadcast %add3A_345 : i32 to vector<16xi32>
      %add3A_347 = arith.addi %get3A_329, %add3A_346 : vector<16xi32>
      %swap3A_348 = arith.constant 112 : index
      %swap3A_349 = tpu.vector_load %arg13[%swap3A_348] {strides = array<i32>} : memref<128xi32, #tpu.memory_space<vmem>>, vector<16xi32>,
      %swap3A_350 = vector.shape_cast %swap3A_349 : vector<16xi32> to vector<16xi32>
      %swap3A_351 = vector.shape_cast %add3A_347 : vector<16xi32> to vector<16xi32>
      tpu.vector_store %arg13[%swap3A_348], %swap3A_351 {strides = array<i32>} : memref<128xi32, #tpu.memory_space<vmem>>, vector<16xi32>,
      %dma_start3A = arith.constant 0 : i32
      %dma_start3A_352 = arith.constant 0 : i32
      %dma_start3A_353 = tpu.memref_slice %arg2[%dma_start3A, %dma_start3A_352] : memref<60000x64xf32, #tpu.memory_space<hbm>> -> memref<60000x64xf32, #tpu.memory_space<hbm>>
      tpu.enqueue_indirect_dma source(%dma_start3A_353 : memref<60000x64xf32, #tpu.memory_space<hbm>>) target(%arg14 : memref<128x64xf32, #tpu.memory_space<vmem>>) offsets(%arg11 : memref<128xi32, #tpu.memory_space<vmem>>) semaphore(%arg21 : memref<!tpu.dma_semaphore, #tpu.memory_space<semaphore_mem>>)
      %dma_start3A_354 = arith.constant 0 : i32
      %dma_start3A_355 = arith.constant 0 : i32
      %dma_start3A_356 = tpu.memref_slice %arg2[%dma_start3A_354, %dma_start3A_355] : memref<60000x64xf32, #tpu.memory_space<hbm>> -> memref<60000x64xf32, #tpu.memory_space<hbm>>
      tpu.enqueue_indirect_dma source(%dma_start3A_356 : memref<60000x64xf32, #tpu.memory_space<hbm>>) target(%arg15 : memref<128x64xf32, #tpu.memory_space<vmem>>) offsets(%arg12 : memref<128xi32, #tpu.memory_space<vmem>>) semaphore(%arg21 : memref<!tpu.dma_semaphore, #tpu.memory_space<semaphore_mem>>)
      %dma_start3A_357 = arith.constant 0 : i32
      %dma_start3A_358 = arith.constant 0 : i32
      %dma_start3A_359 = tpu.memref_slice %arg2[%dma_start3A_357, %dma_start3A_358] : memref<60000x64xf32, #tpu.memory_space<hbm>> -> memref<60000x64xf32, #tpu.memory_space<hbm>>
      tpu.enqueue_indirect_dma source(%dma_start3A_359 : memref<60000x64xf32, #tpu.memory_space<hbm>>) target(%arg16 : memref<128x64xf32, #tpu.memory_space<vmem>>) offsets(%arg13 : memref<128xi32, #tpu.memory_space<vmem>>) semaphore(%arg21 : memref<!tpu.dma_semaphore, #tpu.memory_space<semaphore_mem>>)
      %mul3A_360 = arith.constant 320000 : i32
      %mul3A_361 = arith.muli %arg0, %mul3A_360 : i32
      %add3A_362 = arith.addi %mul3A_361, %mul3A_129 : i32
      "tpu.region"() ({
        %run_scoped3A = tpu.sem_alloc : memref<!tpu.dma_semaphore, #tpu.memory_space<semaphore_mem>>
        %dma_start3A_382 = arith.constant 0 : i32
        %dma_start3A_383 = tpu.memref_slice %arg3[%add3A_362, %dma_start3A_382] : memref<640000x64xf32, #tpu.memory_space<hbm>> -> memref<128x64xf32, #tpu.memory_space<hbm>>
        %dma_start3A_384 = arith.constant 0 : i32
        %dma_start3A_385 = tpu.memref_slice %arg3[%add3A_362, %dma_start3A_384] : memref<640000x64xf32, #tpu.memory_space<hbm>> -> memref<128x64xf32, #tpu.memory_space<hbm>>
        tpu.enqueue_dma source(%dma_start3A_385 : memref<128x64xf32, #tpu.memory_space<hbm>>) target(%arg17 : memref<128x64xf32, #tpu.memory_space<vmem>>) target_semaphore(%run_scoped3A : memref<!tpu.dma_semaphore, #tpu.memory_space<semaphore_mem>>)
        %dma_wait3A_386 = arith.constant 0 : i32
        %dma_wait3A_387 = tpu.memref_slice %arg3[%add3A_362, %dma_wait3A_386] : memref<640000x64xf32, #tpu.memory_space<hbm>> -> memref<128x64xf32, #tpu.memory_space<hbm>>
        %dma_wait3A_388 = arith.constant 0 : i32
        %dma_wait3A_389 = tpu.memref_slice %arg3[%add3A_362, %dma_wait3A_388] : memref<640000x64xf32, #tpu.memory_space<hbm>> -> memref<128x64xf32, #tpu.memory_space<hbm>>
        tpu.wait_dma2 semaphore(%run_scoped3A : memref<!tpu.dma_semaphore, #tpu.memory_space<semaphore_mem>>) src(%dma_wait3A_389 : memref<128x64xf32, #tpu.memory_space<hbm>>) dst(%arg17 : memref<128x64xf32, #tpu.memory_space<vmem>>)
        tpu.yield
      }) : () -> ()
      %dma_wait3A = arith.constant 0 : i32
      %dma_wait3A_363 = arith.constant 0 : i32
      %dma_wait3A_364 = tpu.memref_slice %arg2[%dma_wait3A, %dma_wait3A_363] : memref<60000x64xf32, #tpu.memory_space<hbm>> -> memref<60000x64xf32, #tpu.memory_space<hbm>>
      tpu.wait_indirect_dma semaphore(%arg21 : memref<!tpu.dma_semaphore, #tpu.memory_space<semaphore_mem>>) src(%dma_wait3A_364 : memref<60000x64xf32, #tpu.memory_space<hbm>>) dst(%arg14 : memref<128x64xf32, #tpu.memory_space<vmem>>)
      %dma_wait3A_365 = arith.constant 0 : i32
      %dma_wait3A_366 = arith.constant 0 : i32
      %dma_wait3A_367 = tpu.memref_slice %arg2[%dma_wait3A_365, %dma_wait3A_366] : memref<60000x64xf32, #tpu.memory_space<hbm>> -> memref<60000x64xf32, #tpu.memory_space<hbm>>
      tpu.wait_indirect_dma semaphore(%arg21 : memref<!tpu.dma_semaphore, #tpu.memory_space<semaphore_mem>>) src(%dma_wait3A_367 : memref<60000x64xf32, #tpu.memory_space<hbm>>) dst(%arg15 : memref<128x64xf32, #tpu.memory_space<vmem>>)
      %dma_wait3A_368 = arith.constant 0 : i32
      %dma_wait3A_369 = arith.constant 0 : i32
      %dma_wait3A_370 = tpu.memref_slice %arg2[%dma_wait3A_368, %dma_wait3A_369] : memref<60000x64xf32, #tpu.memory_space<hbm>> -> memref<60000x64xf32, #tpu.memory_space<hbm>>
      tpu.wait_indirect_dma semaphore(%arg21 : memref<!tpu.dma_semaphore, #tpu.memory_space<semaphore_mem>>) src(%dma_wait3A_370 : memref<60000x64xf32, #tpu.memory_space<hbm>>) dst(%arg16 : memref<128x64xf32, #tpu.memory_space<vmem>>)
      %scan3A_371 = arith.constant 0 : i32
      %scan3A_372 = arith.constant 0 : i32
      %scan3A_373 = arith.constant 128 : i32
      %scan3A_374 = arith.addi %scan3A_372, %scan3A_373 : i32
      %scan3A_375 = arith.constant 1 : i32
      %scan3A_376 = scf.for %scan3A_382 = %scan3A_372 to %scan3A_374 step %scan3A_375 iter_args(%scan3A_383 = %scan3A_371) -> (i32)  : i32 {
        %get3A_384 = arith.index_cast %scan3A_382 : i32 to index
        %get3A_385 = arith.constant 0 : index
        %get3A_386 = tpu.vector_load %arg15[%get3A_384, %get3A_385] {strides = array<i32>} : memref<128x64xf32, #tpu.memory_space<vmem>>, vector<1x16xf32>,
        %get3A_387 = vector.shape_cast %get3A_386 : vector<1x16xf32> to vector<16xf32>
        %get3A_388 = arith.index_cast %scan3A_382 : i32 to index
        %get3A_389 = arith.constant 0 : index
        %get3A_390 = tpu.vector_load %arg16[%get3A_388, %get3A_389] {strides = array<i32>} : memref<128x64xf32, #tpu.memory_space<vmem>>, vector<1x16xf32>,
        %get3A_391 = vector.shape_cast %get3A_390 : vector<1x16xf32> to vector<16xf32>
        %add3A_392 = arith.addf %get3A_387, %get3A_391 : vector<16xf32>
        %get3A_393 = arith.index_cast %scan3A_382 : i32 to index
        %get3A_394 = arith.constant 0 : index
        %get3A_395 = tpu.vector_load %arg17[%get3A_393, %get3A_394] {strides = array<i32>} : memref<128x64xf32, #tpu.memory_space<vmem>>, vector<1x16xf32>,
        %get3A_396 = vector.shape_cast %get3A_395 : vector<1x16xf32> to vector<16xf32>
        %add3A_397 = arith.addf %add3A_392, %get3A_396 : vector<16xf32>
        %neg3A = arith.constant 0.000000e+00 : f32
        %neg3A_398 = vector.broadcast %neg3A : f32 to vector<16xf32>
        %neg3A_399 = arith.subf %neg3A_398, %add3A_397 : vector<16xf32>
        %exp3A = math.exp %neg3A_399 : vector<16xf32>
        %add3A_400 = arith.constant 1.000000e+00 : f32
        %add3A_401 = vector.broadcast %add3A_400 : f32 to vector<16xf32>
        %add3A_402 = arith.addf %add3A_401, %exp3A : vector<16xf32>
        %div3A_403 = arith.constant 1.000000e+00 : f32
        %div3A_404 = vector.broadcast %div3A_403 : f32 to vector<16xf32>
        %div3A_405 = arith.divf %div3A_404, %add3A_402 : vector<16xf32>
        %max3A = arith.constant 0.000000e+00 : f32
        %max3A_406 = vector.broadcast %max3A : f32 to vector<16xf32>
        %max3A_407 = arith.maximumf %add3A_397, %max3A_406 : vector<16xf32>
        %swap3A_408 = arith.index_cast %scan3A_382 : i32 to index
        %swap3A_409 = arith.constant 0 : index
        %swap3A_410 = tpu.vector_load %arg15[%swap3A_408, %swap3A_409] {strides = array<i32>} : memref<128x64xf32, #tpu.memory_space<vmem>>, vector<1x16xf32>,
        %swap3A_411 = vector.shape_cast %swap3A_410 : vector<1x16xf32> to vector<16xf32>
        %swap3A_412 = vector.shape_cast %max3A_407 : vector<16xf32> to vector<1x16xf32>
        tpu.vector_store %arg15[%swap3A_408, %swap3A_409], %swap3A_412 {strides = array<i32>} : memref<128x64xf32, #tpu.memory_space<vmem>>, vector<1x16xf32>,
        %get3A_413 = arith.index_cast %scan3A_382 : i32 to index
        %get3A_414 = arith.constant 0 : index
        %get3A_415 = tpu.vector_load %arg14[%get3A_413, %get3A_414] {strides = array<i32>} : memref<128x64xf32, #tpu.memory_space<vmem>>, vector<1x16xf32>,
        %get3A_416 = vector.shape_cast %get3A_415 : vector<1x16xf32> to vector<16xf32>
        %mul3A_417 = arith.mulf %div3A_405, %get3A_416 : vector<16xf32>
        %swap3A_418 = arith.index_cast %scan3A_382 : i32 to index
        %swap3A_419 = arith.constant 0 : index
        %swap3A_420 = tpu.vector_load %arg14[%swap3A_418, %swap3A_419] {strides = array<i32>} : memref<128x64xf32, #tpu.memory_space<vmem>>, vector<1x16xf32>,
        %swap3A_421 = vector.shape_cast %swap3A_420 : vector<1x16xf32> to vector<16xf32>
        %swap3A_422 = vector.shape_cast %mul3A_417 : vector<16xf32> to vector<1x16xf32>
        tpu.vector_store %arg14[%swap3A_418, %swap3A_419], %swap3A_422 {strides = array<i32>} : memref<128x64xf32, #tpu.memory_space<vmem>>, vector<1x16xf32>,
        %swap3A_423 = arith.index_cast %scan3A_382 : i32 to index
        %swap3A_424 = arith.constant 0 : index
        %swap3A_425 = tpu.vector_load %arg16[%swap3A_423, %swap3A_424] {strides = array<i32>} : memref<128x64xf32, #tpu.memory_space<vmem>>, vector<1x16xf32>,
        %swap3A_426 = vector.shape_cast %swap3A_425 : vector<1x16xf32> to vector<16xf32>
        %swap3A_427 = vector.shape_cast %div3A_405 : vector<16xf32> to vector<1x16xf32>
        tpu.vector_store %arg16[%swap3A_423, %swap3A_424], %swap3A_427 {strides = array<i32>} : memref<128x64xf32, #tpu.memory_space<vmem>>, vector<1x16xf32>,
        %get3A_428 = arith.index_cast %scan3A_382 : i32 to index
        %get3A_429 = arith.constant 16 : index
        %get3A_430 = tpu.vector_load %arg15[%get3A_428, %get3A_429] {strides = array<i32>} : memref<128x64xf32, #tpu.memory_space<vmem>>, vector<1x16xf32>,
        %get3A_431 = vector.shape_cast %get3A_430 : vector<1x16xf32> to vector<16xf32>
        %get3A_432 = arith.index_cast %scan3A_382 : i32 to index
        %get3A_433 = arith.constant 16 : index
        %get3A_434 = tpu.vector_load %arg16[%get3A_432, %get3A_433] {strides = array<i32>} : memref<128x64xf32, #tpu.memory_space<vmem>>, vector<1x16xf32>,
        %get3A_435 = vector.shape_cast %get3A_434 : vector<1x16xf32> to vector<16xf32>
        %add3A_436 = arith.addf %get3A_431, %get3A_435 : vector<16xf32>
        %get3A_437 = arith.index_cast %scan3A_382 : i32 to index
        %get3A_438 = arith.constant 16 : index
        %get3A_439 = tpu.vector_load %arg17[%get3A_437, %get3A_438] {strides = array<i32>} : memref<128x64xf32, #tpu.memory_space<vmem>>, vector<1x16xf32>,
        %get3A_440 = vector.shape_cast %get3A_439 : vector<1x16xf32> to vector<16xf32>
        %add3A_441 = arith.addf %add3A_436, %get3A_440 : vector<16xf32>
        %neg3A_442 = arith.constant 0.000000e+00 : f32
        %neg3A_443 = vector.broadcast %neg3A_442 : f32 to vector<16xf32>
        %neg3A_444 = arith.subf %neg3A_443, %add3A_441 : vector<16xf32>
        %exp3A_445 = math.exp %neg3A_444 : vector<16xf32>
        %add3A_446 = arith.constant 1.000000e+00 : f32
        %add3A_447 = vector.broadcast %add3A_446 : f32 to vector<16xf32>
        %add3A_448 = arith.addf %add3A_447, %exp3A_445 : vector<16xf32>
        %div3A_449 = arith.constant 1.000000e+00 : f32
        %div3A_450 = vector.broadcast %div3A_449 : f32 to vector<16xf32>
        %div3A_451 = arith.divf %div3A_450, %add3A_448 : vector<16xf32>
        %max3A_452 = arith.constant 0.000000e+00 : f32
        %max3A_453 = vector.broadcast %max3A_452 : f32 to vector<16xf32>
        %max3A_454 = arith.maximumf %add3A_441, %max3A_453 : vector<16xf32>
        %swap3A_455 = arith.index_cast %scan3A_382 : i32 to index
        %swap3A_456 = arith.constant 16 : index
        %swap3A_457 = tpu.vector_load %arg15[%swap3A_455, %swap3A_456] {strides = array<i32>} : memref<128x64xf32, #tpu.memory_space<vmem>>, vector<1x16xf32>,
        %swap3A_458 = vector.shape_cast %swap3A_457 : vector<1x16xf32> to vector<16xf32>
        %swap3A_459 = vector.shape_cast %max3A_454 : vector<16xf32> to vector<1x16xf32>
        tpu.vector_store %arg15[%swap3A_455, %swap3A_456], %swap3A_459 {strides = array<i32>} : memref<128x64xf32, #tpu.memory_space<vmem>>, vector<1x16xf32>,
        %get3A_460 = arith.index_cast %scan3A_382 : i32 to index
        %get3A_461 = arith.constant 16 : index
        %get3A_462 = tpu.vector_load %arg14[%get3A_460, %get3A_461] {strides = array<i32>} : memref<128x64xf32, #tpu.memory_space<vmem>>, vector<1x16xf32>,
        %get3A_463 = vector.shape_cast %get3A_462 : vector<1x16xf32> to vector<16xf32>
        %mul3A_464 = arith.mulf %div3A_451, %get3A_463 : vector<16xf32>
        %swap3A_465 = arith.index_cast %scan3A_382 : i32 to index
        %swap3A_466 = arith.constant 16 : index
        %swap3A_467 = tpu.vector_load %arg14[%swap3A_465, %swap3A_466] {strides = array<i32>} : memref<128x64xf32, #tpu.memory_space<vmem>>, vector<1x16xf32>,
        %swap3A_468 = vector.shape_cast %swap3A_467 : vector<1x16xf32> to vector<16xf32>
        %swap3A_469 = vector.shape_cast %mul3A_464 : vector<16xf32> to vector<1x16xf32>
        tpu.vector_store %arg14[%swap3A_465, %swap3A_466], %swap3A_469 {strides = array<i32>} : memref<128x64xf32, #tpu.memory_space<vmem>>, vector<1x16xf32>,
        %swap3A_470 = arith.index_cast %scan3A_382 : i32 to index
        %swap3A_471 = arith.constant 16 : index
        %swap3A_472 = tpu.vector_load %arg16[%swap3A_470, %swap3A_471] {strides = array<i32>} : memref<128x64xf32, #tpu.memory_space<vmem>>, vector<1x16xf32>,
        %swap3A_473 = vector.shape_cast %swap3A_472 : vector<1x16xf32> to vector<16xf32>
        %swap3A_474 = vector.shape_cast %div3A_451 : vector<16xf32> to vector<1x16xf32>
        tpu.vector_store %arg16[%swap3A_470, %swap3A_471], %swap3A_474 {strides = array<i32>} : memref<128x64xf32, #tpu.memory_space<vmem>>, vector<1x16xf32>,
        %get3A_475 = arith.index_cast %scan3A_382 : i32 to index
        %get3A_476 = arith.constant 32 : index
        %get3A_477 = tpu.vector_load %arg15[%get3A_475, %get3A_476] {strides = array<i32>} : memref<128x64xf32, #tpu.memory_space<vmem>>, vector<1x16xf32>,
        %get3A_478 = vector.shape_cast %get3A_477 : vector<1x16xf32> to vector<16xf32>
        %get3A_479 = arith.index_cast %scan3A_382 : i32 to index
        %get3A_480 = arith.constant 32 : index
        %get3A_481 = tpu.vector_load %arg16[%get3A_479, %get3A_480] {strides = array<i32>} : memref<128x64xf32, #tpu.memory_space<vmem>>, vector<1x16xf32>,
        %get3A_482 = vector.shape_cast %get3A_481 : vector<1x16xf32> to vector<16xf32>
        %add3A_483 = arith.addf %get3A_478, %get3A_482 : vector<16xf32>
        %get3A_484 = arith.index_cast %scan3A_382 : i32 to index
        %get3A_485 = arith.constant 32 : index
        %get3A_486 = tpu.vector_load %arg17[%get3A_484, %get3A_485] {strides = array<i32>} : memref<128x64xf32, #tpu.memory_space<vmem>>, vector<1x16xf32>,
        %get3A_487 = vector.shape_cast %get3A_486 : vector<1x16xf32> to vector<16xf32>
        %add3A_488 = arith.addf %add3A_483, %get3A_487 : vector<16xf32>
        %neg3A_489 = arith.constant 0.000000e+00 : f32
        %neg3A_490 = vector.broadcast %neg3A_489 : f32 to vector<16xf32>
        %neg3A_491 = arith.subf %neg3A_490, %add3A_488 : vector<16xf32>
        %exp3A_492 = math.exp %neg3A_491 : vector<16xf32>
        %add3A_493 = arith.constant 1.000000e+00 : f32
        %add3A_494 = vector.broadcast %add3A_493 : f32 to vector<16xf32>
        %add3A_495 = arith.addf %add3A_494, %exp3A_492 : vector<16xf32>
        %div3A_496 = arith.constant 1.000000e+00 : f32
        %div3A_497 = vector.broadcast %div3A_496 : f32 to vector<16xf32>
        %div3A_498 = arith.divf %div3A_497, %add3A_495 : vector<16xf32>
        %max3A_499 = arith.constant 0.000000e+00 : f32
        %max3A_500 = vector.broadcast %max3A_499 : f32 to vector<16xf32>
        %max3A_501 = arith.maximumf %add3A_488, %max3A_500 : vector<16xf32>
        %swap3A_502 = arith.index_cast %scan3A_382 : i32 to index
        %swap3A_503 = arith.constant 32 : index
        %swap3A_504 = tpu.vector_load %arg15[%swap3A_502, %swap3A_503] {strides = array<i32>} : memref<128x64xf32, #tpu.memory_space<vmem>>, vector<1x16xf32>,
        %swap3A_505 = vector.shape_cast %swap3A_504 : vector<1x16xf32> to vector<16xf32>
        %swap3A_506 = vector.shape_cast %max3A_501 : vector<16xf32> to vector<1x16xf32>
        tpu.vector_store %arg15[%swap3A_502, %swap3A_503], %swap3A_506 {strides = array<i32>} : memref<128x64xf32, #tpu.memory_space<vmem>>, vector<1x16xf32>,
        %get3A_507 = arith.index_cast %scan3A_382 : i32 to index
        %get3A_508 = arith.constant 32 : index
        %get3A_509 = tpu.vector_load %arg14[%get3A_507, %get3A_508] {strides = array<i32>} : memref<128x64xf32, #tpu.memory_space<vmem>>, vector<1x16xf32>,
        %get3A_510 = vector.shape_cast %get3A_509 : vector<1x16xf32> to vector<16xf32>
        %mul3A_511 = arith.mulf %div3A_498, %get3A_510 : vector<16xf32>
        %swap3A_512 = arith.index_cast %scan3A_382 : i32 to index
        %swap3A_513 = arith.constant 32 : index
        %swap3A_514 = tpu.vector_load %arg14[%swap3A_512, %swap3A_513] {strides = array<i32>} : memref<128x64xf32, #tpu.memory_space<vmem>>, vector<1x16xf32>,
        %swap3A_515 = vector.shape_cast %swap3A_514 : vector<1x16xf32> to vector<16xf32>
        %swap3A_516 = vector.shape_cast %mul3A_511 : vector<16xf32> to vector<1x16xf32>
        tpu.vector_store %arg14[%swap3A_512, %swap3A_513], %swap3A_516 {strides = array<i32>} : memref<128x64xf32, #tpu.memory_space<vmem>>, vector<1x16xf32>,
        %swap3A_517 = arith.index_cast %scan3A_382 : i32 to index
        %swap3A_518 = arith.constant 32 : index
        %swap3A_519 = tpu.vector_load %arg16[%swap3A_517, %swap3A_518] {strides = array<i32>} : memref<128x64xf32, #tpu.memory_space<vmem>>, vector<1x16xf32>,
        %swap3A_520 = vector.shape_cast %swap3A_519 : vector<1x16xf32> to vector<16xf32>
        %swap3A_521 = vector.shape_cast %div3A_498 : vector<16xf32> to vector<1x16xf32>
        tpu.vector_store %arg16[%swap3A_517, %swap3A_518], %swap3A_521 {strides = array<i32>} : memref<128x64xf32, #tpu.memory_space<vmem>>, vector<1x16xf32>,
        %get3A_522 = arith.index_cast %scan3A_382 : i32 to index
        %get3A_523 = arith.constant 48 : index
        %get3A_524 = tpu.vector_load %arg15[%get3A_522, %get3A_523] {strides = array<i32>} : memref<128x64xf32, #tpu.memory_space<vmem>>, vector<1x16xf32>,
        %get3A_525 = vector.shape_cast %get3A_524 : vector<1x16xf32> to vector<16xf32>
        %get3A_526 = arith.index_cast %scan3A_382 : i32 to index
        %get3A_527 = arith.constant 48 : index
        %get3A_528 = tpu.vector_load %arg16[%get3A_526, %get3A_527] {strides = array<i32>} : memref<128x64xf32, #tpu.memory_space<vmem>>, vector<1x16xf32>,
        %get3A_529 = vector.shape_cast %get3A_528 : vector<1x16xf32> to vector<16xf32>
        %add3A_530 = arith.addf %get3A_525, %get3A_529 : vector<16xf32>
        %get3A_531 = arith.index_cast %scan3A_382 : i32 to index
        %get3A_532 = arith.constant 48 : index
        %get3A_533 = tpu.vector_load %arg17[%get3A_531, %get3A_532] {strides = array<i32>} : memref<128x64xf32, #tpu.memory_space<vmem>>, vector<1x16xf32>,
        %get3A_534 = vector.shape_cast %get3A_533 : vector<1x16xf32> to vector<16xf32>
        %add3A_535 = arith.addf %add3A_530, %get3A_534 : vector<16xf32>
        %neg3A_536 = arith.constant 0.000000e+00 : f32
        %neg3A_537 = vector.broadcast %neg3A_536 : f32 to vector<16xf32>
        %neg3A_538 = arith.subf %neg3A_537, %add3A_535 : vector<16xf32>
        %exp3A_539 = math.exp %neg3A_538 : vector<16xf32>
        %add3A_540 = arith.constant 1.000000e+00 : f32
        %add3A_541 = vector.broadcast %add3A_540 : f32 to vector<16xf32>
        %add3A_542 = arith.addf %add3A_541, %exp3A_539 : vector<16xf32>
        %div3A_543 = arith.constant 1.000000e+00 : f32
        %div3A_544 = vector.broadcast %div3A_543 : f32 to vector<16xf32>
        %div3A_545 = arith.divf %div3A_544, %add3A_542 : vector<16xf32>
        %max3A_546 = arith.constant 0.000000e+00 : f32
        %max3A_547 = vector.broadcast %max3A_546 : f32 to vector<16xf32>
        %max3A_548 = arith.maximumf %add3A_535, %max3A_547 : vector<16xf32>
        %swap3A_549 = arith.index_cast %scan3A_382 : i32 to index
        %swap3A_550 = arith.constant 48 : index
        %swap3A_551 = tpu.vector_load %arg15[%swap3A_549, %swap3A_550] {strides = array<i32>} : memref<128x64xf32, #tpu.memory_space<vmem>>, vector<1x16xf32>,
        %swap3A_552 = vector.shape_cast %swap3A_551 : vector<1x16xf32> to vector<16xf32>
        %swap3A_553 = vector.shape_cast %max3A_548 : vector<16xf32> to vector<1x16xf32>
        tpu.vector_store %arg15[%swap3A_549, %swap3A_550], %swap3A_553 {strides = array<i32>} : memref<128x64xf32, #tpu.memory_space<vmem>>, vector<1x16xf32>,
        %get3A_554 = arith.index_cast %scan3A_382 : i32 to index
        %get3A_555 = arith.constant 48 : index
        %get3A_556 = tpu.vector_load %arg14[%get3A_554, %get3A_555] {strides = array<i32>} : memref<128x64xf32, #tpu.memory_space<vmem>>, vector<1x16xf32>,
        %get3A_557 = vector.shape_cast %get3A_556 : vector<1x16xf32> to vector<16xf32>
        %mul3A_558 = arith.mulf %div3A_545, %get3A_557 : vector<16xf32>
        %swap3A_559 = arith.index_cast %scan3A_382 : i32 to index
        %swap3A_560 = arith.constant 48 : index
        %swap3A_561 = tpu.vector_load %arg14[%swap3A_559, %swap3A_560] {strides = array<i32>} : memref<128x64xf32, #tpu.memory_space<vmem>>, vector<1x16xf32>,
        %swap3A_562 = vector.shape_cast %swap3A_561 : vector<1x16xf32> to vector<16xf32>
        %swap3A_563 = vector.shape_cast %mul3A_558 : vector<16xf32> to vector<1x16xf32>
        tpu.vector_store %arg14[%swap3A_559, %swap3A_560], %swap3A_563 {strides = array<i32>} : memref<128x64xf32, #tpu.memory_space<vmem>>, vector<1x16xf32>,
        %swap3A_564 = arith.index_cast %scan3A_382 : i32 to index
        %swap3A_565 = arith.constant 48 : index
        %swap3A_566 = tpu.vector_load %arg16[%swap3A_564, %swap3A_565] {strides = array<i32>} : memref<128x64xf32, #tpu.memory_space<vmem>>, vector<1x16xf32>,
        %swap3A_567 = vector.shape_cast %swap3A_566 : vector<1x16xf32> to vector<16xf32>
        %swap3A_568 = vector.shape_cast %div3A_545 : vector<16xf32> to vector<1x16xf32>
        tpu.vector_store %arg16[%swap3A_564, %swap3A_565], %swap3A_568 {strides = array<i32>} : memref<128x64xf32, #tpu.memory_space<vmem>>, vector<1x16xf32>,
        %scan3A_569 = arith.constant 0 : i32
        scf.yield %scan3A_569 : i32
      }
      %scan3A_377 = arith.constant 128 : i32
      %mul3A_378 = arith.constant 320000 : i32
      %mul3A_379 = arith.muli %arg0, %mul3A_378 : i32
      %add3A_380 = arith.addi %mul3A_379, %mul3A_129 : i32
      "tpu.region"() ({
        %run_scoped3A = tpu.sem_alloc : memref<!tpu.dma_semaphore, #tpu.memory_space<semaphore_mem>>
        %dma_start3A_382 = arith.constant 0 : i32
        %dma_start3A_383 = tpu.memref_slice %arg6[%add3A_380, %dma_start3A_382] : memref<640000x64xf32, #tpu.memory_space<hbm>> -> memref<128x64xf32, #tpu.memory_space<hbm>>
        %dma_start3A_384 = arith.constant 0 : i32
        %dma_start3A_385 = tpu.memref_slice %arg6[%add3A_380, %dma_start3A_384] : memref<640000x64xf32, #tpu.memory_space<hbm>> -> memref<128x64xf32, #tpu.memory_space<hbm>>
        tpu.enqueue_dma source(%arg15 : memref<128x64xf32, #tpu.memory_space<vmem>>) target(%dma_start3A_385 : memref<128x64xf32, #tpu.memory_space<hbm>>) target_semaphore(%run_scoped3A : memref<!tpu.dma_semaphore, #tpu.memory_space<semaphore_mem>>)
        %dma_wait3A_386 = arith.constant 0 : i32
        %dma_wait3A_387 = tpu.memref_slice %arg6[%add3A_380, %dma_wait3A_386] : memref<640000x64xf32, #tpu.memory_space<hbm>> -> memref<128x64xf32, #tpu.memory_space<hbm>>
        %dma_wait3A_388 = arith.constant 0 : i32
        %dma_wait3A_389 = tpu.memref_slice %arg6[%add3A_380, %dma_wait3A_388] : memref<640000x64xf32, #tpu.memory_space<hbm>> -> memref<128x64xf32, #tpu.memory_space<hbm>>
        tpu.wait_dma2 semaphore(%run_scoped3A : memref<!tpu.dma_semaphore, #tpu.memory_space<semaphore_mem>>) src(%arg15 : memref<128x64xf32, #tpu.memory_space<vmem>>) dst(%dma_wait3A_389 : memref<128x64xf32, #tpu.memory_space<hbm>>)
        tpu.yield
      }) : () -> ()
      "tpu.region"() ({
        %run_scoped3A = tpu.sem_alloc : memref<!tpu.dma_semaphore, #tpu.memory_space<semaphore_mem>>
        %dma_start3A_382 = arith.constant 0 : i32
        %dma_start3A_383 = arith.constant 0 : i32
        %dma_start3A_384 = tpu.memref_slice %arg19[%dma_start3A_382, %dma_start3A_383] : memref<10240x64xf32, #tpu.memory_space<vmem_shared>> -> memref<10240x64xf32, #tpu.memory_space<vmem_shared>>
        tpu.enqueue_indirect_dma source(%arg14 : memref<128x64xf32, #tpu.memory_space<vmem>>) target(%dma_start3A_384 : memref<10240x64xf32, #tpu.memory_space<vmem_shared>>) offsets(%arg10 : memref<128xi32, #tpu.memory_space<vmem>>) semaphore(%run_scoped3A : memref<!tpu.dma_semaphore, #tpu.memory_space<semaphore_mem>>) {add = true}
        %dma_wait3A_385 = arith.constant 0 : i32
        %dma_wait3A_386 = arith.constant 0 : i32
        %dma_wait3A_387 = tpu.memref_slice %arg19[%dma_wait3A_385, %dma_wait3A_386] : memref<10240x64xf32, #tpu.memory_space<vmem_shared>> -> memref<10240x64xf32, #tpu.memory_space<vmem_shared>>
        tpu.wait_indirect_dma semaphore(%run_scoped3A : memref<!tpu.dma_semaphore, #tpu.memory_space<semaphore_mem>>) src(%arg14 : memref<128x64xf32, #tpu.memory_space<vmem>>) dst(%dma_wait3A_387 : memref<10240x64xf32, #tpu.memory_space<vmem_shared>>)
        tpu.yield
      }) : () -> ()
      "tpu.region"() ({
        %run_scoped3A = tpu.sem_alloc : memref<!tpu.dma_semaphore, #tpu.memory_space<semaphore_mem>>
        %dma_start3A_382 = arith.constant 0 : i32
        %dma_start3A_383 = arith.constant 0 : i32
        %dma_start3A_384 = tpu.memref_slice %arg20[%dma_start3A_382, %dma_start3A_383] : memref<10240x64xf32, #tpu.memory_space<vmem_shared>> -> memref<10240x64xf32, #tpu.memory_space<vmem_shared>>
        tpu.enqueue_indirect_dma source(%arg16 : memref<128x64xf32, #tpu.memory_space<vmem>>) target(%dma_start3A_384 : memref<10240x64xf32, #tpu.memory_space<vmem_shared>>) offsets(%arg10 : memref<128xi32, #tpu.memory_space<vmem>>) semaphore(%run_scoped3A : memref<!tpu.dma_semaphore, #tpu.memory_space<semaphore_mem>>) {add = true}
        %dma_wait3A_385 = arith.constant 0 : i32
        %dma_wait3A_386 = arith.constant 0 : i32
        %dma_wait3A_387 = tpu.memref_slice %arg20[%dma_wait3A_385, %dma_wait3A_386] : memref<10240x64xf32, #tpu.memory_space<vmem_shared>> -> memref<10240x64xf32, #tpu.memory_space<vmem_shared>>
        tpu.wait_indirect_dma semaphore(%run_scoped3A : memref<!tpu.dma_semaphore, #tpu.memory_space<semaphore_mem>>) src(%arg16 : memref<128x64xf32, #tpu.memory_space<vmem>>) dst(%dma_wait3A_387 : memref<10240x64xf32, #tpu.memory_space<vmem_shared>>)
        tpu.yield
      }) : () -> ()
      %while3A_381 = arith.constant 0 : i32
      scf.yield %while3A_381 : i32
    }
    %barrier3A_62 = arith.constant 0 : index
    tpu.barrier barrier_id(%barrier3A_62)
    %add3A_63 = arith.constant 0 : i32
    %add3A_64 = arith.addi %mul3A_9, %add3A_63 : i32
    "tpu.region"() ({
      %run_scoped3A = tpu.sem_alloc : memref<!tpu.dma_semaphore, #tpu.memory_space<semaphore_mem>>
      %dma_start3A = arith.constant 0 : i32
      %dma_start3A_123 = tpu.memref_slice %arg19[%add3A_64, %dma_start3A] : memref<10240x64xf32, #tpu.memory_space<vmem_shared>> -> memref<128x64xf32, #tpu.memory_space<vmem_shared>>
      %dma_start3A_124 = arith.constant 0 : i32
      %dma_start3A_125 = tpu.memref_slice %arg19[%add3A_64, %dma_start3A_124] : memref<10240x64xf32, #tpu.memory_space<vmem_shared>> -> memref<128x64xf32, #tpu.memory_space<vmem_shared>>
      tpu.enqueue_dma source(%dma_start3A_125 : memref<128x64xf32, #tpu.memory_space<vmem_shared>>) target(%arg18 : memref<128x64xf32, #tpu.memory_space<vmem>>) target_semaphore(%run_scoped3A : memref<!tpu.dma_semaphore, #tpu.memory_space<semaphore_mem>>)
      %dma_wait3A = arith.constant 0 : i32
      %dma_wait3A_126 = tpu.memref_slice %arg19[%add3A_64, %dma_wait3A] : memref<10240x64xf32, #tpu.memory_space<vmem_shared>> -> memref<128x64xf32, #tpu.memory_space<vmem_shared>>
      %dma_wait3A_127 = arith.constant 0 : i32
      %dma_wait3A_128 = tpu.memref_slice %arg19[%add3A_64, %dma_wait3A_127] : memref<10240x64xf32, #tpu.memory_space<vmem_shared>> -> memref<128x64xf32, #tpu.memory_space<vmem_shared>>
      tpu.wait_dma2 semaphore(%run_scoped3A : memref<!tpu.dma_semaphore, #tpu.memory_space<semaphore_mem>>) src(%dma_wait3A_128 : memref<128x64xf32, #tpu.memory_space<vmem_shared>>) dst(%arg18 : memref<128x64xf32, #tpu.memory_space<vmem>>)
      tpu.yield
    }) : () -> ()
    %mul3A_65 = arith.constant 10240 : i32
    %mul3A_66 = arith.muli %arg0, %mul3A_65 : i32
    %add3A_67 = arith.addi %mul3A_66, %mul3A_9 : i32
    %add3A_68 = arith.constant 0 : i32
    %add3A_69 = arith.addi %add3A_67, %add3A_68 : i32
    "tpu.region"() ({
      %run_scoped3A = tpu.sem_alloc : memref<!tpu.dma_semaphore, #tpu.memory_space<semaphore_mem>>
      %dma_start3A = arith.constant 0 : i32
      %dma_start3A_123 = tpu.memref_slice %arg7[%add3A_69, %dma_start3A] : memref<20480x64xf32, #tpu.memory_space<hbm>> -> memref<128x64xf32, #tpu.memory_space<hbm>>
      %dma_start3A_124 = arith.constant 0 : i32
      %dma_start3A_125 = tpu.memref_slice %arg7[%add3A_69, %dma_start3A_124] : memref<20480x64xf32, #tpu.memory_space<hbm>> -> memref<128x64xf32, #tpu.memory_space<hbm>>
      tpu.enqueue_dma source(%arg18 : memref<128x64xf32, #tpu.memory_space<vmem>>) target(%dma_start3A_125 : memref<128x64xf32, #tpu.memory_space<hbm>>) target_semaphore(%run_scoped3A : memref<!tpu.dma_semaphore, #tpu.memory_space<semaphore_mem>>)
      %dma_wait3A = arith.constant 0 : i32
      %dma_wait3A_126 = tpu.memref_slice %arg7[%add3A_69, %dma_wait3A] : memref<20480x64xf32, #tpu.memory_space<hbm>> -> memref<128x64xf32, #tpu.memory_space<hbm>>
      %dma_wait3A_127 = arith.constant 0 : i32
      %dma_wait3A_128 = tpu.memref_slice %arg7[%add3A_69, %dma_wait3A_127] : memref<20480x64xf32, #tpu.memory_space<hbm>> -> memref<128x64xf32, #tpu.memory_space<hbm>>
      tpu.wait_dma2 semaphore(%run_scoped3A : memref<!tpu.dma_semaphore, #tpu.memory_space<semaphore_mem>>) src(%arg18 : memref<128x64xf32, #tpu.memory_space<vmem>>) dst(%dma_wait3A_128 : memref<128x64xf32, #tpu.memory_space<hbm>>)
      tpu.yield
    }) : () -> ()
    "tpu.region"() ({
      %run_scoped3A = tpu.sem_alloc : memref<!tpu.dma_semaphore, #tpu.memory_space<semaphore_mem>>
      %dma_start3A = arith.constant 0 : i32
      %dma_start3A_123 = tpu.memref_slice %arg20[%add3A_64, %dma_start3A] : memref<10240x64xf32, #tpu.memory_space<vmem_shared>> -> memref<128x64xf32, #tpu.memory_space<vmem_shared>>
      %dma_start3A_124 = arith.constant 0 : i32
      %dma_start3A_125 = tpu.memref_slice %arg20[%add3A_64, %dma_start3A_124] : memref<10240x64xf32, #tpu.memory_space<vmem_shared>> -> memref<128x64xf32, #tpu.memory_space<vmem_shared>>
      tpu.enqueue_dma source(%dma_start3A_125 : memref<128x64xf32, #tpu.memory_space<vmem_shared>>) target(%arg18 : memref<128x64xf32, #tpu.memory_space<vmem>>) target_semaphore(%run_scoped3A : memref<!tpu.dma_semaphore, #tpu.memory_space<semaphore_mem>>)
      %dma_wait3A = arith.constant 0 : i32
      %dma_wait3A_126 = tpu.memref_slice %arg20[%add3A_64, %dma_wait3A] : memref<10240x64xf32, #tpu.memory_space<vmem_shared>> -> memref<128x64xf32, #tpu.memory_space<vmem_shared>>
      %dma_wait3A_127 = arith.constant 0 : i32
      %dma_wait3A_128 = tpu.memref_slice %arg20[%add3A_64, %dma_wait3A_127] : memref<10240x64xf32, #tpu.memory_space<vmem_shared>> -> memref<128x64xf32, #tpu.memory_space<vmem_shared>>
      tpu.wait_dma2 semaphore(%run_scoped3A : memref<!tpu.dma_semaphore, #tpu.memory_space<semaphore_mem>>) src(%dma_wait3A_128 : memref<128x64xf32, #tpu.memory_space<vmem_shared>>) dst(%arg18 : memref<128x64xf32, #tpu.memory_space<vmem>>)
      tpu.yield
    }) : () -> ()
    %mul3A_70 = arith.constant 10240 : i32
    %mul3A_71 = arith.muli %arg0, %mul3A_70 : i32
    %add3A_72 = arith.addi %mul3A_71, %mul3A_9 : i32
    %add3A_73 = arith.constant 0 : i32
    %add3A_74 = arith.addi %add3A_72, %add3A_73 : i32
    "tpu.region"() ({
      %run_scoped3A = tpu.sem_alloc : memref<!tpu.dma_semaphore, #tpu.memory_space<semaphore_mem>>
      %dma_start3A = arith.constant 0 : i32
      %dma_start3A_123 = tpu.memref_slice %arg8[%add3A_74, %dma_start3A] : memref<20480x64xf32, #tpu.memory_space<hbm>> -> memref<128x64xf32, #tpu.memory_space<hbm>>
      %dma_start3A_124 = arith.constant 0 : i32
      %dma_start3A_125 = tpu.memref_slice %arg8[%add3A_74, %dma_start3A_124] : memref<20480x64xf32, #tpu.memory_space<hbm>> -> memref<128x64xf32, #tpu.memory_space<hbm>>
      tpu.enqueue_dma source(%arg18 : memref<128x64xf32, #tpu.memory_space<vmem>>) target(%dma_start3A_125 : memref<128x64xf32, #tpu.memory_space<hbm>>) target_semaphore(%run_scoped3A : memref<!tpu.dma_semaphore, #tpu.memory_space<semaphore_mem>>)
      %dma_wait3A = arith.constant 0 : i32
      %dma_wait3A_126 = tpu.memref_slice %arg8[%add3A_74, %dma_wait3A] : memref<20480x64xf32, #tpu.memory_space<hbm>> -> memref<128x64xf32, #tpu.memory_space<hbm>>
      %dma_wait3A_127 = arith.constant 0 : i32
      %dma_wait3A_128 = tpu.memref_slice %arg8[%add3A_74, %dma_wait3A_127] : memref<20480x64xf32, #tpu.memory_space<hbm>> -> memref<128x64xf32, #tpu.memory_space<hbm>>
      tpu.wait_dma2 semaphore(%run_scoped3A : memref<!tpu.dma_semaphore, #tpu.memory_space<semaphore_mem>>) src(%arg18 : memref<128x64xf32, #tpu.memory_space<vmem>>) dst(%dma_wait3A_128 : memref<128x64xf32, #tpu.memory_space<hbm>>)
      tpu.yield
    }) : () -> ()
    %add3A_75 = arith.constant 128 : i32
    %add3A_76 = arith.addi %mul3A_9, %add3A_75 : i32
    "tpu.region"() ({
      %run_scoped3A = tpu.sem_alloc : memref<!tpu.dma_semaphore, #tpu.memory_space<semaphore_mem>>
      %dma_start3A = arith.constant 0 : i32
      %dma_start3A_123 = tpu.memref_slice %arg19[%add3A_76, %dma_start3A] : memref<10240x64xf32, #tpu.memory_space<vmem_shared>> -> memref<128x64xf32, #tpu.memory_space<vmem_shared>>
      %dma_start3A_124 = arith.constant 0 : i32
      %dma_start3A_125 = tpu.memref_slice %arg19[%add3A_76, %dma_start3A_124] : memref<10240x64xf32, #tpu.memory_space<vmem_shared>> -> memref<128x64xf32, #tpu.memory_space<vmem_shared>>
      tpu.enqueue_dma source(%dma_start3A_125 : memref<128x64xf32, #tpu.memory_space<vmem_shared>>) target(%arg18 : memref<128x64xf32, #tpu.memory_space<vmem>>) target_semaphore(%run_scoped3A : memref<!tpu.dma_semaphore, #tpu.memory_space<semaphore_mem>>)
      %dma_wait3A = arith.constant 0 : i32
      %dma_wait3A_126 = tpu.memref_slice %arg19[%add3A_76, %dma_wait3A] : memref<10240x64xf32, #tpu.memory_space<vmem_shared>> -> memref<128x64xf32, #tpu.memory_space<vmem_shared>>
      %dma_wait3A_127 = arith.constant 0 : i32
      %dma_wait3A_128 = tpu.memref_slice %arg19[%add3A_76, %dma_wait3A_127] : memref<10240x64xf32, #tpu.memory_space<vmem_shared>> -> memref<128x64xf32, #tpu.memory_space<vmem_shared>>
      tpu.wait_dma2 semaphore(%run_scoped3A : memref<!tpu.dma_semaphore, #tpu.memory_space<semaphore_mem>>) src(%dma_wait3A_128 : memref<128x64xf32, #tpu.memory_space<vmem_shared>>) dst(%arg18 : memref<128x64xf32, #tpu.memory_space<vmem>>)
      tpu.yield
    }) : () -> ()
    %mul3A_77 = arith.constant 10240 : i32
    %mul3A_78 = arith.muli %arg0, %mul3A_77 : i32
    %add3A_79 = arith.addi %mul3A_78, %mul3A_9 : i32
    %add3A_80 = arith.constant 128 : i32
    %add3A_81 = arith.addi %add3A_79, %add3A_80 : i32
    "tpu.region"() ({
      %run_scoped3A = tpu.sem_alloc : memref<!tpu.dma_semaphore, #tpu.memory_space<semaphore_mem>>
      %dma_start3A = arith.constant 0 : i32
      %dma_start3A_123 = tpu.memref_slice %arg7[%add3A_81, %dma_start3A] : memref<20480x64xf32, #tpu.memory_space<hbm>> -> memref<128x64xf32, #tpu.memory_space<hbm>>
      %dma_start3A_124 = arith.constant 0 : i32
      %dma_start3A_125 = tpu.memref_slice %arg7[%add3A_81, %dma_start3A_124] : memref<20480x64xf32, #tpu.memory_space<hbm>> -> memref<128x64xf32, #tpu.memory_space<hbm>>
      tpu.enqueue_dma source(%arg18 : memref<128x64xf32, #tpu.memory_space<vmem>>) target(%dma_start3A_125 : memref<128x64xf32, #tpu.memory_space<hbm>>) target_semaphore(%run_scoped3A : memref<!tpu.dma_semaphore, #tpu.memory_space<semaphore_mem>>)
      %dma_wait3A = arith.constant 0 : i32
      %dma_wait3A_126 = tpu.memref_slice %arg7[%add3A_81, %dma_wait3A] : memref<20480x64xf32, #tpu.memory_space<hbm>> -> memref<128x64xf32, #tpu.memory_space<hbm>>
      %dma_wait3A_127 = arith.constant 0 : i32
      %dma_wait3A_128 = tpu.memref_slice %arg7[%add3A_81, %dma_wait3A_127] : memref<20480x64xf32, #tpu.memory_space<hbm>> -> memref<128x64xf32, #tpu.memory_space<hbm>>
      tpu.wait_dma2 semaphore(%run_scoped3A : memref<!tpu.dma_semaphore, #tpu.memory_space<semaphore_mem>>) src(%arg18 : memref<128x64xf32, #tpu.memory_space<vmem>>) dst(%dma_wait3A_128 : memref<128x64xf32, #tpu.memory_space<hbm>>)
      tpu.yield
    }) : () -> ()
    "tpu.region"() ({
      %run_scoped3A = tpu.sem_alloc : memref<!tpu.dma_semaphore, #tpu.memory_space<semaphore_mem>>
      %dma_start3A = arith.constant 0 : i32
      %dma_start3A_123 = tpu.memref_slice %arg20[%add3A_76, %dma_start3A] : memref<10240x64xf32, #tpu.memory_space<vmem_shared>> -> memref<128x64xf32, #tpu.memory_space<vmem_shared>>
      %dma_start3A_124 = arith.constant 0 : i32
      %dma_start3A_125 = tpu.memref_slice %arg20[%add3A_76, %dma_start3A_124] : memref<10240x64xf32, #tpu.memory_space<vmem_shared>> -> memref<128x64xf32, #tpu.memory_space<vmem_shared>>
      tpu.enqueue_dma source(%dma_start3A_125 : memref<128x64xf32, #tpu.memory_space<vmem_shared>>) target(%arg18 : memref<128x64xf32, #tpu.memory_space<vmem>>) target_semaphore(%run_scoped3A : memref<!tpu.dma_semaphore, #tpu.memory_space<semaphore_mem>>)
      %dma_wait3A = arith.constant 0 : i32
      %dma_wait3A_126 = tpu.memref_slice %arg20[%add3A_76, %dma_wait3A] : memref<10240x64xf32, #tpu.memory_space<vmem_shared>> -> memref<128x64xf32, #tpu.memory_space<vmem_shared>>
      %dma_wait3A_127 = arith.constant 0 : i32
      %dma_wait3A_128 = tpu.memref_slice %arg20[%add3A_76, %dma_wait3A_127] : memref<10240x64xf32, #tpu.memory_space<vmem_shared>> -> memref<128x64xf32, #tpu.memory_space<vmem_shared>>
      tpu.wait_dma2 semaphore(%run_scoped3A : memref<!tpu.dma_semaphore, #tpu.memory_space<semaphore_mem>>) src(%dma_wait3A_128 : memref<128x64xf32, #tpu.memory_space<vmem_shared>>) dst(%arg18 : memref<128x64xf32, #tpu.memory_space<vmem>>)
      tpu.yield
    }) : () -> ()
    %mul3A_82 = arith.constant 10240 : i32
    %mul3A_83 = arith.muli %arg0, %mul3A_82 : i32
    %add3A_84 = arith.addi %mul3A_83, %mul3A_9 : i32
    %add3A_85 = arith.constant 128 : i32
    %add3A_86 = arith.addi %add3A_84, %add3A_85 : i32
    "tpu.region"() ({
      %run_scoped3A = tpu.sem_alloc : memref<!tpu.dma_semaphore, #tpu.memory_space<semaphore_mem>>
      %dma_start3A = arith.constant 0 : i32
      %dma_start3A_123 = tpu.memref_slice %arg8[%add3A_86, %dma_start3A] : memref<20480x64xf32, #tpu.memory_space<hbm>> -> memref<128x64xf32, #tpu.memory_space<hbm>>
      %dma_start3A_124 = arith.constant 0 : i32
      %dma_start3A_125 = tpu.memref_slice %arg8[%add3A_86, %dma_start3A_124] : memref<20480x64xf32, #tpu.memory_space<hbm>> -> memref<128x64xf32, #tpu.memory_space<hbm>>
      tpu.enqueue_dma source(%arg18 : memref<128x64xf32, #tpu.memory_space<vmem>>) target(%dma_start3A_125 : memref<128x64xf32, #tpu.memory_space<hbm>>) target_semaphore(%run_scoped3A : memref<!tpu.dma_semaphore, #tpu.memory_space<semaphore_mem>>)
      %dma_wait3A = arith.constant 0 : i32
      %dma_wait3A_126 = tpu.memref_slice %arg8[%add3A_86, %dma_wait3A] : memref<20480x64xf32, #tpu.memory_space<hbm>> -> memref<128x64xf32, #tpu.memory_space<hbm>>
      %dma_wait3A_127 = arith.constant 0 : i32
      %dma_wait3A_128 = tpu.memref_slice %arg8[%add3A_86, %dma_wait3A_127] : memref<20480x64xf32, #tpu.memory_space<hbm>> -> memref<128x64xf32, #tpu.memory_space<hbm>>
      tpu.wait_dma2 semaphore(%run_scoped3A : memref<!tpu.dma_semaphore, #tpu.memory_space<semaphore_mem>>) src(%arg18 : memref<128x64xf32, #tpu.memory_space<vmem>>) dst(%dma_wait3A_128 : memref<128x64xf32, #tpu.memory_space<hbm>>)
      tpu.yield
    }) : () -> ()
    %add3A_87 = arith.constant 256 : i32
    %add3A_88 = arith.addi %mul3A_9, %add3A_87 : i32
    "tpu.region"() ({
      %run_scoped3A = tpu.sem_alloc : memref<!tpu.dma_semaphore, #tpu.memory_space<semaphore_mem>>
      %dma_start3A = arith.constant 0 : i32
      %dma_start3A_123 = tpu.memref_slice %arg19[%add3A_88, %dma_start3A] : memref<10240x64xf32, #tpu.memory_space<vmem_shared>> -> memref<128x64xf32, #tpu.memory_space<vmem_shared>>
      %dma_start3A_124 = arith.constant 0 : i32
      %dma_start3A_125 = tpu.memref_slice %arg19[%add3A_88, %dma_start3A_124] : memref<10240x64xf32, #tpu.memory_space<vmem_shared>> -> memref<128x64xf32, #tpu.memory_space<vmem_shared>>
      tpu.enqueue_dma source(%dma_start3A_125 : memref<128x64xf32, #tpu.memory_space<vmem_shared>>) target(%arg18 : memref<128x64xf32, #tpu.memory_space<vmem>>) target_semaphore(%run_scoped3A : memref<!tpu.dma_semaphore, #tpu.memory_space<semaphore_mem>>)
      %dma_wait3A = arith.constant 0 : i32
      %dma_wait3A_126 = tpu.memref_slice %arg19[%add3A_88, %dma_wait3A] : memref<10240x64xf32, #tpu.memory_space<vmem_shared>> -> memref<128x64xf32, #tpu.memory_space<vmem_shared>>
      %dma_wait3A_127 = arith.constant 0 : i32
      %dma_wait3A_128 = tpu.memref_slice %arg19[%add3A_88, %dma_wait3A_127] : memref<10240x64xf32, #tpu.memory_space<vmem_shared>> -> memref<128x64xf32, #tpu.memory_space<vmem_shared>>
      tpu.wait_dma2 semaphore(%run_scoped3A : memref<!tpu.dma_semaphore, #tpu.memory_space<semaphore_mem>>) src(%dma_wait3A_128 : memref<128x64xf32, #tpu.memory_space<vmem_shared>>) dst(%arg18 : memref<128x64xf32, #tpu.memory_space<vmem>>)
      tpu.yield
    }) : () -> ()
    %mul3A_89 = arith.constant 10240 : i32
    %mul3A_90 = arith.muli %arg0, %mul3A_89 : i32
    %add3A_91 = arith.addi %mul3A_90, %mul3A_9 : i32
    %add3A_92 = arith.constant 256 : i32
    %add3A_93 = arith.addi %add3A_91, %add3A_92 : i32
    "tpu.region"() ({
      %run_scoped3A = tpu.sem_alloc : memref<!tpu.dma_semaphore, #tpu.memory_space<semaphore_mem>>
      %dma_start3A = arith.constant 0 : i32
      %dma_start3A_123 = tpu.memref_slice %arg7[%add3A_93, %dma_start3A] : memref<20480x64xf32, #tpu.memory_space<hbm>> -> memref<128x64xf32, #tpu.memory_space<hbm>>
      %dma_start3A_124 = arith.constant 0 : i32
      %dma_start3A_125 = tpu.memref_slice %arg7[%add3A_93, %dma_start3A_124] : memref<20480x64xf32, #tpu.memory_space<hbm>> -> memref<128x64xf32, #tpu.memory_space<hbm>>
      tpu.enqueue_dma source(%arg18 : memref<128x64xf32, #tpu.memory_space<vmem>>) target(%dma_start3A_125 : memref<128x64xf32, #tpu.memory_space<hbm>>) target_semaphore(%run_scoped3A : memref<!tpu.dma_semaphore, #tpu.memory_space<semaphore_mem>>)
      %dma_wait3A = arith.constant 0 : i32
      %dma_wait3A_126 = tpu.memref_slice %arg7[%add3A_93, %dma_wait3A] : memref<20480x64xf32, #tpu.memory_space<hbm>> -> memref<128x64xf32, #tpu.memory_space<hbm>>
      %dma_wait3A_127 = arith.constant 0 : i32
      %dma_wait3A_128 = tpu.memref_slice %arg7[%add3A_93, %dma_wait3A_127] : memref<20480x64xf32, #tpu.memory_space<hbm>> -> memref<128x64xf32, #tpu.memory_space<hbm>>
      tpu.wait_dma2 semaphore(%run_scoped3A : memref<!tpu.dma_semaphore, #tpu.memory_space<semaphore_mem>>) src(%arg18 : memref<128x64xf32, #tpu.memory_space<vmem>>) dst(%dma_wait3A_128 : memref<128x64xf32, #tpu.memory_space<hbm>>)
      tpu.yield
    }) : () -> ()
    "tpu.region"() ({
      %run_scoped3A = tpu.sem_alloc : memref<!tpu.dma_semaphore, #tpu.memory_space<semaphore_mem>>
      %dma_start3A = arith.constant 0 : i32
      %dma_start3A_123 = tpu.memref_slice %arg20[%add3A_88, %dma_start3A] : memref<10240x64xf32, #tpu.memory_space<vmem_shared>> -> memref<128x64xf32, #tpu.memory_space<vmem_shared>>
      %dma_start3A_124 = arith.constant 0 : i32
      %dma_start3A_125 = tpu.memref_slice %arg20[%add3A_88, %dma_start3A_124] : memref<10240x64xf32, #tpu.memory_space<vmem_shared>> -> memref<128x64xf32, #tpu.memory_space<vmem_shared>>
      tpu.enqueue_dma source(%dma_start3A_125 : memref<128x64xf32, #tpu.memory_space<vmem_shared>>) target(%arg18 : memref<128x64xf32, #tpu.memory_space<vmem>>) target_semaphore(%run_scoped3A : memref<!tpu.dma_semaphore, #tpu.memory_space<semaphore_mem>>)
      %dma_wait3A = arith.constant 0 : i32
      %dma_wait3A_126 = tpu.memref_slice %arg20[%add3A_88, %dma_wait3A] : memref<10240x64xf32, #tpu.memory_space<vmem_shared>> -> memref<128x64xf32, #tpu.memory_space<vmem_shared>>
      %dma_wait3A_127 = arith.constant 0 : i32
      %dma_wait3A_128 = tpu.memref_slice %arg20[%add3A_88, %dma_wait3A_127] : memref<10240x64xf32, #tpu.memory_space<vmem_shared>> -> memref<128x64xf32, #tpu.memory_space<vmem_shared>>
      tpu.wait_dma2 semaphore(%run_scoped3A : memref<!tpu.dma_semaphore, #tpu.memory_space<semaphore_mem>>) src(%dma_wait3A_128 : memref<128x64xf32, #tpu.memory_space<vmem_shared>>) dst(%arg18 : memref<128x64xf32, #tpu.memory_space<vmem>>)
      tpu.yield
    }) : () -> ()
    %mul3A_94 = arith.constant 10240 : i32
    %mul3A_95 = arith.muli %arg0, %mul3A_94 : i32
    %add3A_96 = arith.addi %mul3A_95, %mul3A_9 : i32
    %add3A_97 = arith.constant 256 : i32
    %add3A_98 = arith.addi %add3A_96, %add3A_97 : i32
    "tpu.region"() ({
      %run_scoped3A = tpu.sem_alloc : memref<!tpu.dma_semaphore, #tpu.memory_space<semaphore_mem>>
      %dma_start3A = arith.constant 0 : i32
      %dma_start3A_123 = tpu.memref_slice %arg8[%add3A_98, %dma_start3A] : memref<20480x64xf32, #tpu.memory_space<hbm>> -> memref<128x64xf32, #tpu.memory_space<hbm>>
      %dma_start3A_124 = arith.constant 0 : i32
      %dma_start3A_125 = tpu.memref_slice %arg8[%add3A_98, %dma_start3A_124] : memref<20480x64xf32, #tpu.memory_space<hbm>> -> memref<128x64xf32, #tpu.memory_space<hbm>>
      tpu.enqueue_dma source(%arg18 : memref<128x64xf32, #tpu.memory_space<vmem>>) target(%dma_start3A_125 : memref<128x64xf32, #tpu.memory_space<hbm>>) target_semaphore(%run_scoped3A : memref<!tpu.dma_semaphore, #tpu.memory_space<semaphore_mem>>)
      %dma_wait3A = arith.constant 0 : i32
      %dma_wait3A_126 = tpu.memref_slice %arg8[%add3A_98, %dma_wait3A] : memref<20480x64xf32, #tpu.memory_space<hbm>> -> memref<128x64xf32, #tpu.memory_space<hbm>>
      %dma_wait3A_127 = arith.constant 0 : i32
      %dma_wait3A_128 = tpu.memref_slice %arg8[%add3A_98, %dma_wait3A_127] : memref<20480x64xf32, #tpu.memory_space<hbm>> -> memref<128x64xf32, #tpu.memory_space<hbm>>
      tpu.wait_dma2 semaphore(%run_scoped3A : memref<!tpu.dma_semaphore, #tpu.memory_space<semaphore_mem>>) src(%arg18 : memref<128x64xf32, #tpu.memory_space<vmem>>) dst(%dma_wait3A_128 : memref<128x64xf32, #tpu.memory_space<hbm>>)
      tpu.yield
    }) : () -> ()
    %add3A_99 = arith.constant 384 : i32
    %add3A_100 = arith.addi %mul3A_9, %add3A_99 : i32
    "tpu.region"() ({
      %run_scoped3A = tpu.sem_alloc : memref<!tpu.dma_semaphore, #tpu.memory_space<semaphore_mem>>
      %dma_start3A = arith.constant 0 : i32
      %dma_start3A_123 = tpu.memref_slice %arg19[%add3A_100, %dma_start3A] : memref<10240x64xf32, #tpu.memory_space<vmem_shared>> -> memref<128x64xf32, #tpu.memory_space<vmem_shared>>
      %dma_start3A_124 = arith.constant 0 : i32
      %dma_start3A_125 = tpu.memref_slice %arg19[%add3A_100, %dma_start3A_124] : memref<10240x64xf32, #tpu.memory_space<vmem_shared>> -> memref<128x64xf32, #tpu.memory_space<vmem_shared>>
      tpu.enqueue_dma source(%dma_start3A_125 : memref<128x64xf32, #tpu.memory_space<vmem_shared>>) target(%arg18 : memref<128x64xf32, #tpu.memory_space<vmem>>) target_semaphore(%run_scoped3A : memref<!tpu.dma_semaphore, #tpu.memory_space<semaphore_mem>>)
      %dma_wait3A = arith.constant 0 : i32
      %dma_wait3A_126 = tpu.memref_slice %arg19[%add3A_100, %dma_wait3A] : memref<10240x64xf32, #tpu.memory_space<vmem_shared>> -> memref<128x64xf32, #tpu.memory_space<vmem_shared>>
      %dma_wait3A_127 = arith.constant 0 : i32
      %dma_wait3A_128 = tpu.memref_slice %arg19[%add3A_100, %dma_wait3A_127] : memref<10240x64xf32, #tpu.memory_space<vmem_shared>> -> memref<128x64xf32, #tpu.memory_space<vmem_shared>>
      tpu.wait_dma2 semaphore(%run_scoped3A : memref<!tpu.dma_semaphore, #tpu.memory_space<semaphore_mem>>) src(%dma_wait3A_128 : memref<128x64xf32, #tpu.memory_space<vmem_shared>>) dst(%arg18 : memref<128x64xf32, #tpu.memory_space<vmem>>)
      tpu.yield
    }) : () -> ()
    %mul3A_101 = arith.constant 10240 : i32
    %mul3A_102 = arith.muli %arg0, %mul3A_101 : i32
    %add3A_103 = arith.addi %mul3A_102, %mul3A_9 : i32
    %add3A_104 = arith.constant 384 : i32
    %add3A_105 = arith.addi %add3A_103, %add3A_104 : i32
    "tpu.region"() ({
      %run_scoped3A = tpu.sem_alloc : memref<!tpu.dma_semaphore, #tpu.memory_space<semaphore_mem>>
      %dma_start3A = arith.constant 0 : i32
      %dma_start3A_123 = tpu.memref_slice %arg7[%add3A_105, %dma_start3A] : memref<20480x64xf32, #tpu.memory_space<hbm>> -> memref<128x64xf32, #tpu.memory_space<hbm>>
      %dma_start3A_124 = arith.constant 0 : i32
      %dma_start3A_125 = tpu.memref_slice %arg7[%add3A_105, %dma_start3A_124] : memref<20480x64xf32, #tpu.memory_space<hbm>> -> memref<128x64xf32, #tpu.memory_space<hbm>>
      tpu.enqueue_dma source(%arg18 : memref<128x64xf32, #tpu.memory_space<vmem>>) target(%dma_start3A_125 : memref<128x64xf32, #tpu.memory_space<hbm>>) target_semaphore(%run_scoped3A : memref<!tpu.dma_semaphore, #tpu.memory_space<semaphore_mem>>)
      %dma_wait3A = arith.constant 0 : i32
      %dma_wait3A_126 = tpu.memref_slice %arg7[%add3A_105, %dma_wait3A] : memref<20480x64xf32, #tpu.memory_space<hbm>> -> memref<128x64xf32, #tpu.memory_space<hbm>>
      %dma_wait3A_127 = arith.constant 0 : i32
      %dma_wait3A_128 = tpu.memref_slice %arg7[%add3A_105, %dma_wait3A_127] : memref<20480x64xf32, #tpu.memory_space<hbm>> -> memref<128x64xf32, #tpu.memory_space<hbm>>
      tpu.wait_dma2 semaphore(%run_scoped3A : memref<!tpu.dma_semaphore, #tpu.memory_space<semaphore_mem>>) src(%arg18 : memref<128x64xf32, #tpu.memory_space<vmem>>) dst(%dma_wait3A_128 : memref<128x64xf32, #tpu.memory_space<hbm>>)
      tpu.yield
    }) : () -> ()
    "tpu.region"() ({
      %run_scoped3A = tpu.sem_alloc : memref<!tpu.dma_semaphore, #tpu.memory_space<semaphore_mem>>
      %dma_start3A = arith.constant 0 : i32
      %dma_start3A_123 = tpu.memref_slice %arg20[%add3A_100, %dma_start3A] : memref<10240x64xf32, #tpu.memory_space<vmem_shared>> -> memref<128x64xf32, #tpu.memory_space<vmem_shared>>
      %dma_start3A_124 = arith.constant 0 : i32
      %dma_start3A_125 = tpu.memref_slice %arg20[%add3A_100, %dma_start3A_124] : memref<10240x64xf32, #tpu.memory_space<vmem_shared>> -> memref<128x64xf32, #tpu.memory_space<vmem_shared>>
      tpu.enqueue_dma source(%dma_start3A_125 : memref<128x64xf32, #tpu.memory_space<vmem_shared>>) target(%arg18 : memref<128x64xf32, #tpu.memory_space<vmem>>) target_semaphore(%run_scoped3A : memref<!tpu.dma_semaphore, #tpu.memory_space<semaphore_mem>>)
      %dma_wait3A = arith.constant 0 : i32
      %dma_wait3A_126 = tpu.memref_slice %arg20[%add3A_100, %dma_wait3A] : memref<10240x64xf32, #tpu.memory_space<vmem_shared>> -> memref<128x64xf32, #tpu.memory_space<vmem_shared>>
      %dma_wait3A_127 = arith.constant 0 : i32
      %dma_wait3A_128 = tpu.memref_slice %arg20[%add3A_100, %dma_wait3A_127] : memref<10240x64xf32, #tpu.memory_space<vmem_shared>> -> memref<128x64xf32, #tpu.memory_space<vmem_shared>>
      tpu.wait_dma2 semaphore(%run_scoped3A : memref<!tpu.dma_semaphore, #tpu.memory_space<semaphore_mem>>) src(%dma_wait3A_128 : memref<128x64xf32, #tpu.memory_space<vmem_shared>>) dst(%arg18 : memref<128x64xf32, #tpu.memory_space<vmem>>)
      tpu.yield
    }) : () -> ()
    %mul3A_106 = arith.constant 10240 : i32
    %mul3A_107 = arith.muli %arg0, %mul3A_106 : i32
    %add3A_108 = arith.addi %mul3A_107, %mul3A_9 : i32
    %add3A_109 = arith.constant 384 : i32
    %add3A_110 = arith.addi %add3A_108, %add3A_109 : i32
    "tpu.region"() ({
      %run_scoped3A = tpu.sem_alloc : memref<!tpu.dma_semaphore, #tpu.memory_space<semaphore_mem>>
      %dma_start3A = arith.constant 0 : i32
      %dma_start3A_123 = tpu.memref_slice %arg8[%add3A_110, %dma_start3A] : memref<20480x64xf32, #tpu.memory_space<hbm>> -> memref<128x64xf32, #tpu.memory_space<hbm>>
      %dma_start3A_124 = arith.constant 0 : i32
      %dma_start3A_125 = tpu.memref_slice %arg8[%add3A_110, %dma_start3A_124] : memref<20480x64xf32, #tpu.memory_space<hbm>> -> memref<128x64xf32, #tpu.memory_space<hbm>>
      tpu.enqueue_dma source(%arg18 : memref<128x64xf32, #tpu.memory_space<vmem>>) target(%dma_start3A_125 : memref<128x64xf32, #tpu.memory_space<hbm>>) target_semaphore(%run_scoped3A : memref<!tpu.dma_semaphore, #tpu.memory_space<semaphore_mem>>)
      %dma_wait3A = arith.constant 0 : i32
      %dma_wait3A_126 = tpu.memref_slice %arg8[%add3A_110, %dma_wait3A] : memref<20480x64xf32, #tpu.memory_space<hbm>> -> memref<128x64xf32, #tpu.memory_space<hbm>>
      %dma_wait3A_127 = arith.constant 0 : i32
      %dma_wait3A_128 = tpu.memref_slice %arg8[%add3A_110, %dma_wait3A_127] : memref<20480x64xf32, #tpu.memory_space<hbm>> -> memref<128x64xf32, #tpu.memory_space<hbm>>
      tpu.wait_dma2 semaphore(%run_scoped3A : memref<!tpu.dma_semaphore, #tpu.memory_space<semaphore_mem>>) src(%arg18 : memref<128x64xf32, #tpu.memory_space<vmem>>) dst(%dma_wait3A_128 : memref<128x64xf32, #tpu.memory_space<hbm>>)
      tpu.yield
    }) : () -> ()
    %add3A_111 = arith.constant 512 : i32
    %add3A_112 = arith.addi %mul3A_9, %add3A_111 : i32
    "tpu.region"() ({
      %run_scoped3A = tpu.sem_alloc : memref<!tpu.dma_semaphore, #tpu.memory_space<semaphore_mem>>
      %dma_start3A = arith.constant 0 : i32
      %dma_start3A_123 = tpu.memref_slice %arg19[%add3A_112, %dma_start3A] : memref<10240x64xf32, #tpu.memory_space<vmem_shared>> -> memref<128x64xf32, #tpu.memory_space<vmem_shared>>
      %dma_start3A_124 = arith.constant 0 : i32
      %dma_start3A_125 = tpu.memref_slice %arg19[%add3A_112, %dma_start3A_124] : memref<10240x64xf32, #tpu.memory_space<vmem_shared>> -> memref<128x64xf32, #tpu.memory_space<vmem_shared>>
      tpu.enqueue_dma source(%dma_start3A_125 : memref<128x64xf32, #tpu.memory_space<vmem_shared>>) target(%arg18 : memref<128x64xf32, #tpu.memory_space<vmem>>) target_semaphore(%run_scoped3A : memref<!tpu.dma_semaphore, #tpu.memory_space<semaphore_mem>>)
      %dma_wait3A = arith.constant 0 : i32
      %dma_wait3A_126 = tpu.memref_slice %arg19[%add3A_112, %dma_wait3A] : memref<10240x64xf32, #tpu.memory_space<vmem_shared>> -> memref<128x64xf32, #tpu.memory_space<vmem_shared>>
      %dma_wait3A_127 = arith.constant 0 : i32
      %dma_wait3A_128 = tpu.memref_slice %arg19[%add3A_112, %dma_wait3A_127] : memref<10240x64xf32, #tpu.memory_space<vmem_shared>> -> memref<128x64xf32, #tpu.memory_space<vmem_shared>>
      tpu.wait_dma2 semaphore(%run_scoped3A : memref<!tpu.dma_semaphore, #tpu.memory_space<semaphore_mem>>) src(%dma_wait3A_128 : memref<128x64xf32, #tpu.memory_space<vmem_shared>>) dst(%arg18 : memref<128x64xf32, #tpu.memory_space<vmem>>)
      tpu.yield
    }) : () -> ()
    %mul3A_113 = arith.constant 10240 : i32
    %mul3A_114 = arith.muli %arg0, %mul3A_113 : i32
    %add3A_115 = arith.addi %mul3A_114, %mul3A_9 : i32
    %add3A_116 = arith.constant 512 : i32
    %add3A_117 = arith.addi %add3A_115, %add3A_116 : i32
    "tpu.region"() ({
      %run_scoped3A = tpu.sem_alloc : memref<!tpu.dma_semaphore, #tpu.memory_space<semaphore_mem>>
      %dma_start3A = arith.constant 0 : i32
      %dma_start3A_123 = tpu.memref_slice %arg7[%add3A_117, %dma_start3A] : memref<20480x64xf32, #tpu.memory_space<hbm>> -> memref<128x64xf32, #tpu.memory_space<hbm>>
      %dma_start3A_124 = arith.constant 0 : i32
      %dma_start3A_125 = tpu.memref_slice %arg7[%add3A_117, %dma_start3A_124] : memref<20480x64xf32, #tpu.memory_space<hbm>> -> memref<128x64xf32, #tpu.memory_space<hbm>>
      tpu.enqueue_dma source(%arg18 : memref<128x64xf32, #tpu.memory_space<vmem>>) target(%dma_start3A_125 : memref<128x64xf32, #tpu.memory_space<hbm>>) target_semaphore(%run_scoped3A : memref<!tpu.dma_semaphore, #tpu.memory_space<semaphore_mem>>)
      %dma_wait3A = arith.constant 0 : i32
      %dma_wait3A_126 = tpu.memref_slice %arg7[%add3A_117, %dma_wait3A] : memref<20480x64xf32, #tpu.memory_space<hbm>> -> memref<128x64xf32, #tpu.memory_space<hbm>>
      %dma_wait3A_127 = arith.constant 0 : i32
      %dma_wait3A_128 = tpu.memref_slice %arg7[%add3A_117, %dma_wait3A_127] : memref<20480x64xf32, #tpu.memory_space<hbm>> -> memref<128x64xf32, #tpu.memory_space<hbm>>
      tpu.wait_dma2 semaphore(%run_scoped3A : memref<!tpu.dma_semaphore, #tpu.memory_space<semaphore_mem>>) src(%arg18 : memref<128x64xf32, #tpu.memory_space<vmem>>) dst(%dma_wait3A_128 : memref<128x64xf32, #tpu.memory_space<hbm>>)
      tpu.yield
    }) : () -> ()
    "tpu.region"() ({
      %run_scoped3A = tpu.sem_alloc : memref<!tpu.dma_semaphore, #tpu.memory_space<semaphore_mem>>
      %dma_start3A = arith.constant 0 : i32
      %dma_start3A_123 = tpu.memref_slice %arg20[%add3A_112, %dma_start3A] : memref<10240x64xf32, #tpu.memory_space<vmem_shared>> -> memref<128x64xf32, #tpu.memory_space<vmem_shared>>
      %dma_start3A_124 = arith.constant 0 : i32
      %dma_start3A_125 = tpu.memref_slice %arg20[%add3A_112, %dma_start3A_124] : memref<10240x64xf32, #tpu.memory_space<vmem_shared>> -> memref<128x64xf32, #tpu.memory_space<vmem_shared>>
      tpu.enqueue_dma source(%dma_start3A_125 : memref<128x64xf32, #tpu.memory_space<vmem_shared>>) target(%arg18 : memref<128x64xf32, #tpu.memory_space<vmem>>) target_semaphore(%run_scoped3A : memref<!tpu.dma_semaphore, #tpu.memory_space<semaphore_mem>>)
      %dma_wait3A = arith.constant 0 : i32
      %dma_wait3A_126 = tpu.memref_slice %arg20[%add3A_112, %dma_wait3A] : memref<10240x64xf32, #tpu.memory_space<vmem_shared>> -> memref<128x64xf32, #tpu.memory_space<vmem_shared>>
      %dma_wait3A_127 = arith.constant 0 : i32
      %dma_wait3A_128 = tpu.memref_slice %arg20[%add3A_112, %dma_wait3A_127] : memref<10240x64xf32, #tpu.memory_space<vmem_shared>> -> memref<128x64xf32, #tpu.memory_space<vmem_shared>>
      tpu.wait_dma2 semaphore(%run_scoped3A : memref<!tpu.dma_semaphore, #tpu.memory_space<semaphore_mem>>) src(%dma_wait3A_128 : memref<128x64xf32, #tpu.memory_space<vmem_shared>>) dst(%arg18 : memref<128x64xf32, #tpu.memory_space<vmem>>)
      tpu.yield
    }) : () -> ()
    %mul3A_118 = arith.constant 10240 : i32
    %mul3A_119 = arith.muli %arg0, %mul3A_118 : i32
    %add3A_120 = arith.addi %mul3A_119, %mul3A_9 : i32
    %add3A_121 = arith.constant 512 : i32
    %add3A_122 = arith.addi %add3A_120, %add3A_121 : i32
    "tpu.region"() ({
      %run_scoped3A = tpu.sem_alloc : memref<!tpu.dma_semaphore, #tpu.memory_space<semaphore_mem>>
      %dma_start3A = arith.constant 0 : i32
      %dma_start3A_123 = tpu.memref_slice %arg8[%add3A_122, %dma_start3A] : memref<20480x64xf32, #tpu.memory_space<hbm>> -> memref<128x64xf32, #tpu.memory_space<hbm>>
      %dma_start3A_124 = arith.constant 0 : i32
      %dma_start3A_125 = tpu.memref_slice %arg8[%add3A_122, %dma_start3A_124] : memref<20480x64xf32, #tpu.memory_space<hbm>> -> memref<128x64xf32, #tpu.memory_space<hbm>>
      tpu.enqueue_dma source(%arg18 : memref<128x64xf32, #tpu.memory_space<vmem>>) target(%dma_start3A_125 : memref<128x64xf32, #tpu.memory_space<hbm>>) target_semaphore(%run_scoped3A : memref<!tpu.dma_semaphore, #tpu.memory_space<semaphore_mem>>)
      %dma_wait3A = arith.constant 0 : i32
      %dma_wait3A_126 = tpu.memref_slice %arg8[%add3A_122, %dma_wait3A] : memref<20480x64xf32, #tpu.memory_space<hbm>> -> memref<128x64xf32, #tpu.memory_space<hbm>>
      %dma_wait3A_127 = arith.constant 0 : i32
      %dma_wait3A_128 = tpu.memref_slice %arg8[%add3A_122, %dma_wait3A_127] : memref<20480x64xf32, #tpu.memory_space<hbm>> -> memref<128x64xf32, #tpu.memory_space<hbm>>
      tpu.wait_dma2 semaphore(%run_scoped3A : memref<!tpu.dma_semaphore, #tpu.memory_space<semaphore_mem>>) src(%arg18 : memref<128x64xf32, #tpu.memory_space<vmem>>) dst(%dma_wait3A_128 : memref<128x64xf32, #tpu.memory_space<hbm>>)
      tpu.yield
    }) : () -> ()
    return
  }
}

module attributes {stable_mosaic.version = 14 : i64} {
  func.func @_node_mm_body(%arg0: i32, %arg1: memref<1000x128xf32, #tpu.memory_space<vmem>>, %arg2: memref<128x512xf32, #tpu.memory_space<vmem>>, %arg3: memref<1x512xf32, #tpu.memory_space<vmem>>, %arg4: memref<1000x128xf32, #tpu.memory_space<vmem>>, %arg5: memref<6x1000x64xf32, #tpu.memory_space<vmem>>) attributes {dimension_semantics = [#tpu.dimension_semantics<arbitrary>], iteration_bounds = array<i64: 10>, scalar_prefetch = 0 : i64, scratch_operands = 0 : i64, tpu.core_type = #tpu.core_type<tc>, window_params = [{transform_indices = @transform_0, window_bounds = array<i64: 1000, 128>}, {pipeline_mode = #tpu.pipeline_mode<synchronous>, transform_indices = @transform_1, window_bounds = array<i64: 128, 512>}, {pipeline_mode = #tpu.pipeline_mode<synchronous>, transform_indices = @transform_2, window_bounds = array<i64: 1, 512>}, {transform_indices = @transform_3, window_bounds = array<i64: 1000, 128>}, {transform_indices = @transform_4, window_bounds = array<i64: 6, 1000, 64>}]} {
    %get3A = arith.constant 0 : index
    %get3A_0 = arith.constant 0 : index
    %get3A_1 = vector.load %arg1[%get3A, %get3A_0] : memref<1000x128xf32, #tpu.memory_space<vmem>>, vector<1000x128xf32>
    %get3A_2 = arith.constant 0 : index
    %get3A_3 = arith.constant 0 : index
    %get3A_4 = vector.load %arg2[%get3A_2, %get3A_3] : memref<128x512xf32, #tpu.memory_space<vmem>>, vector<128x512xf32>
    %dot_general3A = arith.constant dense<0.000000e+00> : vector<1000x512xf32>
    %dot_general3A_5 = tpu.matmul %get3A_1, %get3A_4, %dot_general3A {dimension_numbers = #tpu.dot_dimension_numbers<[1], [0], [0], [1], [0, 0, 1, 1], [], []>, transpose_lhs_hint = false} : vector<1000x128xf32>, vector<128x512xf32>, vector<1000x512xf32> -> vector<1000x512xf32>
    %get3A_6 = arith.constant 0 : index
    %get3A_7 = arith.constant 0 : index
    %get3A_8 = vector.load %arg3[%get3A_6, %get3A_7] : memref<1x512xf32, #tpu.memory_space<vmem>>, vector<1x512xf32>
    %add3A = vector.broadcast %get3A_8 : vector<1x512xf32> to vector<1000x512xf32>
    %add3A_9 = arith.addf %dot_general3A_5, %add3A : vector<1000x512xf32>
    %slice3A = vector.extract_strided_slice %add3A_9 {offsets = [0, 0], sizes = [1000, 128], strides = [1, 1]} : vector<1000x512xf32> to vector<1000x128xf32>
    %swap3A = arith.constant 0 : index
    %swap3A_10 = arith.constant 0 : index
    %swap3A_11 = vector.load %arg4[%swap3A, %swap3A_10] : memref<1000x128xf32, #tpu.memory_space<vmem>>, vector<1000x128xf32>
    tpu.vector_store %arg4[%swap3A, %swap3A_10], %slice3A {strides = array<i32>} : memref<1000x128xf32, #tpu.memory_space<vmem>>, vector<1000x128xf32>,
    %slice3A_12 = vector.extract_strided_slice %add3A_9 {offsets = [0, 128], sizes = [1000, 64], strides = [1, 1]} : vector<1000x512xf32> to vector<1000x64xf32>
    %swap3A_13 = arith.constant 0 : index
    %swap3A_14 = arith.constant 0 : index
    %swap3A_15 = arith.constant 0 : index
    %swap3A_16 = vector.load %arg5[%swap3A_13, %swap3A_14, %swap3A_15] : memref<6x1000x64xf32, #tpu.memory_space<vmem>>, vector<1x1000x64xf32>
    %swap3A_17 = vector.shape_cast %swap3A_16 : vector<1x1000x64xf32> to vector<1000x64xf32>
    %swap3A_18 = vector.shape_cast %slice3A_12 : vector<1000x64xf32> to vector<1x1000x64xf32>
    tpu.vector_store %arg5[%swap3A_13, %swap3A_14, %swap3A_15], %swap3A_18 {strides = array<i32>} : memref<6x1000x64xf32, #tpu.memory_space<vmem>>, vector<1x1000x64xf32>,
    %slice3A_19 = vector.extract_strided_slice %add3A_9 {offsets = [0, 256], sizes = [1000, 64], strides = [1, 1]} : vector<1000x512xf32> to vector<1000x64xf32>
    %swap3A_20 = arith.constant 1 : index
    %swap3A_21 = arith.constant 0 : index
    %swap3A_22 = arith.constant 0 : index
    %swap3A_23 = vector.load %arg5[%swap3A_20, %swap3A_21, %swap3A_22] : memref<6x1000x64xf32, #tpu.memory_space<vmem>>, vector<1x1000x64xf32>
    %swap3A_24 = vector.shape_cast %swap3A_23 : vector<1x1000x64xf32> to vector<1000x64xf32>
    %swap3A_25 = vector.shape_cast %slice3A_19 : vector<1000x64xf32> to vector<1x1000x64xf32>
    tpu.vector_store %arg5[%swap3A_20, %swap3A_21, %swap3A_22], %swap3A_25 {strides = array<i32>} : memref<6x1000x64xf32, #tpu.memory_space<vmem>>, vector<1x1000x64xf32>,
    %slice3A_26 = vector.extract_strided_slice %add3A_9 {offsets = [0, 384], sizes = [1000, 64], strides = [1, 1]} : vector<1000x512xf32> to vector<1000x64xf32>
    %swap3A_27 = arith.constant 2 : index
    %swap3A_28 = arith.constant 0 : index
    %swap3A_29 = arith.constant 0 : index
    %swap3A_30 = vector.load %arg5[%swap3A_27, %swap3A_28, %swap3A_29] : memref<6x1000x64xf32, #tpu.memory_space<vmem>>, vector<1x1000x64xf32>
    %swap3A_31 = vector.shape_cast %swap3A_30 : vector<1x1000x64xf32> to vector<1000x64xf32>
    %swap3A_32 = vector.shape_cast %slice3A_26 : vector<1000x64xf32> to vector<1x1000x64xf32>
    tpu.vector_store %arg5[%swap3A_27, %swap3A_28, %swap3A_29], %swap3A_32 {strides = array<i32>} : memref<6x1000x64xf32, #tpu.memory_space<vmem>>, vector<1x1000x64xf32>,
    %slice3A_33 = vector.extract_strided_slice %add3A_9 {offsets = [0, 192], sizes = [1000, 64], strides = [1, 1]} : vector<1000x512xf32> to vector<1000x64xf32>
    %swap3A_34 = arith.constant 3 : index
    %swap3A_35 = arith.constant 0 : index
    %swap3A_36 = arith.constant 0 : index
    %swap3A_37 = vector.load %arg5[%swap3A_34, %swap3A_35, %swap3A_36] : memref<6x1000x64xf32, #tpu.memory_space<vmem>>, vector<1x1000x64xf32>
    %swap3A_38 = vector.shape_cast %swap3A_37 : vector<1x1000x64xf32> to vector<1000x64xf32>
    %swap3A_39 = vector.shape_cast %slice3A_33 : vector<1000x64xf32> to vector<1x1000x64xf32>
    tpu.vector_store %arg5[%swap3A_34, %swap3A_35, %swap3A_36], %swap3A_39 {strides = array<i32>} : memref<6x1000x64xf32, #tpu.memory_space<vmem>>, vector<1x1000x64xf32>,
    %slice3A_40 = vector.extract_strided_slice %add3A_9 {offsets = [0, 320], sizes = [1000, 64], strides = [1, 1]} : vector<1000x512xf32> to vector<1000x64xf32>
    %swap3A_41 = arith.constant 4 : index
    %swap3A_42 = arith.constant 0 : index
    %swap3A_43 = arith.constant 0 : index
    %swap3A_44 = vector.load %arg5[%swap3A_41, %swap3A_42, %swap3A_43] : memref<6x1000x64xf32, #tpu.memory_space<vmem>>, vector<1x1000x64xf32>
    %swap3A_45 = vector.shape_cast %swap3A_44 : vector<1x1000x64xf32> to vector<1000x64xf32>
    %swap3A_46 = vector.shape_cast %slice3A_40 : vector<1000x64xf32> to vector<1x1000x64xf32>
    tpu.vector_store %arg5[%swap3A_41, %swap3A_42, %swap3A_43], %swap3A_46 {strides = array<i32>} : memref<6x1000x64xf32, #tpu.memory_space<vmem>>, vector<1x1000x64xf32>,
    %slice3A_47 = vector.extract_strided_slice %add3A_9 {offsets = [0, 448], sizes = [1000, 64], strides = [1, 1]} : vector<1000x512xf32> to vector<1000x64xf32>
    %swap3A_48 = arith.constant 5 : index
    %swap3A_49 = arith.constant 0 : index
    %swap3A_50 = arith.constant 0 : index
    %swap3A_51 = vector.load %arg5[%swap3A_48, %swap3A_49, %swap3A_50] : memref<6x1000x64xf32, #tpu.memory_space<vmem>>, vector<1x1000x64xf32>
    %swap3A_52 = vector.shape_cast %swap3A_51 : vector<1x1000x64xf32> to vector<1000x64xf32>
    %swap3A_53 = vector.shape_cast %slice3A_47 : vector<1000x64xf32> to vector<1x1000x64xf32>
    tpu.vector_store %arg5[%swap3A_48, %swap3A_49, %swap3A_50], %swap3A_53 {strides = array<i32>} : memref<6x1000x64xf32, #tpu.memory_space<vmem>>, vector<1x1000x64xf32>,
    return
  }
  func.func @transform_0(%arg0: i32) -> (i32, i32) {
    %c0_i32 = arith.constant 0 : i32
    %c0_i32_0 = arith.constant 0 : i32
    return %arg0, %c0_i32 : i32, i32
  }
  func.func @transform_1(%arg0: i32) -> (i32, i32) {
    %c0_i32 = arith.constant 0 : i32
    %c0_i32_0 = arith.constant 0 : i32
    %c0_i32_1 = arith.constant 0 : i32
    return %c0_i32, %c0_i32_0 : i32, i32
  }
  func.func @transform_2(%arg0: i32) -> (i32, i32) {
    %c0_i32 = arith.constant 0 : i32
    %c0_i32_0 = arith.constant 0 : i32
    %c0_i32_1 = arith.constant 0 : i32
    return %c0_i32, %c0_i32_0 : i32, i32
  }
  func.func @transform_3(%arg0: i32) -> (i32, i32) {
    %c0_i32 = arith.constant 0 : i32
    %c0_i32_0 = arith.constant 0 : i32
    return %arg0, %c0_i32 : i32, i32
  }
  func.func @transform_4(%arg0: i32) -> (i32, i32, i32) {
    %c0_i32 = arith.constant 0 : i32
    %c0_i32_0 = arith.constant 0 : i32
    %c0_i32_1 = arith.constant 0 : i32
    return %c0_i32, %arg0, %c0_i32_0 : i32, i32, i32
  }
}

module attributes {stable_mosaic.version = 14 : i64} {
  func.func @_edge_mm_dense_body(%arg0: i32, %arg1: memref<2000x128xf32, #tpu.memory_space<vmem>>, %arg2: memref<128x128xf32, #tpu.memory_space<vmem>>, %arg3: memref<1x128xf32, #tpu.memory_space<vmem>>, %arg4: memref<2x2000x64xf32, #tpu.memory_space<vmem>>) attributes {dimension_semantics = [#tpu.dimension_semantics<arbitrary>], iteration_bounds = array<i64: 160>, scalar_prefetch = 0 : i64, scratch_operands = 0 : i64, tpu.core_type = #tpu.core_type<tc>, window_params = [{transform_indices = @transform_0, window_bounds = array<i64: 2000, 128>}, {pipeline_mode = #tpu.pipeline_mode<synchronous>, transform_indices = @transform_1, window_bounds = array<i64: 128, 128>}, {pipeline_mode = #tpu.pipeline_mode<synchronous>, transform_indices = @transform_2, window_bounds = array<i64: 1, 128>}, {transform_indices = @transform_3, window_bounds = array<i64: 2, 2000, 64>}]} {
    %get3A = arith.constant 0 : index
    %get3A_0 = arith.constant 0 : index
    %get3A_1 = vector.load %arg1[%get3A, %get3A_0] : memref<2000x128xf32, #tpu.memory_space<vmem>>, vector<2000x128xf32>
    %get3A_2 = arith.constant 0 : index
    %get3A_3 = arith.constant 0 : index
    %get3A_4 = vector.load %arg2[%get3A_2, %get3A_3] : memref<128x128xf32, #tpu.memory_space<vmem>>, vector<128x128xf32>
    %dot_general3A = arith.constant dense<0.000000e+00> : vector<2000x128xf32>
    %dot_general3A_5 = tpu.matmul %get3A_1, %get3A_4, %dot_general3A {dimension_numbers = #tpu.dot_dimension_numbers<[1], [0], [0], [1], [0, 0, 1, 1], [], []>, transpose_lhs_hint = false} : vector<2000x128xf32>, vector<128x128xf32>, vector<2000x128xf32> -> vector<2000x128xf32>
    %get3A_6 = arith.constant 0 : index
    %get3A_7 = arith.constant 0 : index
    %get3A_8 = vector.load %arg3[%get3A_6, %get3A_7] : memref<1x128xf32, #tpu.memory_space<vmem>>, vector<1x128xf32>
    %add3A = vector.broadcast %get3A_8 : vector<1x128xf32> to vector<2000x128xf32>
    %add3A_9 = arith.addf %dot_general3A_5, %add3A : vector<2000x128xf32>
    %slice3A = vector.extract_strided_slice %add3A_9 {offsets = [0, 0], sizes = [2000, 64], strides = [1, 1]} : vector<2000x128xf32> to vector<2000x64xf32>
    %swap3A = arith.constant 0 : index
    %swap3A_10 = arith.constant 0 : index
    %swap3A_11 = arith.constant 0 : index
    %swap3A_12 = vector.load %arg4[%swap3A, %swap3A_10, %swap3A_11] : memref<2x2000x64xf32, #tpu.memory_space<vmem>>, vector<1x2000x64xf32>
    %swap3A_13 = vector.shape_cast %swap3A_12 : vector<1x2000x64xf32> to vector<2000x64xf32>
    %swap3A_14 = vector.shape_cast %slice3A : vector<2000x64xf32> to vector<1x2000x64xf32>
    tpu.vector_store %arg4[%swap3A, %swap3A_10, %swap3A_11], %swap3A_14 {strides = array<i32>} : memref<2x2000x64xf32, #tpu.memory_space<vmem>>, vector<1x2000x64xf32>,
    %slice3A_15 = vector.extract_strided_slice %add3A_9 {offsets = [0, 64], sizes = [2000, 64], strides = [1, 1]} : vector<2000x128xf32> to vector<2000x64xf32>
    %swap3A_16 = arith.constant 1 : index
    %swap3A_17 = arith.constant 0 : index
    %swap3A_18 = arith.constant 0 : index
    %swap3A_19 = vector.load %arg4[%swap3A_16, %swap3A_17, %swap3A_18] : memref<2x2000x64xf32, #tpu.memory_space<vmem>>, vector<1x2000x64xf32>
    %swap3A_20 = vector.shape_cast %swap3A_19 : vector<1x2000x64xf32> to vector<2000x64xf32>
    %swap3A_21 = vector.shape_cast %slice3A_15 : vector<2000x64xf32> to vector<1x2000x64xf32>
    tpu.vector_store %arg4[%swap3A_16, %swap3A_17, %swap3A_18], %swap3A_21 {strides = array<i32>} : memref<2x2000x64xf32, #tpu.memory_space<vmem>>, vector<1x2000x64xf32>,
    return
  }
  func.func @transform_0(%arg0: i32) -> (i32, i32) {
    %c0_i32 = arith.constant 0 : i32
    %c0_i32_0 = arith.constant 0 : i32
    return %arg0, %c0_i32 : i32, i32
  }
  func.func @transform_1(%arg0: i32) -> (i32, i32) {
    %c0_i32 = arith.constant 0 : i32
    %c0_i32_0 = arith.constant 0 : i32
    %c0_i32_1 = arith.constant 0 : i32
    return %c0_i32, %c0_i32_0 : i32, i32
  }
  func.func @transform_2(%arg0: i32) -> (i32, i32) {
    %c0_i32 = arith.constant 0 : i32
    %c0_i32_0 = arith.constant 0 : i32
    %c0_i32_1 = arith.constant 0 : i32
    return %c0_i32, %c0_i32_0 : i32, i32
  }
  func.func @transform_3(%arg0: i32) -> (i32, i32, i32) {
    %c0_i32 = arith.constant 0 : i32
    %c0_i32_0 = arith.constant 0 : i32
    %c0_i32_1 = arith.constant 0 : i32
    return %c0_i32, %arg0, %c0_i32_0 : i32, i32, i32
  }
}

module attributes {stable_mosaic.version = 14 : i64} {
  func.func @_edge_mm_split_body(%arg0: i32, %arg1: memref<2x2000x64xf32, #tpu.memory_space<vmem>>, %arg2: memref<128x128xf32, #tpu.memory_space<vmem>>, %arg3: memref<1x128xf32, #tpu.memory_space<vmem>>, %arg4: memref<2x2000x64xf32, #tpu.memory_space<vmem>>) attributes {dimension_semantics = [#tpu.dimension_semantics<arbitrary>], iteration_bounds = array<i64: 160>, scalar_prefetch = 0 : i64, scratch_operands = 0 : i64, tpu.core_type = #tpu.core_type<tc>, window_params = [{transform_indices = @transform_0, window_bounds = array<i64: 2, 2000, 64>}, {pipeline_mode = #tpu.pipeline_mode<synchronous>, transform_indices = @transform_1, window_bounds = array<i64: 128, 128>}, {pipeline_mode = #tpu.pipeline_mode<synchronous>, transform_indices = @transform_2, window_bounds = array<i64: 1, 128>}, {transform_indices = @transform_3, window_bounds = array<i64: 2, 2000, 64>}]} {
    %get3A = arith.constant 0 : index
    %get3A_0 = arith.constant 0 : index
    %get3A_1 = arith.constant 0 : index
    %get3A_2 = vector.load %arg1[%get3A, %get3A_0, %get3A_1] : memref<2x2000x64xf32, #tpu.memory_space<vmem>>, vector<1x2000x64xf32>
    %get3A_3 = vector.shape_cast %get3A_2 : vector<1x2000x64xf32> to vector<2000x64xf32>
    %get3A_4 = arith.constant 1 : index
    %get3A_5 = arith.constant 0 : index
    %get3A_6 = arith.constant 0 : index
    %get3A_7 = vector.load %arg1[%get3A_4, %get3A_5, %get3A_6] : memref<2x2000x64xf32, #tpu.memory_space<vmem>>, vector<1x2000x64xf32>
    %get3A_8 = vector.shape_cast %get3A_7 : vector<1x2000x64xf32> to vector<2000x64xf32>
    %concatenate3A = tpu.concatenate %get3A_3, %get3A_8 in 1 : vector<2000x64xf32>, vector<2000x64xf32> -> vector<2000x128xf32>
    %get3A_9 = arith.constant 0 : index
    %get3A_10 = arith.constant 0 : index
    %get3A_11 = vector.load %arg2[%get3A_9, %get3A_10] : memref<128x128xf32, #tpu.memory_space<vmem>>, vector<128x128xf32>
    %dot_general3A = arith.constant dense<0.000000e+00> : vector<2000x128xf32>
    %dot_general3A_12 = tpu.matmul %concatenate3A, %get3A_11, %dot_general3A {dimension_numbers = #tpu.dot_dimension_numbers<[1], [0], [0], [1], [0, 0, 1, 1], [], []>, transpose_lhs_hint = false} : vector<2000x128xf32>, vector<128x128xf32>, vector<2000x128xf32> -> vector<2000x128xf32>
    %get3A_13 = arith.constant 0 : index
    %get3A_14 = arith.constant 0 : index
    %get3A_15 = vector.load %arg3[%get3A_13, %get3A_14] : memref<1x128xf32, #tpu.memory_space<vmem>>, vector<1x128xf32>
    %add3A = vector.broadcast %get3A_15 : vector<1x128xf32> to vector<2000x128xf32>
    %add3A_16 = arith.addf %dot_general3A_12, %add3A : vector<2000x128xf32>
    %slice3A = vector.extract_strided_slice %add3A_16 {offsets = [0, 0], sizes = [2000, 64], strides = [1, 1]} : vector<2000x128xf32> to vector<2000x64xf32>
    %swap3A = arith.constant 0 : index
    %swap3A_17 = arith.constant 0 : index
    %swap3A_18 = arith.constant 0 : index
    %swap3A_19 = vector.load %arg4[%swap3A, %swap3A_17, %swap3A_18] : memref<2x2000x64xf32, #tpu.memory_space<vmem>>, vector<1x2000x64xf32>
    %swap3A_20 = vector.shape_cast %swap3A_19 : vector<1x2000x64xf32> to vector<2000x64xf32>
    %swap3A_21 = vector.shape_cast %slice3A : vector<2000x64xf32> to vector<1x2000x64xf32>
    tpu.vector_store %arg4[%swap3A, %swap3A_17, %swap3A_18], %swap3A_21 {strides = array<i32>} : memref<2x2000x64xf32, #tpu.memory_space<vmem>>, vector<1x2000x64xf32>,
    %slice3A_22 = vector.extract_strided_slice %add3A_16 {offsets = [0, 64], sizes = [2000, 64], strides = [1, 1]} : vector<2000x128xf32> to vector<2000x64xf32>
    %swap3A_23 = arith.constant 1 : index
    %swap3A_24 = arith.constant 0 : index
    %swap3A_25 = arith.constant 0 : index
    %swap3A_26 = vector.load %arg4[%swap3A_23, %swap3A_24, %swap3A_25] : memref<2x2000x64xf32, #tpu.memory_space<vmem>>, vector<1x2000x64xf32>
    %swap3A_27 = vector.shape_cast %swap3A_26 : vector<1x2000x64xf32> to vector<2000x64xf32>
    %swap3A_28 = vector.shape_cast %slice3A_22 : vector<2000x64xf32> to vector<1x2000x64xf32>
    tpu.vector_store %arg4[%swap3A_23, %swap3A_24, %swap3A_25], %swap3A_28 {strides = array<i32>} : memref<2x2000x64xf32, #tpu.memory_space<vmem>>, vector<1x2000x64xf32>,
    return
  }
  func.func @transform_0(%arg0: i32) -> (i32, i32, i32) {
    %c0_i32 = arith.constant 0 : i32
    %c0_i32_0 = arith.constant 0 : i32
    %c0_i32_1 = arith.constant 0 : i32
    return %c0_i32, %arg0, %c0_i32_0 : i32, i32, i32
  }
  func.func @transform_1(%arg0: i32) -> (i32, i32) {
    %c0_i32 = arith.constant 0 : i32
    %c0_i32_0 = arith.constant 0 : i32
    %c0_i32_1 = arith.constant 0 : i32
    return %c0_i32, %c0_i32_0 : i32, i32
  }
  func.func @transform_2(%arg0: i32) -> (i32, i32) {
    %c0_i32 = arith.constant 0 : i32
    %c0_i32_0 = arith.constant 0 : i32
    %c0_i32_1 = arith.constant 0 : i32
    return %c0_i32, %c0_i32_0 : i32, i32
  }
  func.func @transform_3(%arg0: i32) -> (i32, i32, i32) {
    %c0_i32 = arith.constant 0 : i32
    %c0_i32_0 = arith.constant 0 : i32
    %c0_i32_1 = arith.constant 0 : i32
    return %c0_i32, %arg0, %c0_i32_0 : i32, i32, i32
  }
}

module attributes {stable_mosaic.version = 14 : i64} {
  func.func @_node_upd_body(%arg0: i32, %arg1: memref<2000x128xf32, #tpu.memory_space<vmem>>, %arg2: memref<2x2000x64xf32, #tpu.memory_space<vmem>>, %arg3: memref<2x2000x64xf32, #tpu.memory_space<vmem>>, %arg4: memref<2000x128xf32, #tpu.memory_space<vmem>>) attributes {dimension_semantics = [#tpu.dimension_semantics<arbitrary>], iteration_bounds = array<i64: 5>, scalar_prefetch = 0 : i64, scratch_operands = 0 : i64, tpu.core_type = #tpu.core_type<tc>, window_params = [{transform_indices = @transform_0, window_bounds = array<i64: 2000, 128>}, {transform_indices = @transform_1, window_bounds = array<i64: 2, 2000, 64>}, {transform_indices = @transform_2, window_bounds = array<i64: 2, 2000, 64>}, {transform_indices = @transform_3, window_bounds = array<i64: 2000, 128>}]} {
    %get3A = arith.constant 0 : index
    %get3A_0 = arith.constant 0 : index
    %get3A_1 = arith.constant 0 : index
    %get3A_2 = vector.load %arg2[%get3A, %get3A_0, %get3A_1] : memref<2x2000x64xf32, #tpu.memory_space<vmem>>, vector<1x2000x64xf32>
    %get3A_3 = vector.shape_cast %get3A_2 : vector<1x2000x64xf32> to vector<2000x64xf32>
    %get3A_4 = arith.constant 1 : index
    %get3A_5 = arith.constant 0 : index
    %get3A_6 = arith.constant 0 : index
    %get3A_7 = vector.load %arg2[%get3A_4, %get3A_5, %get3A_6] : memref<2x2000x64xf32, #tpu.memory_space<vmem>>, vector<1x2000x64xf32>
    %get3A_8 = vector.shape_cast %get3A_7 : vector<1x2000x64xf32> to vector<2000x64xf32>
    %concatenate3A = tpu.concatenate %get3A_3, %get3A_8 in 1 : vector<2000x64xf32>, vector<2000x64xf32> -> vector<2000x128xf32>
    %get3A_9 = arith.constant 0 : index
    %get3A_10 = arith.constant 0 : index
    %get3A_11 = arith.constant 0 : index
    %get3A_12 = vector.load %arg3[%get3A_9, %get3A_10, %get3A_11] : memref<2x2000x64xf32, #tpu.memory_space<vmem>>, vector<1x2000x64xf32>
    %get3A_13 = vector.shape_cast %get3A_12 : vector<1x2000x64xf32> to vector<2000x64xf32>
    %get3A_14 = arith.constant 1 : index
    %get3A_15 = arith.constant 0 : index
    %get3A_16 = arith.constant 0 : index
    %get3A_17 = vector.load %arg3[%get3A_14, %get3A_15, %get3A_16] : memref<2x2000x64xf32, #tpu.memory_space<vmem>>, vector<1x2000x64xf32>
    %get3A_18 = vector.shape_cast %get3A_17 : vector<1x2000x64xf32> to vector<2000x64xf32>
    %concatenate3A_19 = tpu.concatenate %get3A_13, %get3A_18 in 1 : vector<2000x64xf32>, vector<2000x64xf32> -> vector<2000x128xf32>
    %get3A_20 = arith.constant 0 : index
    %get3A_21 = arith.constant 0 : index
    %get3A_22 = vector.load %arg1[%get3A_20, %get3A_21] : memref<2000x128xf32, #tpu.memory_space<vmem>>, vector<2000x128xf32>
    %add3A = arith.constant 9.99999997E-7 : f32
    %add3A_23 = vector.broadcast %add3A : f32 to vector<2000x128xf32>
    %add3A_24 = arith.addf %concatenate3A_19, %add3A_23 : vector<2000x128xf32>
    %div3A = arith.divf %concatenate3A, %add3A_24 : vector<2000x128xf32>
    %add3A_25 = arith.addf %get3A_22, %div3A : vector<2000x128xf32>
    %max3A = arith.constant 0.000000e+00 : f32
    %max3A_26 = vector.broadcast %max3A : f32 to vector<2000x128xf32>
    %max3A_27 = arith.maximumf %add3A_25, %max3A_26 : vector<2000x128xf32>
    %swap3A = arith.constant 0 : index
    %swap3A_28 = arith.constant 0 : index
    %swap3A_29 = vector.load %arg4[%swap3A, %swap3A_28] : memref<2000x128xf32, #tpu.memory_space<vmem>>, vector<2000x128xf32>
    tpu.vector_store %arg4[%swap3A, %swap3A_28], %max3A_27 {strides = array<i32>} : memref<2000x128xf32, #tpu.memory_space<vmem>>, vector<2000x128xf32>,
    return
  }
  func.func @transform_0(%arg0: i32) -> (i32, i32) {
    %c0_i32 = arith.constant 0 : i32
    %c0_i32_0 = arith.constant 0 : i32
    return %arg0, %c0_i32 : i32, i32
  }
  func.func @transform_1(%arg0: i32) -> (i32, i32, i32) {
    %c0_i32 = arith.constant 0 : i32
    %c0_i32_0 = arith.constant 0 : i32
    %c0_i32_1 = arith.constant 0 : i32
    return %c0_i32, %arg0, %c0_i32_0 : i32, i32, i32
  }
  func.func @transform_2(%arg0: i32) -> (i32, i32, i32) {
    %c0_i32 = arith.constant 0 : i32
    %c0_i32_0 = arith.constant 0 : i32
    %c0_i32_1 = arith.constant 0 : i32
    return %c0_i32, %arg0, %c0_i32_0 : i32, i32, i32
  }
  func.func @transform_3(%arg0: i32) -> (i32, i32) {
    %c0_i32 = arith.constant 0 : i32
    %c0_i32_0 = arith.constant 0 : i32
    return %arg0, %c0_i32 : i32, i32
  }
}

module attributes {stable_mosaic.version = 14 : i64} {
  func.func @_merge_body(%arg0: i32, %arg1: memref<2x4000x64xf32, #tpu.memory_space<vmem>>, %arg2: memref<4000x128xf32, #tpu.memory_space<vmem>>) attributes {dimension_semantics = [#tpu.dimension_semantics<arbitrary>], iteration_bounds = array<i64: 80>, scalar_prefetch = 0 : i64, scratch_operands = 0 : i64, tpu.core_type = #tpu.core_type<tc>, window_params = [{transform_indices = @transform_0, window_bounds = array<i64: 2, 4000, 64>}, {transform_indices = @transform_1, window_bounds = array<i64: 4000, 128>}]} {
    %get3A = arith.constant 0 : index
    %get3A_0 = arith.constant 0 : index
    %get3A_1 = arith.constant 0 : index
    %get3A_2 = vector.load %arg1[%get3A, %get3A_0, %get3A_1] : memref<2x4000x64xf32, #tpu.memory_space<vmem>>, vector<1x4000x64xf32>
    %get3A_3 = vector.shape_cast %get3A_2 : vector<1x4000x64xf32> to vector<4000x64xf32>
    %get3A_4 = arith.constant 1 : index
    %get3A_5 = arith.constant 0 : index
    %get3A_6 = arith.constant 0 : index
    %get3A_7 = vector.load %arg1[%get3A_4, %get3A_5, %get3A_6] : memref<2x4000x64xf32, #tpu.memory_space<vmem>>, vector<1x4000x64xf32>
    %get3A_8 = vector.shape_cast %get3A_7 : vector<1x4000x64xf32> to vector<4000x64xf32>
    %concatenate3A = tpu.concatenate %get3A_3, %get3A_8 in 1 : vector<4000x64xf32>, vector<4000x64xf32> -> vector<4000x128xf32>
    %swap3A = arith.constant 0 : index
    %swap3A_9 = arith.constant 0 : index
    %swap3A_10 = vector.load %arg2[%swap3A, %swap3A_9] : memref<4000x128xf32, #tpu.memory_space<vmem>>, vector<4000x128xf32>
    tpu.vector_store %arg2[%swap3A, %swap3A_9], %concatenate3A {strides = array<i32>} : memref<4000x128xf32, #tpu.memory_space<vmem>>, vector<4000x128xf32>,
    return
  }
  func.func @transform_0(%arg0: i32) -> (i32, i32, i32) {
    %c0_i32 = arith.constant 0 : i32
    %c0_i32_0 = arith.constant 0 : i32
    %c0_i32_1 = arith.constant 0 : i32
    return %c0_i32, %arg0, %c0_i32_0 : i32, i32, i32
  }
  func.func @transform_1(%arg0: i32) -> (i32, i32) {
    %c0_i32 = arith.constant 0 : i32
    %c0_i32_0 = arith.constant 0 : i32
    return %arg0, %c0_i32 : i32, i32
  }
}

module attributes {stable_mosaic.version = 14 : i64} {
  func.func @_node_upd_body(%arg0: i32, %arg1: memref<2000x128xf32, #tpu.memory_space<vmem>>, %arg2: memref<2x2000x64xf32, #tpu.memory_space<vmem>>, %arg3: memref<2x2000x64xf32, #tpu.memory_space<vmem>>, %arg4: memref<2000x128xf32, #tpu.memory_space<vmem>>) attributes {dimension_semantics = [#tpu.dimension_semantics<arbitrary>], iteration_bounds = array<i64: 5>, scalar_prefetch = 0 : i64, scratch_operands = 0 : i64, tpu.core_type = #tpu.core_type<tc>, window_params = [{transform_indices = @transform_0, window_bounds = array<i64: 2000, 128>}, {transform_indices = @transform_1, window_bounds = array<i64: 2, 2000, 64>}, {transform_indices = @transform_2, window_bounds = array<i64: 2, 2000, 64>}, {transform_indices = @transform_3, window_bounds = array<i64: 2000, 128>}]} {
    %get3A = arith.constant 0 : index
    %get3A_0 = arith.constant 0 : index
    %get3A_1 = arith.constant 0 : index
    %get3A_2 = vector.load %arg2[%get3A, %get3A_0, %get3A_1] : memref<2x2000x64xf32, #tpu.memory_space<vmem>>, vector<1x2000x64xf32>
    %get3A_3 = vector.shape_cast %get3A_2 : vector<1x2000x64xf32> to vector<2000x64xf32>
    %get3A_4 = arith.constant 1 : index
    %get3A_5 = arith.constant 0 : index
    %get3A_6 = arith.constant 0 : index
    %get3A_7 = vector.load %arg2[%get3A_4, %get3A_5, %get3A_6] : memref<2x2000x64xf32, #tpu.memory_space<vmem>>, vector<1x2000x64xf32>
    %get3A_8 = vector.shape_cast %get3A_7 : vector<1x2000x64xf32> to vector<2000x64xf32>
    %concatenate3A = tpu.concatenate %get3A_3, %get3A_8 in 1 : vector<2000x64xf32>, vector<2000x64xf32> -> vector<2000x128xf32>
    %get3A_9 = arith.constant 0 : index
    %get3A_10 = arith.constant 0 : index
    %get3A_11 = arith.constant 0 : index
    %get3A_12 = vector.load %arg3[%get3A_9, %get3A_10, %get3A_11] : memref<2x2000x64xf32, #tpu.memory_space<vmem>>, vector<1x2000x64xf32>
    %get3A_13 = vector.shape_cast %get3A_12 : vector<1x2000x64xf32> to vector<2000x64xf32>
    %get3A_14 = arith.constant 1 : index
    %get3A_15 = arith.constant 0 : index
    %get3A_16 = arith.constant 0 : index
    %get3A_17 = vector.load %arg3[%get3A_14, %get3A_15, %get3A_16] : memref<2x2000x64xf32, #tpu.memory_space<vmem>>, vector<1x2000x64xf32>
    %get3A_18 = vector.shape_cast %get3A_17 : vector<1x2000x64xf32> to vector<2000x64xf32>
    %concatenate3A_19 = tpu.concatenate %get3A_13, %get3A_18 in 1 : vector<2000x64xf32>, vector<2000x64xf32> -> vector<2000x128xf32>
    %get3A_20 = arith.constant 0 : index
    %get3A_21 = arith.constant 0 : index
    %get3A_22 = vector.load %arg1[%get3A_20, %get3A_21] : memref<2000x128xf32, #tpu.memory_space<vmem>>, vector<2000x128xf32>
    %add3A = arith.constant 9.99999997E-7 : f32
    %add3A_23 = vector.broadcast %add3A : f32 to vector<2000x128xf32>
    %add3A_24 = arith.addf %concatenate3A_19, %add3A_23 : vector<2000x128xf32>
    %div3A = arith.divf %concatenate3A, %add3A_24 : vector<2000x128xf32>
    %add3A_25 = arith.addf %get3A_22, %div3A : vector<2000x128xf32>
    %max3A = arith.constant 0.000000e+00 : f32
    %max3A_26 = vector.broadcast %max3A : f32 to vector<2000x128xf32>
    %max3A_27 = arith.maximumf %add3A_25, %max3A_26 : vector<2000x128xf32>
    %swap3A = arith.constant 0 : index
    %swap3A_28 = arith.constant 0 : index
    %swap3A_29 = vector.load %arg4[%swap3A, %swap3A_28] : memref<2000x128xf32, #tpu.memory_space<vmem>>, vector<2000x128xf32>
    tpu.vector_store %arg4[%swap3A, %swap3A_28], %max3A_27 {strides = array<i32>} : memref<2000x128xf32, #tpu.memory_space<vmem>>, vector<2000x128xf32>,
    return
  }
  func.func @transform_0(%arg0: i32) -> (i32, i32) {
    %c0_i32 = arith.constant 0 : i32
    %c0_i32_0 = arith.constant 0 : i32
    return %arg0, %c0_i32 : i32, i32
  }
  func.func @transform_1(%arg0: i32) -> (i32, i32, i32) {
    %c0_i32 = arith.constant 0 : i32
    %c0_i32_0 = arith.constant 0 : i32
    %c0_i32_1 = arith.constant 0 : i32
    return %c0_i32, %arg0, %c0_i32_0 : i32, i32, i32
  }
  func.func @transform_2(%arg0: i32) -> (i32, i32, i32) {
    %c0_i32 = arith.constant 0 : i32
    %c0_i32_0 = arith.constant 0 : i32
    %c0_i32_1 = arith.constant 0 : i32
    return %c0_i32, %arg0, %c0_i32_0 : i32, i32, i32
  }
  func.func @transform_3(%arg0: i32) -> (i32, i32) {
    %c0_i32 = arith.constant 0 : i32
    %c0_i32_0 = arith.constant 0 : i32
    return %arg0, %c0_i32 : i32, i32
  }
}

</mosaic_0001>

<sc_bundles>
// kernel: kernel.11.cloned.1.call-start
scs
__scs_entry_jumppad:
0x0: {  	(pc) =	sbr.rel $0x88, $3  }
0x1: {  	(tag) =	ssettag $0x0;
	lr =	simm.s32 $0x1  }
0x2: {  	[smem:$0x3F9B] =	sst lr;
	_ =	strace $0xD0000000  }
0x3: {  	_ = 	snop  }
0x4: {  	_ = 	snop  }
0x5: {  	_ = 	snop  }
0x6: {  	_ = 	snop  }
0x7: {  	_ = 	snop  }
__scs_overlays_trampoline_lowered:
0x8: {  	[smem:$0x3FAA] =	sst s0  }
0x9: {  	[smem:$0x3FAB] =	sst s1  }
0xa: {  	[smem:$0x3FAC] =	sst s2  }
0xb: {  	[smem:$0x3FAD] =	sst s3  }
0xc: {  	[smem:$0x3FAE] =	sst s4  }
0xd: {  	[smem:$0x3FAF] =	sst s5  }
0xe: {  	[smem:$0x3FB0] =	sst s6  }
0xf: {  	[smem:$0x3FB1] =	sst s7  }
0x10: {  	[smem:$0x3FB2] =	sst s8  }
0x11: {  	[smem:$0x3FB3] =	sst s9;
	s0 =	simm.s32 @!p0 $0x0  }
0x12: {  	s1 =	sld [smem:$0x3F99];
	s0 =	simm.s32 @p0 $0x1  }
0x13: {  	[smem:$0x3FB4] =	sst s0;
	s0 =	simm.s32 @!p1 $0x0  }
0x14: {  	s2 =	sld [smem:$0x3F98];
	s0 =	simm.s32 @p1 $0x1  }
0x15: {  	[smem:$0x3FB5] =	sst s0;
	s0 =	simm.s32 @!p2 $0x0  }
0x16: {  	s3 =	sld [smem:$0x3FDB];
	s0 =	simm.s32 @p2 $0x1  }
0x17: {  	s4 =	simm.s32 $0x1BF5;
	[smem:$0x3FB7] =	sst s0  }
0x18: {  	s0 =	sld [smem:$0x3F9A];
	_ =	swait.ge [sflag:s4], $0x0  }
0x19: {  	s7 =	sld [smem:$0x3F9B]  }
0x1a: {  	s8 =	sadd.s32 $0xFFFFE003, lr  }
0x1b: {  	s9 =	sadd.s32 $0xFFFFFEF7, lr;
	s5 =	simm.s32 $0xFFFFFFFF;
	p2 =	slt.u32 s8, $0xFFFFF086  }
0x1c: {  	p1 =	slt.u32 s9, $0xF7A;
	s5 =	simm.s32 @!p2 $0x0  }
0x1d: {  	s5 =	simm.s32 @p1 $0x1;
	p0 =	seq.s32 s7, s2  }
0x1e: {  	s7 =	smul.u32 @!p0 $0xF7A, s2;
	p2 =	seq.s32 @!p0 s5, $0x0  }
0x1f: {  	s9 =	smul.u32 $0xF7A, s1;
	s8 =	simm.s32 @!p0 $0x1BF5;
	p2 =	por !p2, p0  }
0x20: {  	[sflag:s8] =	ssyncset.s32 @!p0 $0xFFFFF086;
	s6 =	sadd.s32 @!p0 s3, s7;
	s7 =	simm.s32 @!p0 $0x108  }
0x21: {  	s3 =	sadd.s32 s3, s9;
	s6 =	sadd.s32 @!p0 $0x88, s6;
	s7 =	simm.s32 @p2 $0x1082  }
0x22: {  	[simem:s7], [sflag:s8] =	dma.local @!p0 [hbm:s6], $0xF7A  }
0x23: {  	s9 =	sor.u32 $0xD0000000, s2;
	s6 =	simm.s32 $0x108;
	_ =	swait.ge @!p0 [sflag:s8], $0x0  }
0x24: {  	s3 =	sadd.s32 $0x88, s3;
	s6 =	simm.s32 @!p1 $0x1082;
	[sflag:s4] =	ssyncset.s32 $0xFFFFF086  }
0x25: {  	[simem:s6], [sflag:s4] =	dma.local [hbm:s3], $0xF7A  }
0x26: {  	[smem:$0x3F9B] =	sst s1;
	(tag) =	ssettag s2;
	_ =	strace s9  }
0x27: {  	s1 =	sld [smem:$0x3FAB]  }
0x28: {  	s2 =	sld [smem:$0x3FAC]  }
0x29: {  	s4 =	sld [smem:$0x3FAE]  }
0x2a: {  	p0 =	seq.s32 s5, $0x0;
	s5 =	sld [smem:$0x3FAF]  }
0x2b: {  	s6 =	sld [smem:$0x3FB0]  }
0x2c: {  	s7 =	sld [smem:$0x3FB1]  }
0x2d: {  	s3 =	simm.s32 $0x108;
	s8 =	sld [smem:$0x3FB2]  }
0x2e: {  	s3 =	simm.s32 @!p0 $0x1082;
	s9 =	sld [smem:$0x3FB3]  }
0x2f: {  	lr =	sadd.s32 s0, s3;
	s0 =	sld [smem:$0x3FAA]  }
0x30: {  	s3 =	sld [smem:$0x3FAD]  }
0x31: {  	[smem:$0x3FB6] =	sst s10  }
0x32: {  	s10 =	sld [smem:$0x3FB4];
	_ =	sdelay $0x3  }
0x33: {  	p0 =	seq.s32 s10, $0x1;
	s10 =	sld [smem:$0x3FB6];
	_ =	sdelay $0x3  }
0x34: {  	[smem:$0x3FB6] =	sst s10  }
0x35: {  	s10 =	sld [smem:$0x3FB5];
	_ =	sdelay $0x3  }
0x36: {  	p1 =	seq.s32 s10, $0x1;
	s10 =	sld [smem:$0x3FB6];
	_ =	sdelay $0x3  }
0x37: {  	[smem:$0x3FB6] =	sst s10  }
0x38: {  	s10 =	sld [smem:$0x3FB7]  }
0x39: {  	_ = 	snop;
	(pc) =	sbr.ind lr, $3  }
0x3a: {  	_ = 	snop  }
0x3b: {  	_ = 	snop  }
0x3c: {  	p2 =	seq.s32 s10, $0x1;
	s10 =	sld [smem:$0x3FB6]  }
0x3d: {  	_ =	shalt  }
0x3e: {  	_ =	shalt  }
0x3f: {  	_ =	shalt  }
0x40: {  	_ =	shalt  }
0x41: {  	_ =	shalt  }
0x42: {  	_ =	shalt  }
0x43: {  	_ =	shalt  }
0x44: {  	_ =	shalt  }
0x45: {  	_ =	shalt  }
0x46: {  	_ =	shalt  }
0x47: {  	_ =	shalt  }
0x48: {  	_ =	shalt  }
0x49: {  	_ =	shalt  }
0x4a: {  	_ =	shalt  }
0x4b: {  	_ =	shalt  }
0x4c: {  	_ =	shalt  }
0x4d: {  	_ =	shalt  }
0x4e: {  	_ =	shalt  }
0x4f: {  	_ =	shalt  }
0x50: {  	_ =	shalt  }
0x51: {  	_ =	shalt  }
0x52: {  	_ =	shalt  }
0x53: {  	_ =	shalt  }
0x54: {  	_ =	shalt  }
0x55: {  	_ =	shalt  }
0x56: {  	_ =	shalt  }
0x57: {  	_ =	shalt  }
0x58: {  	_ =	shalt  }
0x59: {  	_ =	shalt  }
0x5a: {  	_ =	shalt  }
0x5b: {  	_ =	shalt  }
0x5c: {  	_ =	shalt  }
0x5d: {  	_ =	shalt  }
0x5e: {  	_ =	shalt  }
0x5f: {  	_ =	shalt  }
0x60: {  	_ =	shalt  }
0x61: {  	_ =	shalt  }
0x62: {  	_ =	shalt  }
0x63: {  	_ =	shalt  }
0x64: {  	_ =	shalt  }
0x65: {  	_ =	shalt  }
0x66: {  	_ =	shalt  }
0x67: {  	_ =	shalt  }
0x68: {  	_ =	shalt  }
0x69: {  	_ =	shalt  }
0x6a: {  	_ =	shalt  }
0x6b: {  	_ =	shalt  }
0x6c: {  	_ =	shalt  }
0x6d: {  	_ =	shalt  }
0x6e: {  	_ =	shalt  }
0x6f: {  	_ =	shalt  }
0x70: {  	_ =	shalt  }
0x71: {  	_ =	shalt  }
0x72: {  	_ =	shalt  }
0x73: {  	_ =	shalt  }
0x74: {  	_ =	shalt  }
0x75: {  	_ =	shalt  }
0x76: {  	_ =	shalt  }
0x77: {  	_ =	shalt  }
0x78: {  	_ =	shalt  }
0x79: {  	_ =	shalt  }
0x7a: {  	_ =	shalt  }
0x7b: {  	_ =	shalt  }
0x7c: {  	_ =	shalt  }
0x7d: {  	_ =	shalt  }
0x7e: {  	_ =	shalt  }
0x7f: {  	_ =	shalt  }
0x80: {  	_ =	shalt  }
0x81: {  	_ =	shalt  }
0x82: {  	_ =	shalt  }
0x83: {  	_ =	shalt  }
0x84: {  	_ =	shalt  }
0x85: {  	_ =	shalt  }
0x86: {  	_ =	shalt  }
0x87: {  	_ =	shalt  }
.Lfunc_end0:
.L_simem_size_0:
called_computation_lowered:
.L_overlay_start_0:
0x88: {  	s2 =	sld [smem:$0x3FD9]  }
0x89: {  	s3 =	sld [smem:$0x3FFE];
	_ =	sdelay $0x1  }
0x8a: {  	s1 =	srdreg.scid  }
0x8b: {  	s0 =	sand.u32 $0x1, s1  }
0x8c: {  	s14 =	sshll.u32 s0, $0xA;
	s2 =	sadd.s32 s3, s2  }
0x8d: {  	s2 =	sadd.s32 s2, s14  }
0x8e: {  	[smem:$0x3FC2] =	sst s2  }
0x8f: {  	_ = 	snop  }
0x90: {  	s2 =	sld [smem:$0x3FD0];
	_ =	sdelay $0x2  }
0x91: {  	s15 =	simm.s32 $0xA;
	s4 =	simm.s32 $0x10  }
0x92: {  	[smem:s4], [sflag:s15] =	dma.local [hbm:s2], $0x1  }
0x93: {  	_ =	swait.eq [sflag:s15], $0x1  }
0x94: {  	[sflag:s15] =	ssyncset.done $0x0  }
0x95: {  	[sflag:s15] =	ssyncadd.s32 $0xFFFFFFFF  }
0x96: {  	s16 =	sld [smem:$0x11];
	(tm) =	ssettm $0x1  }
0x97: {  	s17 =	sld [smem:$0x3FFB];
	_ =	sdelay $0x3  }
0x98: {  	_ =	strace s17  }
0x99: {  	s3 =	sld [smem:$0x3FFC];
	_ =	sdelay $0x3  }
0x9a: {  	_ =	strace s3  }
0x9b: {  	s3 =	sld [smem:$0x3FFD];
	_ =	sdelay $0x3  }
0x9c: {  	_ =	strace s3  }
0x9d: {  	_ =	strace $0x8FFFFFFF  }
0x9e: {  	s18 =	sld [smem:$0x3FDB];
	_ =	sdelay $0x1  }
0x9f: {  	s19 =	simm.s32 $_scs_section_size  }
0xa0: {  	s5 =	simm.s32 $_size__tile_overlayer_lowered;
	s6 =	simm.s32 $_tile_overlayer_lowered  }
0xa1: {  	s22 =	simm.s32 $0x1BFF;
	s21 =	sshll.u32 s6, $0x1;
	s3 =	sadd.s32 s19, s18  }
0xa2: {  	s7 =	simm.s32 $0x0;
	s20 =	sshll.u32 s5, $0x1;
	s5 =	sadd.s32 s21, s3  }
0xa3: {  	[timem:s7], [sflag:s22] =	dma.local [hbm:s5], s20  }
0xa4: {  	_ =	swait.ge [sflag:s22], s20  }
0xa5: {  	s4 =	ssub.s32 $0x0, s20;
	[sflag:s22] =	ssyncset.done $0x0  }
0xa6: {  	[sflag:s22] =	ssyncadd.s32 s4;
	_ =	sdelay $0x1  }
0xa7: {  	s23 =	simm.s32 $0x1B8B  }
0xa8: {  	_ =	swait.ge [sflag:s23], $0x1  }
0xa9: {  	[sflag:s23] =	ssyncset.done $0x0  }
0xaa: {  	s25 =	simm.s32 $0x1B8E;
	s24 =	sld [smem:$0x3FFE];
	[sflag:s23] =	ssyncadd.s32 $0xFFFFFFFF  }
0xab: {  	s26 =	simm.s32 $execute0_lowered;
	[smem:$0x3FD2] =	sst s25  }
0xac: {  	s5 =	sshll.u32 s26, $0x1;
	_ =	strace $0x80000046;
	[dreg:$0x1] =	wrdreg $0xFFFFFFFF  }
0xad: {  	s28 =	simm.s32 $_size_execute0_lowered;
	s3 =	sadd.s32 s3, s5;
	[dreg:$0x0] =	wrdreg $0x0  }
0xae: {  	s5 =	sshll.u32 s28, $0x1;
	[dreg:$0x2] =	wrdreg s3  }
0xaf: {  	[dreg:$0x3] =	wrdreg s5  }
0xb0: {  	[dreg:$0x4] =	wrdreg $0xC0  }
0xb1: {  	_ =	task [dreg:s7], $0x5FFFF  }
0xb2: {  	[dreg:$0x1] =	wrdreg $0xFFFFFFFF  }
0xb3: {  	[dreg:$0x0] =	wrdreg $0x60  }
0xb4: {  	[dreg:$0x2] =	wrdreg s24  }
0xb5: {  	[dreg:$0x3] =	wrdreg s16  }
0xb6: {  	[dreg:$0x4] =	wrdreg $0xA2800  }
0xb7: {  	[dreg:$0x5] =	wrdreg $0x142800  }
0xb8: {  	[dreg:$0x6] =	wrdreg $0x9  }
0xb9: {  	_ =	task.clear_ibuf [dreg:s7], $0x7FFFF;
	_ =	strace $0x90000046  }
0xba: {  	s29 =	simm.s32 $0x9;
	_ =	strace $0x80000048  }
0xbb: {  	_ =	swait.ge [sflag:s29], $0x1  }
0xbc: {  	[sflag:s29] =	ssyncadd.s32 $0xFFFFFFFF  }
0xbd: {  	_ =	strace $0x90000048  }
0xbe: {  	_ =	sfence  }
0xbf: {  	s30 =	sld [smem:$0x0];
	_ =	sdelay $0x2  }
0xc0: {  	s31 =	sshll.u32 s1, $0xD;
	s1 =	sshrl.u32 s1, $0x2  }
0xc1: {  	s3 =	sand.u32 $0x4000, s31;
	s1 =	sadd.s32 s1, s30  }
0xc2: {  	s0 =	sor.u32 s3, s0;
	s1 =	sshll.u32 s1, $0x11  }
0xc3: {  	s0 =	sor.u32 s1, s0  }
0xc4: {  	s0 =	sadd.s32 $0x8F2B, s0  }
0xc5: {  	[sflag:s0] =	ssyncadd.remote.s32 $0x1  }
0xc6: {  	_ =	sfence.sel $0xFFFF  }
0xc7: {  	[dreg:$0x0] =	wrdreg $0xFFFFFFFF;
	(pc) =	sbr.abs _section_cstart, $3  }
0xc8: {  	[dreg:$0x1] =	wrdreg $0xFFFFFFFF  }
0xc9: {  	_ =	task.clear_ibuf [dreg:s7], $0x2FFFF;
	_ =	strace $0x9FFFFFFF  }
0xca: {  	(tm) =	ssettm $0x7FFFFFFF  }
0xcb: {  	_ =	shalt  }
tec
execute0_lowered:
.L_overlay_start_1:
0x0: {  	(tag) =	ssettag $0x1  }
0x1: {  	s0 =	rddreg [dreg:$0x0]  }
0x2: {  	s1 =	rddreg [dreg:$0x1]  }
0x3: {  	s2 =	rddreg [dreg:$0x2]  }
0x4: {  	s3 =	rddreg [dreg:$0x3]  }
0x5: {  	s5 =	simm.s32 $0x0;
	s16 =	stileid.u32;
	s4 =	srdreg.scid  }
0x6: {  	[smem:$0x7FF] =	sst s5;
	s6 =	sadd.s32 $0x6000, s0;
	s10 =	smul.u32 $0x280, s16  }
0x7: {  	s7 =	sadd.s32 $0x85200, s0;
	s4 =	sand.u32 $0x1, s4;
	s11 =	smul.u32 $0xA000, s16  }
0x8: {  	s8 =	sadd.s32 $0x7B400, s0;
	s9 =	sadd.s32 $0x8F000, s0;
	s13 =	smul.u32 $0x2800, s4  }
0x9: {  	s14 =	sadd.s32 $0x571000, s0;
	s0 =	sadd.s32 $0x599000, s0;
	s12 =	ssub.s32 $0x2, s4  }
0xa: {  	_ =	strace $0x80000047;
	s15 =	sshrl.u32 s12, $0x1;
	s10 =	sadd.s32 s10, s13  }
0xb: {  	s12 =	ssub.s32 s12, s15;
	s15 =	sadd.s32 s11, s3;
	s10 =	sshll.u32 s10, $0x3  }
0xc: {  	s17 =	sadd.s32 $0x2000, s11;
	[dreg:$0x12] =	wrdreg s15;
	s18 =	sadd.s32 s14, s10  }
0xd: {  	s19 =	sadd.s32 s0, s10;
	s20 =	sadd.s32 $0x400, s10;
	[dreg:$0x5] =	wrdreg s18  }
0xe: {  	s25 =	sadd.s32 s17, s2;
	[dreg:$0x6] =	wrdreg s19;
	s21 =	sadd.s32 s14, s20  }
0xf: {  	s22 =	sadd.s32 $0x800, s10;
	s13 =	sadd.s32 s0, s20;
	[dreg:$0x7] =	wrdreg s21  }
0x10: {  	s24 =	sadd.s32 $0xC00, s10;
	s23 =	sadd.s32 s14, s22;
	[dreg:$0x8] =	wrdreg s13  }
0x11: {  	s10 =	sadd.s32 $0x1000, s10;
	s29 =	sadd.s32 s14, s24;
	[dreg:$0x9] =	wrdreg s23  }
0x12: {  	s26 =	sadd.s32 s17, s3;
	s30 =	sadd.s32 s14, s10;
	[dreg:$0xb] =	wrdreg s29  }
0x13: {  	s17 =	sadd.s32 $0x6000, s11;
	s14 =	sadd.s32 s11, s2;
	[dreg:$0xd] =	wrdreg s30  }
0x14: {  	s15 =	simm.s32 $0x80;
	s19 =	sadd.s32 s17, s2;
	[dreg:$0x11] =	wrdreg s14  }
0x15: {  	s18 =	sadd.s32 $0x8000, s11;
	s13 =	sadd.s32 s0, s22;
	[dreg:$0x13] =	wrdreg s19  }
0x16: {  	s20 =	sadd.s32 s18, s2;
	s21 =	sadd.s32 s18, s3;
	s22 =	smul.u32 $0x7530, s4  }
0x17: {  	s23 =	ssub.s32 $0x9D3, s16;
	s14 =	simm.s32 $0x2;
	[dreg:$0xa] =	wrdreg s13  }
0x18: {  	s18 =	simm.s32 $0x180;
	s19 =	simm.s32 $0x2280;
	[dreg:$0x15] =	wrdreg s20  }
0x19: {  	s13 =	sadd.s32 s0, s24;
	s0 =	sadd.s32 s0, s10;
	[dreg:$0x16] =	wrdreg s21  }
0x1a: {  	s31 =	sshrl.u32 s23, $0x4;
	s24 =	smax.u32 s12, $0x1;
	s12 =	sshll.u32 s16, $0x7  }
0x1b: {  	s16 =	simm.s32 $0x100;
	s20 =	simm.s32 $0x200;
	[dreg:$0xc] =	wrdreg s13  }
0x1c: {  	s21 =	simm.s32 $0x4280;
	s10 =	simm.s32 $0x1;
	[dreg:$0xe] =	wrdreg s0  }
0x1d: {  	s13 =	sadd.s32 $0x4000, s11;
	[dreg:$0x17] =	wrdreg s24;
	s29 =	sadd.s32 $0x2710, s22  }
0x1e: {  	s30 =	sadd.s32 $0x4E20, s22;
	s11 =	simm.s32 $0x0;
	s0 =	sadd.s32 s13, s3  }
0x1f: {  	s28 =	sadd.s32 s13, s2;
	s13 =	simm.s32 $0x8280;
	[dreg:$0x10] =	wrdreg s0  }
0x20: {  	v3 =	vimm.f32 $0.0e+00;
	s0 =	sadd.s32 s17, s3;
	s17 =	simm.s32 $0x280;
	[dreg:$0xf] =	wrdreg s28  }
0x21: {  	v0 =	vmov s22;
	v1 =	vmov s29;
	v2 =	vmov s30;
	[dreg:$0x14] =	wrdreg s0;
	s0 =	smul.u32 $0x4E200, s4;
	s4 =	simm.s32 $0x6280  }
.LBB2_1:
0x22: {  	s23 =	simm.s32 $0x100;
	s22 =	simm.s32 $0x0  }
.LBB2_2:
0x23: {  	p0 =	sne.s32 s23, $0x7F00;
	[tilespmem:s22+$0x82B0] =	vst v3;
	s24 =	smov.u32 s23;
	s23 =	sadd.s32 $0x100, s23  }
.Ltmp0:
0x24: {  	[tilespmem:s22+$0x82A0] =	vst v3;
	(pc) =	sbr.rel @p0 .LBB2_2-.Ltmp0, $3  }
0x25: {  	[tilespmem:s22+$0x8280] =	vst v3  }
0x26: {  	[tilespmem:s22+$0x8290] =	vst v3;
	_ =	sdelay $0x1  }
0x27: {  	s22 =	sshra.s32 s24, $0x2  }
0x28: {  	[tilespmem:s22+$0x82B0] =	vst v3  }
0x29: {  	[tilespmem:s22+$0x82A0] =	vst v3  }
0x2a: {  	[tilespmem:s22+$0x8280] =	vst v3  }
0x2b: {  	[tilespmem:s22+$0x8290] =	vst v3;
	s23 =	rddreg [dreg:$0x11]  }
0x2c: {  	[spmem:s23] =	stream.linear.scatter [tilespmem:s13], [sflag:$0x2], $0x2000, $0x38;
	[tilespmem:$0x1E280] =	vst v63  }
0x2d: {  	_ =	swait.ge [sflag:s14], $0x2000  }
0x2e: {  	[sflag:s14] =	ssyncset.done $0x0  }
0x2f: {  	s24 =	rddreg [dreg:$0x12];
	[sflag:s14] =	ssyncadd.s32 $0xFFFFE000  }
0x30: {  	[spmem:s24] =	stream.linear.scatter [tilespmem:s13], [sflag:$0x2], $0x2000, $0x38;
	[tilespmem:$0x1E280] =	vst v63  }
0x31: {  	_ =	swait.ge [sflag:s14], $0x2000  }
0x32: {  	[sflag:s14] =	ssyncset.done $0x0  }
0x33: {  	[sflag:s14] =	ssyncadd.s32 $0xFFFFE000  }
0x34: {  	[spmem:s25] =	stream.linear.scatter [tilespmem:s13], [sflag:$0x2], $0x2000, $0x38;
	[tilespmem:$0x1E280] =	vst v63  }
0x35: {  	_ =	swait.ge [sflag:s14], $0x2000  }
0x36: {  	[sflag:s14] =	ssyncset.done $0x0  }
0x37: {  	[sflag:s14] =	ssyncadd.s32 $0xFFFFE000  }
0x38: {  	[spmem:s26] =	stream.linear.scatter [tilespmem:s13], [sflag:$0x2], $0x2000, $0x38;
	[tilespmem:$0x1E280] =	vst v63  }
0x39: {  	_ =	swait.ge [sflag:s14], $0x2000  }
0x3a: {  	[sflag:s14] =	ssyncset.done $0x0  }
0x3b: {  	[sflag:s14] =	ssyncadd.s32 $0xFFFFE000  }
0x3c: {  	[spmem:s28] =	stream.linear.scatter [tilespmem:s13], [sflag:$0x2], $0x2000, $0x38;
	[tilespmem:$0x1E280] =	vst v63  }
0x3d: {  	_ =	swait.ge [sflag:s14], $0x2000  }
0x3e: {  	[sflag:s14] =	ssyncset.done $0x0  }
0x3f: {  	s23 =	rddreg [dreg:$0x10];
	[sflag:s14] =	ssyncadd.s32 $0xFFFFE000  }
0x40: {  	[spmem:s23] =	stream.linear.scatter [tilespmem:s13], [sflag:$0x2], $0x2000, $0x38;
	[tilespmem:$0x1E280] =	vst v63  }
0x41: {  	_ =	swait.ge [sflag:s14], $0x2000  }
0x42: {  	[sflag:s14] =	ssyncset.done $0x0  }
0x43: {  	s24 =	rddreg [dreg:$0x13];
	[sflag:s14] =	ssyncadd.s32 $0xFFFFE000  }
0x44: {  	[spmem:s24] =	stream.linear.scatter [tilespmem:s13], [sflag:$0x2], $0x2000, $0x38;
	[tilespmem:$0x1E280] =	vst v63  }
0x45: {  	_ =	swait.ge [sflag:s14], $0x2000  }
0x46: {  	[sflag:s14] =	ssyncset.done $0x0  }
0x47: {  	s29 =	smov.u32 s25;
	s25 =	rddreg [dreg:$0x14];
	[sflag:s14] =	ssyncadd.s32 $0xFFFFE000  }
0x48: {  	[spmem:s25] =	stream.linear.scatter [tilespmem:s13], [sflag:$0x2], $0x2000, $0x38;
	[tilespmem:$0x1E280] =	vst v63  }
0x49: {  	_ =	swait.ge [sflag:s14], $0x2000  }
0x4a: {  	[sflag:s14] =	ssyncset.done $0x0  }
0x4b: {  	s30 =	smov.u32 s26;
	s26 =	rddreg [dreg:$0x15];
	[sflag:s14] =	ssyncadd.s32 $0xFFFFE000  }
0x4c: {  	[spmem:s26] =	stream.linear.scatter [tilespmem:s13], [sflag:$0x2], $0x2000, $0x38;
	[tilespmem:$0x1E280] =	vst v63  }
0x4d: {  	_ =	swait.ge [sflag:s14], $0x2000  }
0x4e: {  	[sflag:s14] =	ssyncset.done $0x0  }
0x4f: {  	s28 =	rddreg [dreg:$0x16];
	[sflag:s14] =	ssyncadd.s32 $0xFFFFE000  }
0x50: {  	[spmem:s28] =	stream.linear.scatter [tilespmem:s13], [sflag:$0x2], $0x2000, $0x38;
	[tilespmem:$0x1E280] =	vst v63  }
0x51: {  	_ =	swait.ge [sflag:s14], $0x2000  }
0x52: {  	[sflag:s14] =	ssyncset.done $0x0  }
0x53: {  	[sflag:s14] =	ssyncadd.s32 $0xFFFFE000  }
0x54: {  	s22 =	simm.s32 $0x0;
	s23 =	simm.s32 $0x0;
	[bflag:$0x0] =	sbarrier.arrive $0xFFFF  }
.LBB2_4:
0x55: {  	s24 =	sshll.u32 s23, $0xB  }
0x56: {  	s24 =	sor.u32 s12, s24  }
0x57: {  	s25 =	sshrl.u32 s24, $0x3  }
0x58: {  	s26 =	sadd.s32 s7, s25  }
0x59: {  	[tilespmem:s22], [sflag:$0x2] =	stream.linear.gather [hbm4b:s26+s22], $0x80, $0x38;
	[tilespmem:$0x1E280] =	vst v63  }
0x5a: {  	_ =	swait.ge [sflag:s14], $0x80  }
0x5b: {  	[sflag:s14] =	ssyncset.done $0x0  }
0x5c: {  	s25 =	sadd.s32 s8, s25;
	[sflag:s14] =	ssyncadd.s32 $0xFFFFFF80  }
0x5d: {  	[tilespmem:s15], [sflag:$0x2] =	stream.linear.gather [hbm4b:s25+s22], $0x80, $0x38;
	[tilespmem:$0x1E280] =	vst v63  }
0x5e: {  	_ =	swait.ge [sflag:s14], $0x80  }
0x5f: {  	[sflag:s14] =	ssyncset.done $0x0  }
0x60: {  	[sflag:s14] =	ssyncadd.s32 $0xFFFFFF80  }
0x61: {  	v4 =	vld [tilespmem:$0x0];
	_ =	sdelay $0x1  }
0x62: {  	v5 =	vld [tilespmem:$0x80]  }
0x63: {  	v6 =	vld [tilespmem:$0x10];
	_ =	sdelay $0x1  }
0x64: {  	v8 =	vld [tilespmem:$0x90];
	v7 =	vadd.s32 v0, v4  }
0x65: {  	v4 =	vadd.s32 v1, v4;
	[tilespmem:$0x100] =	vst v7;
	v7 =	vld [tilespmem:$0x20]  }
0x66: {  	[tilespmem:$0x180] =	vst v4;
	v4 =	vadd.s32 v2, v5  }
0x67: {  	v5 =	vld [tilespmem:$0xA0];
	[tilespmem:$0x200] =	vst v4;
	v4 =	vadd.s32 v0, v6  }
0x68: {  	[tilespmem:$0x110] =	vst v4;
	v4 =	vadd.s32 v1, v6;
	v6 =	vld [tilespmem:$0x30]  }
0x69: {  	[tilespmem:$0x190] =	vst v4;
	v4 =	vadd.s32 v2, v8  }
0x6a: {  	v8 =	vld [tilespmem:$0xB0];
	[tilespmem:$0x210] =	vst v4;
	v4 =	vadd.s32 v0, v7  }
0x6b: {  	[tilespmem:$0x120] =	vst v4;
	v4 =	vadd.s32 v1, v7;
	v7 =	vld [tilespmem:$0x40]  }
0x6c: {  	[tilespmem:$0x1A0] =	vst v4;
	v4 =	vadd.s32 v2, v5  }
0x6d: {  	v5 =	vld [tilespmem:$0xC0];
	[tilespmem:$0x220] =	vst v4;
	v4 =	vadd.s32 v0, v6  }
0x6e: {  	[tilespmem:$0x130] =	vst v4;
	v4 =	vadd.s32 v1, v6;
	v6 =	vld [tilespmem:$0x50]  }
0x6f: {  	[tilespmem:$0x1B0] =	vst v4;
	v4 =	vadd.s32 v2, v8  }
0x70: {  	v8 =	vld [tilespmem:$0xD0];
	[tilespmem:$0x230] =	vst v4;
	v4 =	vadd.s32 v0, v7  }
0x71: {  	[tilespmem:$0x140] =	vst v4;
	v4 =	vadd.s32 v1, v7;
	v7 =	vld [tilespmem:$0x60]  }
0x72: {  	[tilespmem:$0x1C0] =	vst v4;
	v4 =	vadd.s32 v2, v5  }
0x73: {  	v5 =	vld [tilespmem:$0xE0];
	[tilespmem:$0x240] =	vst v4;
	v4 =	vadd.s32 v0, v6  }
0x74: {  	[tilespmem:$0x150] =	vst v4;
	v4 =	vadd.s32 v1, v6;
	v6 =	vld [tilespmem:$0x70]  }
0x75: {  	[tilespmem:$0x1D0] =	vst v4;
	v4 =	vadd.s32 v2, v8  }
0x76: {  	v8 =	vld [tilespmem:$0xF0];
	[tilespmem:$0x250] =	vst v4;
	v4 =	vadd.s32 v0, v7  }
0x77: {  	[tilespmem:$0x160] =	vst v4;
	v4 =	vadd.s32 v1, v7  }
0x78: {  	[tilespmem:$0x1E0] =	vst v4;
	v4 =	vadd.s32 v2, v5  }
0x79: {  	[tilespmem:$0x260] =	vst v4;
	v4 =	vadd.s32 v0, v6  }
0x7a: {  	[tilespmem:$0x170] =	vst v4;
	v4 =	vadd.s32 v1, v6  }
0x7b: {  	[tilespmem:$0x1F0] =	vst v4;
	v4 =	vadd.s32 v2, v8  }
0x7c: {  	[tilespmem:$0x270] =	vst v4  }
0x7d: {  	[tilespmem:s17], [sflag:$0x1] =	stream.indirect.gather [hbm4b:s6+s15], $0x40, s16, s15, $0xb8;
	[tilespmem:$0x1E280] =	vst v63  }
0x7e: {  	s24 =	sadd.s32 s0, s24  }
0x7f: {  	[tilespmem:s19], [sflag:$0x1] =	stream.indirect.gather [hbm4b:s6+s15], $0x40, s18, s15, $0xb8;
	[tilespmem:$0x1E280] =	vst v63  }
0x80: {  	s24 =	sshll.u32 s24, $0x3  }
0x81: {  	[tilespmem:s21], [sflag:$0x1] =	stream.indirect.gather [hbm4b:s6+s15], $0x40, s20, s15, $0xb8;
	[tilespmem:$0x1E280] =	vst v63  }
0x82: {  	s26 =	sadd.s32 s1, s24  }
0x83: {  	[tilespmem:s4], [sflag:$0x2] =	stream.linear.gather [hbm4b:s26+s22], $0x2000, $0x38;
	[tilespmem:$0x1E280] =	vst v63  }
0x84: {  	_ =	swait.ge [sflag:s14], $0x2000  }
0x85: {  	[sflag:s14] =	ssyncset.done $0x0  }
0x86: {  	[sflag:s14] =	ssyncadd.s32 $0xFFFFE000  }
0x87: {  	_ =	swait.ge [sflag:s10], $0x2000  }
0x88: {  	[sflag:s10] =	ssyncset.done $0x0  }
0x89: {  	[sflag:s10] =	ssyncadd.s32 $0xFFFFE000  }
0x8a: {  	_ =	swait.ge [sflag:s10], $0x2000  }
0x8b: {  	[sflag:s10] =	ssyncset.done $0x0  }
0x8c: {  	[sflag:s10] =	ssyncadd.s32 $0xFFFFE000  }
0x8d: {  	_ =	swait.ge [sflag:s10], $0x2000  }
0x8e: {  	[sflag:s10] =	ssyncset.done $0x0  }
0x8f: {  	s25 =	simm.s32 $0x0;
	[sflag:s10] =	ssyncadd.s32 $0xFFFFE000  }
0x90: {  	v4 =	vld [tilespmem:s25+$0x6280]  }
0x91: {  	v5 =	vld [tilespmem:s25+$0x2280]  }
0x92: {  	v6 =	vld [tilespmem:s25+$0x2290]  }
0x93: {  	v7 =	vld [tilespmem:s25+$0x4280]  }
0x94: {  	v8 =	vld [tilespmem:s25+$0x22A0]  }
0x95: {  	v9 =	vld [tilespmem:s25+$0x4290]  }
0x96: {  	v10 =	vld [tilespmem:s25+$0x42A0]  }
0x97: {  	v11 =	vld [tilespmem:s25+$0x6290]  }
0x98: {  	v12 =	vld [tilespmem:s25+$0x62A0];
	v5 =	vadd.f32 v7, v5;
	_ =	sdelay $0x1  }
0x99: {  	v6 =	vadd.f32 v9, v6;
	v4 =	vadd.f32 v4, v5  }
0x9a: {  	v9 =	vld [tilespmem:s25+$0x42B0];
	v5 =	vadd.f32 v10, v8  }
0x9b: {  	v6 =	vadd.f32 v11, v6;
	v8 =	vld [tilespmem:s25+$0x22B0];
	v7 =	vsub.f32 $0.0e+00, v4  }
0x9c: {  	v5 =	vadd.f32 v12, v5  }
0x9d: {  	v10 =	vsub.f32 $0.0e+00, v6;
	v12 =	vld [tilespmem:s25+$0x62B0];
	v7 =	vmul.f32 $1.442695020e+00, v7  }
0x9e: {  	v11 =	vsub.f32 $0.0e+00, v5  }
0x9f: {  	v10 =	vmul.f32 $1.442695020e+00, v10;
	(erf) = vpow2.f32 v7  }
0xa0: {  	v8 =	vadd.f32 v9, v8;
	v7 =	vmul.f32 $1.442695020e+00, v11  }
0xa1: {  	(erf) = vpow2.f32 v10  }
0xa2: {  	(erf) = vpow2.f32 v7;
	v7 =	vadd.f32 v12, v8;
	_ =	sdelay $0x1  }
0xa3: {  	v4 =	vmax.f32 v4, $0.0e+00;
	v8 =	vsub.f32 $0.0e+00, v7  }
0xa4: {  	[tilespmem:s25+$0x2280] =	vst v4;
	v4 =	vmax.f32 v6, $0.0e+00  }
0xa5: {  	[tilespmem:s25+$0x2290] =	vst v4;
	v4 =	vmax.f32 v5, $0.0e+00;
	v5 =	vmul.f32 $1.442695020e+00, v8;
	_ =	sdelay $0x1  }
0xa6: {  	[tilespmem:s25+$0x22A0] =	vst v4;
	v4 =	vmax.f32 v7, $0.0e+00;
	v6 =	vpop (erf);
	(erf) = vpow2.f32 v5;
	_ =	sdelay $0x2  }
0xa7: {  	[tilespmem:s25+$0x22B0] =	vst v4;
	v6 =	vadd.f32 $1.000000000e+00, v6;
	v4 =	vpop (erf)  }
0xa8: {  	v5 =	vpop (erf)  }
0xa9: {  	(erf) = vrcp.f32 v6;
	v6 =	vadd.f32 $1.000000000e+00, v5  }
0xaa: {  	v7 =	vadd.f32 $1.000000000e+00, v4;
	_ =	sdelay $0x1  }
0xab: {  	(erf) = vrcp.f32 v7  }
0xac: {  	(erf) = vrcp.f32 v6;
	v6 =	vpop (erf)  }
0xad: {  	v15 =	vld [tilespmem:s25+$0x290];
	v6 =	vadd.f32 $1.000000000e+00, v6  }
0xae: {  	v13 =	vld [tilespmem:s25+$0x2A0]  }
0xaf: {  	v10 =	vld [tilespmem:s25+$0x280];
	(erf) = vrcp.f32 v6  }
0xb0: {  	s26 =	simm.s32 $0x40;
	v12 =	vld [tilespmem:s25+$0x2B0]  }
0xb1: {  	v11 =	vld [tilespmem:s26+$0x2280]  }
0xb2: {  	v9 =	vld [tilespmem:s26+$0x2290]  }
0xb3: {  	v8 =	vld [tilespmem:s26+$0x22B0]  }
0xb4: {  	v4 =	vld [tilespmem:s26+$0x6280]  }
0xb5: {  	v5 =	vld [tilespmem:s26+$0x6290];
	v16 =	vpop (erf)  }
0xb6: {  	v7 =	vld [tilespmem:s26+$0x22A0];
	[tilespmem:s25+$0x4280] =	vst v16;
	v17 =	vpop (erf)  }
0xb7: {  	s28 =	simm.s32 $0x200;
	v6 =	vmul.f32 v16, v10;
	v14 =	vld [tilespmem:s26+$0x4280];
	v10 =	vmul.f32 v17, v15;
	[tilespmem:s25+$0x4290] =	vst v17;
	v15 =	vpop (erf)  }
.LBB2_5:
0xb8: {  	p0 =	sne.s32 s28, $0x7F00;
	v16 =	vld [tilespmem:s26+$0x4290];
	v13 =	vmul.f32 v15, v13;
	[tilespmem:s25+$0x42A0] =	vst v15;
	v15 =	vpop (erf)  }
0xb9: {  	v17 =	vld [tilespmem:s26+$0x42A0];
	v12 =	vmul.f32 v15, v12;
	[tilespmem:s25+$0x42B0] =	vst v15  }
0xba: {  	v15 =	vld [tilespmem:s26+$0x42B0];
	[tilespmem:s25+$0x2A0] =	vst v13  }
0xbb: {  	v13 =	vld [tilespmem:s26+$0x62A0];
	[tilespmem:s25+$0x2B0] =	vst v12  }
0xbc: {  	v11 =	vadd.f32 v14, v11;
	v12 =	vld [tilespmem:s26+$0x62B0];
	[tilespmem:s25+$0x290] =	vst v10  }
0xbd: {  	v9 =	vadd.f32 v16, v9;
	[tilespmem:s25+$0x280] =	vst v6;
	s25 =	smov.u32 s26  }
0xbe: {  	v4 =	vadd.f32 v4, v11;
	v6 =	vadd.f32 v17, v7  }
0xbf: {  	v5 =	vadd.f32 v5, v9;
	v7 =	vadd.f32 v15, v8  }
0xc0: {  	v8 =	vsub.f32 $0.0e+00, v4;
	v4 =	vmax.f32 v4, $0.0e+00;
	v6 =	vadd.f32 v13, v6  }
0xc1: {  	[tilespmem:s25+$0x2280] =	vst v4;
	v4 =	vsub.f32 $0.0e+00, v5;
	v5 =	vmax.f32 v5, $0.0e+00;
	v7 =	vadd.f32 v12, v7  }
0xc2: {  	v8 =	vmul.f32 $1.442695020e+00, v8;
	[tilespmem:s25+$0x2290] =	vst v5;
	v5 =	vsub.f32 $0.0e+00, v6;
	v6 =	vmax.f32 v6, $0.0e+00  }
0xc3: {  	v4 =	vmul.f32 $1.442695020e+00, v4;
	[tilespmem:s25+$0x22A0] =	vst v6;
	v6 =	vsub.f32 $0.0e+00, v7;
	v7 =	vmax.f32 v7, $0.0e+00  }
0xc4: {  	v5 =	vmul.f32 $1.442695020e+00, v5;
	[tilespmem:s25+$0x22B0] =	vst v7;
	(erf) = vpow2.f32 v8  }
0xc5: {  	v6 =	vmul.f32 $1.442695020e+00, v6;
	(erf) = vpow2.f32 v4  }
0xc6: {  	(erf) = vpow2.f32 v5  }
0xc7: {  	(erf) = vpow2.f32 v6;
	_ =	sdelay $0x5  }
0xc8: {  	v4 =	vpop (erf)  }
0xc9: {  	v4 =	vadd.f32 $1.000000000e+00, v4;
	v5 =	vpop (erf)  }
0xca: {  	v5 =	vadd.f32 $1.000000000e+00, v5;
	v6 =	vpop (erf)  }
0xcb: {  	s26 =	sshra.s32 s28, $0x2;
	v6 =	vadd.f32 $1.000000000e+00, v6;
	(erf) = vrcp.f32 v4;
	v7 =	vpop (erf)  }
0xcc: {  	v4 =	vld [tilespmem:s26+$0x6280];
	v7 =	vadd.f32 $1.000000000e+00, v7;
	(erf) = vrcp.f32 v5  }
0xcd: {  	v5 =	vld [tilespmem:s26+$0x6290];
	(erf) = vrcp.f32 v6  }
0xce: {  	v6 =	vld [tilespmem:s25+$0x280];
	(erf) = vrcp.f32 v7  }
0xcf: {  	v10 =	vld [tilespmem:s25+$0x290]  }
0xd0: {  	v13 =	vld [tilespmem:s25+$0x2A0]  }
0xd1: {  	v12 =	vld [tilespmem:s25+$0x2B0]  }
.Ltmp1:
0xd2: {  	v11 =	vld [tilespmem:s26+$0x2280];
	(pc) =	sbr.rel @p0 .LBB2_5-.Ltmp1, $4  }
0xd3: {  	v9 =	vld [tilespmem:s26+$0x2290]  }
0xd4: {  	v7 =	vld [tilespmem:s26+$0x22A0];
	v14 =	vpop (erf)  }
0xd5: {  	v8 =	vld [tilespmem:s26+$0x22B0];
	v6 =	vmul.f32 v14, v6;
	[tilespmem:s25+$0x4280] =	vst v14;
	v15 =	vpop (erf)  }
0xd6: {  	s28 =	sadd.s32 $0x100, s28;
	v14 =	vld [tilespmem:s26+$0x4280];
	v10 =	vmul.f32 v15, v10;
	[tilespmem:s25+$0x4290] =	vst v15;
	v15 =	vpop (erf)  }
0xd7: {  	v16 =	vld [tilespmem:s26+$0x4290];
	[tilespmem:s25+$0x42A0] =	vst v15;
	v17 =	vpop (erf);
	v13 =	vmul.f32 v15, v13  }
0xd8: {  	v18 =	vld [tilespmem:s26+$0x42A0];
	[tilespmem:s25+$0x42B0] =	vst v17  }
0xd9: {  	v12 =	vmul.f32 v17, v12;
	v49 =	vld [tilespmem:s26+$0x42B0];
	[tilespmem:s25+$0x2A0] =	vst v13  }
0xda: {  	v13 =	vld [tilespmem:s26+$0x62A0]  }
0xdb: {  	[tilespmem:s25+$0x2B0] =	vst v12;
	v11 =	vadd.f32 v14, v11  }
0xdc: {  	v12 =	vld [tilespmem:s26+$0x62B0];
	v9 =	vadd.f32 v16, v9  }
0xdd: {  	v4 =	vadd.f32 v4, v11;
	v7 =	vadd.f32 v18, v7  }
0xde: {  	v5 =	vadd.f32 v5, v9;
	v8 =	vadd.f32 v49, v8  }
0xdf: {  	v50 =	vsub.f32 $0.0e+00, v4;
	v7 =	vadd.f32 v13, v7  }
0xe0: {  	v51 =	vsub.f32 $0.0e+00, v5  }
0xe1: {  	v8 =	vadd.f32 v12, v8;
	v9 =	vmul.f32 $1.442695020e+00, v50;
	v52 =	vsub.f32 $0.0e+00, v7  }
0xe2: {  	v11 =	vmul.f32 $1.442695020e+00, v51  }
0xe3: {  	v53 =	vsub.f32 $0.0e+00, v8;
	v12 =	vmul.f32 $1.442695020e+00, v52;
	(erf) = vpow2.f32 v9  }
0xe4: {  	(erf) = vpow2.f32 v11  }
0xe5: {  	v54 =	vmul.f32 $1.442695020e+00, v53;
	(erf) = vpow2.f32 v12;
	_ =	sdelay $0x1  }
0xe6: {  	(erf) = vpow2.f32 v54;
	_ =	sdelay $0x4  }
0xe7: {  	v55 =	vpop (erf)  }
0xe8: {  	v9 =	vadd.f32 $1.000000000e+00, v55;
	v11 =	vpop (erf)  }
0xe9: {  	v11 =	vadd.f32 $1.000000000e+00, v11;
	v12 =	vpop (erf)  }
0xea: {  	v56 =	vadd.f32 $1.000000000e+00, v12;
	(erf) = vrcp.f32 v9  }
0xeb: {  	[tilespmem:s25+$0x290] =	vst v10;
	v57 =	vpop (erf);
	(erf) = vrcp.f32 v11  }
0xec: {  	[tilespmem:s25+$0x280] =	vst v6;
	v4 =	vmax.f32 v4, $0.0e+00;
	v58 =	vadd.f32 $1.000000000e+00, v57;
	(erf) = vrcp.f32 v56  }
0xed: {  	[tilespmem:s26+$0x2280] =	vst v4;
	v4 =	vmax.f32 v5, $0.0e+00  }
0xee: {  	[tilespmem:s26+$0x2290] =	vst v4;
	v4 =	vmax.f32 v7, $0.0e+00;
	(erf) = vrcp.f32 v58  }
0xef: {  	[tilespmem:s26+$0x22A0] =	vst v4;
	v4 =	vmax.f32 v8, $0.0e+00  }
0xf0: {  	[tilespmem:s26+$0x22B0] =	vst v4;
	v4 =	vld [tilespmem:s26+$0x280];
	_ =	sdelay $0x1  }
0xf1: {  	v60 =	vld [tilespmem:s26+$0x290]  }
0xf2: {  	v5 =	vld [tilespmem:s26+$0x2A0];
	v61 =	vpop (erf)  }
0xf3: {  	v59 =	vld [tilespmem:s26+$0x2B0];
	[tilespmem:s26+$0x4280] =	vst v61;
	v62 =	vpop (erf)  }
0xf4: {  	v4 =	vmul.f32 v61, v4;
	[tilespmem:s26+$0x4290] =	vst v62;
	v10 =	vpop (erf)  }
0xf5: {  	[tilespmem:s26+$0x42A0] =	vst v10  }
0xf6: {  	v7 =	vmul.f32 v62, v60;
	v63 =	vpop (erf);
	[tilespmem:s26+$0x280] =	vst v4  }
0xf7: {  	v5 =	vmul.f32 v10, v5;
	[tilespmem:s26+$0x42B0] =	vst v63  }
0xf8: {  	v6 =	vmul.f32 v63, v59;
	[tilespmem:s26+$0x290] =	vst v7  }
0xf9: {  	[tilespmem:s26+$0x2A0] =	vst v5  }
0xfa: {  	s24 =	sadd.s32 s9, s24;
	[tilespmem:s26+$0x2B0] =	vst v6  }
0xfb: {  	[hbm4b:s24+s5] =	stream.linear.scatter [tilespmem:s19], [sflag:$0x2], $0x2000, $0x38;
	[tilespmem:$0x1E280] =	vst v63  }
0xfc: {  	_ =	swait.ge [sflag:s14], $0x2000  }
0xfd: {  	[sflag:s14] =	ssyncset.done $0x0  }
0xfe: {  	[sflag:s14] =	ssyncadd.s32 $0xFFFFE000  }
0xff: {  	[spmem:s2] =	stream.indirect.scatter.add.f32 [tilespmem:s17], [sflag:$0x2], $0x40, s15, s15, $0xb8;
	[tilespmem:$0x1E280] =	vst v63  }
0x100: {  	s23 =	sadd.s32 $0x1, s23;
	_ =	swait.ge [sflag:s14], $0x2000  }
0x101: {  	p0 =	sne.s32 s23, s31;
	[sflag:s14] =	ssyncset.done $0x0  }
.Ltmp2:
0x102: {  	[sflag:s14] =	ssyncadd.s32 $0xFFFFE000;
	(pc) =	sbr.rel @p0 .LBB2_4-.Ltmp2, $4  }
0x103: {  	[spmem:s3] =	stream.indirect.scatter.add.f32 [tilespmem:s21], [sflag:$0x2], $0x40, s15, s15, $0xb8;
	[tilespmem:$0x1E280] =	vst v63  }
0x104: {  	_ =	swait.ge [sflag:s14], $0x2000  }
0x105: {  	[sflag:s14] =	ssyncset.done $0x0  }
0x106: {  	[sflag:s14] =	ssyncadd.s32 $0xFFFFE000  }
0x107: {  	[bflag:$0x0] =	sbarrier.arrive $0xFFFF  }
0x108: {  	s22 =	rddreg [dreg:$0x11]  }
0x109: {  	[tilespmem:s13], [sflag:$0x2] =	stream.linear.gather [spmem:s22], $0x2000, $0x38;
	[tilespmem:$0x1E280] =	vst v63  }
0x10a: {  	_ =	swait.ge [sflag:s14], $0x2000  }
0x10b: {  	[sflag:s14] =	ssyncset.done $0x0  }
0x10c: {  	s24 =	rddreg [dreg:$0x5];
	[sflag:s14] =	ssyncadd.s32 $0xFFFFE000  }
0x10d: {  	[hbm4b:s24+s5] =	stream.linear.scatter [tilespmem:s13], [sflag:$0x2], $0x2000, $0x38;
	[tilespmem:$0x1E280] =	vst v63  }
0x10e: {  	_ =	swait.ge [sflag:s14], $0x2000  }
0x10f: {  	[sflag:s14] =	ssyncset.done $0x0  }
0x110: {  	s25 =	rddreg [dreg:$0x12];
	[sflag:s14] =	ssyncadd.s32 $0xFFFFE000  }
0x111: {  	[tilespmem:s13], [sflag:$0x2] =	stream.linear.gather [spmem:s25], $0x2000, $0x38;
	[tilespmem:$0x1E280] =	vst v63  }
0x112: {  	_ =	swait.ge [sflag:s14], $0x2000  }
0x113: {  	[sflag:s14] =	ssyncset.done $0x0  }
0x114: {  	s26 =	rddreg [dreg:$0x6];
	[sflag:s14] =	ssyncadd.s32 $0xFFFFE000  }
0x115: {  	[hbm4b:s26+s5] =	stream.linear.scatter [tilespmem:s13], [sflag:$0x2], $0x2000, $0x38;
	[tilespmem:$0x1E280] =	vst v63  }
0x116: {  	_ =	swait.ge [sflag:s14], $0x2000  }
0x117: {  	[sflag:s14] =	ssyncset.done $0x0  }
0x118: {  	[sflag:s14] =	ssyncadd.s32 $0xFFFFE000  }
0x119: {  	[tilespmem:s13], [sflag:$0x2] =	stream.linear.gather [spmem:s29], $0x2000, $0x38;
	[tilespmem:$0x1E280] =	vst v63  }
0x11a: {  	_ =	swait.ge [sflag:s14], $0x2000  }
0x11b: {  	[sflag:s14] =	ssyncset.done $0x0  }
0x11c: {  	s25 =	smov.u32 s29;
	s29 =	rddreg [dreg:$0x7];
	[sflag:s14] =	ssyncadd.s32 $0xFFFFE000  }
0x11d: {  	[hbm4b:s29+s5] =	stream.linear.scatter [tilespmem:s13], [sflag:$0x2], $0x2000, $0x38;
	[tilespmem:$0x1E280] =	vst v63  }
0x11e: {  	_ =	swait.ge [sflag:s14], $0x2000  }
0x11f: {  	[sflag:s14] =	ssyncset.done $0x0  }
0x120: {  	[sflag:s14] =	ssyncadd.s32 $0xFFFFE000  }
0x121: {  	[tilespmem:s13], [sflag:$0x2] =	stream.linear.gather [spmem:s30], $0x2000, $0x38;
	[tilespmem:$0x1E280] =	vst v63  }
0x122: {  	_ =	swait.ge [sflag:s14], $0x2000  }
0x123: {  	[sflag:s14] =	ssyncset.done $0x0  }
0x124: {  	s26 =	smov.u32 s30;
	s30 =	rddreg [dreg:$0x8];
	[sflag:s14] =	ssyncadd.s32 $0xFFFFE000  }
0x125: {  	[hbm4b:s30+s5] =	stream.linear.scatter [tilespmem:s13], [sflag:$0x2], $0x2000, $0x38;
	[tilespmem:$0x1E280] =	vst v63  }
0x126: {  	_ =	swait.ge [sflag:s14], $0x2000  }
0x127: {  	[sflag:s14] =	ssyncset.done $0x0  }
0x128: {  	s28 =	rddreg [dreg:$0xf];
	[sflag:s14] =	ssyncadd.s32 $0xFFFFE000  }
0x129: {  	[tilespmem:s13], [sflag:$0x2] =	stream.linear.gather [spmem:s28], $0x2000, $0x38;
	[tilespmem:$0x1E280] =	vst v63  }
0x12a: {  	_ =	swait.ge [sflag:s14], $0x2000  }
0x12b: {  	[sflag:s14] =	ssyncset.done $0x0  }
0x12c: {  	s23 =	rddreg [dreg:$0x9];
	[sflag:s14] =	ssyncadd.s32 $0xFFFFE000  }
0x12d: {  	[hbm4b:s23+s5] =	stream.linear.scatter [tilespmem:s13], [sflag:$0x2], $0x2000, $0x38;
	[tilespmem:$0x1E280] =	vst v63  }
0x12e: {  	_ =	swait.ge [sflag:s14], $0x2000  }
0x12f: {  	[sflag:s14] =	ssyncset.done $0x0  }
0x130: {  	s24 =	rddreg [dreg:$0x10];
	[sflag:s14] =	ssyncadd.s32 $0xFFFFE000  }
0x131: {  	[tilespmem:s13], [sflag:$0x2] =	stream.linear.gather [spmem:s24], $0x2000, $0x38;
	[tilespmem:$0x1E280] =	vst v63  }
0x132: {  	_ =	swait.ge [sflag:s14], $0x2000  }
0x133: {  	[sflag:s14] =	ssyncset.done $0x0  }
0x134: {  	s29 =	rddreg [dreg:$0xa];
	[sflag:s14] =	ssyncadd.s32 $0xFFFFE000  }
0x135: {  	[hbm4b:s29+s5] =	stream.linear.scatter [tilespmem:s13], [sflag:$0x2], $0x2000, $0x38;
	[tilespmem:$0x1E280] =	vst v63  }
0x136: {  	_ =	swait.ge [sflag:s14], $0x2000  }
0x137: {  	[sflag:s14] =	ssyncset.done $0x0  }
0x138: {  	s30 =	rddreg [dreg:$0x13];
	[sflag:s14] =	ssyncadd.s32 $0xFFFFE000  }
0x139: {  	[tilespmem:s13], [sflag:$0x2] =	stream.linear.gather [spmem:s30], $0x2000, $0x38;
	[tilespmem:$0x1E280] =	vst v63  }
0x13a: {  	_ =	swait.ge [sflag:s14], $0x2000  }
0x13b: {  	[sflag:s14] =	ssyncset.done $0x0  }
0x13c: {  	s23 =	rddreg [dreg:$0xb];
	[sflag:s14] =	ssyncadd.s32 $0xFFFFE000  }
0x13d: {  	[hbm4b:s23+s5] =	stream.linear.scatter [tilespmem:s13], [sflag:$0x2], $0x2000, $0x38;
	[tilespmem:$0x1E280] =	vst v63  }
0x13e: {  	_ =	swait.ge [sflag:s14], $0x2000  }
0x13f: {  	[sflag:s14] =	ssyncset.done $0x0  }
0x140: {  	s24 =	rddreg [dreg:$0x14];
	[sflag:s14] =	ssyncadd.s32 $0xFFFFE000  }
0x141: {  	[tilespmem:s13], [sflag:$0x2] =	stream.linear.gather [spmem:s24], $0x2000, $0x38;
	[tilespmem:$0x1E280] =	vst v63  }
0x142: {  	_ =	swait.ge [sflag:s14], $0x2000  }
0x143: {  	[sflag:s14] =	ssyncset.done $0x0  }
0x144: {  	s29 =	rddreg [dreg:$0xc];
	[sflag:s14] =	ssyncadd.s32 $0xFFFFE000  }
0x145: {  	[hbm4b:s29+s5] =	stream.linear.scatter [tilespmem:s13], [sflag:$0x2], $0x2000, $0x38;
	[tilespmem:$0x1E280] =	vst v63  }
0x146: {  	_ =	swait.ge [sflag:s14], $0x2000  }
0x147: {  	[sflag:s14] =	ssyncset.done $0x0  }
0x148: {  	s30 =	rddreg [dreg:$0x15];
	[sflag:s14] =	ssyncadd.s32 $0xFFFFE000  }
0x149: {  	[tilespmem:s13], [sflag:$0x2] =	stream.linear.gather [spmem:s30], $0x2000, $0x38;
	[tilespmem:$0x1E280] =	vst v63  }
0x14a: {  	_ =	swait.ge [sflag:s14], $0x2000  }
0x14b: {  	[sflag:s14] =	ssyncset.done $0x0  }
0x14c: {  	s23 =	rddreg [dreg:$0xd];
	[sflag:s14] =	ssyncadd.s32 $0xFFFFE000  }
0x14d: {  	[hbm4b:s23+s5] =	stream.linear.scatter [tilespmem:s13], [sflag:$0x2], $0x2000, $0x38;
	[tilespmem:$0x1E280] =	vst v63  }
0x14e: {  	_ =	swait.ge [sflag:s14], $0x2000  }
0x14f: {  	[sflag:s14] =	ssyncset.done $0x0  }
0x150: {  	s24 =	rddreg [dreg:$0x16];
	[sflag:s14] =	ssyncadd.s32 $0xFFFFE000  }
0x151: {  	[tilespmem:s13], [sflag:$0x2] =	stream.linear.gather [spmem:s24], $0x2000, $0x38;
	[tilespmem:$0x1E280] =	vst v63  }
0x152: {  	_ =	swait.ge [sflag:s14], $0x2000  }
0x153: {  	[sflag:s14] =	ssyncset.done $0x0  }
0x154: {  	s29 =	rddreg [dreg:$0xe];
	[sflag:s14] =	ssyncadd.s32 $0xFFFFE000  }
0x155: {  	[hbm4b:s29+s5] =	stream.linear.scatter [tilespmem:s13], [sflag:$0x2], $0x2000, $0x38;
	[tilespmem:$0x1E280] =	vst v63  }
0x156: {  	_ =	swait.ge [sflag:s14], $0x2000  }
0x157: {  	s11 =	sadd.s32 $0x1, s11;
	s30 =	rddreg [dreg:$0x17]  }
0x158: {  	p0 =	sne.s32 s11, s30  }
.Ltmp3:
0x159: {  	_ = 	snop;
	(pc) =	sbr.rel @p0 .LBB2_1-.Ltmp3, $3  }
0x15a: {  	_ =	sdelay $0x1  }
0x15b: {  	[sflag:s14] =	ssyncset.done $0x0  }
0x15c: {  	[sflag:s14] =	ssyncadd.s32 $0xFFFFE000  }
0x15d: {  	_ =	sfence.sel $0x180000  }
0x15e: {  	[bflag:$0x0] =	sbarrier.arrive $0xFFFF  }
0x15f: {  	_ =	strace $0x90000047  }
0x160: {  	s0 =	stileid.u32;
	[bflag:$0x2] =	sbarrier.arrive $0xFFFF  }
0x161: {  	p0 =	sne.s32 s0, $0x0;
	s0 =	rddreg [dreg:$0x4]  }
0x162: {  	s0 =	sadd.s32 @!p0 $0x100000, s0  }
0x163: {  	[sflag:s0] =	ssyncadd.tile.s32 @!p0 $0x1;
	_ =	shalt  }
.Lfunc_end2:
_tile_overlayer_lowered:
.L_overlay_start_2:
0x164: {  	(tag) =	ssettag $0x2  }
0x165: {  	s0 =	rddreg [dreg:$0x0];
	s2 =	stileid.u32  }
0x166: {  	s1 =	rddreg [dreg:$0x1];
	p0 =	sne.s32 s2, $0x0  }
0x167: {  	s3 =	rddreg [dreg:$0x2];
	[bflag:$0x3] =	sbarrier.arrive $0xFFFF;
	s2 =	simm.s32 @!p0 $0x1C02  }
0x168: {  	[timem:s3], [sflag:s2] =	dma.local @!p0 [hbm:s0], s1  }
0x169: {  	s0 =	simm.s32 @!p0 $0x2  }
0x16a: {  	_ =	swait.ge @!p0 [sflag:s0], s1  }
0x16b: {  	s1 =	ssub.s32 @!p0 $0x0, s1;
	[sflag:s0] =	ssyncset.done @!p0 $0x0  }
0x16c: {  	[sflag:s0] =	ssyncadd.s32 @!p0 s1  }
0x16d: {  	[bflag:$0x3] =	sbarrier.arrive $0xFFFF  }
0x16e: {  	_ =	shalt  }

// kernel: kernel.14.cloned.1.call-start
scs
__scs_entry_jumppad:
0x0: {  	(pc) =	sbr.rel $0x88, $3  }
0x1: {  	(tag) =	ssettag $0x0;
	lr =	simm.s32 $0x1  }
0x2: {  	[smem:$0x3F9B] =	sst lr;
	_ =	strace $0xD0000000  }
0x3: {  	_ = 	snop  }
0x4: {  	_ = 	snop  }
0x5: {  	_ = 	snop  }
0x6: {  	_ = 	snop  }
0x7: {  	_ = 	snop  }
__scs_overlays_trampoline_lowered:
0x8: {  	[smem:$0x3FAA] =	sst s0  }
0x9: {  	[smem:$0x3FAB] =	sst s1  }
0xa: {  	[smem:$0x3FAC] =	sst s2  }
0xb: {  	[smem:$0x3FAD] =	sst s3  }
0xc: {  	[smem:$0x3FAE] =	sst s4  }
0xd: {  	[smem:$0x3FAF] =	sst s5  }
0xe: {  	[smem:$0x3FB0] =	sst s6  }
0xf: {  	[smem:$0x3FB1] =	sst s7  }
0x10: {  	[smem:$0x3FB2] =	sst s8  }
0x11: {  	[smem:$0x3FB3] =	sst s9;
	s0 =	simm.s32 @!p0 $0x0  }
0x12: {  	s1 =	sld [smem:$0x3F99];
	s0 =	simm.s32 @p0 $0x1  }
0x13: {  	[smem:$0x3FB4] =	sst s0;
	s0 =	simm.s32 @!p1 $0x0  }
0x14: {  	s2 =	sld [smem:$0x3F98];
	s0 =	simm.s32 @p1 $0x1  }
0x15: {  	[smem:$0x3FB5] =	sst s0;
	s0 =	simm.s32 @!p2 $0x0  }
0x16: {  	s3 =	sld [smem:$0x3FDB];
	s0 =	simm.s32 @p2 $0x1  }
0x17: {  	s4 =	simm.s32 $0x1BF5;
	[smem:$0x3FB7] =	sst s0  }
0x18: {  	s0 =	sld [smem:$0x3F9A];
	_ =	swait.ge [sflag:s4], $0x0  }
0x19: {  	s7 =	sld [smem:$0x3F9B]  }
0x1a: {  	s8 =	sadd.s32 $0xFFFFE003, lr  }
0x1b: {  	s9 =	sadd.s32 $0xFFFFFEF7, lr;
	s5 =	simm.s32 $0xFFFFFFFF;
	p2 =	slt.u32 s8, $0xFFFFF086  }
0x1c: {  	p1 =	slt.u32 s9, $0xF7A;
	s5 =	simm.s32 @!p2 $0x0  }
0x1d: {  	s5 =	simm.s32 @p1 $0x1;
	p0 =	seq.s32 s7, s2  }
0x1e: {  	s7 =	smul.u32 @!p0 $0xF7A, s2;
	p2 =	seq.s32 @!p0 s5, $0x0  }
0x1f: {  	s9 =	smul.u32 $0xF7A, s1;
	s8 =	simm.s32 @!p0 $0x1BF5;
	p2 =	por !p2, p0  }
0x20: {  	[sflag:s8] =	ssyncset.s32 @!p0 $0xFFFFF086;
	s6 =	sadd.s32 @!p0 s3, s7;
	s7 =	simm.s32 @!p0 $0x108  }
0x21: {  	s3 =	sadd.s32 s3, s9;
	s6 =	sadd.s32 @!p0 $0x88, s6;
	s7 =	simm.s32 @p2 $0x1082  }
0x22: {  	[simem:s7], [sflag:s8] =	dma.local @!p0 [hbm:s6], $0xF7A  }
0x23: {  	s9 =	sor.u32 $0xD0000000, s2;
	s6 =	simm.s32 $0x108;
	_ =	swait.ge @!p0 [sflag:s8], $0x0  }
0x24: {  	s3 =	sadd.s32 $0x88, s3;
	s6 =	simm.s32 @!p1 $0x1082;
	[sflag:s4] =	ssyncset.s32 $0xFFFFF086  }
0x25: {  	[simem:s6], [sflag:s4] =	dma.local [hbm:s3], $0xF7A  }
0x26: {  	[smem:$0x3F9B] =	sst s1;
	(tag) =	ssettag s2;
	_ =	strace s9  }
0x27: {  	s1 =	sld [smem:$0x3FAB]  }
0x28: {  	s2 =	sld [smem:$0x3FAC]  }
0x29: {  	s4 =	sld [smem:$0x3FAE]  }
0x2a: {  	p0 =	seq.s32 s5, $0x0;
	s5 =	sld [smem:$0x3FAF]  }
0x2b: {  	s6 =	sld [smem:$0x3FB0]  }
0x2c: {  	s7 =	sld [smem:$0x3FB1]  }
0x2d: {  	s3 =	simm.s32 $0x108;
	s8 =	sld [smem:$0x3FB2]  }
0x2e: {  	s3 =	simm.s32 @!p0 $0x1082;
	s9 =	sld [smem:$0x3FB3]  }
0x2f: {  	lr =	sadd.s32 s0, s3;
	s0 =	sld [smem:$0x3FAA]  }
0x30: {  	s3 =	sld [smem:$0x3FAD]  }
0x31: {  	[smem:$0x3FB6] =	sst s10  }
0x32: {  	s10 =	sld [smem:$0x3FB4];
	_ =	sdelay $0x3  }
0x33: {  	p0 =	seq.s32 s10, $0x1;
	s10 =	sld [smem:$0x3FB6];
	_ =	sdelay $0x3  }
0x34: {  	[smem:$0x3FB6] =	sst s10  }
0x35: {  	s10 =	sld [smem:$0x3FB5];
	_ =	sdelay $0x3  }
0x36: {  	p1 =	seq.s32 s10, $0x1;
	s10 =	sld [smem:$0x3FB6];
	_ =	sdelay $0x3  }
0x37: {  	[smem:$0x3FB6] =	sst s10  }
0x38: {  	s10 =	sld [smem:$0x3FB7]  }
0x39: {  	_ = 	snop;
	(pc) =	sbr.ind lr, $3  }
0x3a: {  	_ = 	snop  }
0x3b: {  	_ = 	snop  }
0x3c: {  	p2 =	seq.s32 s10, $0x1;
	s10 =	sld [smem:$0x3FB6]  }
0x3d: {  	_ =	shalt  }
0x3e: {  	_ =	shalt  }
0x3f: {  	_ =	shalt  }
0x40: {  	_ =	shalt  }
0x41: {  	_ =	shalt  }
0x42: {  	_ =	shalt  }
0x43: {  	_ =	shalt  }
0x44: {  	_ =	shalt  }
0x45: {  	_ =	shalt  }
0x46: {  	_ =	shalt  }
0x47: {  	_ =	shalt  }
0x48: {  	_ =	shalt  }
0x49: {  	_ =	shalt  }
0x4a: {  	_ =	shalt  }
0x4b: {  	_ =	shalt  }
0x4c: {  	_ =	shalt  }
0x4d: {  	_ =	shalt  }
0x4e: {  	_ =	shalt  }
0x4f: {  	_ =	shalt  }
0x50: {  	_ =	shalt  }
0x51: {  	_ =	shalt  }
0x52: {  	_ =	shalt  }
0x53: {  	_ =	shalt  }
0x54: {  	_ =	shalt  }
0x55: {  	_ =	shalt  }
0x56: {  	_ =	shalt  }
0x57: {  	_ =	shalt  }
0x58: {  	_ =	shalt  }
0x59: {  	_ =	shalt  }
0x5a: {  	_ =	shalt  }
0x5b: {  	_ =	shalt  }
0x5c: {  	_ =	shalt  }
0x5d: {  	_ =	shalt  }
0x5e: {  	_ =	shalt  }
0x5f: {  	_ =	shalt  }
0x60: {  	_ =	shalt  }
0x61: {  	_ =	shalt  }
0x62: {  	_ =	shalt  }
0x63: {  	_ =	shalt  }
0x64: {  	_ =	shalt  }
0x65: {  	_ =	shalt  }
0x66: {  	_ =	shalt  }
0x67: {  	_ =	shalt  }
0x68: {  	_ =	shalt  }
0x69: {  	_ =	shalt  }
0x6a: {  	_ =	shalt  }
0x6b: {  	_ =	shalt  }
0x6c: {  	_ =	shalt  }
0x6d: {  	_ =	shalt  }
0x6e: {  	_ =	shalt  }
0x6f: {  	_ =	shalt  }
0x70: {  	_ =	shalt  }
0x71: {  	_ =	shalt  }
0x72: {  	_ =	shalt  }
0x73: {  	_ =	shalt  }
0x74: {  	_ =	shalt  }
0x75: {  	_ =	shalt  }
0x76: {  	_ =	shalt  }
0x77: {  	_ =	shalt  }
0x78: {  	_ =	shalt  }
0x79: {  	_ =	shalt  }
0x7a: {  	_ =	shalt  }
0x7b: {  	_ =	shalt  }
0x7c: {  	_ =	shalt  }
0x7d: {  	_ =	shalt  }
0x7e: {  	_ =	shalt  }
0x7f: {  	_ =	shalt  }
0x80: {  	_ =	shalt  }
0x81: {  	_ =	shalt  }
0x82: {  	_ =	shalt  }
0x83: {  	_ =	shalt  }
0x84: {  	_ =	shalt  }
0x85: {  	_ =	shalt  }
0x86: {  	_ =	shalt  }
0x87: {  	_ =	shalt  }
.Lfunc_end0:
.L_simem_size_0:
called_computation.1_lowered:
.L_overlay_start_0:
0x88: {  	s2 =	sld [smem:$0x3FD9]  }
0x89: {  	s3 =	sld [smem:$0x3FFE];
	_ =	sdelay $0x1  }
0x8a: {  	s1 =	srdreg.scid  }
0x8b: {  	s0 =	sand.u32 $0x1, s1  }
0x8c: {  	s14 =	sshll.u32 s0, $0xA;
	s2 =	sadd.s32 s3, s2  }
0x8d: {  	s2 =	sadd.s32 s2, s14  }
0x8e: {  	[smem:$0x3FC2] =	sst s2  }
0x8f: {  	_ = 	snop  }
0x90: {  	s2 =	sld [smem:$0x3FD0];
	_ =	sdelay $0x2  }
0x91: {  	s15 =	simm.s32 $0xA;
	s4 =	simm.s32 $0x10  }
0x92: {  	[smem:s4], [sflag:s15] =	dma.local [hbm:s2], $0x1  }
0x93: {  	_ =	swait.eq [sflag:s15], $0x1  }
0x94: {  	[sflag:s15] =	ssyncset.done $0x0  }
0x95: {  	[sflag:s15] =	ssyncadd.s32 $0xFFFFFFFF  }
0x96: {  	s16 =	sld [smem:$0x11];
	(tm) =	ssettm $0x1  }
0x97: {  	s17 =	sld [smem:$0x3FFB];
	_ =	sdelay $0x3  }
0x98: {  	_ =	strace s17  }
0x99: {  	s3 =	sld [smem:$0x3FFC];
	_ =	sdelay $0x3  }
0x9a: {  	_ =	strace s3  }
0x9b: {  	s3 =	sld [smem:$0x3FFD];
	_ =	sdelay $0x3  }
0x9c: {  	_ =	strace s3  }
0x9d: {  	_ =	strace $0x8FFFFFFF  }
0x9e: {  	s18 =	sld [smem:$0x3FDB];
	_ =	sdelay $0x1  }
0x9f: {  	s19 =	simm.s32 $_scs_section_size  }
0xa0: {  	s5 =	simm.s32 $_size__tile_overlayer_lowered;
	s6 =	simm.s32 $_tile_overlayer_lowered  }
0xa1: {  	s22 =	simm.s32 $0x1BFF;
	s21 =	sshll.u32 s6, $0x1;
	s3 =	sadd.s32 s19, s18  }
0xa2: {  	s7 =	simm.s32 $0x0;
	s20 =	sshll.u32 s5, $0x1;
	s5 =	sadd.s32 s21, s3  }
0xa3: {  	[timem:s7], [sflag:s22] =	dma.local [hbm:s5], s20  }
0xa4: {  	_ =	swait.ge [sflag:s22], s20  }
0xa5: {  	s4 =	ssub.s32 $0x0, s20;
	[sflag:s22] =	ssyncset.done $0x0  }
0xa6: {  	[sflag:s22] =	ssyncadd.s32 s4;
	_ =	sdelay $0x1  }
0xa7: {  	s23 =	simm.s32 $0x1B8B  }
0xa8: {  	_ =	swait.ge [sflag:s23], $0x1  }
0xa9: {  	[sflag:s23] =	ssyncset.done $0x0  }
0xaa: {  	s25 =	simm.s32 $0x1B8E;
	s24 =	sld [smem:$0x3FFE];
	[sflag:s23] =	ssyncadd.s32 $0xFFFFFFFF  }
0xab: {  	s26 =	simm.s32 $execute0_lowered;
	[smem:$0x3FD2] =	sst s25  }
0xac: {  	s5 =	sshll.u32 s26, $0x1;
	_ =	strace $0x80000049;
	[dreg:$0x1] =	wrdreg $0xFFFFFFFF  }
0xad: {  	s28 =	simm.s32 $_size_execute0_lowered;
	s3 =	sadd.s32 s3, s5;
	[dreg:$0x0] =	wrdreg $0x0  }
0xae: {  	s5 =	sshll.u32 s28, $0x1;
	[dreg:$0x2] =	wrdreg s3  }
0xaf: {  	[dreg:$0x3] =	wrdreg s5  }
0xb0: {  	[dreg:$0x4] =	wrdreg $0xC0  }
0xb1: {  	_ =	task [dreg:s7], $0x5FFFF  }
0xb2: {  	[dreg:$0x1] =	wrdreg $0xFFFFFFFF  }
0xb3: {  	[dreg:$0x0] =	wrdreg $0x60  }
0xb4: {  	[dreg:$0x2] =	wrdreg s24  }
0xb5: {  	[dreg:$0x3] =	wrdreg s16  }
0xb6: {  	[dreg:$0x4] =	wrdreg $0xA2800  }
0xb7: {  	[dreg:$0x5] =	wrdreg $0x142800  }
0xb8: {  	[dreg:$0x6] =	wrdreg $0x9  }
0xb9: {  	_ =	task.clear_ibuf [dreg:s7], $0x7FFFF;
	_ =	strace $0x90000049  }
0xba: {  	s29 =	simm.s32 $0x9;
	_ =	strace $0x8000004B  }
0xbb: {  	_ =	swait.ge [sflag:s29], $0x1  }
0xbc: {  	[sflag:s29] =	ssyncadd.s32 $0xFFFFFFFF  }
0xbd: {  	_ =	strace $0x9000004B  }
0xbe: {  	_ =	sfence  }
0xbf: {  	s30 =	sld [smem:$0x0];
	_ =	sdelay $0x2  }
0xc0: {  	s31 =	sshll.u32 s1, $0xD;
	s1 =	sshrl.u32 s1, $0x2  }
0xc1: {  	s3 =	sand.u32 $0x4000, s31;
	s1 =	sadd.s32 s1, s30  }
0xc2: {  	s0 =	sor.u32 s3, s0;
	s1 =	sshll.u32 s1, $0x11  }
0xc3: {  	s0 =	sor.u32 s1, s0  }
0xc4: {  	s0 =	sadd.s32 $0x8F2B, s0  }
0xc5: {  	[sflag:s0] =	ssyncadd.remote.s32 $0x1  }
0xc6: {  	_ =	sfence.sel $0xFFFF  }
0xc7: {  	[dreg:$0x0] =	wrdreg $0xFFFFFFFF;
	(pc) =	sbr.abs _section_cstart, $3  }
0xc8: {  	[dreg:$0x1] =	wrdreg $0xFFFFFFFF  }
0xc9: {  	_ =	task.clear_ibuf [dreg:s7], $0x2FFFF;
	_ =	strace $0x9FFFFFFF  }
0xca: {  	(tm) =	ssettm $0x7FFFFFFF  }
0xcb: {  	_ =	shalt  }
tec
execute0_lowered:
.L_overlay_start_1:
0x0: {  	(tag) =	ssettag $0x1  }
0x1: {  	s0 =	rddreg [dreg:$0x0]  }
0x2: {  	s1 =	rddreg [dreg:$0x1]  }
0x3: {  	s2 =	rddreg [dreg:$0x2]  }
0x4: {  	s3 =	rddreg [dreg:$0x3]  }
0x5: {  	s5 =	simm.s32 $0x0;
	s16 =	stileid.u32;
	s4 =	srdreg.scid  }
0x6: {  	[smem:$0x7FF] =	sst s5;
	s6 =	sadd.s32 $0xEDA00, s0;
	s10 =	smul.u32 $0x280, s16  }
0x7: {  	s7 =	sadd.s32 $0x5CAE00, s0;
	s4 =	sand.u32 $0x1, s4;
	s11 =	smul.u32 $0xA000, s16  }
0x8: {  	s8 =	sadd.s32 $0x5C1000, s0;
	s9 =	sadd.s32 $0x5D4C00, s0;
	s13 =	smul.u32 $0x2800, s4  }
0x9: {  	s14 =	sadd.s32 $0x3400, s0;
	s0 =	sadd.s32 $0x2B400, s0;
	s12 =	ssub.s32 $0x2, s4  }
0xa: {  	_ =	strace $0x8000004A;
	s15 =	sshrl.u32 s12, $0x1;
	s10 =	sadd.s32 s10, s13  }
0xb: {  	s12 =	ssub.s32 s12, s15;
	s15 =	sadd.s32 s11, s3;
	s10 =	sshll.u32 s10, $0x3  }
0xc: {  	s17 =	sadd.s32 $0x2000, s11;
	[dreg:$0x12] =	wrdreg s15;
	s18 =	sadd.s32 s14, s10  }
0xd: {  	s19 =	sadd.s32 s0, s10;
	s20 =	sadd.s32 $0x400, s10;
	[dreg:$0x5] =	wrdreg s18  }
0xe: {  	s25 =	sadd.s32 s17, s2;
	[dreg:$0x6] =	wrdreg s19;
	s21 =	sadd.s32 s14, s20  }
0xf: {  	s22 =	sadd.s32 $0x800, s10;
	s13 =	sadd.s32 s0, s20;
	[dreg:$0x7] =	wrdreg s21  }
0x10: {  	s24 =	sadd.s32 $0xC00, s10;
	s23 =	sadd.s32 s14, s22;
	[dreg:$0x8] =	wrdreg s13  }
0x11: {  	s10 =	sadd.s32 $0x1000, s10;
	s29 =	sadd.s32 s14, s24;
	[dreg:$0x9] =	wrdreg s23  }
0x12: {  	s26 =	sadd.s32 s17, s3;
	s30 =	sadd.s32 s14, s10;
	[dreg:$0xb] =	wrdreg s29  }
0x13: {  	s17 =	sadd.s32 $0x6000, s11;
	s14 =	sadd.s32 s11, s2;
	[dreg:$0xd] =	wrdreg s30  }
0x14: {  	s15 =	simm.s32 $0x80;
	s19 =	sadd.s32 s17, s2;
	[dreg:$0x11] =	wrdreg s14  }
0x15: {  	s18 =	sadd.s32 $0x8000, s11;
	s13 =	sadd.s32 s0, s22;
	[dreg:$0x13] =	wrdreg s19  }
0x16: {  	s20 =	sadd.s32 s18, s2;
	s21 =	sadd.s32 s18, s3;
	s22 =	smul.u32 $0x7530, s4  }
0x17: {  	s23 =	ssub.s32 $0x9D3, s16;
	s14 =	simm.s32 $0x2;
	[dreg:$0xa] =	wrdreg s13  }
0x18: {  	s18 =	simm.s32 $0x180;
	s19 =	simm.s32 $0x2280;
	[dreg:$0x15] =	wrdreg s20  }
0x19: {  	s13 =	sadd.s32 s0, s24;
	s0 =	sadd.s32 s0, s10;
	[dreg:$0x16] =	wrdreg s21  }
0x1a: {  	s31 =	sshrl.u32 s23, $0x4;
	s24 =	smax.u32 s12, $0x1;
	s12 =	sshll.u32 s16, $0x7  }
0x1b: {  	s16 =	simm.s32 $0x100;
	s20 =	simm.s32 $0x200;
	[dreg:$0xc] =	wrdreg s13  }
0x1c: {  	s21 =	simm.s32 $0x4280;
	s10 =	simm.s32 $0x1;
	[dreg:$0xe] =	wrdreg s0  }
0x1d: {  	s13 =	sadd.s32 $0x4000, s11;
	[dreg:$0x17] =	wrdreg s24;
	s29 =	sadd.s32 $0x2710, s22  }
0x1e: {  	s30 =	sadd.s32 $0x4E20, s22;
	s11 =	simm.s32 $0x0;
	s0 =	sadd.s32 s13, s3  }
0x1f: {  	s28 =	sadd.s32 s13, s2;
	s13 =	simm.s32 $0x8280;
	[dreg:$0x10] =	wrdreg s0  }
0x20: {  	v3 =	vimm.f32 $0.0e+00;
	s0 =	sadd.s32 s17, s3;
	s17 =	simm.s32 $0x280;
	[dreg:$0xf] =	wrdreg s28  }
0x21: {  	v0 =	vmov s22;
	v1 =	vmov s29;
	v2 =	vmov s30;
	[dreg:$0x14] =	wrdreg s0;
	s0 =	smul.u32 $0x4E200, s4;
	s4 =	simm.s32 $0x6280  }
.LBB2_1:
0x22: {  	s23 =	simm.s32 $0x100;
	s22 =	simm.s32 $0x0  }
.LBB2_2:
0x23: {  	p0 =	sne.s32 s23, $0x7F00;
	[tilespmem:s22+$0x82B0] =	vst v3;
	s24 =	smov.u32 s23;
	s23 =	sadd.s32 $0x100, s23  }
.Ltmp0:
0x24: {  	[tilespmem:s22+$0x82A0] =	vst v3;
	(pc) =	sbr.rel @p0 .LBB2_2-.Ltmp0, $3  }
0x25: {  	[tilespmem:s22+$0x8280] =	vst v3  }
0x26: {  	[tilespmem:s22+$0x8290] =	vst v3;
	_ =	sdelay $0x1  }
0x27: {  	s22 =	sshra.s32 s24, $0x2  }
0x28: {  	[tilespmem:s22+$0x82B0] =	vst v3  }
0x29: {  	[tilespmem:s22+$0x82A0] =	vst v3  }
0x2a: {  	[tilespmem:s22+$0x8280] =	vst v3  }
0x2b: {  	[tilespmem:s22+$0x8290] =	vst v3;
	s23 =	rddreg [dreg:$0x11]  }
0x2c: {  	[spmem:s23] =	stream.linear.scatter [tilespmem:s13], [sflag:$0x2], $0x2000, $0x38;
	[tilespmem:$0x1E280] =	vst v63  }
0x2d: {  	_ =	swait.ge [sflag:s14], $0x2000  }
0x2e: {  	[sflag:s14] =	ssyncset.done $0x0  }
0x2f: {  	s24 =	rddreg [dreg:$0x12];
	[sflag:s14] =	ssyncadd.s32 $0xFFFFE000  }
0x30: {  	[spmem:s24] =	stream.linear.scatter [tilespmem:s13], [sflag:$0x2], $0x2000, $0x38;
	[tilespmem:$0x1E280] =	vst v63  }
0x31: {  	_ =	swait.ge [sflag:s14], $0x2000  }
0x32: {  	[sflag:s14] =	ssyncset.done $0x0  }
0x33: {  	[sflag:s14] =	ssyncadd.s32 $0xFFFFE000  }
0x34: {  	[spmem:s25] =	stream.linear.scatter [tilespmem:s13], [sflag:$0x2], $0x2000, $0x38;
	[tilespmem:$0x1E280] =	vst v63  }
0x35: {  	_ =	swait.ge [sflag:s14], $0x2000  }
0x36: {  	[sflag:s14] =	ssyncset.done $0x0  }
0x37: {  	[sflag:s14] =	ssyncadd.s32 $0xFFFFE000  }
0x38: {  	[spmem:s26] =	stream.linear.scatter [tilespmem:s13], [sflag:$0x2], $0x2000, $0x38;
	[tilespmem:$0x1E280] =	vst v63  }
0x39: {  	_ =	swait.ge [sflag:s14], $0x2000  }
0x3a: {  	[sflag:s14] =	ssyncset.done $0x0  }
0x3b: {  	[sflag:s14] =	ssyncadd.s32 $0xFFFFE000  }
0x3c: {  	[spmem:s28] =	stream.linear.scatter [tilespmem:s13], [sflag:$0x2], $0x2000, $0x38;
	[tilespmem:$0x1E280] =	vst v63  }
0x3d: {  	_ =	swait.ge [sflag:s14], $0x2000  }
0x3e: {  	[sflag:s14] =	ssyncset.done $0x0  }
0x3f: {  	s23 =	rddreg [dreg:$0x10];
	[sflag:s14] =	ssyncadd.s32 $0xFFFFE000  }
0x40: {  	[spmem:s23] =	stream.linear.scatter [tilespmem:s13], [sflag:$0x2], $0x2000, $0x38;
	[tilespmem:$0x1E280] =	vst v63  }
0x41: {  	_ =	swait.ge [sflag:s14], $0x2000  }
0x42: {  	[sflag:s14] =	ssyncset.done $0x0  }
0x43: {  	s24 =	rddreg [dreg:$0x13];
	[sflag:s14] =	ssyncadd.s32 $0xFFFFE000  }
0x44: {  	[spmem:s24] =	stream.linear.scatter [tilespmem:s13], [sflag:$0x2], $0x2000, $0x38;
	[tilespmem:$0x1E280] =	vst v63  }
0x45: {  	_ =	swait.ge [sflag:s14], $0x2000  }
0x46: {  	[sflag:s14] =	ssyncset.done $0x0  }
0x47: {  	s29 =	smov.u32 s25;
	s25 =	rddreg [dreg:$0x14];
	[sflag:s14] =	ssyncadd.s32 $0xFFFFE000  }
0x48: {  	[spmem:s25] =	stream.linear.scatter [tilespmem:s13], [sflag:$0x2], $0x2000, $0x38;
	[tilespmem:$0x1E280] =	vst v63  }
0x49: {  	_ =	swait.ge [sflag:s14], $0x2000  }
0x4a: {  	[sflag:s14] =	ssyncset.done $0x0  }
0x4b: {  	s30 =	smov.u32 s26;
	s26 =	rddreg [dreg:$0x15];
	[sflag:s14] =	ssyncadd.s32 $0xFFFFE000  }
0x4c: {  	[spmem:s26] =	stream.linear.scatter [tilespmem:s13], [sflag:$0x2], $0x2000, $0x38;
	[tilespmem:$0x1E280] =	vst v63  }
0x4d: {  	_ =	swait.ge [sflag:s14], $0x2000  }
0x4e: {  	[sflag:s14] =	ssyncset.done $0x0  }
0x4f: {  	s28 =	rddreg [dreg:$0x16];
	[sflag:s14] =	ssyncadd.s32 $0xFFFFE000  }
0x50: {  	[spmem:s28] =	stream.linear.scatter [tilespmem:s13], [sflag:$0x2], $0x2000, $0x38;
	[tilespmem:$0x1E280] =	vst v63  }
0x51: {  	_ =	swait.ge [sflag:s14], $0x2000  }
0x52: {  	[sflag:s14] =	ssyncset.done $0x0  }
0x53: {  	[sflag:s14] =	ssyncadd.s32 $0xFFFFE000  }
0x54: {  	s22 =	simm.s32 $0x0;
	s23 =	simm.s32 $0x0;
	[bflag:$0x0] =	sbarrier.arrive $0xFFFF  }
.LBB2_4:
0x55: {  	s24 =	sshll.u32 s23, $0xB  }
0x56: {  	s24 =	sor.u32 s12, s24  }
0x57: {  	s25 =	sshrl.u32 s24, $0x3  }
0x58: {  	s26 =	sadd.s32 s7, s25  }
0x59: {  	[tilespmem:s22], [sflag:$0x2] =	stream.linear.gather [hbm4b:s26+s22], $0x80, $0x38;
	[tilespmem:$0x1E280] =	vst v63  }
0x5a: {  	_ =	swait.ge [sflag:s14], $0x80  }
0x5b: {  	[sflag:s14] =	ssyncset.done $0x0  }
0x5c: {  	s25 =	sadd.s32 s8, s25;
	[sflag:s14] =	ssyncadd.s32 $0xFFFFFF80  }
0x5d: {  	[tilespmem:s15], [sflag:$0x2] =	stream.linear.gather [hbm4b:s25+s22], $0x80, $0x38;
	[tilespmem:$0x1E280] =	vst v63  }
0x5e: {  	_ =	swait.ge [sflag:s14], $0x80  }
0x5f: {  	[sflag:s14] =	ssyncset.done $0x0  }
0x60: {  	[sflag:s14] =	ssyncadd.s32 $0xFFFFFF80  }
0x61: {  	v4 =	vld [tilespmem:$0x0];
	_ =	sdelay $0x1  }
0x62: {  	v5 =	vld [tilespmem:$0x80]  }
0x63: {  	v6 =	vld [tilespmem:$0x10];
	_ =	sdelay $0x1  }
0x64: {  	v8 =	vld [tilespmem:$0x90];
	v7 =	vadd.s32 v0, v4  }
0x65: {  	v4 =	vadd.s32 v1, v4;
	[tilespmem:$0x100] =	vst v7;
	v7 =	vld [tilespmem:$0x20]  }
0x66: {  	[tilespmem:$0x180] =	vst v4;
	v4 =	vadd.s32 v2, v5  }
0x67: {  	v5 =	vld [tilespmem:$0xA0];
	[tilespmem:$0x200] =	vst v4;
	v4 =	vadd.s32 v0, v6  }
0x68: {  	[tilespmem:$0x110] =	vst v4;
	v4 =	vadd.s32 v1, v6;
	v6 =	vld [tilespmem:$0x30]  }
0x69: {  	[tilespmem:$0x190] =	vst v4;
	v4 =	vadd.s32 v2, v8  }
0x6a: {  	v8 =	vld [tilespmem:$0xB0];
	[tilespmem:$0x210] =	vst v4;
	v4 =	vadd.s32 v0, v7  }
0x6b: {  	[tilespmem:$0x120] =	vst v4;
	v4 =	vadd.s32 v1, v7;
	v7 =	vld [tilespmem:$0x40]  }
0x6c: {  	[tilespmem:$0x1A0] =	vst v4;
	v4 =	vadd.s32 v2, v5  }
0x6d: {  	v5 =	vld [tilespmem:$0xC0];
	[tilespmem:$0x220] =	vst v4;
	v4 =	vadd.s32 v0, v6  }
0x6e: {  	[tilespmem:$0x130] =	vst v4;
	v4 =	vadd.s32 v1, v6;
	v6 =	vld [tilespmem:$0x50]  }
0x6f: {  	[tilespmem:$0x1B0] =	vst v4;
	v4 =	vadd.s32 v2, v8  }
0x70: {  	v8 =	vld [tilespmem:$0xD0];
	[tilespmem:$0x230] =	vst v4;
	v4 =	vadd.s32 v0, v7  }
0x71: {  	[tilespmem:$0x140] =	vst v4;
	v4 =	vadd.s32 v1, v7;
	v7 =	vld [tilespmem:$0x60]  }
0x72: {  	[tilespmem:$0x1C0] =	vst v4;
	v4 =	vadd.s32 v2, v5  }
0x73: {  	v5 =	vld [tilespmem:$0xE0];
	[tilespmem:$0x240] =	vst v4;
	v4 =	vadd.s32 v0, v6  }
0x74: {  	[tilespmem:$0x150] =	vst v4;
	v4 =	vadd.s32 v1, v6;
	v6 =	vld [tilespmem:$0x70]  }
0x75: {  	[tilespmem:$0x1D0] =	vst v4;
	v4 =	vadd.s32 v2, v8  }
0x76: {  	v8 =	vld [tilespmem:$0xF0];
	[tilespmem:$0x250] =	vst v4;
	v4 =	vadd.s32 v0, v7  }
0x77: {  	[tilespmem:$0x160] =	vst v4;
	v4 =	vadd.s32 v1, v7  }
0x78: {  	[tilespmem:$0x1E0] =	vst v4;
	v4 =	vadd.s32 v2, v5  }
0x79: {  	[tilespmem:$0x260] =	vst v4;
	v4 =	vadd.s32 v0, v6  }
0x7a: {  	[tilespmem:$0x170] =	vst v4;
	v4 =	vadd.s32 v1, v6  }
0x7b: {  	[tilespmem:$0x1F0] =	vst v4;
	v4 =	vadd.s32 v2, v8  }
0x7c: {  	[tilespmem:$0x270] =	vst v4  }
0x7d: {  	[tilespmem:s17], [sflag:$0x1] =	stream.indirect.gather [hbm4b:s6+s15], $0x40, s16, s15, $0xb8;
	[tilespmem:$0x1E280] =	vst v63  }
0x7e: {  	s24 =	sadd.s32 s0, s24  }
0x7f: {  	[tilespmem:s19], [sflag:$0x1] =	stream.indirect.gather [hbm4b:s6+s15], $0x40, s18, s15, $0xb8;
	[tilespmem:$0x1E280] =	vst v63  }
0x80: {  	s24 =	sshll.u32 s24, $0x3  }
0x81: {  	[tilespmem:s21], [sflag:$0x1] =	stream.indirect.gather [hbm4b:s6+s15], $0x40, s20, s15, $0xb8;
	[tilespmem:$0x1E280] =	vst v63  }
0x82: {  	s26 =	sadd.s32 s1, s24  }
0x83: {  	[tilespmem:s4], [sflag:$0x2] =	stream.linear.gather [hbm4b:s26+s22], $0x2000, $0x38;
	[tilespmem:$0x1E280] =	vst v63  }
0x84: {  	_ =	swait.ge [sflag:s14], $0x2000  }
0x85: {  	[sflag:s14] =	ssyncset.done $0x0  }
0x86: {  	[sflag:s14] =	ssyncadd.s32 $0xFFFFE000  }
0x87: {  	_ =	swait.ge [sflag:s10], $0x2000  }
0x88: {  	[sflag:s10] =	ssyncset.done $0x0  }
0x89: {  	[sflag:s10] =	ssyncadd.s32 $0xFFFFE000  }
0x8a: {  	_ =	swait.ge [sflag:s10], $0x2000  }
0x8b: {  	[sflag:s10] =	ssyncset.done $0x0  }
0x8c: {  	[sflag:s10] =	ssyncadd.s32 $0xFFFFE000  }
0x8d: {  	_ =	swait.ge [sflag:s10], $0x2000  }
0x8e: {  	[sflag:s10] =	ssyncset.done $0x0  }
0x8f: {  	s25 =	simm.s32 $0x0;
	[sflag:s10] =	ssyncadd.s32 $0xFFFFE000  }
0x90: {  	v4 =	vld [tilespmem:s25+$0x6280]  }
0x91: {  	v5 =	vld [tilespmem:s25+$0x2280]  }
0x92: {  	v6 =	vld [tilespmem:s25+$0x2290]  }
0x93: {  	v7 =	vld [tilespmem:s25+$0x4280]  }
0x94: {  	v8 =	vld [tilespmem:s25+$0x22A0]  }
0x95: {  	v9 =	vld [tilespmem:s25+$0x4290]  }
0x96: {  	v10 =	vld [tilespmem:s25+$0x42A0]  }
0x97: {  	v11 =	vld [tilespmem:s25+$0x6290]  }
0x98: {  	v12 =	vld [tilespmem:s25+$0x62A0];
	v5 =	vadd.f32 v7, v5;
	_ =	sdelay $0x1  }
0x99: {  	v6 =	vadd.f32 v9, v6;
	v4 =	vadd.f32 v4, v5  }
0x9a: {  	v9 =	vld [tilespmem:s25+$0x42B0];
	v5 =	vadd.f32 v10, v8  }
0x9b: {  	v6 =	vadd.f32 v11, v6;
	v8 =	vld [tilespmem:s25+$0x22B0];
	v7 =	vsub.f32 $0.0e+00, v4  }
0x9c: {  	v5 =	vadd.f32 v12, v5  }
0x9d: {  	v10 =	vsub.f32 $0.0e+00, v6;
	v12 =	vld [tilespmem:s25+$0x62B0];
	v7 =	vmul.f32 $1.442695020e+00, v7  }
0x9e: {  	v11 =	vsub.f32 $0.0e+00, v5  }
0x9f: {  	v10 =	vmul.f32 $1.442695020e+00, v10;
	(erf) = vpow2.f32 v7  }
0xa0: {  	v8 =	vadd.f32 v9, v8;
	v7 =	vmul.f32 $1.442695020e+00, v11  }
0xa1: {  	(erf) = vpow2.f32 v10  }
0xa2: {  	(erf) = vpow2.f32 v7;
	v7 =	vadd.f32 v12, v8;
	_ =	sdelay $0x1  }
0xa3: {  	v4 =	vmax.f32 v4, $0.0e+00;
	v8 =	vsub.f32 $0.0e+00, v7  }
0xa4: {  	[tilespmem:s25+$0x2280] =	vst v4;
	v4 =	vmax.f32 v6, $0.0e+00  }
0xa5: {  	[tilespmem:s25+$0x2290] =	vst v4;
	v4 =	vmax.f32 v5, $0.0e+00;
	v5 =	vmul.f32 $1.442695020e+00, v8;
	_ =	sdelay $0x1  }
0xa6: {  	[tilespmem:s25+$0x22A0] =	vst v4;
	v4 =	vmax.f32 v7, $0.0e+00;
	v6 =	vpop (erf);
	(erf) = vpow2.f32 v5;
	_ =	sdelay $0x2  }
0xa7: {  	[tilespmem:s25+$0x22B0] =	vst v4;
	v6 =	vadd.f32 $1.000000000e+00, v6;
	v4 =	vpop (erf)  }
0xa8: {  	v5 =	vpop (erf)  }
0xa9: {  	(erf) = vrcp.f32 v6;
	v6 =	vadd.f32 $1.000000000e+00, v5  }
0xaa: {  	v7 =	vadd.f32 $1.000000000e+00, v4;
	_ =	sdelay $0x1  }
0xab: {  	(erf) = vrcp.f32 v7  }
0xac: {  	(erf) = vrcp.f32 v6;
	v6 =	vpop (erf)  }
0xad: {  	v15 =	vld [tilespmem:s25+$0x290];
	v6 =	vadd.f32 $1.000000000e+00, v6  }
0xae: {  	v13 =	vld [tilespmem:s25+$0x2A0]  }
0xaf: {  	v10 =	vld [tilespmem:s25+$0x280];
	(erf) = vrcp.f32 v6  }
0xb0: {  	s26 =	simm.s32 $0x40;
	v12 =	vld [tilespmem:s25+$0x2B0]  }
0xb1: {  	v11 =	vld [tilespmem:s26+$0x2280]  }
0xb2: {  	v9 =	vld [tilespmem:s26+$0x2290]  }
0xb3: {  	v8 =	vld [tilespmem:s26+$0x22B0]  }
0xb4: {  	v4 =	vld [tilespmem:s26+$0x6280]  }
0xb5: {  	v5 =	vld [tilespmem:s26+$0x6290];
	v16 =	vpop (erf)  }
0xb6: {  	v7 =	vld [tilespmem:s26+$0x22A0];
	[tilespmem:s25+$0x4280] =	vst v16;
	v17 =	vpop (erf)  }
0xb7: {  	s28 =	simm.s32 $0x200;
	v6 =	vmul.f32 v16, v10;
	v14 =	vld [tilespmem:s26+$0x4280];
	v10 =	vmul.f32 v17, v15;
	[tilespmem:s25+$0x4290] =	vst v17;
	v15 =	vpop (erf)  }
.LBB2_5:
0xb8: {  	p0 =	sne.s32 s28, $0x7F00;
	v16 =	vld [tilespmem:s26+$0x4290];
	v13 =	vmul.f32 v15, v13;
	[tilespmem:s25+$0x42A0] =	vst v15;
	v15 =	vpop (erf)  }
0xb9: {  	v17 =	vld [tilespmem:s26+$0x42A0];
	v12 =	vmul.f32 v15, v12;
	[tilespmem:s25+$0x42B0] =	vst v15  }
0xba: {  	v15 =	vld [tilespmem:s26+$0x42B0];
	[tilespmem:s25+$0x2A0] =	vst v13  }
0xbb: {  	v13 =	vld [tilespmem:s26+$0x62A0];
	[tilespmem:s25+$0x2B0] =	vst v12  }
0xbc: {  	v11 =	vadd.f32 v14, v11;
	v12 =	vld [tilespmem:s26+$0x62B0];
	[tilespmem:s25+$0x290] =	vst v10  }
0xbd: {  	v9 =	vadd.f32 v16, v9;
	[tilespmem:s25+$0x280] =	vst v6;
	s25 =	smov.u32 s26  }
0xbe: {  	v4 =	vadd.f32 v4, v11;
	v6 =	vadd.f32 v17, v7  }
0xbf: {  	v5 =	vadd.f32 v5, v9;
	v7 =	vadd.f32 v15, v8  }
0xc0: {  	v8 =	vsub.f32 $0.0e+00, v4;
	v4 =	vmax.f32 v4, $0.0e+00;
	v6 =	vadd.f32 v13, v6  }
0xc1: {  	[tilespmem:s25+$0x2280] =	vst v4;
	v4 =	vsub.f32 $0.0e+00, v5;
	v5 =	vmax.f32 v5, $0.0e+00;
	v7 =	vadd.f32 v12, v7  }
0xc2: {  	v8 =	vmul.f32 $1.442695020e+00, v8;
	[tilespmem:s25+$0x2290] =	vst v5;
	v5 =	vsub.f32 $0.0e+00, v6;
	v6 =	vmax.f32 v6, $0.0e+00  }
0xc3: {  	v4 =	vmul.f32 $1.442695020e+00, v4;
	[tilespmem:s25+$0x22A0] =	vst v6;
	v6 =	vsub.f32 $0.0e+00, v7;
	v7 =	vmax.f32 v7, $0.0e+00  }
0xc4: {  	v5 =	vmul.f32 $1.442695020e+00, v5;
	[tilespmem:s25+$0x22B0] =	vst v7;
	(erf) = vpow2.f32 v8  }
0xc5: {  	v6 =	vmul.f32 $1.442695020e+00, v6;
	(erf) = vpow2.f32 v4  }
0xc6: {  	(erf) = vpow2.f32 v5  }
0xc7: {  	(erf) = vpow2.f32 v6;
	_ =	sdelay $0x5  }
0xc8: {  	v4 =	vpop (erf)  }
0xc9: {  	v4 =	vadd.f32 $1.000000000e+00, v4;
	v5 =	vpop (erf)  }
0xca: {  	v5 =	vadd.f32 $1.000000000e+00, v5;
	v6 =	vpop (erf)  }
0xcb: {  	s26 =	sshra.s32 s28, $0x2;
	v6 =	vadd.f32 $1.000000000e+00, v6;
	(erf) = vrcp.f32 v4;
	v7 =	vpop (erf)  }
0xcc: {  	v4 =	vld [tilespmem:s26+$0x6280];
	v7 =	vadd.f32 $1.000000000e+00, v7;
	(erf) = vrcp.f32 v5  }
0xcd: {  	v5 =	vld [tilespmem:s26+$0x6290];
	(erf) = vrcp.f32 v6  }
0xce: {  	v6 =	vld [tilespmem:s25+$0x280];
	(erf) = vrcp.f32 v7  }
0xcf: {  	v10 =	vld [tilespmem:s25+$0x290]  }
0xd0: {  	v13 =	vld [tilespmem:s25+$0x2A0]  }
0xd1: {  	v12 =	vld [tilespmem:s25+$0x2B0]  }
.Ltmp1:
0xd2: {  	v11 =	vld [tilespmem:s26+$0x2280];
	(pc) =	sbr.rel @p0 .LBB2_5-.Ltmp1, $4  }
0xd3: {  	v9 =	vld [tilespmem:s26+$0x2290]  }
0xd4: {  	v7 =	vld [tilespmem:s26+$0x22A0];
	v14 =	vpop (erf)  }
0xd5: {  	v8 =	vld [tilespmem:s26+$0x22B0];
	v6 =	vmul.f32 v14, v6;
	[tilespmem:s25+$0x4280] =	vst v14;
	v15 =	vpop (erf)  }
0xd6: {  	s28 =	sadd.s32 $0x100, s28;
	v14 =	vld [tilespmem:s26+$0x4280];
	v10 =	vmul.f32 v15, v10;
	[tilespmem:s25+$0x4290] =	vst v15;
	v15 =	vpop (erf)  }
0xd7: {  	v16 =	vld [tilespmem:s26+$0x4290];
	[tilespmem:s25+$0x42A0] =	vst v15;
	v17 =	vpop (erf);
	v13 =	vmul.f32 v15, v13  }
0xd8: {  	v18 =	vld [tilespmem:s26+$0x42A0];
	[tilespmem:s25+$0x42B0] =	vst v17  }
0xd9: {  	v12 =	vmul.f32 v17, v12;
	v49 =	vld [tilespmem:s26+$0x42B0];
	[tilespmem:s25+$0x2A0] =	vst v13  }
0xda: {  	v13 =	vld [tilespmem:s26+$0x62A0]  }
0xdb: {  	[tilespmem:s25+$0x2B0] =	vst v12;
	v11 =	vadd.f32 v14, v11  }
0xdc: {  	v12 =	vld [tilespmem:s26+$0x62B0];
	v9 =	vadd.f32 v16, v9  }
0xdd: {  	v4 =	vadd.f32 v4, v11;
	v7 =	vadd.f32 v18, v7  }
0xde: {  	v5 =	vadd.f32 v5, v9;
	v8 =	vadd.f32 v49, v8  }
0xdf: {  	v50 =	vsub.f32 $0.0e+00, v4;
	v7 =	vadd.f32 v13, v7  }
0xe0: {  	v51 =	vsub.f32 $0.0e+00, v5  }
0xe1: {  	v8 =	vadd.f32 v12, v8;
	v9 =	vmul.f32 $1.442695020e+00, v50;
	v52 =	vsub.f32 $0.0e+00, v7  }
0xe2: {  	v11 =	vmul.f32 $1.442695020e+00, v51  }
0xe3: {  	v53 =	vsub.f32 $0.0e+00, v8;
	v12 =	vmul.f32 $1.442695020e+00, v52;
	(erf) = vpow2.f32 v9  }
0xe4: {  	(erf) = vpow2.f32 v11  }
0xe5: {  	v54 =	vmul.f32 $1.442695020e+00, v53;
	(erf) = vpow2.f32 v12;
	_ =	sdelay $0x1  }
0xe6: {  	(erf) = vpow2.f32 v54;
	_ =	sdelay $0x4  }
0xe7: {  	v55 =	vpop (erf)  }
0xe8: {  	v9 =	vadd.f32 $1.000000000e+00, v55;
	v11 =	vpop (erf)  }
0xe9: {  	v11 =	vadd.f32 $1.000000000e+00, v11;
	v12 =	vpop (erf)  }
0xea: {  	v56 =	vadd.f32 $1.000000000e+00, v12;
	(erf) = vrcp.f32 v9  }
0xeb: {  	[tilespmem:s25+$0x290] =	vst v10;
	v57 =	vpop (erf);
	(erf) = vrcp.f32 v11  }
0xec: {  	[tilespmem:s25+$0x280] =	vst v6;
	v4 =	vmax.f32 v4, $0.0e+00;
	v58 =	vadd.f32 $1.000000000e+00, v57;
	(erf) = vrcp.f32 v56  }
0xed: {  	[tilespmem:s26+$0x2280] =	vst v4;
	v4 =	vmax.f32 v5, $0.0e+00  }
0xee: {  	[tilespmem:s26+$0x2290] =	vst v4;
	v4 =	vmax.f32 v7, $0.0e+00;
	(erf) = vrcp.f32 v58  }
0xef: {  	[tilespmem:s26+$0x22A0] =	vst v4;
	v4 =	vmax.f32 v8, $0.0e+00  }
0xf0: {  	[tilespmem:s26+$0x22B0] =	vst v4;
	v4 =	vld [tilespmem:s26+$0x280];
	_ =	sdelay $0x1  }
0xf1: {  	v60 =	vld [tilespmem:s26+$0x290]  }
0xf2: {  	v5 =	vld [tilespmem:s26+$0x2A0];
	v61 =	vpop (erf)  }
0xf3: {  	v59 =	vld [tilespmem:s26+$0x2B0];
	[tilespmem:s26+$0x4280] =	vst v61;
	v62 =	vpop (erf)  }
0xf4: {  	v4 =	vmul.f32 v61, v4;
	[tilespmem:s26+$0x4290] =	vst v62;
	v10 =	vpop (erf)  }
0xf5: {  	[tilespmem:s26+$0x42A0] =	vst v10  }
0xf6: {  	v7 =	vmul.f32 v62, v60;
	v63 =	vpop (erf);
	[tilespmem:s26+$0x280] =	vst v4  }
0xf7: {  	v5 =	vmul.f32 v10, v5;
	[tilespmem:s26+$0x42B0] =	vst v63  }
0xf8: {  	v6 =	vmul.f32 v63, v59;
	[tilespmem:s26+$0x290] =	vst v7  }
0xf9: {  	[tilespmem:s26+$0x2A0] =	vst v5  }
0xfa: {  	s24 =	sadd.s32 s9, s24;
	[tilespmem:s26+$0x2B0] =	vst v6  }
0xfb: {  	[hbm4b:s24+s5] =	stream.linear.scatter [tilespmem:s19], [sflag:$0x2], $0x2000, $0x38;
	[tilespmem:$0x1E280] =	vst v63  }
0xfc: {  	_ =	swait.ge [sflag:s14], $0x2000  }
0xfd: {  	[sflag:s14] =	ssyncset.done $0x0  }
0xfe: {  	[sflag:s14] =	ssyncadd.s32 $0xFFFFE000  }
0xff: {  	[spmem:s2] =	stream.indirect.scatter.add.f32 [tilespmem:s17], [sflag:$0x2], $0x40, s15, s15, $0xb8;
	[tilespmem:$0x1E280] =	vst v63  }
0x100: {  	s23 =	sadd.s32 $0x1, s23;
	_ =	swait.ge [sflag:s14], $0x2000  }
0x101: {  	p0 =	sne.s32 s23, s31;
	[sflag:s14] =	ssyncset.done $0x0  }
.Ltmp2:
0x102: {  	[sflag:s14] =	ssyncadd.s32 $0xFFFFE000;
	(pc) =	sbr.rel @p0 .LBB2_4-.Ltmp2, $4  }
0x103: {  	[spmem:s3] =	stream.indirect.scatter.add.f32 [tilespmem:s21], [sflag:$0x2], $0x40, s15, s15, $0xb8;
	[tilespmem:$0x1E280] =	vst v63  }
0x104: {  	_ =	swait.ge [sflag:s14], $0x2000  }
0x105: {  	[sflag:s14] =	ssyncset.done $0x0  }
0x106: {  	[sflag:s14] =	ssyncadd.s32 $0xFFFFE000  }
0x107: {  	[bflag:$0x0] =	sbarrier.arrive $0xFFFF  }
0x108: {  	s22 =	rddreg [dreg:$0x11]  }
0x109: {  	[tilespmem:s13], [sflag:$0x2] =	stream.linear.gather [spmem:s22], $0x2000, $0x38;
	[tilespmem:$0x1E280] =	vst v63  }
0x10a: {  	_ =	swait.ge [sflag:s14], $0x2000  }
0x10b: {  	[sflag:s14] =	ssyncset.done $0x0  }
0x10c: {  	s24 =	rddreg [dreg:$0x5];
	[sflag:s14] =	ssyncadd.s32 $0xFFFFE000  }
0x10d: {  	[hbm4b:s24+s5] =	stream.linear.scatter [tilespmem:s13], [sflag:$0x2], $0x2000, $0x38;
	[tilespmem:$0x1E280] =	vst v63  }
0x10e: {  	_ =	swait.ge [sflag:s14], $0x2000  }
0x10f: {  	[sflag:s14] =	ssyncset.done $0x0  }
0x110: {  	s25 =	rddreg [dreg:$0x12];
	[sflag:s14] =	ssyncadd.s32 $0xFFFFE000  }
0x111: {  	[tilespmem:s13], [sflag:$0x2] =	stream.linear.gather [spmem:s25], $0x2000, $0x38;
	[tilespmem:$0x1E280] =	vst v63  }
0x112: {  	_ =	swait.ge [sflag:s14], $0x2000  }
0x113: {  	[sflag:s14] =	ssyncset.done $0x0  }
0x114: {  	s26 =	rddreg [dreg:$0x6];
	[sflag:s14] =	ssyncadd.s32 $0xFFFFE000  }
0x115: {  	[hbm4b:s26+s5] =	stream.linear.scatter [tilespmem:s13], [sflag:$0x2], $0x2000, $0x38;
	[tilespmem:$0x1E280] =	vst v63  }
0x116: {  	_ =	swait.ge [sflag:s14], $0x2000  }
0x117: {  	[sflag:s14] =	ssyncset.done $0x0  }
0x118: {  	[sflag:s14] =	ssyncadd.s32 $0xFFFFE000  }
0x119: {  	[tilespmem:s13], [sflag:$0x2] =	stream.linear.gather [spmem:s29], $0x2000, $0x38;
	[tilespmem:$0x1E280] =	vst v63  }
0x11a: {  	_ =	swait.ge [sflag:s14], $0x2000  }
0x11b: {  	[sflag:s14] =	ssyncset.done $0x0  }
0x11c: {  	s25 =	smov.u32 s29;
	s29 =	rddreg [dreg:$0x7];
	[sflag:s14] =	ssyncadd.s32 $0xFFFFE000  }
0x11d: {  	[hbm4b:s29+s5] =	stream.linear.scatter [tilespmem:s13], [sflag:$0x2], $0x2000, $0x38;
	[tilespmem:$0x1E280] =	vst v63  }
0x11e: {  	_ =	swait.ge [sflag:s14], $0x2000  }
0x11f: {  	[sflag:s14] =	ssyncset.done $0x0  }
0x120: {  	[sflag:s14] =	ssyncadd.s32 $0xFFFFE000  }
0x121: {  	[tilespmem:s13], [sflag:$0x2] =	stream.linear.gather [spmem:s30], $0x2000, $0x38;
	[tilespmem:$0x1E280] =	vst v63  }
0x122: {  	_ =	swait.ge [sflag:s14], $0x2000  }
0x123: {  	[sflag:s14] =	ssyncset.done $0x0  }
0x124: {  	s26 =	smov.u32 s30;
	s30 =	rddreg [dreg:$0x8];
	[sflag:s14] =	ssyncadd.s32 $0xFFFFE000  }
0x125: {  	[hbm4b:s30+s5] =	stream.linear.scatter [tilespmem:s13], [sflag:$0x2], $0x2000, $0x38;
	[tilespmem:$0x1E280] =	vst v63  }
0x126: {  	_ =	swait.ge [sflag:s14], $0x2000  }
0x127: {  	[sflag:s14] =	ssyncset.done $0x0  }
0x128: {  	s28 =	rddreg [dreg:$0xf];
	[sflag:s14] =	ssyncadd.s32 $0xFFFFE000  }
0x129: {  	[tilespmem:s13], [sflag:$0x2] =	stream.linear.gather [spmem:s28], $0x2000, $0x38;
	[tilespmem:$0x1E280] =	vst v63  }
0x12a: {  	_ =	swait.ge [sflag:s14], $0x2000  }
0x12b: {  	[sflag:s14] =	ssyncset.done $0x0  }
0x12c: {  	s23 =	rddreg [dreg:$0x9];
	[sflag:s14] =	ssyncadd.s32 $0xFFFFE000  }
0x12d: {  	[hbm4b:s23+s5] =	stream.linear.scatter [tilespmem:s13], [sflag:$0x2], $0x2000, $0x38;
	[tilespmem:$0x1E280] =	vst v63  }
0x12e: {  	_ =	swait.ge [sflag:s14], $0x2000  }
0x12f: {  	[sflag:s14] =	ssyncset.done $0x0  }
0x130: {  	s24 =	rddreg [dreg:$0x10];
	[sflag:s14] =	ssyncadd.s32 $0xFFFFE000  }
0x131: {  	[tilespmem:s13], [sflag:$0x2] =	stream.linear.gather [spmem:s24], $0x2000, $0x38;
	[tilespmem:$0x1E280] =	vst v63  }
0x132: {  	_ =	swait.ge [sflag:s14], $0x2000  }
0x133: {  	[sflag:s14] =	ssyncset.done $0x0  }
0x134: {  	s29 =	rddreg [dreg:$0xa];
	[sflag:s14] =	ssyncadd.s32 $0xFFFFE000  }
0x135: {  	[hbm4b:s29+s5] =	stream.linear.scatter [tilespmem:s13], [sflag:$0x2], $0x2000, $0x38;
	[tilespmem:$0x1E280] =	vst v63  }
0x136: {  	_ =	swait.ge [sflag:s14], $0x2000  }
0x137: {  	[sflag:s14] =	ssyncset.done $0x0  }
0x138: {  	s30 =	rddreg [dreg:$0x13];
	[sflag:s14] =	ssyncadd.s32 $0xFFFFE000  }
0x139: {  	[tilespmem:s13], [sflag:$0x2] =	stream.linear.gather [spmem:s30], $0x2000, $0x38;
	[tilespmem:$0x1E280] =	vst v63  }
0x13a: {  	_ =	swait.ge [sflag:s14], $0x2000  }
0x13b: {  	[sflag:s14] =	ssyncset.done $0x0  }
0x13c: {  	s23 =	rddreg [dreg:$0xb];
	[sflag:s14] =	ssyncadd.s32 $0xFFFFE000  }
0x13d: {  	[hbm4b:s23+s5] =	stream.linear.scatter [tilespmem:s13], [sflag:$0x2], $0x2000, $0x38;
	[tilespmem:$0x1E280] =	vst v63  }
0x13e: {  	_ =	swait.ge [sflag:s14], $0x2000  }
0x13f: {  	[sflag:s14] =	ssyncset.done $0x0  }
0x140: {  	s24 =	rddreg [dreg:$0x14];
	[sflag:s14] =	ssyncadd.s32 $0xFFFFE000  }
0x141: {  	[tilespmem:s13], [sflag:$0x2] =	stream.linear.gather [spmem:s24], $0x2000, $0x38;
	[tilespmem:$0x1E280] =	vst v63  }
0x142: {  	_ =	swait.ge [sflag:s14], $0x2000  }
0x143: {  	[sflag:s14] =	ssyncset.done $0x0  }
0x144: {  	s29 =	rddreg [dreg:$0xc];
	[sflag:s14] =	ssyncadd.s32 $0xFFFFE000  }
0x145: {  	[hbm4b:s29+s5] =	stream.linear.scatter [tilespmem:s13], [sflag:$0x2], $0x2000, $0x38;
	[tilespmem:$0x1E280] =	vst v63  }
0x146: {  	_ =	swait.ge [sflag:s14], $0x2000  }
0x147: {  	[sflag:s14] =	ssyncset.done $0x0  }
0x148: {  	s30 =	rddreg [dreg:$0x15];
	[sflag:s14] =	ssyncadd.s32 $0xFFFFE000  }
0x149: {  	[tilespmem:s13], [sflag:$0x2] =	stream.linear.gather [spmem:s30], $0x2000, $0x38;
	[tilespmem:$0x1E280] =	vst v63  }
0x14a: {  	_ =	swait.ge [sflag:s14], $0x2000  }
0x14b: {  	[sflag:s14] =	ssyncset.done $0x0  }
0x14c: {  	s23 =	rddreg [dreg:$0xd];
	[sflag:s14] =	ssyncadd.s32 $0xFFFFE000  }
0x14d: {  	[hbm4b:s23+s5] =	stream.linear.scatter [tilespmem:s13], [sflag:$0x2], $0x2000, $0x38;
	[tilespmem:$0x1E280] =	vst v63  }
0x14e: {  	_ =	swait.ge [sflag:s14], $0x2000  }
0x14f: {  	[sflag:s14] =	ssyncset.done $0x0  }
0x150: {  	s24 =	rddreg [dreg:$0x16];
	[sflag:s14] =	ssyncadd.s32 $0xFFFFE000  }
0x151: {  	[tilespmem:s13], [sflag:$0x2] =	stream.linear.gather [spmem:s24], $0x2000, $0x38;
	[tilespmem:$0x1E280] =	vst v63  }
0x152: {  	_ =	swait.ge [sflag:s14], $0x2000  }
0x153: {  	[sflag:s14] =	ssyncset.done $0x0  }
0x154: {  	s29 =	rddreg [dreg:$0xe];
	[sflag:s14] =	ssyncadd.s32 $0xFFFFE000  }
0x155: {  	[hbm4b:s29+s5] =	stream.linear.scatter [tilespmem:s13], [sflag:$0x2], $0x2000, $0x38;
	[tilespmem:$0x1E280] =	vst v63  }
0x156: {  	_ =	swait.ge [sflag:s14], $0x2000  }
0x157: {  	s11 =	sadd.s32 $0x1, s11;
	s30 =	rddreg [dreg:$0x17]  }
0x158: {  	p0 =	sne.s32 s11, s30  }
.Ltmp3:
0x159: {  	_ = 	snop;
	(pc) =	sbr.rel @p0 .LBB2_1-.Ltmp3, $3  }
0x15a: {  	_ =	sdelay $0x1  }
0x15b: {  	[sflag:s14] =	ssyncset.done $0x0  }
0x15c: {  	[sflag:s14] =	ssyncadd.s32 $0xFFFFE000  }
0x15d: {  	_ =	sfence.sel $0x180000  }
0x15e: {  	[bflag:$0x0] =	sbarrier.arrive $0xFFFF  }
0x15f: {  	_ =	strace $0x9000004A  }
0x160: {  	s0 =	stileid.u32;
	[bflag:$0x2] =	sbarrier.arrive $0xFFFF  }
0x161: {  	p0 =	sne.s32 s0, $0x0;
	s0 =	rddreg [dreg:$0x4]  }
0x162: {  	s0 =	sadd.s32 @!p0 $0x100000, s0  }
0x163: {  	[sflag:s0] =	ssyncadd.tile.s32 @!p0 $0x1;
	_ =	shalt  }
.Lfunc_end2:
_tile_overlayer_lowered:
.L_overlay_start_2:
0x164: {  	(tag) =	ssettag $0x2  }
0x165: {  	s0 =	rddreg [dreg:$0x0];
	s2 =	stileid.u32  }
0x166: {  	s1 =	rddreg [dreg:$0x1];
	p0 =	sne.s32 s2, $0x0  }
0x167: {  	s3 =	rddreg [dreg:$0x2];
	[bflag:$0x3] =	sbarrier.arrive $0xFFFF;
	s2 =	simm.s32 @!p0 $0x1C02  }
0x168: {  	[timem:s3], [sflag:s2] =	dma.local @!p0 [hbm:s0], s1  }
0x169: {  	s0 =	simm.s32 @!p0 $0x2  }
0x16a: {  	_ =	swait.ge @!p0 [sflag:s0], s1  }
0x16b: {  	s1 =	ssub.s32 @!p0 $0x0, s1;
	[sflag:s0] =	ssyncset.done @!p0 $0x0  }
0x16c: {  	[sflag:s0] =	ssyncadd.s32 @!p0 s1  }
0x16d: {  	[bflag:$0x3] =	sbarrier.arrive $0xFFFF  }
0x16e: {  	_ =	shalt  }

</sc_bundles>
